<compile_context>
chip_gen: v7x
topology: tpu7x:2x2x1
jax: 0.10.2.dev20260603
libtpu: 0.0.44.dev20260713+nightly
codegen_flags: <defaults>
</compile_context>

<pallas_src>
import functools

import jax
import jax.numpy as jnp
from jax import lax
from jax.experimental import pallas as pl
from jax.experimental.pallas import tpu as pltpu
from jax.experimental.pallas import tpu_sc as plsc

N_NODES = 10000
N_EDGES = 320000
NC = 2
NS = 16
NW = NC * NS
CH = 128
NCHUNK = 80
EPW = NCHUNK * CH
E_PAD = NW * EPW
N_PAD = 10240
RPS = N_PAD // NS
DEG_C = 16

_MESH = plsc.VectorSubcoreMesh(core_axis_name="c", subcore_axis_name="s")
_SC_PARAMS = pltpu.CompilerParams(use_tc_tiling_on_sc=False)



@functools.partial(
    pl.kernel,
    mesh=_MESH,
    compiler_params=_SC_PARAMS,
    out_type=jax.ShapeDtypeStruct((NC, N_PAD, DEG_C), jnp.float32),
    scratch_types=[
        pltpu.VMEM((NCHUNK, CH), jnp.int32),
        pltpu.VMEM((CH, DEG_C), jnp.float32),
        pltpu.VMEM_SHARED((N_PAD, DEG_C), jnp.float32),
        pltpu.SemaphoreType.DMA,
        pltpu.SemaphoreType.DMA,
        pltpu.SemaphoreType.DMA,
        pltpu.SemaphoreType.DMA,
    ],
)
def _deg_sc(dst_hbm, z_hbm, out_hbm, dst_v, ones_v, acc_sh, *ssems):
    cid = lax.axis_index("c")
    sid = lax.axis_index("s")
    wid = sid * NC + cid
    pltpu.sync_copy(z_hbm.at[pl.ds(sid * RPS, RPS)],
                    acc_sh.at[pl.ds(sid * RPS, RPS)])
    pltpu.sync_copy(dst_hbm.at[wid], dst_v)
    for i in range(CH):
        ones_v[i] = jnp.ones((DEG_C,), jnp.float32)
    plsc.subcore_barrier()

    def body(t, carry):
        for b in range(4):
            j = 4 * t + b

            @pl.when(t > 0)
            def _():
                pltpu.make_async_copy(ones_v, acc_sh.at[dst_v.at[j]],
                                      ssems[b]).wait()

            pltpu.async_copy(ones_v, acc_sh.at[dst_v.at[j]],
                             ssems[b], add=True)
        return carry

    lax.fori_loop(0, NCHUNK // 4, body, 0)
    for b in range(4):
        pltpu.make_async_copy(ones_v, acc_sh.at[dst_v.at[0]],
                              ssems[b]).wait()
    plsc.subcore_barrier()
    pltpu.sync_copy(acc_sh.at[pl.ds(sid * RPS, RPS)],
                    out_hbm.at[cid, pl.ds(sid * RPS, RPS)])


def _make_agg_sc(C, NBUF, FULL_IDX):
    NSTAGE = NCHUNK if FULL_IDX else NCHUNK // 2
    steps = NSTAGE // NBUF

    @functools.partial(
        pl.kernel,
        mesh=_MESH,
        compiler_params=_SC_PARAMS,
        out_type=jax.ShapeDtypeStruct((NC, N_PAD, C), jnp.float32),
        scratch_types=(
            [pltpu.VMEM((NSTAGE, CH), jnp.int32),
             pltpu.VMEM((NSTAGE, CH), jnp.int32)]
            + [pltpu.VMEM((CH, C), jnp.float32) for _ in range(NBUF)]
            + [pltpu.VMEM_SHARED((N_PAD, C), jnp.float32)]
            + [pltpu.SemaphoreType.DMA for _ in range(2 * NBUF + 1)]
        ),
    )
    def agg(src_hbm, dst_hbm, g_hbm, out_hbm, src_v, dst_v, *rest):
        rows = rest[:NBUF]
        acc_sh = rest[NBUF]
        gsems = rest[NBUF + 1:2 * NBUF + 1]
        ssems = rest[2 * NBUF + 1:3 * NBUF + 1]
        seedsem = rest[3 * NBUF + 1]
        cid = lax.axis_index("c")
        sid = lax.axis_index("s")
        wid = sid * NC + cid
        last = N_NODES - (NS - 1) * RPS

        @pl.when(sid < NS - 1)
        def _():
            pltpu.async_copy(g_hbm.at[pl.ds(sid * RPS, RPS)],
                             acc_sh.at[pl.ds(sid * RPS, RPS)], seedsem)

        @pl.when(sid == NS - 1)
        def _():
            pltpu.async_copy(g_hbm.at[pl.ds((NS - 1) * RPS, last)],
                             acc_sh.at[pl.ds((NS - 1) * RPS, last)], seedsem)

        pltpu.sync_copy(src_hbm.at[wid, pl.ds(0, NSTAGE)], src_v)
        pltpu.sync_copy(dst_hbm.at[wid, pl.ds(0, NSTAGE)], dst_v)

        @pl.when(sid < NS - 1)
        def _():
            pltpu.make_async_copy(g_hbm.at[pl.ds(sid * RPS, RPS)],
                                  acc_sh.at[pl.ds(sid * RPS, RPS)],
                                  seedsem).wait()

        @pl.when(sid == NS - 1)
        def _():
            pltpu.make_async_copy(g_hbm.at[pl.ds((NS - 1) * RPS, last)],
                                  acc_sh.at[pl.ds((NS - 1) * RPS, last)],
                                  seedsem).wait()

        plsc.subcore_barrier()

        for h in range(1 if FULL_IDX else 2):
            if h:
                pltpu.sync_copy(src_hbm.at[wid, pl.ds(NSTAGE, NSTAGE)], src_v)
                pltpu.sync_copy(dst_hbm.at[wid, pl.ds(NSTAGE, NSTAGE)], dst_v)
            for b in range(NBUF):
                pltpu.async_copy(g_hbm.at[src_v.at[b]], rows[b], gsems[b])

            def body(t, carry):
                for b in range(NBUF):
                    j = NBUF * t + b
                    pltpu.make_async_copy(g_hbm.at[src_v.at[j]], rows[b],
                                          gsems[b]).wait()
                    pltpu.async_copy(rows[b], acc_sh.at[dst_v.at[j]],
                                     ssems[b], add=True)

                    @pl.when(t < steps - 1)
                    def _():
                        pltpu.make_async_copy(rows[b],
                                              acc_sh.at[dst_v.at[j]],
                                              ssems[b]).wait()
                        pltpu.async_copy(g_hbm.at[src_v.at[j + NBUF]],
                                         rows[b], gsems[b])
                return carry

            lax.fori_loop(0, steps, body, 0)
            for b in range(NBUF):
                pltpu.make_async_copy(rows[b], acc_sh.at[dst_v.at[0]],
                                      ssems[b]).wait()
        plsc.subcore_barrier()

        @pl.when(sid < NS - 1)
        def _():
            pltpu.sync_copy(acc_sh.at[pl.ds(sid * RPS, RPS)],
                            out_hbm.at[cid, pl.ds(sid * RPS, RPS)])

        @pl.when(sid == NS - 1)
        def _():
            pltpu.sync_copy(acc_sh.at[pl.ds((NS - 1) * RPS, last)],
                            out_hbm.at[cid, pl.ds((NS - 1) * RPS, last)])

    return agg


C96 = 96
NCK96 = 108
E_PAD96 = NW * NCK96 * C96


def _make_agg128_96(NBUF=3):
    NSTAGE = NCK96 // 2
    steps = NSTAGE // NBUF

    @functools.partial(
        pl.kernel,
        mesh=_MESH,
        compiler_params=_SC_PARAMS,
        out_type=jax.ShapeDtypeStruct((NC, N_PAD, 128), jnp.float32),
        scratch_types=(
            [pltpu.VMEM((NSTAGE, C96), jnp.int32),
             pltpu.VMEM((NSTAGE, C96), jnp.int32)]
            + [pltpu.VMEM((C96, 128), jnp.float32) for _ in range(NBUF)]
            + [pltpu.VMEM_SHARED((N_PAD, 128), jnp.float32)]
            + [pltpu.SemaphoreType.DMA for _ in range(2 * NBUF + 1)]
        ),
    )
    def agg(src_hbm, dst_hbm, g_hbm, out_hbm, src_v, dst_v, *rest):
        rows = rest[:NBUF]
        acc_sh = rest[NBUF]
        gsems = rest[NBUF + 1:2 * NBUF + 1]
        ssems = rest[2 * NBUF + 1:3 * NBUF + 1]
        seedsem = rest[3 * NBUF + 1]
        cid = lax.axis_index("c")
        sid = lax.axis_index("s")
        wid = sid * NC + cid
        last = N_NODES - (NS - 1) * RPS

        @pl.when(sid < NS - 1)
        def _():
            pltpu.async_copy(g_hbm.at[pl.ds(sid * RPS, RPS)],
                             acc_sh.at[pl.ds(sid * RPS, RPS)], seedsem)

        @pl.when(sid == NS - 1)
        def _():
            pltpu.async_copy(g_hbm.at[pl.ds((NS - 1) * RPS, last)],
                             acc_sh.at[pl.ds((NS - 1) * RPS, last)], seedsem)

        pltpu.sync_copy(src_hbm.at[wid, pl.ds(0, NSTAGE)], src_v)
        pltpu.sync_copy(dst_hbm.at[wid, pl.ds(0, NSTAGE)], dst_v)

        @pl.when(sid < NS - 1)
        def _():
            pltpu.make_async_copy(g_hbm.at[pl.ds(sid * RPS, RPS)],
                                  acc_sh.at[pl.ds(sid * RPS, RPS)],
                                  seedsem).wait()

        @pl.when(sid == NS - 1)
        def _():
            pltpu.make_async_copy(g_hbm.at[pl.ds((NS - 1) * RPS, last)],
                                  acc_sh.at[pl.ds((NS - 1) * RPS, last)],
                                  seedsem).wait()

        plsc.subcore_barrier()

        for h in range(2):
            if h:
                pltpu.sync_copy(src_hbm.at[wid, pl.ds(NSTAGE, NSTAGE)], src_v)
                pltpu.sync_copy(dst_hbm.at[wid, pl.ds(NSTAGE, NSTAGE)], dst_v)
            for b in range(NBUF):
                pltpu.async_copy(g_hbm.at[src_v.at[b]], rows[b], gsems[b])

            def body(t, carry):
                for b in range(NBUF):
                    j = NBUF * t + b
                    pltpu.make_async_copy(g_hbm.at[src_v.at[j]], rows[b],
                                          gsems[b]).wait()
                    pltpu.async_copy(rows[b], acc_sh.at[dst_v.at[j]],
                                     ssems[b], add=True)

                    @pl.when(t < steps - 1)
                    def _():
                        pltpu.make_async_copy(rows[b],
                                              acc_sh.at[dst_v.at[j]],
                                              ssems[b]).wait()
                        pltpu.async_copy(g_hbm.at[src_v.at[j + NBUF]],
                                         rows[b], gsems[b])
                return carry

            lax.fori_loop(0, steps, body, 0)
            for b in range(NBUF):
                pltpu.make_async_copy(rows[b], acc_sh.at[dst_v.at[0]],
                                      ssems[b]).wait()
        plsc.subcore_barrier()

        @pl.when(sid < NS - 1)
        def _():
            pltpu.sync_copy(acc_sh.at[pl.ds(sid * RPS, RPS)],
                            out_hbm.at[cid, pl.ds(sid * RPS, RPS)])

        @pl.when(sid == NS - 1)
        def _():
            pltpu.sync_copy(acc_sh.at[pl.ds((NS - 1) * RPS, last)],
                            out_hbm.at[cid, pl.ds((NS - 1) * RPS, last)])

    return agg


_agg128_96 = _make_agg128_96()

_agg64 = _make_agg_sc(64, 4, True)
_agg32 = _make_agg_sc(32, 8, True)



BLK = 5000
GRID = N_NODES // BLK


def _tc_mm_body(x_ref, w_ref, out_ref):
    out_ref[...] = jnp.dot(x_ref[...], w_ref[...],
                           preferred_element_type=jnp.float32)


def _tc_mm(x, W1):
    return pl.pallas_call(
        _tc_mm_body,
        grid=(GRID,),
        in_specs=[
            pl.BlockSpec((BLK, 128), lambda i: (i, 0)),
            pl.BlockSpec((128, 128), lambda i: (0, 0)),
        ],
        out_specs=pl.BlockSpec((BLK, 128), lambda i: (i, 0)),
        out_shape=jax.ShapeDtypeStruct((N_NODES, 128), jnp.float32),
    )(x, W1)


def _tc_scale_body(degp_ref, h_ref, d_ref, g_ref):
    deg = degp_ref[0, :, 0:1] + degp_ref[1, :, 0:1] + 1.0
    d = lax.rsqrt(deg)
    d_ref[...] = d
    g_ref[...] = d * h_ref[...]


def _tc_scale(degp, h):
    return pl.pallas_call(
        _tc_scale_body,
        grid=(GRID,),
        in_specs=[
            pl.BlockSpec((NC, BLK, DEG_C), lambda i: (0, i, 0)),
            pl.BlockSpec((BLK, 128), lambda i: (i, 0)),
        ],
        out_specs=[
            pl.BlockSpec((BLK, 1), lambda i: (i, 0)),
            pl.BlockSpec((BLK, 128), lambda i: (i, 0)),
        ],
        out_shape=[
            jax.ShapeDtypeStruct((N_NODES, 1), jnp.float32),
            jax.ShapeDtypeStruct((N_NODES, 128), jnp.float32),
        ],
    )(degp, h)


def _tc_mid_body(aggp_ref, g_ref, d_ref, b_ref, w_ref, out_ref):
    d = d_ref[...]
    h = jnp.maximum(d * (aggp_ref[0] + aggp_ref[1] - g_ref[...]) + b_ref[...],
                    0.0)
    out_ref[...] = d * jnp.dot(h, w_ref[...],
                               preferred_element_type=jnp.float32)


def _make_tc_mid(Cin, Cout):
    def run(aggp, g, d, b, W):
        return pl.pallas_call(
            _tc_mid_body,
            grid=(GRID,),
            in_specs=[
                pl.BlockSpec((NC, BLK, Cin), lambda i: (0, i, 0)),
                pl.BlockSpec((BLK, Cin), lambda i: (i, 0)),
                pl.BlockSpec((BLK, 1), lambda i: (i, 0)),
                pl.BlockSpec((1, Cin), lambda i: (0, 0)),
                pl.BlockSpec((Cin, Cout), lambda i: (0, 0)),
            ],
            out_specs=pl.BlockSpec((BLK, Cout), lambda i: (i, 0)),
            out_shape=jax.ShapeDtypeStruct((N_NODES, Cout), jnp.float32),
        )(aggp, g, d, b, W)

    return run


_tc_mid_128_64 = _make_tc_mid(128, 64)
_tc_mid_64_32 = _make_tc_mid(64, 32)


def _tc_final_body(aggp_ref, g_ref, d_ref, b_ref, wl_ref, bl_ref, out_ref):
    d = d_ref[...]
    h = jnp.maximum(d * (aggp_ref[0] + aggp_ref[1] - g_ref[...]) + b_ref[...],
                    0.0)
    out_ref[...] = jnp.dot(h, wl_ref[...],
                           preferred_element_type=jnp.float32) + bl_ref[...]


def _tc_final(aggp, g, d, b, Wl, bl):
    return pl.pallas_call(
        _tc_final_body,
        grid=(GRID,),
        in_specs=[
            pl.BlockSpec((NC, BLK, 32), lambda i: (0, i, 0)),
            pl.BlockSpec((BLK, 32), lambda i: (i, 0)),
            pl.BlockSpec((BLK, 1), lambda i: (i, 0)),
            pl.BlockSpec((1, 32), lambda i: (0, 0)),
            pl.BlockSpec((32, 1), lambda i: (0, 0)),
            pl.BlockSpec((1, 1), lambda i: (0, 0)),
        ],
        out_specs=pl.BlockSpec((BLK, 1), lambda i: (i, 0)),
        out_shape=jax.ShapeDtypeStruct((N_NODES, 1), jnp.float32),
    )(aggp, g, d, b, Wl, bl)



def kernel(x, edge_index, W1, b1, W2, b2, W3, b3, Wl, bl):
    ei = edge_index.astype(jnp.int32)
    npad = E_PAD - N_EDGES
    pad_iota = lax.iota(jnp.int32, npad)
    src3 = jnp.concatenate([ei[0], pad_iota % N_NODES]).reshape(NW, NCHUNK, CH)
    dst3 = jnp.concatenate(
        [ei[1], N_NODES + pad_iota % (N_PAD - N_NODES)]
    ).reshape(NW, NCHUNK, CH)
    pad96 = lax.iota(jnp.int32, E_PAD96 - N_EDGES)
    src96 = jnp.concatenate([ei[0], pad96 % N_NODES]).reshape(NW, NCK96, C96)
    dst96 = jnp.concatenate(
        [ei[1], N_NODES + pad96 % (N_PAD - N_NODES)]
    ).reshape(NW, NCK96, C96)
    z16 = jnp.zeros((N_PAD, DEG_C), jnp.float32)

    h1x = _tc_mm(x, W1)
    degp = _deg_sc(dst3, z16)
    d, g1 = _tc_scale(degp, h1x)
    aggp1 = _agg128_96(src96, dst96, g1)
    g2 = _tc_mid_128_64(aggp1, g1, d, b1.reshape(1, -1), W2)
    aggp2 = _agg64(src3, dst3, g2)
    g3 = _tc_mid_64_32(aggp2, g2, d, b2.reshape(1, -1), W3)
    aggp3 = _agg32(src3, dst3, g3)
    return _tc_final(aggp3, g3, d, b3.reshape(1, -1), Wl, bl.reshape(1, 1))

# --- scband reference (transcript-rebuilt; emitter-appended) ---
"""Pipeline reference for scband-gcn-1116691497086 (READ-ONLY COPY).

The authoritative reference and input builder live on the scoring server;
editing this copy changes nothing except your own understanding.
"""

import jax, jax.numpy as jnp
import numpy as np

N_NODES = 10000
N_EDGES = 320000
IN_CH = 128
HID = 32
OUT_CH = 1


def glorot(key, shape):
    fan_in, fan_out = shape[0], shape[1]
    limit = np.sqrt(6.0 / (fan_in + fan_out))
    return jax.random.uniform(key, shape, jnp.float32, -limit, limit)


def setup_inputs(seed: int = 0) -> dict:
    key = jax.random.key(seed)
    ks = jax.random.split(key, 12)
    x = jax.random.normal(ks[0], (N_NODES, IN_CH), dtype=jnp.float32)
    edge_index = jax.random.randint(ks[1], (2, N_EDGES), 0, N_NODES, dtype=jnp.int64 if jax.config.jax_enable_x64 else jnp.int32)
    W1 = glorot(ks[2], (IN_CH, HID * 4))
    b1 = jnp.zeros((HID * 4,), jnp.float32)
    W2 = glorot(ks[3], (HID * 4, HID * 2))
    b2 = jnp.zeros((HID * 2,), jnp.float32)
    W3 = glorot(ks[4], (HID * 2, HID))
    b3 = jnp.zeros((HID,), jnp.float32)
    Wl = glorot(ks[5], (HID, OUT_CH))
    bl = jnp.zeros((OUT_CH,), jnp.float32)
    return {"x": x, "edge_index": edge_index, "W1": W1, "b1": b1, "W2": W2, "b2": b2, "W3": W3, "b3": b3, "Wl": Wl, "bl": bl}


def gcn_conv(x, edge_index, W, b):
    # PyG GCNConv: add self-loops, symmetric normalization D^-1/2 A D^-1/2, then linear
    N = x.shape[0]
    loop = jnp.arange(N, dtype=edge_index.dtype)
    src = jnp.concatenate([edge_index[0], loop])
    dst = jnp.concatenate([edge_index[1], loop])
    deg = jnp.zeros((N,), jnp.float32).at[dst].add(1.0)
    deg_inv_sqrt = jnp.where(deg > 0, 1.0 / jnp.sqrt(deg), 0.0)
    norm = deg_inv_sqrt[src] * deg_inv_sqrt[dst]
    h = x @ W
    msg = h[src] * norm[:, None]
    out = jnp.zeros((N, W.shape[1]), jnp.float32).at[dst].add(msg)
    return out + b


def reference(x, edge_index, W1, b1, W2, b2, W3, b3, Wl, bl):
    # dropout is identity in eval mode
    h = gcn_conv(x, edge_index, W1, b1)
    h = jax.nn.relu(h)
    h = gcn_conv(h, edge_index, W2, b2)
    h = jax.nn.relu(h)
    h = gcn_conv(h, edge_index, W3, b3)
    h = jax.nn.relu(h)
    out = h @ Wl + bl
    return out

if __name__ == "__main__":
    import jax
    _d = setup_inputs()
    print(jax.jit(kernel)(*tuple(_d.values())))

</pallas_src>

<mosaic_0001>
#map = affine_map<(d0, d1) -> (0, 0, 0)>
#map1 = affine_map<(d0, d1) -> (0, 0)>
module attributes {stable_mosaic.version = 14 : i64} {
  func.func @_deg_sc(%arg0: i32, %arg1: i32, %arg2: memref<32x80x128xi32, #tpu.memory_space<hbm>>, %arg3: memref<10240x16xf32, #tpu.memory_space<hbm>>, %arg4: memref<2x10240x16xf32, #tpu.memory_space<hbm>>, %arg5: memref<80x128xi32, #tpu.memory_space<vmem>>, %arg6: memref<128x16xf32, #tpu.memory_space<vmem>>, %arg7: memref<10240x16xf32, #tpu.memory_space<vmem_shared>>, %arg8: memref<!tpu.dma_semaphore, #tpu.memory_space<semaphore_mem>>, %arg9: memref<!tpu.dma_semaphore, #tpu.memory_space<semaphore_mem>>, %arg10: memref<!tpu.dma_semaphore, #tpu.memory_space<semaphore_mem>>, %arg11: memref<!tpu.dma_semaphore, #tpu.memory_space<semaphore_mem>>) attributes {dimension_semantics = [#tpu.dimension_semantics<core_parallel>, #tpu.dimension_semantics<subcore_parallel>], iteration_bounds = array<i64: 2, 16>, scalar_prefetch = 0 : i64, scratch_operands = 7 : i64, tpu.core_type = #tpu.core_type<sc_vector_subcore>, window_params = [{transform_indices = #map}, {transform_indices = #map1}, {transform_indices = #map}]} {
    %mul3A = arith.constant 2 : i32
    %mul3A_0 = arith.muli %arg1, %mul3A : i32
    %add3A = arith.addi %mul3A_0, %arg0 : i32
    %mul3A_1 = arith.constant 640 : i32
    %mul3A_2 = arith.muli %arg1, %mul3A_1 : i32
    %mul3A_3 = arith.constant 640 : i32
    %mul3A_4 = arith.muli %arg1, %mul3A_3 : i32
    "tpu.region"() ({
      %run_scoped3A = tpu.sem_alloc : memref<!tpu.dma_semaphore, #tpu.memory_space<semaphore_mem>>
      %dma_start3A = arith.constant 0 : i32
      %dma_start3A_1064 = tpu.memref_slice %arg7[%mul3A_4, %dma_start3A] : memref<10240x16xf32, #tpu.memory_space<vmem_shared>> -> memref<640x16xf32, #tpu.memory_space<vmem_shared>>
      %dma_start3A_1065 = arith.constant 0 : i32
      %dma_start3A_1066 = tpu.memref_slice %arg3[%mul3A_2, %dma_start3A_1065] : memref<10240x16xf32, #tpu.memory_space<hbm>> -> memref<640x16xf32, #tpu.memory_space<hbm>>
      tpu.enqueue_dma source(%dma_start3A_1066 : memref<640x16xf32, #tpu.memory_space<hbm>>) target(%dma_start3A_1064 : memref<640x16xf32, #tpu.memory_space<vmem_shared>>) target_semaphore(%run_scoped3A : memref<!tpu.dma_semaphore, #tpu.memory_space<semaphore_mem>>)
      %dma_wait3A_1067 = arith.constant 0 : i32
      %dma_wait3A_1068 = tpu.memref_slice %arg7[%mul3A_4, %dma_wait3A_1067] : memref<10240x16xf32, #tpu.memory_space<vmem_shared>> -> memref<640x16xf32, #tpu.memory_space<vmem_shared>>
      %dma_wait3A_1069 = arith.constant 0 : i32
      %dma_wait3A_1070 = tpu.memref_slice %arg3[%mul3A_2, %dma_wait3A_1069] : memref<10240x16xf32, #tpu.memory_space<hbm>> -> memref<640x16xf32, #tpu.memory_space<hbm>>
      tpu.wait_dma2 semaphore(%run_scoped3A : memref<!tpu.dma_semaphore, #tpu.memory_space<semaphore_mem>>) src(%dma_wait3A_1070 : memref<640x16xf32, #tpu.memory_space<hbm>>) dst(%dma_wait3A_1068 : memref<640x16xf32, #tpu.memory_space<vmem_shared>>)
      tpu.yield
    }) : () -> ()
    "tpu.region"() ({
      %run_scoped3A = tpu.sem_alloc : memref<!tpu.dma_semaphore, #tpu.memory_space<semaphore_mem>>
      %dma_start3A = arith.constant 0 : i32
      %dma_start3A_1064 = arith.constant 0 : i32
      %dma_start3A_1065 = tpu.memref_slice %arg2[%add3A, %dma_start3A, %dma_start3A_1064] : memref<32x80x128xi32, #tpu.memory_space<hbm>> -> memref<1x80x128xi32, #tpu.memory_space<hbm>>
      %dma_start3A_1066 = tpu.memref_squeeze %dma_start3A_1065 : memref<1x80x128xi32, #tpu.memory_space<hbm>> -> memref<80x128xi32, #tpu.memory_space<hbm>>
      %dma_start3A_1067 = arith.constant 0 : i32
      %dma_start3A_1068 = arith.constant 0 : i32
      %dma_start3A_1069 = tpu.memref_slice %arg2[%add3A, %dma_start3A_1067, %dma_start3A_1068] : memref<32x80x128xi32, #tpu.memory_space<hbm>> -> memref<1x80x128xi32, #tpu.memory_space<hbm>>
      %dma_start3A_1070 = tpu.memref_squeeze %dma_start3A_1069 : memref<1x80x128xi32, #tpu.memory_space<hbm>> -> memref<80x128xi32, #tpu.memory_space<hbm>>
      tpu.enqueue_dma source(%dma_start3A_1070 : memref<80x128xi32, #tpu.memory_space<hbm>>) target(%arg5 : memref<80x128xi32, #tpu.memory_space<vmem>>) target_semaphore(%run_scoped3A : memref<!tpu.dma_semaphore, #tpu.memory_space<semaphore_mem>>)
      %dma_wait3A_1071 = arith.constant 0 : i32
      %dma_wait3A_1072 = arith.constant 0 : i32
      %dma_wait3A_1073 = tpu.memref_slice %arg2[%add3A, %dma_wait3A_1071, %dma_wait3A_1072] : memref<32x80x128xi32, #tpu.memory_space<hbm>> -> memref<1x80x128xi32, #tpu.memory_space<hbm>>
      %dma_wait3A_1074 = tpu.memref_squeeze %dma_wait3A_1073 : memref<1x80x128xi32, #tpu.memory_space<hbm>> -> memref<80x128xi32, #tpu.memory_space<hbm>>
      %dma_wait3A_1075 = arith.constant 0 : i32
      %dma_wait3A_1076 = arith.constant 0 : i32
      %dma_wait3A_1077 = tpu.memref_slice %arg2[%add3A, %dma_wait3A_1075, %dma_wait3A_1076] : memref<32x80x128xi32, #tpu.memory_space<hbm>> -> memref<1x80x128xi32, #tpu.memory_space<hbm>>
      %dma_wait3A_1078 = tpu.memref_squeeze %dma_wait3A_1077 : memref<1x80x128xi32, #tpu.memory_space<hbm>> -> memref<80x128xi32, #tpu.memory_space<hbm>>
      tpu.wait_dma2 semaphore(%run_scoped3A : memref<!tpu.dma_semaphore, #tpu.memory_space<semaphore_mem>>) src(%dma_wait3A_1078 : memref<80x128xi32, #tpu.memory_space<hbm>>) dst(%arg5 : memref<80x128xi32, #tpu.memory_space<vmem>>)
      tpu.yield
    }) : () -> ()
    %broadcast_in_dim3A = arith.constant 1.000000e+00 : f32
    %broadcast_in_dim3A_5 = vector.broadcast %broadcast_in_dim3A : f32 to vector<16xf32>
    %swap3A = arith.constant 0 : i32
    %swap3A_6 = arith.index_cast %swap3A : i32 to index
    %swap3A_7 = arith.constant 0 : index
    %swap3A_8 = tpu.vector_load %arg6[%swap3A_6, %swap3A_7] {strides = array<i32>} : memref<128x16xf32, #tpu.memory_space<vmem>>, vector<1x16xf32>,
    %swap3A_9 = vector.shape_cast %swap3A_8 : vector<1x16xf32> to vector<16xf32>
    %swap3A_10 = vector.shape_cast %broadcast_in_dim3A_5 : vector<16xf32> to vector<1x16xf32>
    tpu.vector_store %arg6[%swap3A_6, %swap3A_7], %swap3A_10 {strides = array<i32>} : memref<128x16xf32, #tpu.memory_space<vmem>>, vector<1x16xf32>,
    %broadcast_in_dim3A_11 = arith.constant 1.000000e+00 : f32
    %broadcast_in_dim3A_12 = vector.broadcast %broadcast_in_dim3A_11 : f32 to vector<16xf32>
    %swap3A_13 = arith.constant 1 : i32
    %swap3A_14 = arith.index_cast %swap3A_13 : i32 to index
    %swap3A_15 = arith.constant 0 : index
    %swap3A_16 = tpu.vector_load %arg6[%swap3A_14, %swap3A_15] {strides = array<i32>} : memref<128x16xf32, #tpu.memory_space<vmem>>, vector<1x16xf32>,
    %swap3A_17 = vector.shape_cast %swap3A_16 : vector<1x16xf32> to vector<16xf32>
    %swap3A_18 = vector.shape_cast %broadcast_in_dim3A_12 : vector<16xf32> to vector<1x16xf32>
    tpu.vector_store %arg6[%swap3A_14, %swap3A_15], %swap3A_18 {strides = array<i32>} : memref<128x16xf32, #tpu.memory_space<vmem>>, vector<1x16xf32>,
    %broadcast_in_dim3A_19 = arith.constant 1.000000e+00 : f32
    %broadcast_in_dim3A_20 = vector.broadcast %broadcast_in_dim3A_19 : f32 to vector<16xf32>
    %swap3A_21 = arith.constant 2 : i32
    %swap3A_22 = arith.index_cast %swap3A_21 : i32 to index
    %swap3A_23 = arith.constant 0 : index
    %swap3A_24 = tpu.vector_load %arg6[%swap3A_22, %swap3A_23] {strides = array<i32>} : memref<128x16xf32, #tpu.memory_space<vmem>>, vector<1x16xf32>,
    %swap3A_25 = vector.shape_cast %swap3A_24 : vector<1x16xf32> to vector<16xf32>
    %swap3A_26 = vector.shape_cast %broadcast_in_dim3A_20 : vector<16xf32> to vector<1x16xf32>
    tpu.vector_store %arg6[%swap3A_22, %swap3A_23], %swap3A_26 {strides = array<i32>} : memref<128x16xf32, #tpu.memory_space<vmem>>, vector<1x16xf32>,
    %broadcast_in_dim3A_27 = arith.constant 1.000000e+00 : f32
    %broadcast_in_dim3A_28 = vector.broadcast %broadcast_in_dim3A_27 : f32 to vector<16xf32>
    %swap3A_29 = arith.constant 3 : i32
    %swap3A_30 = arith.index_cast %swap3A_29 : i32 to index
    %swap3A_31 = arith.constant 0 : index
    %swap3A_32 = tpu.vector_load %arg6[%swap3A_30, %swap3A_31] {strides = array<i32>} : memref<128x16xf32, #tpu.memory_space<vmem>>, vector<1x16xf32>,
    %swap3A_33 = vector.shape_cast %swap3A_32 : vector<1x16xf32> to vector<16xf32>
    %swap3A_34 = vector.shape_cast %broadcast_in_dim3A_28 : vector<16xf32> to vector<1x16xf32>
    tpu.vector_store %arg6[%swap3A_30, %swap3A_31], %swap3A_34 {strides = array<i32>} : memref<128x16xf32, #tpu.memory_space<vmem>>, vector<1x16xf32>,
    %broadcast_in_dim3A_35 = arith.constant 1.000000e+00 : f32
    %broadcast_in_dim3A_36 = vector.broadcast %broadcast_in_dim3A_35 : f32 to vector<16xf32>
    %swap3A_37 = arith.constant 4 : i32
    %swap3A_38 = arith.index_cast %swap3A_37 : i32 to index
    %swap3A_39 = arith.constant 0 : index
    %swap3A_40 = tpu.vector_load %arg6[%swap3A_38, %swap3A_39] {strides = array<i32>} : memref<128x16xf32, #tpu.memory_space<vmem>>, vector<1x16xf32>,
    %swap3A_41 = vector.shape_cast %swap3A_40 : vector<1x16xf32> to vector<16xf32>
    %swap3A_42 = vector.shape_cast %broadcast_in_dim3A_36 : vector<16xf32> to vector<1x16xf32>
    tpu.vector_store %arg6[%swap3A_38, %swap3A_39], %swap3A_42 {strides = array<i32>} : memref<128x16xf32, #tpu.memory_space<vmem>>, vector<1x16xf32>,
    %broadcast_in_dim3A_43 = arith.constant 1.000000e+00 : f32
    %broadcast_in_dim3A_44 = vector.broadcast %broadcast_in_dim3A_43 : f32 to vector<16xf32>
    %swap3A_45 = arith.constant 5 : i32
    %swap3A_46 = arith.index_cast %swap3A_45 : i32 to index
    %swap3A_47 = arith.constant 0 : index
    %swap3A_48 = tpu.vector_load %arg6[%swap3A_46, %swap3A_47] {strides = array<i32>} : memref<128x16xf32, #tpu.memory_space<vmem>>, vector<1x16xf32>,
    %swap3A_49 = vector.shape_cast %swap3A_48 : vector<1x16xf32> to vector<16xf32>
    %swap3A_50 = vector.shape_cast %broadcast_in_dim3A_44 : vector<16xf32> to vector<1x16xf32>
    tpu.vector_store %arg6[%swap3A_46, %swap3A_47], %swap3A_50 {strides = array<i32>} : memref<128x16xf32, #tpu.memory_space<vmem>>, vector<1x16xf32>,
    %broadcast_in_dim3A_51 = arith.constant 1.000000e+00 : f32
    %broadcast_in_dim3A_52 = vector.broadcast %broadcast_in_dim3A_51 : f32 to vector<16xf32>
    %swap3A_53 = arith.constant 6 : i32
    %swap3A_54 = arith.index_cast %swap3A_53 : i32 to index
    %swap3A_55 = arith.constant 0 : index
    %swap3A_56 = tpu.vector_load %arg6[%swap3A_54, %swap3A_55] {strides = array<i32>} : memref<128x16xf32, #tpu.memory_space<vmem>>, vector<1x16xf32>,
    %swap3A_57 = vector.shape_cast %swap3A_56 : vector<1x16xf32> to vector<16xf32>
    %swap3A_58 = vector.shape_cast %broadcast_in_dim3A_52 : vector<16xf32> to vector<1x16xf32>
    tpu.vector_store %arg6[%swap3A_54, %swap3A_55], %swap3A_58 {strides = array<i32>} : memref<128x16xf32, #tpu.memory_space<vmem>>, vector<1x16xf32>,
    %broadcast_in_dim3A_59 = arith.constant 1.000000e+00 : f32
    %broadcast_in_dim3A_60 = vector.broadcast %broadcast_in_dim3A_59 : f32 to vector<16xf32>
    %swap3A_61 = arith.constant 7 : i32
    %swap3A_62 = arith.index_cast %swap3A_61 : i32 to index
    %swap3A_63 = arith.constant 0 : index
    %swap3A_64 = tpu.vector_load %arg6[%swap3A_62, %swap3A_63] {strides = array<i32>} : memref<128x16xf32, #tpu.memory_space<vmem>>, vector<1x16xf32>,
    %swap3A_65 = vector.shape_cast %swap3A_64 : vector<1x16xf32> to vector<16xf32>
    %swap3A_66 = vector.shape_cast %broadcast_in_dim3A_60 : vector<16xf32> to vector<1x16xf32>
    tpu.vector_store %arg6[%swap3A_62, %swap3A_63], %swap3A_66 {strides = array<i32>} : memref<128x16xf32, #tpu.memory_space<vmem>>, vector<1x16xf32>,
    %broadcast_in_dim3A_67 = arith.constant 1.000000e+00 : f32
    %broadcast_in_dim3A_68 = vector.broadcast %broadcast_in_dim3A_67 : f32 to vector<16xf32>
    %swap3A_69 = arith.constant 8 : i32
    %swap3A_70 = arith.index_cast %swap3A_69 : i32 to index
    %swap3A_71 = arith.constant 0 : index
    %swap3A_72 = tpu.vector_load %arg6[%swap3A_70, %swap3A_71] {strides = array<i32>} : memref<128x16xf32, #tpu.memory_space<vmem>>, vector<1x16xf32>,
    %swap3A_73 = vector.shape_cast %swap3A_72 : vector<1x16xf32> to vector<16xf32>
    %swap3A_74 = vector.shape_cast %broadcast_in_dim3A_68 : vector<16xf32> to vector<1x16xf32>
    tpu.vector_store %arg6[%swap3A_70, %swap3A_71], %swap3A_74 {strides = array<i32>} : memref<128x16xf32, #tpu.memory_space<vmem>>, vector<1x16xf32>,
    %broadcast_in_dim3A_75 = arith.constant 1.000000e+00 : f32
    %broadcast_in_dim3A_76 = vector.broadcast %broadcast_in_dim3A_75 : f32 to vector<16xf32>
    %swap3A_77 = arith.constant 9 : i32
    %swap3A_78 = arith.index_cast %swap3A_77 : i32 to index
    %swap3A_79 = arith.constant 0 : index
    %swap3A_80 = tpu.vector_load %arg6[%swap3A_78, %swap3A_79] {strides = array<i32>} : memref<128x16xf32, #tpu.memory_space<vmem>>, vector<1x16xf32>,
    %swap3A_81 = vector.shape_cast %swap3A_80 : vector<1x16xf32> to vector<16xf32>
    %swap3A_82 = vector.shape_cast %broadcast_in_dim3A_76 : vector<16xf32> to vector<1x16xf32>
    tpu.vector_store %arg6[%swap3A_78, %swap3A_79], %swap3A_82 {strides = array<i32>} : memref<128x16xf32, #tpu.memory_space<vmem>>, vector<1x16xf32>,
    %broadcast_in_dim3A_83 = arith.constant 1.000000e+00 : f32
    %broadcast_in_dim3A_84 = vector.broadcast %broadcast_in_dim3A_83 : f32 to vector<16xf32>
    %swap3A_85 = arith.constant 10 : i32
    %swap3A_86 = arith.index_cast %swap3A_85 : i32 to index
    %swap3A_87 = arith.constant 0 : index
    %swap3A_88 = tpu.vector_load %arg6[%swap3A_86, %swap3A_87] {strides = array<i32>} : memref<128x16xf32, #tpu.memory_space<vmem>>, vector<1x16xf32>,
    %swap3A_89 = vector.shape_cast %swap3A_88 : vector<1x16xf32> to vector<16xf32>
    %swap3A_90 = vector.shape_cast %broadcast_in_dim3A_84 : vector<16xf32> to vector<1x16xf32>
    tpu.vector_store %arg6[%swap3A_86, %swap3A_87], %swap3A_90 {strides = array<i32>} : memref<128x16xf32, #tpu.memory_space<vmem>>, vector<1x16xf32>,
    %broadcast_in_dim3A_91 = arith.constant 1.000000e+00 : f32
    %broadcast_in_dim3A_92 = vector.broadcast %broadcast_in_dim3A_91 : f32 to vector<16xf32>
    %swap3A_93 = arith.constant 11 : i32
    %swap3A_94 = arith.index_cast %swap3A_93 : i32 to index
    %swap3A_95 = arith.constant 0 : index
    %swap3A_96 = tpu.vector_load %arg6[%swap3A_94, %swap3A_95] {strides = array<i32>} : memref<128x16xf32, #tpu.memory_space<vmem>>, vector<1x16xf32>,
    %swap3A_97 = vector.shape_cast %swap3A_96 : vector<1x16xf32> to vector<16xf32>
    %swap3A_98 = vector.shape_cast %broadcast_in_dim3A_92 : vector<16xf32> to vector<1x16xf32>
    tpu.vector_store %arg6[%swap3A_94, %swap3A_95], %swap3A_98 {strides = array<i32>} : memref<128x16xf32, #tpu.memory_space<vmem>>, vector<1x16xf32>,
    %broadcast_in_dim3A_99 = arith.constant 1.000000e+00 : f32
    %broadcast_in_dim3A_100 = vector.broadcast %broadcast_in_dim3A_99 : f32 to vector<16xf32>
    %swap3A_101 = arith.constant 12 : i32
    %swap3A_102 = arith.index_cast %swap3A_101 : i32 to index
    %swap3A_103 = arith.constant 0 : index
    %swap3A_104 = tpu.vector_load %arg6[%swap3A_102, %swap3A_103] {strides = array<i32>} : memref<128x16xf32, #tpu.memory_space<vmem>>, vector<1x16xf32>,
    %swap3A_105 = vector.shape_cast %swap3A_104 : vector<1x16xf32> to vector<16xf32>
    %swap3A_106 = vector.shape_cast %broadcast_in_dim3A_100 : vector<16xf32> to vector<1x16xf32>
    tpu.vector_store %arg6[%swap3A_102, %swap3A_103], %swap3A_106 {strides = array<i32>} : memref<128x16xf32, #tpu.memory_space<vmem>>, vector<1x16xf32>,
    %broadcast_in_dim3A_107 = arith.constant 1.000000e+00 : f32
    %broadcast_in_dim3A_108 = vector.broadcast %broadcast_in_dim3A_107 : f32 to vector<16xf32>
    %swap3A_109 = arith.constant 13 : i32
    %swap3A_110 = arith.index_cast %swap3A_109 : i32 to index
    %swap3A_111 = arith.constant 0 : index
    %swap3A_112 = tpu.vector_load %arg6[%swap3A_110, %swap3A_111] {strides = array<i32>} : memref<128x16xf32, #tpu.memory_space<vmem>>, vector<1x16xf32>,
    %swap3A_113 = vector.shape_cast %swap3A_112 : vector<1x16xf32> to vector<16xf32>
    %swap3A_114 = vector.shape_cast %broadcast_in_dim3A_108 : vector<16xf32> to vector<1x16xf32>
    tpu.vector_store %arg6[%swap3A_110, %swap3A_111], %swap3A_114 {strides = array<i32>} : memref<128x16xf32, #tpu.memory_space<vmem>>, vector<1x16xf32>,
    %broadcast_in_dim3A_115 = arith.constant 1.000000e+00 : f32
    %broadcast_in_dim3A_116 = vector.broadcast %broadcast_in_dim3A_115 : f32 to vector<16xf32>
    %swap3A_117 = arith.constant 14 : i32
    %swap3A_118 = arith.index_cast %swap3A_117 : i32 to index
    %swap3A_119 = arith.constant 0 : index
    %swap3A_120 = tpu.vector_load %arg6[%swap3A_118, %swap3A_119] {strides = array<i32>} : memref<128x16xf32, #tpu.memory_space<vmem>>, vector<1x16xf32>,
    %swap3A_121 = vector.shape_cast %swap3A_120 : vector<1x16xf32> to vector<16xf32>
    %swap3A_122 = vector.shape_cast %broadcast_in_dim3A_116 : vector<16xf32> to vector<1x16xf32>
    tpu.vector_store %arg6[%swap3A_118, %swap3A_119], %swap3A_122 {strides = array<i32>} : memref<128x16xf32, #tpu.memory_space<vmem>>, vector<1x16xf32>,
    %broadcast_in_dim3A_123 = arith.constant 1.000000e+00 : f32
    %broadcast_in_dim3A_124 = vector.broadcast %broadcast_in_dim3A_123 : f32 to vector<16xf32>
    %swap3A_125 = arith.constant 15 : i32
    %swap3A_126 = arith.index_cast %swap3A_125 : i32 to index
    %swap3A_127 = arith.constant 0 : index
    %swap3A_128 = tpu.vector_load %arg6[%swap3A_126, %swap3A_127] {strides = array<i32>} : memref<128x16xf32, #tpu.memory_space<vmem>>, vector<1x16xf32>,
    %swap3A_129 = vector.shape_cast %swap3A_128 : vector<1x16xf32> to vector<16xf32>
    %swap3A_130 = vector.shape_cast %broadcast_in_dim3A_124 : vector<16xf32> to vector<1x16xf32>
    tpu.vector_store %arg6[%swap3A_126, %swap3A_127], %swap3A_130 {strides = array<i32>} : memref<128x16xf32, #tpu.memory_space<vmem>>, vector<1x16xf32>,
    %broadcast_in_dim3A_131 = arith.constant 1.000000e+00 : f32
    %broadcast_in_dim3A_132 = vector.broadcast %broadcast_in_dim3A_131 : f32 to vector<16xf32>
    %swap3A_133 = arith.constant 16 : i32
    %swap3A_134 = arith.index_cast %swap3A_133 : i32 to index
    %swap3A_135 = arith.constant 0 : index
    %swap3A_136 = tpu.vector_load %arg6[%swap3A_134, %swap3A_135] {strides = array<i32>} : memref<128x16xf32, #tpu.memory_space<vmem>>, vector<1x16xf32>,
    %swap3A_137 = vector.shape_cast %swap3A_136 : vector<1x16xf32> to vector<16xf32>
    %swap3A_138 = vector.shape_cast %broadcast_in_dim3A_132 : vector<16xf32> to vector<1x16xf32>
    tpu.vector_store %arg6[%swap3A_134, %swap3A_135], %swap3A_138 {strides = array<i32>} : memref<128x16xf32, #tpu.memory_space<vmem>>, vector<1x16xf32>,
    %broadcast_in_dim3A_139 = arith.constant 1.000000e+00 : f32
    %broadcast_in_dim3A_140 = vector.broadcast %broadcast_in_dim3A_139 : f32 to vector<16xf32>
    %swap3A_141 = arith.constant 17 : i32
    %swap3A_142 = arith.index_cast %swap3A_141 : i32 to index
    %swap3A_143 = arith.constant 0 : index
    %swap3A_144 = tpu.vector_load %arg6[%swap3A_142, %swap3A_143] {strides = array<i32>} : memref<128x16xf32, #tpu.memory_space<vmem>>, vector<1x16xf32>,
    %swap3A_145 = vector.shape_cast %swap3A_144 : vector<1x16xf32> to vector<16xf32>
    %swap3A_146 = vector.shape_cast %broadcast_in_dim3A_140 : vector<16xf32> to vector<1x16xf32>
    tpu.vector_store %arg6[%swap3A_142, %swap3A_143], %swap3A_146 {strides = array<i32>} : memref<128x16xf32, #tpu.memory_space<vmem>>, vector<1x16xf32>,
    %broadcast_in_dim3A_147 = arith.constant 1.000000e+00 : f32
    %broadcast_in_dim3A_148 = vector.broadcast %broadcast_in_dim3A_147 : f32 to vector<16xf32>
    %swap3A_149 = arith.constant 18 : i32
    %swap3A_150 = arith.index_cast %swap3A_149 : i32 to index
    %swap3A_151 = arith.constant 0 : index
    %swap3A_152 = tpu.vector_load %arg6[%swap3A_150, %swap3A_151] {strides = array<i32>} : memref<128x16xf32, #tpu.memory_space<vmem>>, vector<1x16xf32>,
    %swap3A_153 = vector.shape_cast %swap3A_152 : vector<1x16xf32> to vector<16xf32>
    %swap3A_154 = vector.shape_cast %broadcast_in_dim3A_148 : vector<16xf32> to vector<1x16xf32>
    tpu.vector_store %arg6[%swap3A_150, %swap3A_151], %swap3A_154 {strides = array<i32>} : memref<128x16xf32, #tpu.memory_space<vmem>>, vector<1x16xf32>,
    %broadcast_in_dim3A_155 = arith.constant 1.000000e+00 : f32
    %broadcast_in_dim3A_156 = vector.broadcast %broadcast_in_dim3A_155 : f32 to vector<16xf32>
    %swap3A_157 = arith.constant 19 : i32
    %swap3A_158 = arith.index_cast %swap3A_157 : i32 to index
    %swap3A_159 = arith.constant 0 : index
    %swap3A_160 = tpu.vector_load %arg6[%swap3A_158, %swap3A_159] {strides = array<i32>} : memref<128x16xf32, #tpu.memory_space<vmem>>, vector<1x16xf32>,
    %swap3A_161 = vector.shape_cast %swap3A_160 : vector<1x16xf32> to vector<16xf32>
    %swap3A_162 = vector.shape_cast %broadcast_in_dim3A_156 : vector<16xf32> to vector<1x16xf32>
    tpu.vector_store %arg6[%swap3A_158, %swap3A_159], %swap3A_162 {strides = array<i32>} : memref<128x16xf32, #tpu.memory_space<vmem>>, vector<1x16xf32>,
    %broadcast_in_dim3A_163 = arith.constant 1.000000e+00 : f32
    %broadcast_in_dim3A_164 = vector.broadcast %broadcast_in_dim3A_163 : f32 to vector<16xf32>
    %swap3A_165 = arith.constant 20 : i32
    %swap3A_166 = arith.index_cast %swap3A_165 : i32 to index
    %swap3A_167 = arith.constant 0 : index
    %swap3A_168 = tpu.vector_load %arg6[%swap3A_166, %swap3A_167] {strides = array<i32>} : memref<128x16xf32, #tpu.memory_space<vmem>>, vector<1x16xf32>,
    %swap3A_169 = vector.shape_cast %swap3A_168 : vector<1x16xf32> to vector<16xf32>
    %swap3A_170 = vector.shape_cast %broadcast_in_dim3A_164 : vector<16xf32> to vector<1x16xf32>
    tpu.vector_store %arg6[%swap3A_166, %swap3A_167], %swap3A_170 {strides = array<i32>} : memref<128x16xf32, #tpu.memory_space<vmem>>, vector<1x16xf32>,
    %broadcast_in_dim3A_171 = arith.constant 1.000000e+00 : f32
    %broadcast_in_dim3A_172 = vector.broadcast %broadcast_in_dim3A_171 : f32 to vector<16xf32>
    %swap3A_173 = arith.constant 21 : i32
    %swap3A_174 = arith.index_cast %swap3A_173 : i32 to index
    %swap3A_175 = arith.constant 0 : index
    %swap3A_176 = tpu.vector_load %arg6[%swap3A_174, %swap3A_175] {strides = array<i32>} : memref<128x16xf32, #tpu.memory_space<vmem>>, vector<1x16xf32>,
    %swap3A_177 = vector.shape_cast %swap3A_176 : vector<1x16xf32> to vector<16xf32>
    %swap3A_178 = vector.shape_cast %broadcast_in_dim3A_172 : vector<16xf32> to vector<1x16xf32>
    tpu.vector_store %arg6[%swap3A_174, %swap3A_175], %swap3A_178 {strides = array<i32>} : memref<128x16xf32, #tpu.memory_space<vmem>>, vector<1x16xf32>,
    %broadcast_in_dim3A_179 = arith.constant 1.000000e+00 : f32
    %broadcast_in_dim3A_180 = vector.broadcast %broadcast_in_dim3A_179 : f32 to vector<16xf32>
    %swap3A_181 = arith.constant 22 : i32
    %swap3A_182 = arith.index_cast %swap3A_181 : i32 to index
    %swap3A_183 = arith.constant 0 : index
    %swap3A_184 = tpu.vector_load %arg6[%swap3A_182, %swap3A_183] {strides = array<i32>} : memref<128x16xf32, #tpu.memory_space<vmem>>, vector<1x16xf32>,
    %swap3A_185 = vector.shape_cast %swap3A_184 : vector<1x16xf32> to vector<16xf32>
    %swap3A_186 = vector.shape_cast %broadcast_in_dim3A_180 : vector<16xf32> to vector<1x16xf32>
    tpu.vector_store %arg6[%swap3A_182, %swap3A_183], %swap3A_186 {strides = array<i32>} : memref<128x16xf32, #tpu.memory_space<vmem>>, vector<1x16xf32>,
    %broadcast_in_dim3A_187 = arith.constant 1.000000e+00 : f32
    %broadcast_in_dim3A_188 = vector.broadcast %broadcast_in_dim3A_187 : f32 to vector<16xf32>
    %swap3A_189 = arith.constant 23 : i32
    %swap3A_190 = arith.index_cast %swap3A_189 : i32 to index
    %swap3A_191 = arith.constant 0 : index
    %swap3A_192 = tpu.vector_load %arg6[%swap3A_190, %swap3A_191] {strides = array<i32>} : memref<128x16xf32, #tpu.memory_space<vmem>>, vector<1x16xf32>,
    %swap3A_193 = vector.shape_cast %swap3A_192 : vector<1x16xf32> to vector<16xf32>
    %swap3A_194 = vector.shape_cast %broadcast_in_dim3A_188 : vector<16xf32> to vector<1x16xf32>
    tpu.vector_store %arg6[%swap3A_190, %swap3A_191], %swap3A_194 {strides = array<i32>} : memref<128x16xf32, #tpu.memory_space<vmem>>, vector<1x16xf32>,
    %broadcast_in_dim3A_195 = arith.constant 1.000000e+00 : f32
    %broadcast_in_dim3A_196 = vector.broadcast %broadcast_in_dim3A_195 : f32 to vector<16xf32>
    %swap3A_197 = arith.constant 24 : i32
    %swap3A_198 = arith.index_cast %swap3A_197 : i32 to index
    %swap3A_199 = arith.constant 0 : index
    %swap3A_200 = tpu.vector_load %arg6[%swap3A_198, %swap3A_199] {strides = array<i32>} : memref<128x16xf32, #tpu.memory_space<vmem>>, vector<1x16xf32>,
    %swap3A_201 = vector.shape_cast %swap3A_200 : vector<1x16xf32> to vector<16xf32>
    %swap3A_202 = vector.shape_cast %broadcast_in_dim3A_196 : vector<16xf32> to vector<1x16xf32>
    tpu.vector_store %arg6[%swap3A_198, %swap3A_199], %swap3A_202 {strides = array<i32>} : memref<128x16xf32, #tpu.memory_space<vmem>>, vector<1x16xf32>,
    %broadcast_in_dim3A_203 = arith.constant 1.000000e+00 : f32
    %broadcast_in_dim3A_204 = vector.broadcast %broadcast_in_dim3A_203 : f32 to vector<16xf32>
    %swap3A_205 = arith.constant 25 : i32
    %swap3A_206 = arith.index_cast %swap3A_205 : i32 to index
    %swap3A_207 = arith.constant 0 : index
    %swap3A_208 = tpu.vector_load %arg6[%swap3A_206, %swap3A_207] {strides = array<i32>} : memref<128x16xf32, #tpu.memory_space<vmem>>, vector<1x16xf32>,
    %swap3A_209 = vector.shape_cast %swap3A_208 : vector<1x16xf32> to vector<16xf32>
    %swap3A_210 = vector.shape_cast %broadcast_in_dim3A_204 : vector<16xf32> to vector<1x16xf32>
    tpu.vector_store %arg6[%swap3A_206, %swap3A_207], %swap3A_210 {strides = array<i32>} : memref<128x16xf32, #tpu.memory_space<vmem>>, vector<1x16xf32>,
    %broadcast_in_dim3A_211 = arith.constant 1.000000e+00 : f32
    %broadcast_in_dim3A_212 = vector.broadcast %broadcast_in_dim3A_211 : f32 to vector<16xf32>
    %swap3A_213 = arith.constant 26 : i32
    %swap3A_214 = arith.index_cast %swap3A_213 : i32 to index
    %swap3A_215 = arith.constant 0 : index
    %swap3A_216 = tpu.vector_load %arg6[%swap3A_214, %swap3A_215] {strides = array<i32>} : memref<128x16xf32, #tpu.memory_space<vmem>>, vector<1x16xf32>,
    %swap3A_217 = vector.shape_cast %swap3A_216 : vector<1x16xf32> to vector<16xf32>
    %swap3A_218 = vector.shape_cast %broadcast_in_dim3A_212 : vector<16xf32> to vector<1x16xf32>
    tpu.vector_store %arg6[%swap3A_214, %swap3A_215], %swap3A_218 {strides = array<i32>} : memref<128x16xf32, #tpu.memory_space<vmem>>, vector<1x16xf32>,
    %broadcast_in_dim3A_219 = arith.constant 1.000000e+00 : f32
    %broadcast_in_dim3A_220 = vector.broadcast %broadcast_in_dim3A_219 : f32 to vector<16xf32>
    %swap3A_221 = arith.constant 27 : i32
    %swap3A_222 = arith.index_cast %swap3A_221 : i32 to index
    %swap3A_223 = arith.constant 0 : index
    %swap3A_224 = tpu.vector_load %arg6[%swap3A_222, %swap3A_223] {strides = array<i32>} : memref<128x16xf32, #tpu.memory_space<vmem>>, vector<1x16xf32>,
    %swap3A_225 = vector.shape_cast %swap3A_224 : vector<1x16xf32> to vector<16xf32>
    %swap3A_226 = vector.shape_cast %broadcast_in_dim3A_220 : vector<16xf32> to vector<1x16xf32>
    tpu.vector_store %arg6[%swap3A_222, %swap3A_223], %swap3A_226 {strides = array<i32>} : memref<128x16xf32, #tpu.memory_space<vmem>>, vector<1x16xf32>,
    %broadcast_in_dim3A_227 = arith.constant 1.000000e+00 : f32
    %broadcast_in_dim3A_228 = vector.broadcast %broadcast_in_dim3A_227 : f32 to vector<16xf32>
    %swap3A_229 = arith.constant 28 : i32
    %swap3A_230 = arith.index_cast %swap3A_229 : i32 to index
    %swap3A_231 = arith.constant 0 : index
    %swap3A_232 = tpu.vector_load %arg6[%swap3A_230, %swap3A_231] {strides = array<i32>} : memref<128x16xf32, #tpu.memory_space<vmem>>, vector<1x16xf32>,
    %swap3A_233 = vector.shape_cast %swap3A_232 : vector<1x16xf32> to vector<16xf32>
    %swap3A_234 = vector.shape_cast %broadcast_in_dim3A_228 : vector<16xf32> to vector<1x16xf32>
    tpu.vector_store %arg6[%swap3A_230, %swap3A_231], %swap3A_234 {strides = array<i32>} : memref<128x16xf32, #tpu.memory_space<vmem>>, vector<1x16xf32>,
    %broadcast_in_dim3A_235 = arith.constant 1.000000e+00 : f32
    %broadcast_in_dim3A_236 = vector.broadcast %broadcast_in_dim3A_235 : f32 to vector<16xf32>
    %swap3A_237 = arith.constant 29 : i32
    %swap3A_238 = arith.index_cast %swap3A_237 : i32 to index
    %swap3A_239 = arith.constant 0 : index
    %swap3A_240 = tpu.vector_load %arg6[%swap3A_238, %swap3A_239] {strides = array<i32>} : memref<128x16xf32, #tpu.memory_space<vmem>>, vector<1x16xf32>,
    %swap3A_241 = vector.shape_cast %swap3A_240 : vector<1x16xf32> to vector<16xf32>
    %swap3A_242 = vector.shape_cast %broadcast_in_dim3A_236 : vector<16xf32> to vector<1x16xf32>
    tpu.vector_store %arg6[%swap3A_238, %swap3A_239], %swap3A_242 {strides = array<i32>} : memref<128x16xf32, #tpu.memory_space<vmem>>, vector<1x16xf32>,
    %broadcast_in_dim3A_243 = arith.constant 1.000000e+00 : f32
    %broadcast_in_dim3A_244 = vector.broadcast %broadcast_in_dim3A_243 : f32 to vector<16xf32>
    %swap3A_245 = arith.constant 30 : i32
    %swap3A_246 = arith.index_cast %swap3A_245 : i32 to index
    %swap3A_247 = arith.constant 0 : index
    %swap3A_248 = tpu.vector_load %arg6[%swap3A_246, %swap3A_247] {strides = array<i32>} : memref<128x16xf32, #tpu.memory_space<vmem>>, vector<1x16xf32>,
    %swap3A_249 = vector.shape_cast %swap3A_248 : vector<1x16xf32> to vector<16xf32>
    %swap3A_250 = vector.shape_cast %broadcast_in_dim3A_244 : vector<16xf32> to vector<1x16xf32>
    tpu.vector_store %arg6[%swap3A_246, %swap3A_247], %swap3A_250 {strides = array<i32>} : memref<128x16xf32, #tpu.memory_space<vmem>>, vector<1x16xf32>,
    %broadcast_in_dim3A_251 = arith.constant 1.000000e+00 : f32
    %broadcast_in_dim3A_252 = vector.broadcast %broadcast_in_dim3A_251 : f32 to vector<16xf32>
    %swap3A_253 = arith.constant 31 : i32
    %swap3A_254 = arith.index_cast %swap3A_253 : i32 to index
    %swap3A_255 = arith.constant 0 : index
    %swap3A_256 = tpu.vector_load %arg6[%swap3A_254, %swap3A_255] {strides = array<i32>} : memref<128x16xf32, #tpu.memory_space<vmem>>, vector<1x16xf32>,
    %swap3A_257 = vector.shape_cast %swap3A_256 : vector<1x16xf32> to vector<16xf32>
    %swap3A_258 = vector.shape_cast %broadcast_in_dim3A_252 : vector<16xf32> to vector<1x16xf32>
    tpu.vector_store %arg6[%swap3A_254, %swap3A_255], %swap3A_258 {strides = array<i32>} : memref<128x16xf32, #tpu.memory_space<vmem>>, vector<1x16xf32>,
    %broadcast_in_dim3A_259 = arith.constant 1.000000e+00 : f32
    %broadcast_in_dim3A_260 = vector.broadcast %broadcast_in_dim3A_259 : f32 to vector<16xf32>
    %swap3A_261 = arith.constant 32 : i32
    %swap3A_262 = arith.index_cast %swap3A_261 : i32 to index
    %swap3A_263 = arith.constant 0 : index
    %swap3A_264 = tpu.vector_load %arg6[%swap3A_262, %swap3A_263] {strides = array<i32>} : memref<128x16xf32, #tpu.memory_space<vmem>>, vector<1x16xf32>,
    %swap3A_265 = vector.shape_cast %swap3A_264 : vector<1x16xf32> to vector<16xf32>
    %swap3A_266 = vector.shape_cast %broadcast_in_dim3A_260 : vector<16xf32> to vector<1x16xf32>
    tpu.vector_store %arg6[%swap3A_262, %swap3A_263], %swap3A_266 {strides = array<i32>} : memref<128x16xf32, #tpu.memory_space<vmem>>, vector<1x16xf32>,
    %broadcast_in_dim3A_267 = arith.constant 1.000000e+00 : f32
    %broadcast_in_dim3A_268 = vector.broadcast %broadcast_in_dim3A_267 : f32 to vector<16xf32>
    %swap3A_269 = arith.constant 33 : i32
    %swap3A_270 = arith.index_cast %swap3A_269 : i32 to index
    %swap3A_271 = arith.constant 0 : index
    %swap3A_272 = tpu.vector_load %arg6[%swap3A_270, %swap3A_271] {strides = array<i32>} : memref<128x16xf32, #tpu.memory_space<vmem>>, vector<1x16xf32>,
    %swap3A_273 = vector.shape_cast %swap3A_272 : vector<1x16xf32> to vector<16xf32>
    %swap3A_274 = vector.shape_cast %broadcast_in_dim3A_268 : vector<16xf32> to vector<1x16xf32>
    tpu.vector_store %arg6[%swap3A_270, %swap3A_271], %swap3A_274 {strides = array<i32>} : memref<128x16xf32, #tpu.memory_space<vmem>>, vector<1x16xf32>,
    %broadcast_in_dim3A_275 = arith.constant 1.000000e+00 : f32
    %broadcast_in_dim3A_276 = vector.broadcast %broadcast_in_dim3A_275 : f32 to vector<16xf32>
    %swap3A_277 = arith.constant 34 : i32
    %swap3A_278 = arith.index_cast %swap3A_277 : i32 to index
    %swap3A_279 = arith.constant 0 : index
    %swap3A_280 = tpu.vector_load %arg6[%swap3A_278, %swap3A_279] {strides = array<i32>} : memref<128x16xf32, #tpu.memory_space<vmem>>, vector<1x16xf32>,
    %swap3A_281 = vector.shape_cast %swap3A_280 : vector<1x16xf32> to vector<16xf32>
    %swap3A_282 = vector.shape_cast %broadcast_in_dim3A_276 : vector<16xf32> to vector<1x16xf32>
    tpu.vector_store %arg6[%swap3A_278, %swap3A_279], %swap3A_282 {strides = array<i32>} : memref<128x16xf32, #tpu.memory_space<vmem>>, vector<1x16xf32>,
    %broadcast_in_dim3A_283 = arith.constant 1.000000e+00 : f32
    %broadcast_in_dim3A_284 = vector.broadcast %broadcast_in_dim3A_283 : f32 to vector<16xf32>
    %swap3A_285 = arith.constant 35 : i32
    %swap3A_286 = arith.index_cast %swap3A_285 : i32 to index
    %swap3A_287 = arith.constant 0 : index
    %swap3A_288 = tpu.vector_load %arg6[%swap3A_286, %swap3A_287] {strides = array<i32>} : memref<128x16xf32, #tpu.memory_space<vmem>>, vector<1x16xf32>,
    %swap3A_289 = vector.shape_cast %swap3A_288 : vector<1x16xf32> to vector<16xf32>
    %swap3A_290 = vector.shape_cast %broadcast_in_dim3A_284 : vector<16xf32> to vector<1x16xf32>
    tpu.vector_store %arg6[%swap3A_286, %swap3A_287], %swap3A_290 {strides = array<i32>} : memref<128x16xf32, #tpu.memory_space<vmem>>, vector<1x16xf32>,
    %broadcast_in_dim3A_291 = arith.constant 1.000000e+00 : f32
    %broadcast_in_dim3A_292 = vector.broadcast %broadcast_in_dim3A_291 : f32 to vector<16xf32>
    %swap3A_293 = arith.constant 36 : i32
    %swap3A_294 = arith.index_cast %swap3A_293 : i32 to index
    %swap3A_295 = arith.constant 0 : index
    %swap3A_296 = tpu.vector_load %arg6[%swap3A_294, %swap3A_295] {strides = array<i32>} : memref<128x16xf32, #tpu.memory_space<vmem>>, vector<1x16xf32>,
    %swap3A_297 = vector.shape_cast %swap3A_296 : vector<1x16xf32> to vector<16xf32>
    %swap3A_298 = vector.shape_cast %broadcast_in_dim3A_292 : vector<16xf32> to vector<1x16xf32>
    tpu.vector_store %arg6[%swap3A_294, %swap3A_295], %swap3A_298 {strides = array<i32>} : memref<128x16xf32, #tpu.memory_space<vmem>>, vector<1x16xf32>,
    %broadcast_in_dim3A_299 = arith.constant 1.000000e+00 : f32
    %broadcast_in_dim3A_300 = vector.broadcast %broadcast_in_dim3A_299 : f32 to vector<16xf32>
    %swap3A_301 = arith.constant 37 : i32
    %swap3A_302 = arith.index_cast %swap3A_301 : i32 to index
    %swap3A_303 = arith.constant 0 : index
    %swap3A_304 = tpu.vector_load %arg6[%swap3A_302, %swap3A_303] {strides = array<i32>} : memref<128x16xf32, #tpu.memory_space<vmem>>, vector<1x16xf32>,
    %swap3A_305 = vector.shape_cast %swap3A_304 : vector<1x16xf32> to vector<16xf32>
    %swap3A_306 = vector.shape_cast %broadcast_in_dim3A_300 : vector<16xf32> to vector<1x16xf32>
    tpu.vector_store %arg6[%swap3A_302, %swap3A_303], %swap3A_306 {strides = array<i32>} : memref<128x16xf32, #tpu.memory_space<vmem>>, vector<1x16xf32>,
    %broadcast_in_dim3A_307 = arith.constant 1.000000e+00 : f32
    %broadcast_in_dim3A_308 = vector.broadcast %broadcast_in_dim3A_307 : f32 to vector<16xf32>
    %swap3A_309 = arith.constant 38 : i32
    %swap3A_310 = arith.index_cast %swap3A_309 : i32 to index
    %swap3A_311 = arith.constant 0 : index
    %swap3A_312 = tpu.vector_load %arg6[%swap3A_310, %swap3A_311] {strides = array<i32>} : memref<128x16xf32, #tpu.memory_space<vmem>>, vector<1x16xf32>,
    %swap3A_313 = vector.shape_cast %swap3A_312 : vector<1x16xf32> to vector<16xf32>
    %swap3A_314 = vector.shape_cast %broadcast_in_dim3A_308 : vector<16xf32> to vector<1x16xf32>
    tpu.vector_store %arg6[%swap3A_310, %swap3A_311], %swap3A_314 {strides = array<i32>} : memref<128x16xf32, #tpu.memory_space<vmem>>, vector<1x16xf32>,
    %broadcast_in_dim3A_315 = arith.constant 1.000000e+00 : f32
    %broadcast_in_dim3A_316 = vector.broadcast %broadcast_in_dim3A_315 : f32 to vector<16xf32>
    %swap3A_317 = arith.constant 39 : i32
    %swap3A_318 = arith.index_cast %swap3A_317 : i32 to index
    %swap3A_319 = arith.constant 0 : index
    %swap3A_320 = tpu.vector_load %arg6[%swap3A_318, %swap3A_319] {strides = array<i32>} : memref<128x16xf32, #tpu.memory_space<vmem>>, vector<1x16xf32>,
    %swap3A_321 = vector.shape_cast %swap3A_320 : vector<1x16xf32> to vector<16xf32>
    %swap3A_322 = vector.shape_cast %broadcast_in_dim3A_316 : vector<16xf32> to vector<1x16xf32>
    tpu.vector_store %arg6[%swap3A_318, %swap3A_319], %swap3A_322 {strides = array<i32>} : memref<128x16xf32, #tpu.memory_space<vmem>>, vector<1x16xf32>,
    %broadcast_in_dim3A_323 = arith.constant 1.000000e+00 : f32
    %broadcast_in_dim3A_324 = vector.broadcast %broadcast_in_dim3A_323 : f32 to vector<16xf32>
    %swap3A_325 = arith.constant 40 : i32
    %swap3A_326 = arith.index_cast %swap3A_325 : i32 to index
    %swap3A_327 = arith.constant 0 : index
    %swap3A_328 = tpu.vector_load %arg6[%swap3A_326, %swap3A_327] {strides = array<i32>} : memref<128x16xf32, #tpu.memory_space<vmem>>, vector<1x16xf32>,
    %swap3A_329 = vector.shape_cast %swap3A_328 : vector<1x16xf32> to vector<16xf32>
    %swap3A_330 = vector.shape_cast %broadcast_in_dim3A_324 : vector<16xf32> to vector<1x16xf32>
    tpu.vector_store %arg6[%swap3A_326, %swap3A_327], %swap3A_330 {strides = array<i32>} : memref<128x16xf32, #tpu.memory_space<vmem>>, vector<1x16xf32>,
    %broadcast_in_dim3A_331 = arith.constant 1.000000e+00 : f32
    %broadcast_in_dim3A_332 = vector.broadcast %broadcast_in_dim3A_331 : f32 to vector<16xf32>
    %swap3A_333 = arith.constant 41 : i32
    %swap3A_334 = arith.index_cast %swap3A_333 : i32 to index
    %swap3A_335 = arith.constant 0 : index
    %swap3A_336 = tpu.vector_load %arg6[%swap3A_334, %swap3A_335] {strides = array<i32>} : memref<128x16xf32, #tpu.memory_space<vmem>>, vector<1x16xf32>,
    %swap3A_337 = vector.shape_cast %swap3A_336 : vector<1x16xf32> to vector<16xf32>
    %swap3A_338 = vector.shape_cast %broadcast_in_dim3A_332 : vector<16xf32> to vector<1x16xf32>
    tpu.vector_store %arg6[%swap3A_334, %swap3A_335], %swap3A_338 {strides = array<i32>} : memref<128x16xf32, #tpu.memory_space<vmem>>, vector<1x16xf32>,
    %broadcast_in_dim3A_339 = arith.constant 1.000000e+00 : f32
    %broadcast_in_dim3A_340 = vector.broadcast %broadcast_in_dim3A_339 : f32 to vector<16xf32>
    %swap3A_341 = arith.constant 42 : i32
    %swap3A_342 = arith.index_cast %swap3A_341 : i32 to index
    %swap3A_343 = arith.constant 0 : index
    %swap3A_344 = tpu.vector_load %arg6[%swap3A_342, %swap3A_343] {strides = array<i32>} : memref<128x16xf32, #tpu.memory_space<vmem>>, vector<1x16xf32>,
    %swap3A_345 = vector.shape_cast %swap3A_344 : vector<1x16xf32> to vector<16xf32>
    %swap3A_346 = vector.shape_cast %broadcast_in_dim3A_340 : vector<16xf32> to vector<1x16xf32>
    tpu.vector_store %arg6[%swap3A_342, %swap3A_343], %swap3A_346 {strides = array<i32>} : memref<128x16xf32, #tpu.memory_space<vmem>>, vector<1x16xf32>,
    %broadcast_in_dim3A_347 = arith.constant 1.000000e+00 : f32
    %broadcast_in_dim3A_348 = vector.broadcast %broadcast_in_dim3A_347 : f32 to vector<16xf32>
    %swap3A_349 = arith.constant 43 : i32
    %swap3A_350 = arith.index_cast %swap3A_349 : i32 to index
    %swap3A_351 = arith.constant 0 : index
    %swap3A_352 = tpu.vector_load %arg6[%swap3A_350, %swap3A_351] {strides = array<i32>} : memref<128x16xf32, #tpu.memory_space<vmem>>, vector<1x16xf32>,
    %swap3A_353 = vector.shape_cast %swap3A_352 : vector<1x16xf32> to vector<16xf32>
    %swap3A_354 = vector.shape_cast %broadcast_in_dim3A_348 : vector<16xf32> to vector<1x16xf32>
    tpu.vector_store %arg6[%swap3A_350, %swap3A_351], %swap3A_354 {strides = array<i32>} : memref<128x16xf32, #tpu.memory_space<vmem>>, vector<1x16xf32>,
    %broadcast_in_dim3A_355 = arith.constant 1.000000e+00 : f32
    %broadcast_in_dim3A_356 = vector.broadcast %broadcast_in_dim3A_355 : f32 to vector<16xf32>
    %swap3A_357 = arith.constant 44 : i32
    %swap3A_358 = arith.index_cast %swap3A_357 : i32 to index
    %swap3A_359 = arith.constant 0 : index
    %swap3A_360 = tpu.vector_load %arg6[%swap3A_358, %swap3A_359] {strides = array<i32>} : memref<128x16xf32, #tpu.memory_space<vmem>>, vector<1x16xf32>,
    %swap3A_361 = vector.shape_cast %swap3A_360 : vector<1x16xf32> to vector<16xf32>
    %swap3A_362 = vector.shape_cast %broadcast_in_dim3A_356 : vector<16xf32> to vector<1x16xf32>
    tpu.vector_store %arg6[%swap3A_358, %swap3A_359], %swap3A_362 {strides = array<i32>} : memref<128x16xf32, #tpu.memory_space<vmem>>, vector<1x16xf32>,
    %broadcast_in_dim3A_363 = arith.constant 1.000000e+00 : f32
    %broadcast_in_dim3A_364 = vector.broadcast %broadcast_in_dim3A_363 : f32 to vector<16xf32>
    %swap3A_365 = arith.constant 45 : i32
    %swap3A_366 = arith.index_cast %swap3A_365 : i32 to index
    %swap3A_367 = arith.constant 0 : index
    %swap3A_368 = tpu.vector_load %arg6[%swap3A_366, %swap3A_367] {strides = array<i32>} : memref<128x16xf32, #tpu.memory_space<vmem>>, vector<1x16xf32>,
    %swap3A_369 = vector.shape_cast %swap3A_368 : vector<1x16xf32> to vector<16xf32>
    %swap3A_370 = vector.shape_cast %broadcast_in_dim3A_364 : vector<16xf32> to vector<1x16xf32>
    tpu.vector_store %arg6[%swap3A_366, %swap3A_367], %swap3A_370 {strides = array<i32>} : memref<128x16xf32, #tpu.memory_space<vmem>>, vector<1x16xf32>,
    %broadcast_in_dim3A_371 = arith.constant 1.000000e+00 : f32
    %broadcast_in_dim3A_372 = vector.broadcast %broadcast_in_dim3A_371 : f32 to vector<16xf32>
    %swap3A_373 = arith.constant 46 : i32
    %swap3A_374 = arith.index_cast %swap3A_373 : i32 to index
    %swap3A_375 = arith.constant 0 : index
    %swap3A_376 = tpu.vector_load %arg6[%swap3A_374, %swap3A_375] {strides = array<i32>} : memref<128x16xf32, #tpu.memory_space<vmem>>, vector<1x16xf32>,
    %swap3A_377 = vector.shape_cast %swap3A_376 : vector<1x16xf32> to vector<16xf32>
    %swap3A_378 = vector.shape_cast %broadcast_in_dim3A_372 : vector<16xf32> to vector<1x16xf32>
    tpu.vector_store %arg6[%swap3A_374, %swap3A_375], %swap3A_378 {strides = array<i32>} : memref<128x16xf32, #tpu.memory_space<vmem>>, vector<1x16xf32>,
    %broadcast_in_dim3A_379 = arith.constant 1.000000e+00 : f32
    %broadcast_in_dim3A_380 = vector.broadcast %broadcast_in_dim3A_379 : f32 to vector<16xf32>
    %swap3A_381 = arith.constant 47 : i32
    %swap3A_382 = arith.index_cast %swap3A_381 : i32 to index
    %swap3A_383 = arith.constant 0 : index
    %swap3A_384 = tpu.vector_load %arg6[%swap3A_382, %swap3A_383] {strides = array<i32>} : memref<128x16xf32, #tpu.memory_space<vmem>>, vector<1x16xf32>,
    %swap3A_385 = vector.shape_cast %swap3A_384 : vector<1x16xf32> to vector<16xf32>
    %swap3A_386 = vector.shape_cast %broadcast_in_dim3A_380 : vector<16xf32> to vector<1x16xf32>
    tpu.vector_store %arg6[%swap3A_382, %swap3A_383], %swap3A_386 {strides = array<i32>} : memref<128x16xf32, #tpu.memory_space<vmem>>, vector<1x16xf32>,
    %broadcast_in_dim3A_387 = arith.constant 1.000000e+00 : f32
    %broadcast_in_dim3A_388 = vector.broadcast %broadcast_in_dim3A_387 : f32 to vector<16xf32>
    %swap3A_389 = arith.constant 48 : i32
    %swap3A_390 = arith.index_cast %swap3A_389 : i32 to index
    %swap3A_391 = arith.constant 0 : index
    %swap3A_392 = tpu.vector_load %arg6[%swap3A_390, %swap3A_391] {strides = array<i32>} : memref<128x16xf32, #tpu.memory_space<vmem>>, vector<1x16xf32>,
    %swap3A_393 = vector.shape_cast %swap3A_392 : vector<1x16xf32> to vector<16xf32>
    %swap3A_394 = vector.shape_cast %broadcast_in_dim3A_388 : vector<16xf32> to vector<1x16xf32>
    tpu.vector_store %arg6[%swap3A_390, %swap3A_391], %swap3A_394 {strides = array<i32>} : memref<128x16xf32, #tpu.memory_space<vmem>>, vector<1x16xf32>,
    %broadcast_in_dim3A_395 = arith.constant 1.000000e+00 : f32
    %broadcast_in_dim3A_396 = vector.broadcast %broadcast_in_dim3A_395 : f32 to vector<16xf32>
    %swap3A_397 = arith.constant 49 : i32
    %swap3A_398 = arith.index_cast %swap3A_397 : i32 to index
    %swap3A_399 = arith.constant 0 : index
    %swap3A_400 = tpu.vector_load %arg6[%swap3A_398, %swap3A_399] {strides = array<i32>} : memref<128x16xf32, #tpu.memory_space<vmem>>, vector<1x16xf32>,
    %swap3A_401 = vector.shape_cast %swap3A_400 : vector<1x16xf32> to vector<16xf32>
    %swap3A_402 = vector.shape_cast %broadcast_in_dim3A_396 : vector<16xf32> to vector<1x16xf32>
    tpu.vector_store %arg6[%swap3A_398, %swap3A_399], %swap3A_402 {strides = array<i32>} : memref<128x16xf32, #tpu.memory_space<vmem>>, vector<1x16xf32>,
    %broadcast_in_dim3A_403 = arith.constant 1.000000e+00 : f32
    %broadcast_in_dim3A_404 = vector.broadcast %broadcast_in_dim3A_403 : f32 to vector<16xf32>
    %swap3A_405 = arith.constant 50 : i32
    %swap3A_406 = arith.index_cast %swap3A_405 : i32 to index
    %swap3A_407 = arith.constant 0 : index
    %swap3A_408 = tpu.vector_load %arg6[%swap3A_406, %swap3A_407] {strides = array<i32>} : memref<128x16xf32, #tpu.memory_space<vmem>>, vector<1x16xf32>,
    %swap3A_409 = vector.shape_cast %swap3A_408 : vector<1x16xf32> to vector<16xf32>
    %swap3A_410 = vector.shape_cast %broadcast_in_dim3A_404 : vector<16xf32> to vector<1x16xf32>
    tpu.vector_store %arg6[%swap3A_406, %swap3A_407], %swap3A_410 {strides = array<i32>} : memref<128x16xf32, #tpu.memory_space<vmem>>, vector<1x16xf32>,
    %broadcast_in_dim3A_411 = arith.constant 1.000000e+00 : f32
    %broadcast_in_dim3A_412 = vector.broadcast %broadcast_in_dim3A_411 : f32 to vector<16xf32>
    %swap3A_413 = arith.constant 51 : i32
    %swap3A_414 = arith.index_cast %swap3A_413 : i32 to index
    %swap3A_415 = arith.constant 0 : index
    %swap3A_416 = tpu.vector_load %arg6[%swap3A_414, %swap3A_415] {strides = array<i32>} : memref<128x16xf32, #tpu.memory_space<vmem>>, vector<1x16xf32>,
    %swap3A_417 = vector.shape_cast %swap3A_416 : vector<1x16xf32> to vector<16xf32>
    %swap3A_418 = vector.shape_cast %broadcast_in_dim3A_412 : vector<16xf32> to vector<1x16xf32>
    tpu.vector_store %arg6[%swap3A_414, %swap3A_415], %swap3A_418 {strides = array<i32>} : memref<128x16xf32, #tpu.memory_space<vmem>>, vector<1x16xf32>,
    %broadcast_in_dim3A_419 = arith.constant 1.000000e+00 : f32
    %broadcast_in_dim3A_420 = vector.broadcast %broadcast_in_dim3A_419 : f32 to vector<16xf32>
    %swap3A_421 = arith.constant 52 : i32
    %swap3A_422 = arith.index_cast %swap3A_421 : i32 to index
    %swap3A_423 = arith.constant 0 : index
    %swap3A_424 = tpu.vector_load %arg6[%swap3A_422, %swap3A_423] {strides = array<i32>} : memref<128x16xf32, #tpu.memory_space<vmem>>, vector<1x16xf32>,
    %swap3A_425 = vector.shape_cast %swap3A_424 : vector<1x16xf32> to vector<16xf32>
    %swap3A_426 = vector.shape_cast %broadcast_in_dim3A_420 : vector<16xf32> to vector<1x16xf32>
    tpu.vector_store %arg6[%swap3A_422, %swap3A_423], %swap3A_426 {strides = array<i32>} : memref<128x16xf32, #tpu.memory_space<vmem>>, vector<1x16xf32>,
    %broadcast_in_dim3A_427 = arith.constant 1.000000e+00 : f32
    %broadcast_in_dim3A_428 = vector.broadcast %broadcast_in_dim3A_427 : f32 to vector<16xf32>
    %swap3A_429 = arith.constant 53 : i32
    %swap3A_430 = arith.index_cast %swap3A_429 : i32 to index
    %swap3A_431 = arith.constant 0 : index
    %swap3A_432 = tpu.vector_load %arg6[%swap3A_430, %swap3A_431] {strides = array<i32>} : memref<128x16xf32, #tpu.memory_space<vmem>>, vector<1x16xf32>,
    %swap3A_433 = vector.shape_cast %swap3A_432 : vector<1x16xf32> to vector<16xf32>
    %swap3A_434 = vector.shape_cast %broadcast_in_dim3A_428 : vector<16xf32> to vector<1x16xf32>
    tpu.vector_store %arg6[%swap3A_430, %swap3A_431], %swap3A_434 {strides = array<i32>} : memref<128x16xf32, #tpu.memory_space<vmem>>, vector<1x16xf32>,
    %broadcast_in_dim3A_435 = arith.constant 1.000000e+00 : f32
    %broadcast_in_dim3A_436 = vector.broadcast %broadcast_in_dim3A_435 : f32 to vector<16xf32>
    %swap3A_437 = arith.constant 54 : i32
    %swap3A_438 = arith.index_cast %swap3A_437 : i32 to index
    %swap3A_439 = arith.constant 0 : index
    %swap3A_440 = tpu.vector_load %arg6[%swap3A_438, %swap3A_439] {strides = array<i32>} : memref<128x16xf32, #tpu.memory_space<vmem>>, vector<1x16xf32>,
    %swap3A_441 = vector.shape_cast %swap3A_440 : vector<1x16xf32> to vector<16xf32>
    %swap3A_442 = vector.shape_cast %broadcast_in_dim3A_436 : vector<16xf32> to vector<1x16xf32>
    tpu.vector_store %arg6[%swap3A_438, %swap3A_439], %swap3A_442 {strides = array<i32>} : memref<128x16xf32, #tpu.memory_space<vmem>>, vector<1x16xf32>,
    %broadcast_in_dim3A_443 = arith.constant 1.000000e+00 : f32
    %broadcast_in_dim3A_444 = vector.broadcast %broadcast_in_dim3A_443 : f32 to vector<16xf32>
    %swap3A_445 = arith.constant 55 : i32
    %swap3A_446 = arith.index_cast %swap3A_445 : i32 to index
    %swap3A_447 = arith.constant 0 : index
    %swap3A_448 = tpu.vector_load %arg6[%swap3A_446, %swap3A_447] {strides = array<i32>} : memref<128x16xf32, #tpu.memory_space<vmem>>, vector<1x16xf32>,
    %swap3A_449 = vector.shape_cast %swap3A_448 : vector<1x16xf32> to vector<16xf32>
    %swap3A_450 = vector.shape_cast %broadcast_in_dim3A_444 : vector<16xf32> to vector<1x16xf32>
    tpu.vector_store %arg6[%swap3A_446, %swap3A_447], %swap3A_450 {strides = array<i32>} : memref<128x16xf32, #tpu.memory_space<vmem>>, vector<1x16xf32>,
    %broadcast_in_dim3A_451 = arith.constant 1.000000e+00 : f32
    %broadcast_in_dim3A_452 = vector.broadcast %broadcast_in_dim3A_451 : f32 to vector<16xf32>
    %swap3A_453 = arith.constant 56 : i32
    %swap3A_454 = arith.index_cast %swap3A_453 : i32 to index
    %swap3A_455 = arith.constant 0 : index
    %swap3A_456 = tpu.vector_load %arg6[%swap3A_454, %swap3A_455] {strides = array<i32>} : memref<128x16xf32, #tpu.memory_space<vmem>>, vector<1x16xf32>,
    %swap3A_457 = vector.shape_cast %swap3A_456 : vector<1x16xf32> to vector<16xf32>
    %swap3A_458 = vector.shape_cast %broadcast_in_dim3A_452 : vector<16xf32> to vector<1x16xf32>
    tpu.vector_store %arg6[%swap3A_454, %swap3A_455], %swap3A_458 {strides = array<i32>} : memref<128x16xf32, #tpu.memory_space<vmem>>, vector<1x16xf32>,
    %broadcast_in_dim3A_459 = arith.constant 1.000000e+00 : f32
    %broadcast_in_dim3A_460 = vector.broadcast %broadcast_in_dim3A_459 : f32 to vector<16xf32>
    %swap3A_461 = arith.constant 57 : i32
    %swap3A_462 = arith.index_cast %swap3A_461 : i32 to index
    %swap3A_463 = arith.constant 0 : index
    %swap3A_464 = tpu.vector_load %arg6[%swap3A_462, %swap3A_463] {strides = array<i32>} : memref<128x16xf32, #tpu.memory_space<vmem>>, vector<1x16xf32>,
    %swap3A_465 = vector.shape_cast %swap3A_464 : vector<1x16xf32> to vector<16xf32>
    %swap3A_466 = vector.shape_cast %broadcast_in_dim3A_460 : vector<16xf32> to vector<1x16xf32>
    tpu.vector_store %arg6[%swap3A_462, %swap3A_463], %swap3A_466 {strides = array<i32>} : memref<128x16xf32, #tpu.memory_space<vmem>>, vector<1x16xf32>,
    %broadcast_in_dim3A_467 = arith.constant 1.000000e+00 : f32
    %broadcast_in_dim3A_468 = vector.broadcast %broadcast_in_dim3A_467 : f32 to vector<16xf32>
    %swap3A_469 = arith.constant 58 : i32
    %swap3A_470 = arith.index_cast %swap3A_469 : i32 to index
    %swap3A_471 = arith.constant 0 : index
    %swap3A_472 = tpu.vector_load %arg6[%swap3A_470, %swap3A_471] {strides = array<i32>} : memref<128x16xf32, #tpu.memory_space<vmem>>, vector<1x16xf32>,
    %swap3A_473 = vector.shape_cast %swap3A_472 : vector<1x16xf32> to vector<16xf32>
    %swap3A_474 = vector.shape_cast %broadcast_in_dim3A_468 : vector<16xf32> to vector<1x16xf32>
    tpu.vector_store %arg6[%swap3A_470, %swap3A_471], %swap3A_474 {strides = array<i32>} : memref<128x16xf32, #tpu.memory_space<vmem>>, vector<1x16xf32>,
    %broadcast_in_dim3A_475 = arith.constant 1.000000e+00 : f32
    %broadcast_in_dim3A_476 = vector.broadcast %broadcast_in_dim3A_475 : f32 to vector<16xf32>
    %swap3A_477 = arith.constant 59 : i32
    %swap3A_478 = arith.index_cast %swap3A_477 : i32 to index
    %swap3A_479 = arith.constant 0 : index
    %swap3A_480 = tpu.vector_load %arg6[%swap3A_478, %swap3A_479] {strides = array<i32>} : memref<128x16xf32, #tpu.memory_space<vmem>>, vector<1x16xf32>,
    %swap3A_481 = vector.shape_cast %swap3A_480 : vector<1x16xf32> to vector<16xf32>
    %swap3A_482 = vector.shape_cast %broadcast_in_dim3A_476 : vector<16xf32> to vector<1x16xf32>
    tpu.vector_store %arg6[%swap3A_478, %swap3A_479], %swap3A_482 {strides = array<i32>} : memref<128x16xf32, #tpu.memory_space<vmem>>, vector<1x16xf32>,
    %broadcast_in_dim3A_483 = arith.constant 1.000000e+00 : f32
    %broadcast_in_dim3A_484 = vector.broadcast %broadcast_in_dim3A_483 : f32 to vector<16xf32>
    %swap3A_485 = arith.constant 60 : i32
    %swap3A_486 = arith.index_cast %swap3A_485 : i32 to index
    %swap3A_487 = arith.constant 0 : index
    %swap3A_488 = tpu.vector_load %arg6[%swap3A_486, %swap3A_487] {strides = array<i32>} : memref<128x16xf32, #tpu.memory_space<vmem>>, vector<1x16xf32>,
    %swap3A_489 = vector.shape_cast %swap3A_488 : vector<1x16xf32> to vector<16xf32>
    %swap3A_490 = vector.shape_cast %broadcast_in_dim3A_484 : vector<16xf32> to vector<1x16xf32>
    tpu.vector_store %arg6[%swap3A_486, %swap3A_487], %swap3A_490 {strides = array<i32>} : memref<128x16xf32, #tpu.memory_space<vmem>>, vector<1x16xf32>,
    %broadcast_in_dim3A_491 = arith.constant 1.000000e+00 : f32
    %broadcast_in_dim3A_492 = vector.broadcast %broadcast_in_dim3A_491 : f32 to vector<16xf32>
    %swap3A_493 = arith.constant 61 : i32
    %swap3A_494 = arith.index_cast %swap3A_493 : i32 to index
    %swap3A_495 = arith.constant 0 : index
    %swap3A_496 = tpu.vector_load %arg6[%swap3A_494, %swap3A_495] {strides = array<i32>} : memref<128x16xf32, #tpu.memory_space<vmem>>, vector<1x16xf32>,
    %swap3A_497 = vector.shape_cast %swap3A_496 : vector<1x16xf32> to vector<16xf32>
    %swap3A_498 = vector.shape_cast %broadcast_in_dim3A_492 : vector<16xf32> to vector<1x16xf32>
    tpu.vector_store %arg6[%swap3A_494, %swap3A_495], %swap3A_498 {strides = array<i32>} : memref<128x16xf32, #tpu.memory_space<vmem>>, vector<1x16xf32>,
    %broadcast_in_dim3A_499 = arith.constant 1.000000e+00 : f32
    %broadcast_in_dim3A_500 = vector.broadcast %broadcast_in_dim3A_499 : f32 to vector<16xf32>
    %swap3A_501 = arith.constant 62 : i32
    %swap3A_502 = arith.index_cast %swap3A_501 : i32 to index
    %swap3A_503 = arith.constant 0 : index
    %swap3A_504 = tpu.vector_load %arg6[%swap3A_502, %swap3A_503] {strides = array<i32>} : memref<128x16xf32, #tpu.memory_space<vmem>>, vector<1x16xf32>,
    %swap3A_505 = vector.shape_cast %swap3A_504 : vector<1x16xf32> to vector<16xf32>
    %swap3A_506 = vector.shape_cast %broadcast_in_dim3A_500 : vector<16xf32> to vector<1x16xf32>
    tpu.vector_store %arg6[%swap3A_502, %swap3A_503], %swap3A_506 {strides = array<i32>} : memref<128x16xf32, #tpu.memory_space<vmem>>, vector<1x16xf32>,
    %broadcast_in_dim3A_507 = arith.constant 1.000000e+00 : f32
    %broadcast_in_dim3A_508 = vector.broadcast %broadcast_in_dim3A_507 : f32 to vector<16xf32>
    %swap3A_509 = arith.constant 63 : i32
    %swap3A_510 = arith.index_cast %swap3A_509 : i32 to index
    %swap3A_511 = arith.constant 0 : index
    %swap3A_512 = tpu.vector_load %arg6[%swap3A_510, %swap3A_511] {strides = array<i32>} : memref<128x16xf32, #tpu.memory_space<vmem>>, vector<1x16xf32>,
    %swap3A_513 = vector.shape_cast %swap3A_512 : vector<1x16xf32> to vector<16xf32>
    %swap3A_514 = vector.shape_cast %broadcast_in_dim3A_508 : vector<16xf32> to vector<1x16xf32>
    tpu.vector_store %arg6[%swap3A_510, %swap3A_511], %swap3A_514 {strides = array<i32>} : memref<128x16xf32, #tpu.memory_space<vmem>>, vector<1x16xf32>,
    %broadcast_in_dim3A_515 = arith.constant 1.000000e+00 : f32
    %broadcast_in_dim3A_516 = vector.broadcast %broadcast_in_dim3A_515 : f32 to vector<16xf32>
    %swap3A_517 = arith.constant 64 : i32
    %swap3A_518 = arith.index_cast %swap3A_517 : i32 to index
    %swap3A_519 = arith.constant 0 : index
    %swap3A_520 = tpu.vector_load %arg6[%swap3A_518, %swap3A_519] {strides = array<i32>} : memref<128x16xf32, #tpu.memory_space<vmem>>, vector<1x16xf32>,
    %swap3A_521 = vector.shape_cast %swap3A_520 : vector<1x16xf32> to vector<16xf32>
    %swap3A_522 = vector.shape_cast %broadcast_in_dim3A_516 : vector<16xf32> to vector<1x16xf32>
    tpu.vector_store %arg6[%swap3A_518, %swap3A_519], %swap3A_522 {strides = array<i32>} : memref<128x16xf32, #tpu.memory_space<vmem>>, vector<1x16xf32>,
    %broadcast_in_dim3A_523 = arith.constant 1.000000e+00 : f32
    %broadcast_in_dim3A_524 = vector.broadcast %broadcast_in_dim3A_523 : f32 to vector<16xf32>
    %swap3A_525 = arith.constant 65 : i32
    %swap3A_526 = arith.index_cast %swap3A_525 : i32 to index
    %swap3A_527 = arith.constant 0 : index
    %swap3A_528 = tpu.vector_load %arg6[%swap3A_526, %swap3A_527] {strides = array<i32>} : memref<128x16xf32, #tpu.memory_space<vmem>>, vector<1x16xf32>,
    %swap3A_529 = vector.shape_cast %swap3A_528 : vector<1x16xf32> to vector<16xf32>
    %swap3A_530 = vector.shape_cast %broadcast_in_dim3A_524 : vector<16xf32> to vector<1x16xf32>
    tpu.vector_store %arg6[%swap3A_526, %swap3A_527], %swap3A_530 {strides = array<i32>} : memref<128x16xf32, #tpu.memory_space<vmem>>, vector<1x16xf32>,
    %broadcast_in_dim3A_531 = arith.constant 1.000000e+00 : f32
    %broadcast_in_dim3A_532 = vector.broadcast %broadcast_in_dim3A_531 : f32 to vector<16xf32>
    %swap3A_533 = arith.constant 66 : i32
    %swap3A_534 = arith.index_cast %swap3A_533 : i32 to index
    %swap3A_535 = arith.constant 0 : index
    %swap3A_536 = tpu.vector_load %arg6[%swap3A_534, %swap3A_535] {strides = array<i32>} : memref<128x16xf32, #tpu.memory_space<vmem>>, vector<1x16xf32>,
    %swap3A_537 = vector.shape_cast %swap3A_536 : vector<1x16xf32> to vector<16xf32>
    %swap3A_538 = vector.shape_cast %broadcast_in_dim3A_532 : vector<16xf32> to vector<1x16xf32>
    tpu.vector_store %arg6[%swap3A_534, %swap3A_535], %swap3A_538 {strides = array<i32>} : memref<128x16xf32, #tpu.memory_space<vmem>>, vector<1x16xf32>,
    %broadcast_in_dim3A_539 = arith.constant 1.000000e+00 : f32
    %broadcast_in_dim3A_540 = vector.broadcast %broadcast_in_dim3A_539 : f32 to vector<16xf32>
    %swap3A_541 = arith.constant 67 : i32
    %swap3A_542 = arith.index_cast %swap3A_541 : i32 to index
    %swap3A_543 = arith.constant 0 : index
    %swap3A_544 = tpu.vector_load %arg6[%swap3A_542, %swap3A_543] {strides = array<i32>} : memref<128x16xf32, #tpu.memory_space<vmem>>, vector<1x16xf32>,
    %swap3A_545 = vector.shape_cast %swap3A_544 : vector<1x16xf32> to vector<16xf32>
    %swap3A_546 = vector.shape_cast %broadcast_in_dim3A_540 : vector<16xf32> to vector<1x16xf32>
    tpu.vector_store %arg6[%swap3A_542, %swap3A_543], %swap3A_546 {strides = array<i32>} : memref<128x16xf32, #tpu.memory_space<vmem>>, vector<1x16xf32>,
    %broadcast_in_dim3A_547 = arith.constant 1.000000e+00 : f32
    %broadcast_in_dim3A_548 = vector.broadcast %broadcast_in_dim3A_547 : f32 to vector<16xf32>
    %swap3A_549 = arith.constant 68 : i32
    %swap3A_550 = arith.index_cast %swap3A_549 : i32 to index
    %swap3A_551 = arith.constant 0 : index
    %swap3A_552 = tpu.vector_load %arg6[%swap3A_550, %swap3A_551] {strides = array<i32>} : memref<128x16xf32, #tpu.memory_space<vmem>>, vector<1x16xf32>,
    %swap3A_553 = vector.shape_cast %swap3A_552 : vector<1x16xf32> to vector<16xf32>
    %swap3A_554 = vector.shape_cast %broadcast_in_dim3A_548 : vector<16xf32> to vector<1x16xf32>
    tpu.vector_store %arg6[%swap3A_550, %swap3A_551], %swap3A_554 {strides = array<i32>} : memref<128x16xf32, #tpu.memory_space<vmem>>, vector<1x16xf32>,
    %broadcast_in_dim3A_555 = arith.constant 1.000000e+00 : f32
    %broadcast_in_dim3A_556 = vector.broadcast %broadcast_in_dim3A_555 : f32 to vector<16xf32>
    %swap3A_557 = arith.constant 69 : i32
    %swap3A_558 = arith.index_cast %swap3A_557 : i32 to index
    %swap3A_559 = arith.constant 0 : index
    %swap3A_560 = tpu.vector_load %arg6[%swap3A_558, %swap3A_559] {strides = array<i32>} : memref<128x16xf32, #tpu.memory_space<vmem>>, vector<1x16xf32>,
    %swap3A_561 = vector.shape_cast %swap3A_560 : vector<1x16xf32> to vector<16xf32>
    %swap3A_562 = vector.shape_cast %broadcast_in_dim3A_556 : vector<16xf32> to vector<1x16xf32>
    tpu.vector_store %arg6[%swap3A_558, %swap3A_559], %swap3A_562 {strides = array<i32>} : memref<128x16xf32, #tpu.memory_space<vmem>>, vector<1x16xf32>,
    %broadcast_in_dim3A_563 = arith.constant 1.000000e+00 : f32
    %broadcast_in_dim3A_564 = vector.broadcast %broadcast_in_dim3A_563 : f32 to vector<16xf32>
    %swap3A_565 = arith.constant 70 : i32
    %swap3A_566 = arith.index_cast %swap3A_565 : i32 to index
    %swap3A_567 = arith.constant 0 : index
    %swap3A_568 = tpu.vector_load %arg6[%swap3A_566, %swap3A_567] {strides = array<i32>} : memref<128x16xf32, #tpu.memory_space<vmem>>, vector<1x16xf32>,
    %swap3A_569 = vector.shape_cast %swap3A_568 : vector<1x16xf32> to vector<16xf32>
    %swap3A_570 = vector.shape_cast %broadcast_in_dim3A_564 : vector<16xf32> to vector<1x16xf32>
    tpu.vector_store %arg6[%swap3A_566, %swap3A_567], %swap3A_570 {strides = array<i32>} : memref<128x16xf32, #tpu.memory_space<vmem>>, vector<1x16xf32>,
    %broadcast_in_dim3A_571 = arith.constant 1.000000e+00 : f32
    %broadcast_in_dim3A_572 = vector.broadcast %broadcast_in_dim3A_571 : f32 to vector<16xf32>
    %swap3A_573 = arith.constant 71 : i32
    %swap3A_574 = arith.index_cast %swap3A_573 : i32 to index
    %swap3A_575 = arith.constant 0 : index
    %swap3A_576 = tpu.vector_load %arg6[%swap3A_574, %swap3A_575] {strides = array<i32>} : memref<128x16xf32, #tpu.memory_space<vmem>>, vector<1x16xf32>,
    %swap3A_577 = vector.shape_cast %swap3A_576 : vector<1x16xf32> to vector<16xf32>
    %swap3A_578 = vector.shape_cast %broadcast_in_dim3A_572 : vector<16xf32> to vector<1x16xf32>
    tpu.vector_store %arg6[%swap3A_574, %swap3A_575], %swap3A_578 {strides = array<i32>} : memref<128x16xf32, #tpu.memory_space<vmem>>, vector<1x16xf32>,
    %broadcast_in_dim3A_579 = arith.constant 1.000000e+00 : f32
    %broadcast_in_dim3A_580 = vector.broadcast %broadcast_in_dim3A_579 : f32 to vector<16xf32>
    %swap3A_581 = arith.constant 72 : i32
    %swap3A_582 = arith.index_cast %swap3A_581 : i32 to index
    %swap3A_583 = arith.constant 0 : index
    %swap3A_584 = tpu.vector_load %arg6[%swap3A_582, %swap3A_583] {strides = array<i32>} : memref<128x16xf32, #tpu.memory_space<vmem>>, vector<1x16xf32>,
    %swap3A_585 = vector.shape_cast %swap3A_584 : vector<1x16xf32> to vector<16xf32>
    %swap3A_586 = vector.shape_cast %broadcast_in_dim3A_580 : vector<16xf32> to vector<1x16xf32>
    tpu.vector_store %arg6[%swap3A_582, %swap3A_583], %swap3A_586 {strides = array<i32>} : memref<128x16xf32, #tpu.memory_space<vmem>>, vector<1x16xf32>,
    %broadcast_in_dim3A_587 = arith.constant 1.000000e+00 : f32
    %broadcast_in_dim3A_588 = vector.broadcast %broadcast_in_dim3A_587 : f32 to vector<16xf32>
    %swap3A_589 = arith.constant 73 : i32
    %swap3A_590 = arith.index_cast %swap3A_589 : i32 to index
    %swap3A_591 = arith.constant 0 : index
    %swap3A_592 = tpu.vector_load %arg6[%swap3A_590, %swap3A_591] {strides = array<i32>} : memref<128x16xf32, #tpu.memory_space<vmem>>, vector<1x16xf32>,
    %swap3A_593 = vector.shape_cast %swap3A_592 : vector<1x16xf32> to vector<16xf32>
    %swap3A_594 = vector.shape_cast %broadcast_in_dim3A_588 : vector<16xf32> to vector<1x16xf32>
    tpu.vector_store %arg6[%swap3A_590, %swap3A_591], %swap3A_594 {strides = array<i32>} : memref<128x16xf32, #tpu.memory_space<vmem>>, vector<1x16xf32>,
    %broadcast_in_dim3A_595 = arith.constant 1.000000e+00 : f32
    %broadcast_in_dim3A_596 = vector.broadcast %broadcast_in_dim3A_595 : f32 to vector<16xf32>
    %swap3A_597 = arith.constant 74 : i32
    %swap3A_598 = arith.index_cast %swap3A_597 : i32 to index
    %swap3A_599 = arith.constant 0 : index
    %swap3A_600 = tpu.vector_load %arg6[%swap3A_598, %swap3A_599] {strides = array<i32>} : memref<128x16xf32, #tpu.memory_space<vmem>>, vector<1x16xf32>,
    %swap3A_601 = vector.shape_cast %swap3A_600 : vector<1x16xf32> to vector<16xf32>
    %swap3A_602 = vector.shape_cast %broadcast_in_dim3A_596 : vector<16xf32> to vector<1x16xf32>
    tpu.vector_store %arg6[%swap3A_598, %swap3A_599], %swap3A_602 {strides = array<i32>} : memref<128x16xf32, #tpu.memory_space<vmem>>, vector<1x16xf32>,
    %broadcast_in_dim3A_603 = arith.constant 1.000000e+00 : f32
    %broadcast_in_dim3A_604 = vector.broadcast %broadcast_in_dim3A_603 : f32 to vector<16xf32>
    %swap3A_605 = arith.constant 75 : i32
    %swap3A_606 = arith.index_cast %swap3A_605 : i32 to index
    %swap3A_607 = arith.constant 0 : index
    %swap3A_608 = tpu.vector_load %arg6[%swap3A_606, %swap3A_607] {strides = array<i32>} : memref<128x16xf32, #tpu.memory_space<vmem>>, vector<1x16xf32>,
    %swap3A_609 = vector.shape_cast %swap3A_608 : vector<1x16xf32> to vector<16xf32>
    %swap3A_610 = vector.shape_cast %broadcast_in_dim3A_604 : vector<16xf32> to vector<1x16xf32>
    tpu.vector_store %arg6[%swap3A_606, %swap3A_607], %swap3A_610 {strides = array<i32>} : memref<128x16xf32, #tpu.memory_space<vmem>>, vector<1x16xf32>,
    %broadcast_in_dim3A_611 = arith.constant 1.000000e+00 : f32
    %broadcast_in_dim3A_612 = vector.broadcast %broadcast_in_dim3A_611 : f32 to vector<16xf32>
    %swap3A_613 = arith.constant 76 : i32
    %swap3A_614 = arith.index_cast %swap3A_613 : i32 to index
    %swap3A_615 = arith.constant 0 : index
    %swap3A_616 = tpu.vector_load %arg6[%swap3A_614, %swap3A_615] {strides = array<i32>} : memref<128x16xf32, #tpu.memory_space<vmem>>, vector<1x16xf32>,
    %swap3A_617 = vector.shape_cast %swap3A_616 : vector<1x16xf32> to vector<16xf32>
    %swap3A_618 = vector.shape_cast %broadcast_in_dim3A_612 : vector<16xf32> to vector<1x16xf32>
    tpu.vector_store %arg6[%swap3A_614, %swap3A_615], %swap3A_618 {strides = array<i32>} : memref<128x16xf32, #tpu.memory_space<vmem>>, vector<1x16xf32>,
    %broadcast_in_dim3A_619 = arith.constant 1.000000e+00 : f32
    %broadcast_in_dim3A_620 = vector.broadcast %broadcast_in_dim3A_619 : f32 to vector<16xf32>
    %swap3A_621 = arith.constant 77 : i32
    %swap3A_622 = arith.index_cast %swap3A_621 : i32 to index
    %swap3A_623 = arith.constant 0 : index
    %swap3A_624 = tpu.vector_load %arg6[%swap3A_622, %swap3A_623] {strides = array<i32>} : memref<128x16xf32, #tpu.memory_space<vmem>>, vector<1x16xf32>,
    %swap3A_625 = vector.shape_cast %swap3A_624 : vector<1x16xf32> to vector<16xf32>
    %swap3A_626 = vector.shape_cast %broadcast_in_dim3A_620 : vector<16xf32> to vector<1x16xf32>
    tpu.vector_store %arg6[%swap3A_622, %swap3A_623], %swap3A_626 {strides = array<i32>} : memref<128x16xf32, #tpu.memory_space<vmem>>, vector<1x16xf32>,
    %broadcast_in_dim3A_627 = arith.constant 1.000000e+00 : f32
    %broadcast_in_dim3A_628 = vector.broadcast %broadcast_in_dim3A_627 : f32 to vector<16xf32>
    %swap3A_629 = arith.constant 78 : i32
    %swap3A_630 = arith.index_cast %swap3A_629 : i32 to index
    %swap3A_631 = arith.constant 0 : index
    %swap3A_632 = tpu.vector_load %arg6[%swap3A_630, %swap3A_631] {strides = array<i32>} : memref<128x16xf32, #tpu.memory_space<vmem>>, vector<1x16xf32>,
    %swap3A_633 = vector.shape_cast %swap3A_632 : vector<1x16xf32> to vector<16xf32>
    %swap3A_634 = vector.shape_cast %broadcast_in_dim3A_628 : vector<16xf32> to vector<1x16xf32>
    tpu.vector_store %arg6[%swap3A_630, %swap3A_631], %swap3A_634 {strides = array<i32>} : memref<128x16xf32, #tpu.memory_space<vmem>>, vector<1x16xf32>,
    %broadcast_in_dim3A_635 = arith.constant 1.000000e+00 : f32
    %broadcast_in_dim3A_636 = vector.broadcast %broadcast_in_dim3A_635 : f32 to vector<16xf32>
    %swap3A_637 = arith.constant 79 : i32
    %swap3A_638 = arith.index_cast %swap3A_637 : i32 to index
    %swap3A_639 = arith.constant 0 : index
    %swap3A_640 = tpu.vector_load %arg6[%swap3A_638, %swap3A_639] {strides = array<i32>} : memref<128x16xf32, #tpu.memory_space<vmem>>, vector<1x16xf32>,
    %swap3A_641 = vector.shape_cast %swap3A_640 : vector<1x16xf32> to vector<16xf32>
    %swap3A_642 = vector.shape_cast %broadcast_in_dim3A_636 : vector<16xf32> to vector<1x16xf32>
    tpu.vector_store %arg6[%swap3A_638, %swap3A_639], %swap3A_642 {strides = array<i32>} : memref<128x16xf32, #tpu.memory_space<vmem>>, vector<1x16xf32>,
    %broadcast_in_dim3A_643 = arith.constant 1.000000e+00 : f32
    %broadcast_in_dim3A_644 = vector.broadcast %broadcast_in_dim3A_643 : f32 to vector<16xf32>
    %swap3A_645 = arith.constant 80 : i32
    %swap3A_646 = arith.index_cast %swap3A_645 : i32 to index
    %swap3A_647 = arith.constant 0 : index
    %swap3A_648 = tpu.vector_load %arg6[%swap3A_646, %swap3A_647] {strides = array<i32>} : memref<128x16xf32, #tpu.memory_space<vmem>>, vector<1x16xf32>,
    %swap3A_649 = vector.shape_cast %swap3A_648 : vector<1x16xf32> to vector<16xf32>
    %swap3A_650 = vector.shape_cast %broadcast_in_dim3A_644 : vector<16xf32> to vector<1x16xf32>
    tpu.vector_store %arg6[%swap3A_646, %swap3A_647], %swap3A_650 {strides = array<i32>} : memref<128x16xf32, #tpu.memory_space<vmem>>, vector<1x16xf32>,
    %broadcast_in_dim3A_651 = arith.constant 1.000000e+00 : f32
    %broadcast_in_dim3A_652 = vector.broadcast %broadcast_in_dim3A_651 : f32 to vector<16xf32>
    %swap3A_653 = arith.constant 81 : i32
    %swap3A_654 = arith.index_cast %swap3A_653 : i32 to index
    %swap3A_655 = arith.constant 0 : index
    %swap3A_656 = tpu.vector_load %arg6[%swap3A_654, %swap3A_655] {strides = array<i32>} : memref<128x16xf32, #tpu.memory_space<vmem>>, vector<1x16xf32>,
    %swap3A_657 = vector.shape_cast %swap3A_656 : vector<1x16xf32> to vector<16xf32>
    %swap3A_658 = vector.shape_cast %broadcast_in_dim3A_652 : vector<16xf32> to vector<1x16xf32>
    tpu.vector_store %arg6[%swap3A_654, %swap3A_655], %swap3A_658 {strides = array<i32>} : memref<128x16xf32, #tpu.memory_space<vmem>>, vector<1x16xf32>,
    %broadcast_in_dim3A_659 = arith.constant 1.000000e+00 : f32
    %broadcast_in_dim3A_660 = vector.broadcast %broadcast_in_dim3A_659 : f32 to vector<16xf32>
    %swap3A_661 = arith.constant 82 : i32
    %swap3A_662 = arith.index_cast %swap3A_661 : i32 to index
    %swap3A_663 = arith.constant 0 : index
    %swap3A_664 = tpu.vector_load %arg6[%swap3A_662, %swap3A_663] {strides = array<i32>} : memref<128x16xf32, #tpu.memory_space<vmem>>, vector<1x16xf32>,
    %swap3A_665 = vector.shape_cast %swap3A_664 : vector<1x16xf32> to vector<16xf32>
    %swap3A_666 = vector.shape_cast %broadcast_in_dim3A_660 : vector<16xf32> to vector<1x16xf32>
    tpu.vector_store %arg6[%swap3A_662, %swap3A_663], %swap3A_666 {strides = array<i32>} : memref<128x16xf32, #tpu.memory_space<vmem>>, vector<1x16xf32>,
    %broadcast_in_dim3A_667 = arith.constant 1.000000e+00 : f32
    %broadcast_in_dim3A_668 = vector.broadcast %broadcast_in_dim3A_667 : f32 to vector<16xf32>
    %swap3A_669 = arith.constant 83 : i32
    %swap3A_670 = arith.index_cast %swap3A_669 : i32 to index
    %swap3A_671 = arith.constant 0 : index
    %swap3A_672 = tpu.vector_load %arg6[%swap3A_670, %swap3A_671] {strides = array<i32>} : memref<128x16xf32, #tpu.memory_space<vmem>>, vector<1x16xf32>,
    %swap3A_673 = vector.shape_cast %swap3A_672 : vector<1x16xf32> to vector<16xf32>
    %swap3A_674 = vector.shape_cast %broadcast_in_dim3A_668 : vector<16xf32> to vector<1x16xf32>
    tpu.vector_store %arg6[%swap3A_670, %swap3A_671], %swap3A_674 {strides = array<i32>} : memref<128x16xf32, #tpu.memory_space<vmem>>, vector<1x16xf32>,
    %broadcast_in_dim3A_675 = arith.constant 1.000000e+00 : f32
    %broadcast_in_dim3A_676 = vector.broadcast %broadcast_in_dim3A_675 : f32 to vector<16xf32>
    %swap3A_677 = arith.constant 84 : i32
    %swap3A_678 = arith.index_cast %swap3A_677 : i32 to index
    %swap3A_679 = arith.constant 0 : index
    %swap3A_680 = tpu.vector_load %arg6[%swap3A_678, %swap3A_679] {strides = array<i32>} : memref<128x16xf32, #tpu.memory_space<vmem>>, vector<1x16xf32>,
    %swap3A_681 = vector.shape_cast %swap3A_680 : vector<1x16xf32> to vector<16xf32>
    %swap3A_682 = vector.shape_cast %broadcast_in_dim3A_676 : vector<16xf32> to vector<1x16xf32>
    tpu.vector_store %arg6[%swap3A_678, %swap3A_679], %swap3A_682 {strides = array<i32>} : memref<128x16xf32, #tpu.memory_space<vmem>>, vector<1x16xf32>,
    %broadcast_in_dim3A_683 = arith.constant 1.000000e+00 : f32
    %broadcast_in_dim3A_684 = vector.broadcast %broadcast_in_dim3A_683 : f32 to vector<16xf32>
    %swap3A_685 = arith.constant 85 : i32
    %swap3A_686 = arith.index_cast %swap3A_685 : i32 to index
    %swap3A_687 = arith.constant 0 : index
    %swap3A_688 = tpu.vector_load %arg6[%swap3A_686, %swap3A_687] {strides = array<i32>} : memref<128x16xf32, #tpu.memory_space<vmem>>, vector<1x16xf32>,
    %swap3A_689 = vector.shape_cast %swap3A_688 : vector<1x16xf32> to vector<16xf32>
    %swap3A_690 = vector.shape_cast %broadcast_in_dim3A_684 : vector<16xf32> to vector<1x16xf32>
    tpu.vector_store %arg6[%swap3A_686, %swap3A_687], %swap3A_690 {strides = array<i32>} : memref<128x16xf32, #tpu.memory_space<vmem>>, vector<1x16xf32>,
    %broadcast_in_dim3A_691 = arith.constant 1.000000e+00 : f32
    %broadcast_in_dim3A_692 = vector.broadcast %broadcast_in_dim3A_691 : f32 to vector<16xf32>
    %swap3A_693 = arith.constant 86 : i32
    %swap3A_694 = arith.index_cast %swap3A_693 : i32 to index
    %swap3A_695 = arith.constant 0 : index
    %swap3A_696 = tpu.vector_load %arg6[%swap3A_694, %swap3A_695] {strides = array<i32>} : memref<128x16xf32, #tpu.memory_space<vmem>>, vector<1x16xf32>,
    %swap3A_697 = vector.shape_cast %swap3A_696 : vector<1x16xf32> to vector<16xf32>
    %swap3A_698 = vector.shape_cast %broadcast_in_dim3A_692 : vector<16xf32> to vector<1x16xf32>
    tpu.vector_store %arg6[%swap3A_694, %swap3A_695], %swap3A_698 {strides = array<i32>} : memref<128x16xf32, #tpu.memory_space<vmem>>, vector<1x16xf32>,
    %broadcast_in_dim3A_699 = arith.constant 1.000000e+00 : f32
    %broadcast_in_dim3A_700 = vector.broadcast %broadcast_in_dim3A_699 : f32 to vector<16xf32>
    %swap3A_701 = arith.constant 87 : i32
    %swap3A_702 = arith.index_cast %swap3A_701 : i32 to index
    %swap3A_703 = arith.constant 0 : index
    %swap3A_704 = tpu.vector_load %arg6[%swap3A_702, %swap3A_703] {strides = array<i32>} : memref<128x16xf32, #tpu.memory_space<vmem>>, vector<1x16xf32>,
    %swap3A_705 = vector.shape_cast %swap3A_704 : vector<1x16xf32> to vector<16xf32>
    %swap3A_706 = vector.shape_cast %broadcast_in_dim3A_700 : vector<16xf32> to vector<1x16xf32>
    tpu.vector_store %arg6[%swap3A_702, %swap3A_703], %swap3A_706 {strides = array<i32>} : memref<128x16xf32, #tpu.memory_space<vmem>>, vector<1x16xf32>,
    %broadcast_in_dim3A_707 = arith.constant 1.000000e+00 : f32
    %broadcast_in_dim3A_708 = vector.broadcast %broadcast_in_dim3A_707 : f32 to vector<16xf32>
    %swap3A_709 = arith.constant 88 : i32
    %swap3A_710 = arith.index_cast %swap3A_709 : i32 to index
    %swap3A_711 = arith.constant 0 : index
    %swap3A_712 = tpu.vector_load %arg6[%swap3A_710, %swap3A_711] {strides = array<i32>} : memref<128x16xf32, #tpu.memory_space<vmem>>, vector<1x16xf32>,
    %swap3A_713 = vector.shape_cast %swap3A_712 : vector<1x16xf32> to vector<16xf32>
    %swap3A_714 = vector.shape_cast %broadcast_in_dim3A_708 : vector<16xf32> to vector<1x16xf32>
    tpu.vector_store %arg6[%swap3A_710, %swap3A_711], %swap3A_714 {strides = array<i32>} : memref<128x16xf32, #tpu.memory_space<vmem>>, vector<1x16xf32>,
    %broadcast_in_dim3A_715 = arith.constant 1.000000e+00 : f32
    %broadcast_in_dim3A_716 = vector.broadcast %broadcast_in_dim3A_715 : f32 to vector<16xf32>
    %swap3A_717 = arith.constant 89 : i32
    %swap3A_718 = arith.index_cast %swap3A_717 : i32 to index
    %swap3A_719 = arith.constant 0 : index
    %swap3A_720 = tpu.vector_load %arg6[%swap3A_718, %swap3A_719] {strides = array<i32>} : memref<128x16xf32, #tpu.memory_space<vmem>>, vector<1x16xf32>,
    %swap3A_721 = vector.shape_cast %swap3A_720 : vector<1x16xf32> to vector<16xf32>
    %swap3A_722 = vector.shape_cast %broadcast_in_dim3A_716 : vector<16xf32> to vector<1x16xf32>
    tpu.vector_store %arg6[%swap3A_718, %swap3A_719], %swap3A_722 {strides = array<i32>} : memref<128x16xf32, #tpu.memory_space<vmem>>, vector<1x16xf32>,
    %broadcast_in_dim3A_723 = arith.constant 1.000000e+00 : f32
    %broadcast_in_dim3A_724 = vector.broadcast %broadcast_in_dim3A_723 : f32 to vector<16xf32>
    %swap3A_725 = arith.constant 90 : i32
    %swap3A_726 = arith.index_cast %swap3A_725 : i32 to index
    %swap3A_727 = arith.constant 0 : index
    %swap3A_728 = tpu.vector_load %arg6[%swap3A_726, %swap3A_727] {strides = array<i32>} : memref<128x16xf32, #tpu.memory_space<vmem>>, vector<1x16xf32>,
    %swap3A_729 = vector.shape_cast %swap3A_728 : vector<1x16xf32> to vector<16xf32>
    %swap3A_730 = vector.shape_cast %broadcast_in_dim3A_724 : vector<16xf32> to vector<1x16xf32>
    tpu.vector_store %arg6[%swap3A_726, %swap3A_727], %swap3A_730 {strides = array<i32>} : memref<128x16xf32, #tpu.memory_space<vmem>>, vector<1x16xf32>,
    %broadcast_in_dim3A_731 = arith.constant 1.000000e+00 : f32
    %broadcast_in_dim3A_732 = vector.broadcast %broadcast_in_dim3A_731 : f32 to vector<16xf32>
    %swap3A_733 = arith.constant 91 : i32
    %swap3A_734 = arith.index_cast %swap3A_733 : i32 to index
    %swap3A_735 = arith.constant 0 : index
    %swap3A_736 = tpu.vector_load %arg6[%swap3A_734, %swap3A_735] {strides = array<i32>} : memref<128x16xf32, #tpu.memory_space<vmem>>, vector<1x16xf32>,
    %swap3A_737 = vector.shape_cast %swap3A_736 : vector<1x16xf32> to vector<16xf32>
    %swap3A_738 = vector.shape_cast %broadcast_in_dim3A_732 : vector<16xf32> to vector<1x16xf32>
    tpu.vector_store %arg6[%swap3A_734, %swap3A_735], %swap3A_738 {strides = array<i32>} : memref<128x16xf32, #tpu.memory_space<vmem>>, vector<1x16xf32>,
    %broadcast_in_dim3A_739 = arith.constant 1.000000e+00 : f32
    %broadcast_in_dim3A_740 = vector.broadcast %broadcast_in_dim3A_739 : f32 to vector<16xf32>
    %swap3A_741 = arith.constant 92 : i32
    %swap3A_742 = arith.index_cast %swap3A_741 : i32 to index
    %swap3A_743 = arith.constant 0 : index
    %swap3A_744 = tpu.vector_load %arg6[%swap3A_742, %swap3A_743] {strides = array<i32>} : memref<128x16xf32, #tpu.memory_space<vmem>>, vector<1x16xf32>,
    %swap3A_745 = vector.shape_cast %swap3A_744 : vector<1x16xf32> to vector<16xf32>
    %swap3A_746 = vector.shape_cast %broadcast_in_dim3A_740 : vector<16xf32> to vector<1x16xf32>
    tpu.vector_store %arg6[%swap3A_742, %swap3A_743], %swap3A_746 {strides = array<i32>} : memref<128x16xf32, #tpu.memory_space<vmem>>, vector<1x16xf32>,
    %broadcast_in_dim3A_747 = arith.constant 1.000000e+00 : f32
    %broadcast_in_dim3A_748 = vector.broadcast %broadcast_in_dim3A_747 : f32 to vector<16xf32>
    %swap3A_749 = arith.constant 93 : i32
    %swap3A_750 = arith.index_cast %swap3A_749 : i32 to index
    %swap3A_751 = arith.constant 0 : index
    %swap3A_752 = tpu.vector_load %arg6[%swap3A_750, %swap3A_751] {strides = array<i32>} : memref<128x16xf32, #tpu.memory_space<vmem>>, vector<1x16xf32>,
    %swap3A_753 = vector.shape_cast %swap3A_752 : vector<1x16xf32> to vector<16xf32>
    %swap3A_754 = vector.shape_cast %broadcast_in_dim3A_748 : vector<16xf32> to vector<1x16xf32>
    tpu.vector_store %arg6[%swap3A_750, %swap3A_751], %swap3A_754 {strides = array<i32>} : memref<128x16xf32, #tpu.memory_space<vmem>>, vector<1x16xf32>,
    %broadcast_in_dim3A_755 = arith.constant 1.000000e+00 : f32
    %broadcast_in_dim3A_756 = vector.broadcast %broadcast_in_dim3A_755 : f32 to vector<16xf32>
    %swap3A_757 = arith.constant 94 : i32
    %swap3A_758 = arith.index_cast %swap3A_757 : i32 to index
    %swap3A_759 = arith.constant 0 : index
    %swap3A_760 = tpu.vector_load %arg6[%swap3A_758, %swap3A_759] {strides = array<i32>} : memref<128x16xf32, #tpu.memory_space<vmem>>, vector<1x16xf32>,
    %swap3A_761 = vector.shape_cast %swap3A_760 : vector<1x16xf32> to vector<16xf32>
    %swap3A_762 = vector.shape_cast %broadcast_in_dim3A_756 : vector<16xf32> to vector<1x16xf32>
    tpu.vector_store %arg6[%swap3A_758, %swap3A_759], %swap3A_762 {strides = array<i32>} : memref<128x16xf32, #tpu.memory_space<vmem>>, vector<1x16xf32>,
    %broadcast_in_dim3A_763 = arith.constant 1.000000e+00 : f32
    %broadcast_in_dim3A_764 = vector.broadcast %broadcast_in_dim3A_763 : f32 to vector<16xf32>
    %swap3A_765 = arith.constant 95 : i32
    %swap3A_766 = arith.index_cast %swap3A_765 : i32 to index
    %swap3A_767 = arith.constant 0 : index
    %swap3A_768 = tpu.vector_load %arg6[%swap3A_766, %swap3A_767] {strides = array<i32>} : memref<128x16xf32, #tpu.memory_space<vmem>>, vector<1x16xf32>,
    %swap3A_769 = vector.shape_cast %swap3A_768 : vector<1x16xf32> to vector<16xf32>
    %swap3A_770 = vector.shape_cast %broadcast_in_dim3A_764 : vector<16xf32> to vector<1x16xf32>
    tpu.vector_store %arg6[%swap3A_766, %swap3A_767], %swap3A_770 {strides = array<i32>} : memref<128x16xf32, #tpu.memory_space<vmem>>, vector<1x16xf32>,
    %broadcast_in_dim3A_771 = arith.constant 1.000000e+00 : f32
    %broadcast_in_dim3A_772 = vector.broadcast %broadcast_in_dim3A_771 : f32 to vector<16xf32>
    %swap3A_773 = arith.constant 96 : i32
    %swap3A_774 = arith.index_cast %swap3A_773 : i32 to index
    %swap3A_775 = arith.constant 0 : index
    %swap3A_776 = tpu.vector_load %arg6[%swap3A_774, %swap3A_775] {strides = array<i32>} : memref<128x16xf32, #tpu.memory_space<vmem>>, vector<1x16xf32>,
    %swap3A_777 = vector.shape_cast %swap3A_776 : vector<1x16xf32> to vector<16xf32>
    %swap3A_778 = vector.shape_cast %broadcast_in_dim3A_772 : vector<16xf32> to vector<1x16xf32>
    tpu.vector_store %arg6[%swap3A_774, %swap3A_775], %swap3A_778 {strides = array<i32>} : memref<128x16xf32, #tpu.memory_space<vmem>>, vector<1x16xf32>,
    %broadcast_in_dim3A_779 = arith.constant 1.000000e+00 : f32
    %broadcast_in_dim3A_780 = vector.broadcast %broadcast_in_dim3A_779 : f32 to vector<16xf32>
    %swap3A_781 = arith.constant 97 : i32
    %swap3A_782 = arith.index_cast %swap3A_781 : i32 to index
    %swap3A_783 = arith.constant 0 : index
    %swap3A_784 = tpu.vector_load %arg6[%swap3A_782, %swap3A_783] {strides = array<i32>} : memref<128x16xf32, #tpu.memory_space<vmem>>, vector<1x16xf32>,
    %swap3A_785 = vector.shape_cast %swap3A_784 : vector<1x16xf32> to vector<16xf32>
    %swap3A_786 = vector.shape_cast %broadcast_in_dim3A_780 : vector<16xf32> to vector<1x16xf32>
    tpu.vector_store %arg6[%swap3A_782, %swap3A_783], %swap3A_786 {strides = array<i32>} : memref<128x16xf32, #tpu.memory_space<vmem>>, vector<1x16xf32>,
    %broadcast_in_dim3A_787 = arith.constant 1.000000e+00 : f32
    %broadcast_in_dim3A_788 = vector.broadcast %broadcast_in_dim3A_787 : f32 to vector<16xf32>
    %swap3A_789 = arith.constant 98 : i32
    %swap3A_790 = arith.index_cast %swap3A_789 : i32 to index
    %swap3A_791 = arith.constant 0 : index
    %swap3A_792 = tpu.vector_load %arg6[%swap3A_790, %swap3A_791] {strides = array<i32>} : memref<128x16xf32, #tpu.memory_space<vmem>>, vector<1x16xf32>,
    %swap3A_793 = vector.shape_cast %swap3A_792 : vector<1x16xf32> to vector<16xf32>
    %swap3A_794 = vector.shape_cast %broadcast_in_dim3A_788 : vector<16xf32> to vector<1x16xf32>
    tpu.vector_store %arg6[%swap3A_790, %swap3A_791], %swap3A_794 {strides = array<i32>} : memref<128x16xf32, #tpu.memory_space<vmem>>, vector<1x16xf32>,
    %broadcast_in_dim3A_795 = arith.constant 1.000000e+00 : f32
    %broadcast_in_dim3A_796 = vector.broadcast %broadcast_in_dim3A_795 : f32 to vector<16xf32>
    %swap3A_797 = arith.constant 99 : i32
    %swap3A_798 = arith.index_cast %swap3A_797 : i32 to index
    %swap3A_799 = arith.constant 0 : index
    %swap3A_800 = tpu.vector_load %arg6[%swap3A_798, %swap3A_799] {strides = array<i32>} : memref<128x16xf32, #tpu.memory_space<vmem>>, vector<1x16xf32>,
    %swap3A_801 = vector.shape_cast %swap3A_800 : vector<1x16xf32> to vector<16xf32>
    %swap3A_802 = vector.shape_cast %broadcast_in_dim3A_796 : vector<16xf32> to vector<1x16xf32>
    tpu.vector_store %arg6[%swap3A_798, %swap3A_799], %swap3A_802 {strides = array<i32>} : memref<128x16xf32, #tpu.memory_space<vmem>>, vector<1x16xf32>,
    %broadcast_in_dim3A_803 = arith.constant 1.000000e+00 : f32
    %broadcast_in_dim3A_804 = vector.broadcast %broadcast_in_dim3A_803 : f32 to vector<16xf32>
    %swap3A_805 = arith.constant 100 : i32
    %swap3A_806 = arith.index_cast %swap3A_805 : i32 to index
    %swap3A_807 = arith.constant 0 : index
    %swap3A_808 = tpu.vector_load %arg6[%swap3A_806, %swap3A_807] {strides = array<i32>} : memref<128x16xf32, #tpu.memory_space<vmem>>, vector<1x16xf32>,
    %swap3A_809 = vector.shape_cast %swap3A_808 : vector<1x16xf32> to vector<16xf32>
    %swap3A_810 = vector.shape_cast %broadcast_in_dim3A_804 : vector<16xf32> to vector<1x16xf32>
    tpu.vector_store %arg6[%swap3A_806, %swap3A_807], %swap3A_810 {strides = array<i32>} : memref<128x16xf32, #tpu.memory_space<vmem>>, vector<1x16xf32>,
    %broadcast_in_dim3A_811 = arith.constant 1.000000e+00 : f32
    %broadcast_in_dim3A_812 = vector.broadcast %broadcast_in_dim3A_811 : f32 to vector<16xf32>
    %swap3A_813 = arith.constant 101 : i32
    %swap3A_814 = arith.index_cast %swap3A_813 : i32 to index
    %swap3A_815 = arith.constant 0 : index
    %swap3A_816 = tpu.vector_load %arg6[%swap3A_814, %swap3A_815] {strides = array<i32>} : memref<128x16xf32, #tpu.memory_space<vmem>>, vector<1x16xf32>,
    %swap3A_817 = vector.shape_cast %swap3A_816 : vector<1x16xf32> to vector<16xf32>
    %swap3A_818 = vector.shape_cast %broadcast_in_dim3A_812 : vector<16xf32> to vector<1x16xf32>
    tpu.vector_store %arg6[%swap3A_814, %swap3A_815], %swap3A_818 {strides = array<i32>} : memref<128x16xf32, #tpu.memory_space<vmem>>, vector<1x16xf32>,
    %broadcast_in_dim3A_819 = arith.constant 1.000000e+00 : f32
    %broadcast_in_dim3A_820 = vector.broadcast %broadcast_in_dim3A_819 : f32 to vector<16xf32>
    %swap3A_821 = arith.constant 102 : i32
    %swap3A_822 = arith.index_cast %swap3A_821 : i32 to index
    %swap3A_823 = arith.constant 0 : index
    %swap3A_824 = tpu.vector_load %arg6[%swap3A_822, %swap3A_823] {strides = array<i32>} : memref<128x16xf32, #tpu.memory_space<vmem>>, vector<1x16xf32>,
    %swap3A_825 = vector.shape_cast %swap3A_824 : vector<1x16xf32> to vector<16xf32>
    %swap3A_826 = vector.shape_cast %broadcast_in_dim3A_820 : vector<16xf32> to vector<1x16xf32>
    tpu.vector_store %arg6[%swap3A_822, %swap3A_823], %swap3A_826 {strides = array<i32>} : memref<128x16xf32, #tpu.memory_space<vmem>>, vector<1x16xf32>,
    %broadcast_in_dim3A_827 = arith.constant 1.000000e+00 : f32
    %broadcast_in_dim3A_828 = vector.broadcast %broadcast_in_dim3A_827 : f32 to vector<16xf32>
    %swap3A_829 = arith.constant 103 : i32
    %swap3A_830 = arith.index_cast %swap3A_829 : i32 to index
    %swap3A_831 = arith.constant 0 : index
    %swap3A_832 = tpu.vector_load %arg6[%swap3A_830, %swap3A_831] {strides = array<i32>} : memref<128x16xf32, #tpu.memory_space<vmem>>, vector<1x16xf32>,
    %swap3A_833 = vector.shape_cast %swap3A_832 : vector<1x16xf32> to vector<16xf32>
    %swap3A_834 = vector.shape_cast %broadcast_in_dim3A_828 : vector<16xf32> to vector<1x16xf32>
    tpu.vector_store %arg6[%swap3A_830, %swap3A_831], %swap3A_834 {strides = array<i32>} : memref<128x16xf32, #tpu.memory_space<vmem>>, vector<1x16xf32>,
    %broadcast_in_dim3A_835 = arith.constant 1.000000e+00 : f32
    %broadcast_in_dim3A_836 = vector.broadcast %broadcast_in_dim3A_835 : f32 to vector<16xf32>
    %swap3A_837 = arith.constant 104 : i32
    %swap3A_838 = arith.index_cast %swap3A_837 : i32 to index
    %swap3A_839 = arith.constant 0 : index
    %swap3A_840 = tpu.vector_load %arg6[%swap3A_838, %swap3A_839] {strides = array<i32>} : memref<128x16xf32, #tpu.memory_space<vmem>>, vector<1x16xf32>,
    %swap3A_841 = vector.shape_cast %swap3A_840 : vector<1x16xf32> to vector<16xf32>
    %swap3A_842 = vector.shape_cast %broadcast_in_dim3A_836 : vector<16xf32> to vector<1x16xf32>
    tpu.vector_store %arg6[%swap3A_838, %swap3A_839], %swap3A_842 {strides = array<i32>} : memref<128x16xf32, #tpu.memory_space<vmem>>, vector<1x16xf32>,
    %broadcast_in_dim3A_843 = arith.constant 1.000000e+00 : f32
    %broadcast_in_dim3A_844 = vector.broadcast %broadcast_in_dim3A_843 : f32 to vector<16xf32>
    %swap3A_845 = arith.constant 105 : i32
    %swap3A_846 = arith.index_cast %swap3A_845 : i32 to index
    %swap3A_847 = arith.constant 0 : index
    %swap3A_848 = tpu.vector_load %arg6[%swap3A_846, %swap3A_847] {strides = array<i32>} : memref<128x16xf32, #tpu.memory_space<vmem>>, vector<1x16xf32>,
    %swap3A_849 = vector.shape_cast %swap3A_848 : vector<1x16xf32> to vector<16xf32>
    %swap3A_850 = vector.shape_cast %broadcast_in_dim3A_844 : vector<16xf32> to vector<1x16xf32>
    tpu.vector_store %arg6[%swap3A_846, %swap3A_847], %swap3A_850 {strides = array<i32>} : memref<128x16xf32, #tpu.memory_space<vmem>>, vector<1x16xf32>,
    %broadcast_in_dim3A_851 = arith.constant 1.000000e+00 : f32
    %broadcast_in_dim3A_852 = vector.broadcast %broadcast_in_dim3A_851 : f32 to vector<16xf32>
    %swap3A_853 = arith.constant 106 : i32
    %swap3A_854 = arith.index_cast %swap3A_853 : i32 to index
    %swap3A_855 = arith.constant 0 : index
    %swap3A_856 = tpu.vector_load %arg6[%swap3A_854, %swap3A_855] {strides = array<i32>} : memref<128x16xf32, #tpu.memory_space<vmem>>, vector<1x16xf32>,
    %swap3A_857 = vector.shape_cast %swap3A_856 : vector<1x16xf32> to vector<16xf32>
    %swap3A_858 = vector.shape_cast %broadcast_in_dim3A_852 : vector<16xf32> to vector<1x16xf32>
    tpu.vector_store %arg6[%swap3A_854, %swap3A_855], %swap3A_858 {strides = array<i32>} : memref<128x16xf32, #tpu.memory_space<vmem>>, vector<1x16xf32>,
    %broadcast_in_dim3A_859 = arith.constant 1.000000e+00 : f32
    %broadcast_in_dim3A_860 = vector.broadcast %broadcast_in_dim3A_859 : f32 to vector<16xf32>
    %swap3A_861 = arith.constant 107 : i32
    %swap3A_862 = arith.index_cast %swap3A_861 : i32 to index
    %swap3A_863 = arith.constant 0 : index
    %swap3A_864 = tpu.vector_load %arg6[%swap3A_862, %swap3A_863] {strides = array<i32>} : memref<128x16xf32, #tpu.memory_space<vmem>>, vector<1x16xf32>,
    %swap3A_865 = vector.shape_cast %swap3A_864 : vector<1x16xf32> to vector<16xf32>
    %swap3A_866 = vector.shape_cast %broadcast_in_dim3A_860 : vector<16xf32> to vector<1x16xf32>
    tpu.vector_store %arg6[%swap3A_862, %swap3A_863], %swap3A_866 {strides = array<i32>} : memref<128x16xf32, #tpu.memory_space<vmem>>, vector<1x16xf32>,
    %broadcast_in_dim3A_867 = arith.constant 1.000000e+00 : f32
    %broadcast_in_dim3A_868 = vector.broadcast %broadcast_in_dim3A_867 : f32 to vector<16xf32>
    %swap3A_869 = arith.constant 108 : i32
    %swap3A_870 = arith.index_cast %swap3A_869 : i32 to index
    %swap3A_871 = arith.constant 0 : index
    %swap3A_872 = tpu.vector_load %arg6[%swap3A_870, %swap3A_871] {strides = array<i32>} : memref<128x16xf32, #tpu.memory_space<vmem>>, vector<1x16xf32>,
    %swap3A_873 = vector.shape_cast %swap3A_872 : vector<1x16xf32> to vector<16xf32>
    %swap3A_874 = vector.shape_cast %broadcast_in_dim3A_868 : vector<16xf32> to vector<1x16xf32>
    tpu.vector_store %arg6[%swap3A_870, %swap3A_871], %swap3A_874 {strides = array<i32>} : memref<128x16xf32, #tpu.memory_space<vmem>>, vector<1x16xf32>,
    %broadcast_in_dim3A_875 = arith.constant 1.000000e+00 : f32
    %broadcast_in_dim3A_876 = vector.broadcast %broadcast_in_dim3A_875 : f32 to vector<16xf32>
    %swap3A_877 = arith.constant 109 : i32
    %swap3A_878 = arith.index_cast %swap3A_877 : i32 to index
    %swap3A_879 = arith.constant 0 : index
    %swap3A_880 = tpu.vector_load %arg6[%swap3A_878, %swap3A_879] {strides = array<i32>} : memref<128x16xf32, #tpu.memory_space<vmem>>, vector<1x16xf32>,
    %swap3A_881 = vector.shape_cast %swap3A_880 : vector<1x16xf32> to vector<16xf32>
    %swap3A_882 = vector.shape_cast %broadcast_in_dim3A_876 : vector<16xf32> to vector<1x16xf32>
    tpu.vector_store %arg6[%swap3A_878, %swap3A_879], %swap3A_882 {strides = array<i32>} : memref<128x16xf32, #tpu.memory_space<vmem>>, vector<1x16xf32>,
    %broadcast_in_dim3A_883 = arith.constant 1.000000e+00 : f32
    %broadcast_in_dim3A_884 = vector.broadcast %broadcast_in_dim3A_883 : f32 to vector<16xf32>
    %swap3A_885 = arith.constant 110 : i32
    %swap3A_886 = arith.index_cast %swap3A_885 : i32 to index
    %swap3A_887 = arith.constant 0 : index
    %swap3A_888 = tpu.vector_load %arg6[%swap3A_886, %swap3A_887] {strides = array<i32>} : memref<128x16xf32, #tpu.memory_space<vmem>>, vector<1x16xf32>,
    %swap3A_889 = vector.shape_cast %swap3A_888 : vector<1x16xf32> to vector<16xf32>
    %swap3A_890 = vector.shape_cast %broadcast_in_dim3A_884 : vector<16xf32> to vector<1x16xf32>
    tpu.vector_store %arg6[%swap3A_886, %swap3A_887], %swap3A_890 {strides = array<i32>} : memref<128x16xf32, #tpu.memory_space<vmem>>, vector<1x16xf32>,
    %broadcast_in_dim3A_891 = arith.constant 1.000000e+00 : f32
    %broadcast_in_dim3A_892 = vector.broadcast %broadcast_in_dim3A_891 : f32 to vector<16xf32>
    %swap3A_893 = arith.constant 111 : i32
    %swap3A_894 = arith.index_cast %swap3A_893 : i32 to index
    %swap3A_895 = arith.constant 0 : index
    %swap3A_896 = tpu.vector_load %arg6[%swap3A_894, %swap3A_895] {strides = array<i32>} : memref<128x16xf32, #tpu.memory_space<vmem>>, vector<1x16xf32>,
    %swap3A_897 = vector.shape_cast %swap3A_896 : vector<1x16xf32> to vector<16xf32>
    %swap3A_898 = vector.shape_cast %broadcast_in_dim3A_892 : vector<16xf32> to vector<1x16xf32>
    tpu.vector_store %arg6[%swap3A_894, %swap3A_895], %swap3A_898 {strides = array<i32>} : memref<128x16xf32, #tpu.memory_space<vmem>>, vector<1x16xf32>,
    %broadcast_in_dim3A_899 = arith.constant 1.000000e+00 : f32
    %broadcast_in_dim3A_900 = vector.broadcast %broadcast_in_dim3A_899 : f32 to vector<16xf32>
    %swap3A_901 = arith.constant 112 : i32
    %swap3A_902 = arith.index_cast %swap3A_901 : i32 to index
    %swap3A_903 = arith.constant 0 : index
    %swap3A_904 = tpu.vector_load %arg6[%swap3A_902, %swap3A_903] {strides = array<i32>} : memref<128x16xf32, #tpu.memory_space<vmem>>, vector<1x16xf32>,
    %swap3A_905 = vector.shape_cast %swap3A_904 : vector<1x16xf32> to vector<16xf32>
    %swap3A_906 = vector.shape_cast %broadcast_in_dim3A_900 : vector<16xf32> to vector<1x16xf32>
    tpu.vector_store %arg6[%swap3A_902, %swap3A_903], %swap3A_906 {strides = array<i32>} : memref<128x16xf32, #tpu.memory_space<vmem>>, vector<1x16xf32>,
    %broadcast_in_dim3A_907 = arith.constant 1.000000e+00 : f32
    %broadcast_in_dim3A_908 = vector.broadcast %broadcast_in_dim3A_907 : f32 to vector<16xf32>
    %swap3A_909 = arith.constant 113 : i32
    %swap3A_910 = arith.index_cast %swap3A_909 : i32 to index
    %swap3A_911 = arith.constant 0 : index
    %swap3A_912 = tpu.vector_load %arg6[%swap3A_910, %swap3A_911] {strides = array<i32>} : memref<128x16xf32, #tpu.memory_space<vmem>>, vector<1x16xf32>,
    %swap3A_913 = vector.shape_cast %swap3A_912 : vector<1x16xf32> to vector<16xf32>
    %swap3A_914 = vector.shape_cast %broadcast_in_dim3A_908 : vector<16xf32> to vector<1x16xf32>
    tpu.vector_store %arg6[%swap3A_910, %swap3A_911], %swap3A_914 {strides = array<i32>} : memref<128x16xf32, #tpu.memory_space<vmem>>, vector<1x16xf32>,
    %broadcast_in_dim3A_915 = arith.constant 1.000000e+00 : f32
    %broadcast_in_dim3A_916 = vector.broadcast %broadcast_in_dim3A_915 : f32 to vector<16xf32>
    %swap3A_917 = arith.constant 114 : i32
    %swap3A_918 = arith.index_cast %swap3A_917 : i32 to index
    %swap3A_919 = arith.constant 0 : index
    %swap3A_920 = tpu.vector_load %arg6[%swap3A_918, %swap3A_919] {strides = array<i32>} : memref<128x16xf32, #tpu.memory_space<vmem>>, vector<1x16xf32>,
    %swap3A_921 = vector.shape_cast %swap3A_920 : vector<1x16xf32> to vector<16xf32>
    %swap3A_922 = vector.shape_cast %broadcast_in_dim3A_916 : vector<16xf32> to vector<1x16xf32>
    tpu.vector_store %arg6[%swap3A_918, %swap3A_919], %swap3A_922 {strides = array<i32>} : memref<128x16xf32, #tpu.memory_space<vmem>>, vector<1x16xf32>,
    %broadcast_in_dim3A_923 = arith.constant 1.000000e+00 : f32
    %broadcast_in_dim3A_924 = vector.broadcast %broadcast_in_dim3A_923 : f32 to vector<16xf32>
    %swap3A_925 = arith.constant 115 : i32
    %swap3A_926 = arith.index_cast %swap3A_925 : i32 to index
    %swap3A_927 = arith.constant 0 : index
    %swap3A_928 = tpu.vector_load %arg6[%swap3A_926, %swap3A_927] {strides = array<i32>} : memref<128x16xf32, #tpu.memory_space<vmem>>, vector<1x16xf32>,
    %swap3A_929 = vector.shape_cast %swap3A_928 : vector<1x16xf32> to vector<16xf32>
    %swap3A_930 = vector.shape_cast %broadcast_in_dim3A_924 : vector<16xf32> to vector<1x16xf32>
    tpu.vector_store %arg6[%swap3A_926, %swap3A_927], %swap3A_930 {strides = array<i32>} : memref<128x16xf32, #tpu.memory_space<vmem>>, vector<1x16xf32>,
    %broadcast_in_dim3A_931 = arith.constant 1.000000e+00 : f32
    %broadcast_in_dim3A_932 = vector.broadcast %broadcast_in_dim3A_931 : f32 to vector<16xf32>
    %swap3A_933 = arith.constant 116 : i32
    %swap3A_934 = arith.index_cast %swap3A_933 : i32 to index
    %swap3A_935 = arith.constant 0 : index
    %swap3A_936 = tpu.vector_load %arg6[%swap3A_934, %swap3A_935] {strides = array<i32>} : memref<128x16xf32, #tpu.memory_space<vmem>>, vector<1x16xf32>,
    %swap3A_937 = vector.shape_cast %swap3A_936 : vector<1x16xf32> to vector<16xf32>
    %swap3A_938 = vector.shape_cast %broadcast_in_dim3A_932 : vector<16xf32> to vector<1x16xf32>
    tpu.vector_store %arg6[%swap3A_934, %swap3A_935], %swap3A_938 {strides = array<i32>} : memref<128x16xf32, #tpu.memory_space<vmem>>, vector<1x16xf32>,
    %broadcast_in_dim3A_939 = arith.constant 1.000000e+00 : f32
    %broadcast_in_dim3A_940 = vector.broadcast %broadcast_in_dim3A_939 : f32 to vector<16xf32>
    %swap3A_941 = arith.constant 117 : i32
    %swap3A_942 = arith.index_cast %swap3A_941 : i32 to index
    %swap3A_943 = arith.constant 0 : index
    %swap3A_944 = tpu.vector_load %arg6[%swap3A_942, %swap3A_943] {strides = array<i32>} : memref<128x16xf32, #tpu.memory_space<vmem>>, vector<1x16xf32>,
    %swap3A_945 = vector.shape_cast %swap3A_944 : vector<1x16xf32> to vector<16xf32>
    %swap3A_946 = vector.shape_cast %broadcast_in_dim3A_940 : vector<16xf32> to vector<1x16xf32>
    tpu.vector_store %arg6[%swap3A_942, %swap3A_943], %swap3A_946 {strides = array<i32>} : memref<128x16xf32, #tpu.memory_space<vmem>>, vector<1x16xf32>,
    %broadcast_in_dim3A_947 = arith.constant 1.000000e+00 : f32
    %broadcast_in_dim3A_948 = vector.broadcast %broadcast_in_dim3A_947 : f32 to vector<16xf32>
    %swap3A_949 = arith.constant 118 : i32
    %swap3A_950 = arith.index_cast %swap3A_949 : i32 to index
    %swap3A_951 = arith.constant 0 : index
    %swap3A_952 = tpu.vector_load %arg6[%swap3A_950, %swap3A_951] {strides = array<i32>} : memref<128x16xf32, #tpu.memory_space<vmem>>, vector<1x16xf32>,
    %swap3A_953 = vector.shape_cast %swap3A_952 : vector<1x16xf32> to vector<16xf32>
    %swap3A_954 = vector.shape_cast %broadcast_in_dim3A_948 : vector<16xf32> to vector<1x16xf32>
    tpu.vector_store %arg6[%swap3A_950, %swap3A_951], %swap3A_954 {strides = array<i32>} : memref<128x16xf32, #tpu.memory_space<vmem>>, vector<1x16xf32>,
    %broadcast_in_dim3A_955 = arith.constant 1.000000e+00 : f32
    %broadcast_in_dim3A_956 = vector.broadcast %broadcast_in_dim3A_955 : f32 to vector<16xf32>
    %swap3A_957 = arith.constant 119 : i32
    %swap3A_958 = arith.index_cast %swap3A_957 : i32 to index
    %swap3A_959 = arith.constant 0 : index
    %swap3A_960 = tpu.vector_load %arg6[%swap3A_958, %swap3A_959] {strides = array<i32>} : memref<128x16xf32, #tpu.memory_space<vmem>>, vector<1x16xf32>,
    %swap3A_961 = vector.shape_cast %swap3A_960 : vector<1x16xf32> to vector<16xf32>
    %swap3A_962 = vector.shape_cast %broadcast_in_dim3A_956 : vector<16xf32> to vector<1x16xf32>
    tpu.vector_store %arg6[%swap3A_958, %swap3A_959], %swap3A_962 {strides = array<i32>} : memref<128x16xf32, #tpu.memory_space<vmem>>, vector<1x16xf32>,
    %broadcast_in_dim3A_963 = arith.constant 1.000000e+00 : f32
    %broadcast_in_dim3A_964 = vector.broadcast %broadcast_in_dim3A_963 : f32 to vector<16xf32>
    %swap3A_965 = arith.constant 120 : i32
    %swap3A_966 = arith.index_cast %swap3A_965 : i32 to index
    %swap3A_967 = arith.constant 0 : index
    %swap3A_968 = tpu.vector_load %arg6[%swap3A_966, %swap3A_967] {strides = array<i32>} : memref<128x16xf32, #tpu.memory_space<vmem>>, vector<1x16xf32>,
    %swap3A_969 = vector.shape_cast %swap3A_968 : vector<1x16xf32> to vector<16xf32>
    %swap3A_970 = vector.shape_cast %broadcast_in_dim3A_964 : vector<16xf32> to vector<1x16xf32>
    tpu.vector_store %arg6[%swap3A_966, %swap3A_967], %swap3A_970 {strides = array<i32>} : memref<128x16xf32, #tpu.memory_space<vmem>>, vector<1x16xf32>,
    %broadcast_in_dim3A_971 = arith.constant 1.000000e+00 : f32
    %broadcast_in_dim3A_972 = vector.broadcast %broadcast_in_dim3A_971 : f32 to vector<16xf32>
    %swap3A_973 = arith.constant 121 : i32
    %swap3A_974 = arith.index_cast %swap3A_973 : i32 to index
    %swap3A_975 = arith.constant 0 : index
    %swap3A_976 = tpu.vector_load %arg6[%swap3A_974, %swap3A_975] {strides = array<i32>} : memref<128x16xf32, #tpu.memory_space<vmem>>, vector<1x16xf32>,
    %swap3A_977 = vector.shape_cast %swap3A_976 : vector<1x16xf32> to vector<16xf32>
    %swap3A_978 = vector.shape_cast %broadcast_in_dim3A_972 : vector<16xf32> to vector<1x16xf32>
    tpu.vector_store %arg6[%swap3A_974, %swap3A_975], %swap3A_978 {strides = array<i32>} : memref<128x16xf32, #tpu.memory_space<vmem>>, vector<1x16xf32>,
    %broadcast_in_dim3A_979 = arith.constant 1.000000e+00 : f32
    %broadcast_in_dim3A_980 = vector.broadcast %broadcast_in_dim3A_979 : f32 to vector<16xf32>
    %swap3A_981 = arith.constant 122 : i32
    %swap3A_982 = arith.index_cast %swap3A_981 : i32 to index
    %swap3A_983 = arith.constant 0 : index
    %swap3A_984 = tpu.vector_load %arg6[%swap3A_982, %swap3A_983] {strides = array<i32>} : memref<128x16xf32, #tpu.memory_space<vmem>>, vector<1x16xf32>,
    %swap3A_985 = vector.shape_cast %swap3A_984 : vector<1x16xf32> to vector<16xf32>
    %swap3A_986 = vector.shape_cast %broadcast_in_dim3A_980 : vector<16xf32> to vector<1x16xf32>
    tpu.vector_store %arg6[%swap3A_982, %swap3A_983], %swap3A_986 {strides = array<i32>} : memref<128x16xf32, #tpu.memory_space<vmem>>, vector<1x16xf32>,
    %broadcast_in_dim3A_987 = arith.constant 1.000000e+00 : f32
    %broadcast_in_dim3A_988 = vector.broadcast %broadcast_in_dim3A_987 : f32 to vector<16xf32>
    %swap3A_989 = arith.constant 123 : i32
    %swap3A_990 = arith.index_cast %swap3A_989 : i32 to index
    %swap3A_991 = arith.constant 0 : index
    %swap3A_992 = tpu.vector_load %arg6[%swap3A_990, %swap3A_991] {strides = array<i32>} : memref<128x16xf32, #tpu.memory_space<vmem>>, vector<1x16xf32>,
    %swap3A_993 = vector.shape_cast %swap3A_992 : vector<1x16xf32> to vector<16xf32>
    %swap3A_994 = vector.shape_cast %broadcast_in_dim3A_988 : vector<16xf32> to vector<1x16xf32>
    tpu.vector_store %arg6[%swap3A_990, %swap3A_991], %swap3A_994 {strides = array<i32>} : memref<128x16xf32, #tpu.memory_space<vmem>>, vector<1x16xf32>,
    %broadcast_in_dim3A_995 = arith.constant 1.000000e+00 : f32
    %broadcast_in_dim3A_996 = vector.broadcast %broadcast_in_dim3A_995 : f32 to vector<16xf32>
    %swap3A_997 = arith.constant 124 : i32
    %swap3A_998 = arith.index_cast %swap3A_997 : i32 to index
    %swap3A_999 = arith.constant 0 : index
    %swap3A_1000 = tpu.vector_load %arg6[%swap3A_998, %swap3A_999] {strides = array<i32>} : memref<128x16xf32, #tpu.memory_space<vmem>>, vector<1x16xf32>,
    %swap3A_1001 = vector.shape_cast %swap3A_1000 : vector<1x16xf32> to vector<16xf32>
    %swap3A_1002 = vector.shape_cast %broadcast_in_dim3A_996 : vector<16xf32> to vector<1x16xf32>
    tpu.vector_store %arg6[%swap3A_998, %swap3A_999], %swap3A_1002 {strides = array<i32>} : memref<128x16xf32, #tpu.memory_space<vmem>>, vector<1x16xf32>,
    %broadcast_in_dim3A_1003 = arith.constant 1.000000e+00 : f32
    %broadcast_in_dim3A_1004 = vector.broadcast %broadcast_in_dim3A_1003 : f32 to vector<16xf32>
    %swap3A_1005 = arith.constant 125 : i32
    %swap3A_1006 = arith.index_cast %swap3A_1005 : i32 to index
    %swap3A_1007 = arith.constant 0 : index
    %swap3A_1008 = tpu.vector_load %arg6[%swap3A_1006, %swap3A_1007] {strides = array<i32>} : memref<128x16xf32, #tpu.memory_space<vmem>>, vector<1x16xf32>,
    %swap3A_1009 = vector.shape_cast %swap3A_1008 : vector<1x16xf32> to vector<16xf32>
    %swap3A_1010 = vector.shape_cast %broadcast_in_dim3A_1004 : vector<16xf32> to vector<1x16xf32>
    tpu.vector_store %arg6[%swap3A_1006, %swap3A_1007], %swap3A_1010 {strides = array<i32>} : memref<128x16xf32, #tpu.memory_space<vmem>>, vector<1x16xf32>,
    %broadcast_in_dim3A_1011 = arith.constant 1.000000e+00 : f32
    %broadcast_in_dim3A_1012 = vector.broadcast %broadcast_in_dim3A_1011 : f32 to vector<16xf32>
    %swap3A_1013 = arith.constant 126 : i32
    %swap3A_1014 = arith.index_cast %swap3A_1013 : i32 to index
    %swap3A_1015 = arith.constant 0 : index
    %swap3A_1016 = tpu.vector_load %arg6[%swap3A_1014, %swap3A_1015] {strides = array<i32>} : memref<128x16xf32, #tpu.memory_space<vmem>>, vector<1x16xf32>,
    %swap3A_1017 = vector.shape_cast %swap3A_1016 : vector<1x16xf32> to vector<16xf32>
    %swap3A_1018 = vector.shape_cast %broadcast_in_dim3A_1012 : vector<16xf32> to vector<1x16xf32>
    tpu.vector_store %arg6[%swap3A_1014, %swap3A_1015], %swap3A_1018 {strides = array<i32>} : memref<128x16xf32, #tpu.memory_space<vmem>>, vector<1x16xf32>,
    %broadcast_in_dim3A_1019 = arith.constant 1.000000e+00 : f32
    %broadcast_in_dim3A_1020 = vector.broadcast %broadcast_in_dim3A_1019 : f32 to vector<16xf32>
    %swap3A_1021 = arith.constant 127 : i32
    %swap3A_1022 = arith.index_cast %swap3A_1021 : i32 to index
    %swap3A_1023 = arith.constant 0 : index
    %swap3A_1024 = tpu.vector_load %arg6[%swap3A_1022, %swap3A_1023] {strides = array<i32>} : memref<128x16xf32, #tpu.memory_space<vmem>>, vector<1x16xf32>,
    %swap3A_1025 = vector.shape_cast %swap3A_1024 : vector<1x16xf32> to vector<16xf32>
    %swap3A_1026 = vector.shape_cast %broadcast_in_dim3A_1020 : vector<16xf32> to vector<1x16xf32>
    tpu.vector_store %arg6[%swap3A_1022, %swap3A_1023], %swap3A_1026 {strides = array<i32>} : memref<128x16xf32, #tpu.memory_space<vmem>>, vector<1x16xf32>,
    %barrier3A = arith.constant 0 : index
    tpu.barrier barrier_id(%barrier3A)
    %scan3A = arith.constant 0 : i32
    %scan3A_1027 = arith.constant 0 : i32
    %scan3A_1028 = arith.constant 20 : i32
    %scan3A_1029 = arith.addi %scan3A_1027, %scan3A_1028 : i32
    %scan3A_1030 = arith.constant 1 : i32
    scf.for %scan3A_1064 = %scan3A_1027 to %scan3A_1029 step %scan3A_1030  : i32 {
      %mul3A_1065 = arith.constant 4 : i32
      %mul3A_1066 = arith.muli %mul3A_1065, %scan3A_1064 : i32
      %add3A_1067 = arith.constant 0 : i32
      %add3A_1068 = arith.addi %mul3A_1066, %add3A_1067 : i32
      %gt3A = arith.constant 0 : i32
      %gt3A_1069 = arith.cmpi sgt, %scan3A_1064, %gt3A : i32
      %convert_element_type3A = arith.extui %gt3A_1069 : i1 to i32
      %cond3A = arith.constant 0 : i32
      %cond3A_1070 = arith.cmpi ne, %convert_element_type3A, %cond3A : i32
      scf.if %cond3A_1070 {
        %dma_wait3A_1121 = arith.constant 0 : i32
        %dma_wait3A_1122 = tpu.memref_slice %arg5[%add3A_1068, %dma_wait3A_1121] : memref<80x128xi32, #tpu.memory_space<vmem>> -> memref<1x128xi32, #tpu.memory_space<vmem>>
        %dma_wait3A_1123 = tpu.memref_squeeze %dma_wait3A_1122 : memref<1x128xi32, #tpu.memory_space<vmem>> -> memref<128xi32, #tpu.memory_space<vmem>>
        %dma_wait3A_1124 = arith.constant 0 : i32
        %dma_wait3A_1125 = arith.constant 0 : i32
        %dma_wait3A_1126 = tpu.memref_slice %arg7[%dma_wait3A_1124, %dma_wait3A_1125] : memref<10240x16xf32, #tpu.memory_space<vmem_shared>> -> memref<10240x16xf32, #tpu.memory_space<vmem_shared>>
        tpu.wait_indirect_dma semaphore(%arg8 : memref<!tpu.dma_semaphore, #tpu.memory_space<semaphore_mem>>) src(%arg6 : memref<128x16xf32, #tpu.memory_space<vmem>>) dst(%dma_wait3A_1126 : memref<10240x16xf32, #tpu.memory_space<vmem_shared>>)
      } else {
      }
      %dma_start3A = arith.constant 0 : i32
      %dma_start3A_1071 = tpu.memref_slice %arg5[%add3A_1068, %dma_start3A] : memref<80x128xi32, #tpu.memory_space<vmem>> -> memref<1x128xi32, #tpu.memory_space<vmem>>
      %dma_start3A_1072 = tpu.memref_squeeze %dma_start3A_1071 : memref<1x128xi32, #tpu.memory_space<vmem>> -> memref<128xi32, #tpu.memory_space<vmem>>
      %dma_start3A_1073 = arith.constant 0 : i32
      %dma_start3A_1074 = arith.constant 0 : i32
      %dma_start3A_1075 = tpu.memref_slice %arg7[%dma_start3A_1073, %dma_start3A_1074] : memref<10240x16xf32, #tpu.memory_space<vmem_shared>> -> memref<10240x16xf32, #tpu.memory_space<vmem_shared>>
      tpu.enqueue_indirect_dma source(%arg6 : memref<128x16xf32, #tpu.memory_space<vmem>>) target(%dma_start3A_1075 : memref<10240x16xf32, #tpu.memory_space<vmem_shared>>) offsets(%dma_start3A_1072 : memref<128xi32, #tpu.memory_space<vmem>>) semaphore(%arg8 : memref<!tpu.dma_semaphore, #tpu.memory_space<semaphore_mem>>) {add = true}
      %mul3A_1076 = arith.constant 4 : i32
      %mul3A_1077 = arith.muli %mul3A_1076, %scan3A_1064 : i32
      %add3A_1078 = arith.constant 1 : i32
      %add3A_1079 = arith.addi %mul3A_1077, %add3A_1078 : i32
      %gt3A_1080 = arith.constant 0 : i32
      %gt3A_1081 = arith.cmpi sgt, %scan3A_1064, %gt3A_1080 : i32
      %convert_element_type3A_1082 = arith.extui %gt3A_1081 : i1 to i32
      %cond3A_1083 = arith.constant 0 : i32
      %cond3A_1084 = arith.cmpi ne, %convert_element_type3A_1082, %cond3A_1083 : i32
      scf.if %cond3A_1084 {
        %dma_wait3A_1121 = arith.constant 0 : i32
        %dma_wait3A_1122 = tpu.memref_slice %arg5[%add3A_1079, %dma_wait3A_1121] : memref<80x128xi32, #tpu.memory_space<vmem>> -> memref<1x128xi32, #tpu.memory_space<vmem>>
        %dma_wait3A_1123 = tpu.memref_squeeze %dma_wait3A_1122 : memref<1x128xi32, #tpu.memory_space<vmem>> -> memref<128xi32, #tpu.memory_space<vmem>>
        %dma_wait3A_1124 = arith.constant 0 : i32
        %dma_wait3A_1125 = arith.constant 0 : i32
        %dma_wait3A_1126 = tpu.memref_slice %arg7[%dma_wait3A_1124, %dma_wait3A_1125] : memref<10240x16xf32, #tpu.memory_space<vmem_shared>> -> memref<10240x16xf32, #tpu.memory_space<vmem_shared>>
        tpu.wait_indirect_dma semaphore(%arg9 : memref<!tpu.dma_semaphore, #tpu.memory_space<semaphore_mem>>) src(%arg6 : memref<128x16xf32, #tpu.memory_space<vmem>>) dst(%dma_wait3A_1126 : memref<10240x16xf32, #tpu.memory_space<vmem_shared>>)
      } else {
      }
      %dma_start3A_1085 = arith.constant 0 : i32
      %dma_start3A_1086 = tpu.memref_slice %arg5[%add3A_1079, %dma_start3A_1085] : memref<80x128xi32, #tpu.memory_space<vmem>> -> memref<1x128xi32, #tpu.memory_space<vmem>>
      %dma_start3A_1087 = tpu.memref_squeeze %dma_start3A_1086 : memref<1x128xi32, #tpu.memory_space<vmem>> -> memref<128xi32, #tpu.memory_space<vmem>>
      %dma_start3A_1088 = arith.constant 0 : i32
      %dma_start3A_1089 = arith.constant 0 : i32
      %dma_start3A_1090 = tpu.memref_slice %arg7[%dma_start3A_1088, %dma_start3A_1089] : memref<10240x16xf32, #tpu.memory_space<vmem_shared>> -> memref<10240x16xf32, #tpu.memory_space<vmem_shared>>
      tpu.enqueue_indirect_dma source(%arg6 : memref<128x16xf32, #tpu.memory_space<vmem>>) target(%dma_start3A_1090 : memref<10240x16xf32, #tpu.memory_space<vmem_shared>>) offsets(%dma_start3A_1087 : memref<128xi32, #tpu.memory_space<vmem>>) semaphore(%arg9 : memref<!tpu.dma_semaphore, #tpu.memory_space<semaphore_mem>>) {add = true}
      %mul3A_1091 = arith.constant 4 : i32
      %mul3A_1092 = arith.muli %mul3A_1091, %scan3A_1064 : i32
      %add3A_1093 = arith.constant 2 : i32
      %add3A_1094 = arith.addi %mul3A_1092, %add3A_1093 : i32
      %gt3A_1095 = arith.constant 0 : i32
      %gt3A_1096 = arith.cmpi sgt, %scan3A_1064, %gt3A_1095 : i32
      %convert_element_type3A_1097 = arith.extui %gt3A_1096 : i1 to i32
      %cond3A_1098 = arith.constant 0 : i32
      %cond3A_1099 = arith.cmpi ne, %convert_element_type3A_1097, %cond3A_1098 : i32
      scf.if %cond3A_1099 {
        %dma_wait3A_1121 = arith.constant 0 : i32
        %dma_wait3A_1122 = tpu.memref_slice %arg5[%add3A_1094, %dma_wait3A_1121] : memref<80x128xi32, #tpu.memory_space<vmem>> -> memref<1x128xi32, #tpu.memory_space<vmem>>
        %dma_wait3A_1123 = tpu.memref_squeeze %dma_wait3A_1122 : memref<1x128xi32, #tpu.memory_space<vmem>> -> memref<128xi32, #tpu.memory_space<vmem>>
        %dma_wait3A_1124 = arith.constant 0 : i32
        %dma_wait3A_1125 = arith.constant 0 : i32
        %dma_wait3A_1126 = tpu.memref_slice %arg7[%dma_wait3A_1124, %dma_wait3A_1125] : memref<10240x16xf32, #tpu.memory_space<vmem_shared>> -> memref<10240x16xf32, #tpu.memory_space<vmem_shared>>
        tpu.wait_indirect_dma semaphore(%arg10 : memref<!tpu.dma_semaphore, #tpu.memory_space<semaphore_mem>>) src(%arg6 : memref<128x16xf32, #tpu.memory_space<vmem>>) dst(%dma_wait3A_1126 : memref<10240x16xf32, #tpu.memory_space<vmem_shared>>)
      } else {
      }
      %dma_start3A_1100 = arith.constant 0 : i32
      %dma_start3A_1101 = tpu.memref_slice %arg5[%add3A_1094, %dma_start3A_1100] : memref<80x128xi32, #tpu.memory_space<vmem>> -> memref<1x128xi32, #tpu.memory_space<vmem>>
      %dma_start3A_1102 = tpu.memref_squeeze %dma_start3A_1101 : memref<1x128xi32, #tpu.memory_space<vmem>> -> memref<128xi32, #tpu.memory_space<vmem>>
      %dma_start3A_1103 = arith.constant 0 : i32
      %dma_start3A_1104 = arith.constant 0 : i32
      %dma_start3A_1105 = tpu.memref_slice %arg7[%dma_start3A_1103, %dma_start3A_1104] : memref<10240x16xf32, #tpu.memory_space<vmem_shared>> -> memref<10240x16xf32, #tpu.memory_space<vmem_shared>>
      tpu.enqueue_indirect_dma source(%arg6 : memref<128x16xf32, #tpu.memory_space<vmem>>) target(%dma_start3A_1105 : memref<10240x16xf32, #tpu.memory_space<vmem_shared>>) offsets(%dma_start3A_1102 : memref<128xi32, #tpu.memory_space<vmem>>) semaphore(%arg10 : memref<!tpu.dma_semaphore, #tpu.memory_space<semaphore_mem>>) {add = true}
      %mul3A_1106 = arith.constant 4 : i32
      %mul3A_1107 = arith.muli %mul3A_1106, %scan3A_1064 : i32
      %add3A_1108 = arith.constant 3 : i32
      %add3A_1109 = arith.addi %mul3A_1107, %add3A_1108 : i32
      %gt3A_1110 = arith.constant 0 : i32
      %gt3A_1111 = arith.cmpi sgt, %scan3A_1064, %gt3A_1110 : i32
      %convert_element_type3A_1112 = arith.extui %gt3A_1111 : i1 to i32
      %cond3A_1113 = arith.constant 0 : i32
      %cond3A_1114 = arith.cmpi ne, %convert_element_type3A_1112, %cond3A_1113 : i32
      scf.if %cond3A_1114 {
        %dma_wait3A_1121 = arith.constant 0 : i32
        %dma_wait3A_1122 = tpu.memref_slice %arg5[%add3A_1109, %dma_wait3A_1121] : memref<80x128xi32, #tpu.memory_space<vmem>> -> memref<1x128xi32, #tpu.memory_space<vmem>>
        %dma_wait3A_1123 = tpu.memref_squeeze %dma_wait3A_1122 : memref<1x128xi32, #tpu.memory_space<vmem>> -> memref<128xi32, #tpu.memory_space<vmem>>
        %dma_wait3A_1124 = arith.constant 0 : i32
        %dma_wait3A_1125 = arith.constant 0 : i32
        %dma_wait3A_1126 = tpu.memref_slice %arg7[%dma_wait3A_1124, %dma_wait3A_1125] : memref<10240x16xf32, #tpu.memory_space<vmem_shared>> -> memref<10240x16xf32, #tpu.memory_space<vmem_shared>>
        tpu.wait_indirect_dma semaphore(%arg11 : memref<!tpu.dma_semaphore, #tpu.memory_space<semaphore_mem>>) src(%arg6 : memref<128x16xf32, #tpu.memory_space<vmem>>) dst(%dma_wait3A_1126 : memref<10240x16xf32, #tpu.memory_space<vmem_shared>>)
      } else {
      }
      %dma_start3A_1115 = arith.constant 0 : i32
      %dma_start3A_1116 = tpu.memref_slice %arg5[%add3A_1109, %dma_start3A_1115] : memref<80x128xi32, #tpu.memory_space<vmem>> -> memref<1x128xi32, #tpu.memory_space<vmem>>
      %dma_start3A_1117 = tpu.memref_squeeze %dma_start3A_1116 : memref<1x128xi32, #tpu.memory_space<vmem>> -> memref<128xi32, #tpu.memory_space<vmem>>
      %dma_start3A_1118 = arith.constant 0 : i32
      %dma_start3A_1119 = arith.constant 0 : i32
      %dma_start3A_1120 = tpu.memref_slice %arg7[%dma_start3A_1118, %dma_start3A_1119] : memref<10240x16xf32, #tpu.memory_space<vmem_shared>> -> memref<10240x16xf32, #tpu.memory_space<vmem_shared>>
      tpu.enqueue_indirect_dma source(%arg6 : memref<128x16xf32, #tpu.memory_space<vmem>>) target(%dma_start3A_1120 : memref<10240x16xf32, #tpu.memory_space<vmem_shared>>) offsets(%dma_start3A_1117 : memref<128xi32, #tpu.memory_space<vmem>>) semaphore(%arg11 : memref<!tpu.dma_semaphore, #tpu.memory_space<semaphore_mem>>) {add = true}
    }
    %scan3A_1031 = arith.constant 20 : i32
    %dma_wait3A = arith.constant 0 : i32
    %dma_wait3A_1032 = arith.constant 0 : i32
    %dma_wait3A_1033 = tpu.memref_slice %arg5[%dma_wait3A, %dma_wait3A_1032] : memref<80x128xi32, #tpu.memory_space<vmem>> -> memref<1x128xi32, #tpu.memory_space<vmem>>
    %dma_wait3A_1034 = tpu.memref_squeeze %dma_wait3A_1033 : memref<1x128xi32, #tpu.memory_space<vmem>> -> memref<128xi32, #tpu.memory_space<vmem>>
    %dma_wait3A_1035 = arith.constant 0 : i32
    %dma_wait3A_1036 = arith.constant 0 : i32
    %dma_wait3A_1037 = tpu.memref_slice %arg7[%dma_wait3A_1035, %dma_wait3A_1036] : memref<10240x16xf32, #tpu.memory_space<vmem_shared>> -> memref<10240x16xf32, #tpu.memory_space<vmem_shared>>
    tpu.wait_indirect_dma semaphore(%arg8 : memref<!tpu.dma_semaphore, #tpu.memory_space<semaphore_mem>>) src(%arg6 : memref<128x16xf32, #tpu.memory_space<vmem>>) dst(%dma_wait3A_1037 : memref<10240x16xf32, #tpu.memory_space<vmem_shared>>)
    %dma_wait3A_1038 = arith.constant 0 : i32
    %dma_wait3A_1039 = arith.constant 0 : i32
    %dma_wait3A_1040 = tpu.memref_slice %arg5[%dma_wait3A_1038, %dma_wait3A_1039] : memref<80x128xi32, #tpu.memory_space<vmem>> -> memref<1x128xi32, #tpu.memory_space<vmem>>
    %dma_wait3A_1041 = tpu.memref_squeeze %dma_wait3A_1040 : memref<1x128xi32, #tpu.memory_space<vmem>> -> memref<128xi32, #tpu.memory_space<vmem>>
    %dma_wait3A_1042 = arith.constant 0 : i32
    %dma_wait3A_1043 = arith.constant 0 : i32
    %dma_wait3A_1044 = tpu.memref_slice %arg7[%dma_wait3A_1042, %dma_wait3A_1043] : memref<10240x16xf32, #tpu.memory_space<vmem_shared>> -> memref<10240x16xf32, #tpu.memory_space<vmem_shared>>
    tpu.wait_indirect_dma semaphore(%arg9 : memref<!tpu.dma_semaphore, #tpu.memory_space<semaphore_mem>>) src(%arg6 : memref<128x16xf32, #tpu.memory_space<vmem>>) dst(%dma_wait3A_1044 : memref<10240x16xf32, #tpu.memory_space<vmem_shared>>)
    %dma_wait3A_1045 = arith.constant 0 : i32
    %dma_wait3A_1046 = arith.constant 0 : i32
    %dma_wait3A_1047 = tpu.memref_slice %arg5[%dma_wait3A_1045, %dma_wait3A_1046] : memref<80x128xi32, #tpu.memory_space<vmem>> -> memref<1x128xi32, #tpu.memory_space<vmem>>
    %dma_wait3A_1048 = tpu.memref_squeeze %dma_wait3A_1047 : memref<1x128xi32, #tpu.memory_space<vmem>> -> memref<128xi32, #tpu.memory_space<vmem>>
    %dma_wait3A_1049 = arith.constant 0 : i32
    %dma_wait3A_1050 = arith.constant 0 : i32
    %dma_wait3A_1051 = tpu.memref_slice %arg7[%dma_wait3A_1049, %dma_wait3A_1050] : memref<10240x16xf32, #tpu.memory_space<vmem_shared>> -> memref<10240x16xf32, #tpu.memory_space<vmem_shared>>
    tpu.wait_indirect_dma semaphore(%arg10 : memref<!tpu.dma_semaphore, #tpu.memory_space<semaphore_mem>>) src(%arg6 : memref<128x16xf32, #tpu.memory_space<vmem>>) dst(%dma_wait3A_1051 : memref<10240x16xf32, #tpu.memory_space<vmem_shared>>)
    %dma_wait3A_1052 = arith.constant 0 : i32
    %dma_wait3A_1053 = arith.constant 0 : i32
    %dma_wait3A_1054 = tpu.memref_slice %arg5[%dma_wait3A_1052, %dma_wait3A_1053] : memref<80x128xi32, #tpu.memory_space<vmem>> -> memref<1x128xi32, #tpu.memory_space<vmem>>
    %dma_wait3A_1055 = tpu.memref_squeeze %dma_wait3A_1054 : memref<1x128xi32, #tpu.memory_space<vmem>> -> memref<128xi32, #tpu.memory_space<vmem>>
    %dma_wait3A_1056 = arith.constant 0 : i32
    %dma_wait3A_1057 = arith.constant 0 : i32
    %dma_wait3A_1058 = tpu.memref_slice %arg7[%dma_wait3A_1056, %dma_wait3A_1057] : memref<10240x16xf32, #tpu.memory_space<vmem_shared>> -> memref<10240x16xf32, #tpu.memory_space<vmem_shared>>
    tpu.wait_indirect_dma semaphore(%arg11 : memref<!tpu.dma_semaphore, #tpu.memory_space<semaphore_mem>>) src(%arg6 : memref<128x16xf32, #tpu.memory_space<vmem>>) dst(%dma_wait3A_1058 : memref<10240x16xf32, #tpu.memory_space<vmem_shared>>)
    %barrier3A_1059 = arith.constant 0 : index
    tpu.barrier barrier_id(%barrier3A_1059)
    %mul3A_1060 = arith.constant 640 : i32
    %mul3A_1061 = arith.muli %arg1, %mul3A_1060 : i32
    %mul3A_1062 = arith.constant 640 : i32
    %mul3A_1063 = arith.muli %arg1, %mul3A_1062 : i32
    "tpu.region"() ({
      %run_scoped3A = tpu.sem_alloc : memref<!tpu.dma_semaphore, #tpu.memory_space<semaphore_mem>>
      %dma_start3A = arith.constant 0 : i32
      %dma_start3A_1064 = tpu.memref_slice %arg4[%arg0, %mul3A_1063, %dma_start3A] : memref<2x10240x16xf32, #tpu.memory_space<hbm>> -> memref<1x640x16xf32, #tpu.memory_space<hbm>>
      %dma_start3A_1065 = tpu.memref_squeeze %dma_start3A_1064 : memref<1x640x16xf32, #tpu.memory_space<hbm>> -> memref<640x16xf32, #tpu.memory_space<hbm>>
      %dma_start3A_1066 = arith.constant 0 : i32
      %dma_start3A_1067 = tpu.memref_slice %arg7[%mul3A_1061, %dma_start3A_1066] : memref<10240x16xf32, #tpu.memory_space<vmem_shared>> -> memref<640x16xf32, #tpu.memory_space<vmem_shared>>
      tpu.enqueue_dma source(%dma_start3A_1067 : memref<640x16xf32, #tpu.memory_space<vmem_shared>>) target(%dma_start3A_1065 : memref<640x16xf32, #tpu.memory_space<hbm>>) target_semaphore(%run_scoped3A : memref<!tpu.dma_semaphore, #tpu.memory_space<semaphore_mem>>)
      %dma_wait3A_1068 = arith.constant 0 : i32
      %dma_wait3A_1069 = tpu.memref_slice %arg4[%arg0, %mul3A_1063, %dma_wait3A_1068] : memref<2x10240x16xf32, #tpu.memory_space<hbm>> -> memref<1x640x16xf32, #tpu.memory_space<hbm>>
      %dma_wait3A_1070 = tpu.memref_squeeze %dma_wait3A_1069 : memref<1x640x16xf32, #tpu.memory_space<hbm>> -> memref<640x16xf32, #tpu.memory_space<hbm>>
      %dma_wait3A_1071 = arith.constant 0 : i32
      %dma_wait3A_1072 = tpu.memref_slice %arg7[%mul3A_1061, %dma_wait3A_1071] : memref<10240x16xf32, #tpu.memory_space<vmem_shared>> -> memref<640x16xf32, #tpu.memory_space<vmem_shared>>
      tpu.wait_dma2 semaphore(%run_scoped3A : memref<!tpu.dma_semaphore, #tpu.memory_space<semaphore_mem>>) src(%dma_wait3A_1072 : memref<640x16xf32, #tpu.memory_space<vmem_shared>>) dst(%dma_wait3A_1070 : memref<640x16xf32, #tpu.memory_space<hbm>>)
      tpu.yield
    }) : () -> ()
    return
  }
}

#map = affine_map<(d0, d1) -> (0, 0, 0)>
#map1 = affine_map<(d0, d1) -> (0, 0)>
module attributes {stable_mosaic.version = 14 : i64} {
  func.func @agg(%arg0: i32, %arg1: i32, %arg2: memref<32x108x96xi32, #tpu.memory_space<hbm>>, %arg3: memref<32x108x96xi32, #tpu.memory_space<hbm>>, %arg4: memref<10000x128xf32, #tpu.memory_space<hbm>>, %arg5: memref<2x10240x128xf32, #tpu.memory_space<hbm>>, %arg6: memref<54x96xi32, #tpu.memory_space<vmem>>, %arg7: memref<54x96xi32, #tpu.memory_space<vmem>>, %arg8: memref<96x128xf32, #tpu.memory_space<vmem>>, %arg9: memref<96x128xf32, #tpu.memory_space<vmem>>, %arg10: memref<96x128xf32, #tpu.memory_space<vmem>>, %arg11: memref<10240x128xf32, #tpu.memory_space<vmem_shared>>, %arg12: memref<!tpu.dma_semaphore, #tpu.memory_space<semaphore_mem>>, %arg13: memref<!tpu.dma_semaphore, #tpu.memory_space<semaphore_mem>>, %arg14: memref<!tpu.dma_semaphore, #tpu.memory_space<semaphore_mem>>, %arg15: memref<!tpu.dma_semaphore, #tpu.memory_space<semaphore_mem>>, %arg16: memref<!tpu.dma_semaphore, #tpu.memory_space<semaphore_mem>>, %arg17: memref<!tpu.dma_semaphore, #tpu.memory_space<semaphore_mem>>, %arg18: memref<!tpu.dma_semaphore, #tpu.memory_space<semaphore_mem>>) attributes {dimension_semantics = [#tpu.dimension_semantics<core_parallel>, #tpu.dimension_semantics<subcore_parallel>], iteration_bounds = array<i64: 2, 16>, scalar_prefetch = 0 : i64, scratch_operands = 13 : i64, tpu.core_type = #tpu.core_type<sc_vector_subcore>, window_params = [{transform_indices = #map}, {transform_indices = #map}, {transform_indices = #map1}, {transform_indices = #map}]} {
    %mul3A = arith.constant 2 : i32
    %mul3A_0 = arith.muli %arg1, %mul3A : i32
    %add3A = arith.addi %mul3A_0, %arg0 : i32
    %lt3A = arith.constant 15 : i32
    %lt3A_1 = arith.cmpi slt, %arg1, %lt3A : i32
    %convert_element_type3A = arith.extui %lt3A_1 : i1 to i32
    %cond3A = arith.constant 0 : i32
    %cond3A_2 = arith.cmpi ne, %convert_element_type3A, %cond3A : i32
    scf.if %cond3A_2 {
      %mul3A_121 = arith.constant 640 : i32
      %mul3A_122 = arith.muli %arg1, %mul3A_121 : i32
      %mul3A_123 = arith.constant 640 : i32
      %mul3A_124 = arith.muli %arg1, %mul3A_123 : i32
      %dma_start3A_125 = arith.constant 0 : i32
      %dma_start3A_126 = tpu.memref_slice %arg11[%mul3A_124, %dma_start3A_125] : memref<10240x128xf32, #tpu.memory_space<vmem_shared>> -> memref<640x128xf32, #tpu.memory_space<vmem_shared>>
      %dma_start3A_127 = arith.constant 0 : i32
      %dma_start3A_128 = tpu.memref_slice %arg4[%mul3A_122, %dma_start3A_127] : memref<10000x128xf32, #tpu.memory_space<hbm>> -> memref<640x128xf32, #tpu.memory_space<hbm>>
      tpu.enqueue_dma source(%dma_start3A_128 : memref<640x128xf32, #tpu.memory_space<hbm>>) target(%dma_start3A_126 : memref<640x128xf32, #tpu.memory_space<vmem_shared>>) target_semaphore(%arg18 : memref<!tpu.dma_semaphore, #tpu.memory_space<semaphore_mem>>)
    } else {
    }
    %eq3A = arith.constant 15 : i32
    %eq3A_3 = arith.cmpi eq, %arg1, %eq3A : i32
    %convert_element_type3A_4 = arith.extui %eq3A_3 : i1 to i32
    %cond3A_5 = arith.constant 0 : i32
    %cond3A_6 = arith.cmpi ne, %convert_element_type3A_4, %cond3A_5 : i32
    scf.if %cond3A_6 {
      %dma_start3A_121 = arith.constant 9600 : i32
      %dma_start3A_122 = arith.constant 0 : i32
      %dma_start3A_123 = tpu.memref_slice %arg11[%dma_start3A_121, %dma_start3A_122] : memref<10240x128xf32, #tpu.memory_space<vmem_shared>> -> memref<400x128xf32, #tpu.memory_space<vmem_shared>>
      %dma_start3A_124 = arith.constant 9600 : i32
      %dma_start3A_125 = arith.constant 0 : i32
      %dma_start3A_126 = tpu.memref_slice %arg4[%dma_start3A_124, %dma_start3A_125] : memref<10000x128xf32, #tpu.memory_space<hbm>> -> memref<400x128xf32, #tpu.memory_space<hbm>>
      tpu.enqueue_dma source(%dma_start3A_126 : memref<400x128xf32, #tpu.memory_space<hbm>>) target(%dma_start3A_123 : memref<400x128xf32, #tpu.memory_space<vmem_shared>>) target_semaphore(%arg18 : memref<!tpu.dma_semaphore, #tpu.memory_space<semaphore_mem>>)
    } else {
    }
    "tpu.region"() ({
      %run_scoped3A = tpu.sem_alloc : memref<!tpu.dma_semaphore, #tpu.memory_space<semaphore_mem>>
      %dma_start3A_121 = arith.constant 0 : i32
      %dma_start3A_122 = arith.constant 0 : i32
      %dma_start3A_123 = tpu.memref_slice %arg2[%add3A, %dma_start3A_121, %dma_start3A_122] : memref<32x108x96xi32, #tpu.memory_space<hbm>> -> memref<1x54x96xi32, #tpu.memory_space<hbm>>
      %dma_start3A_124 = tpu.memref_squeeze %dma_start3A_123 : memref<1x54x96xi32, #tpu.memory_space<hbm>> -> memref<54x96xi32, #tpu.memory_space<hbm>>
      %dma_start3A_125 = arith.constant 0 : i32
      %dma_start3A_126 = arith.constant 0 : i32
      %dma_start3A_127 = tpu.memref_slice %arg2[%add3A, %dma_start3A_125, %dma_start3A_126] : memref<32x108x96xi32, #tpu.memory_space<hbm>> -> memref<1x54x96xi32, #tpu.memory_space<hbm>>
      %dma_start3A_128 = tpu.memref_squeeze %dma_start3A_127 : memref<1x54x96xi32, #tpu.memory_space<hbm>> -> memref<54x96xi32, #tpu.memory_space<hbm>>
      tpu.enqueue_dma source(%dma_start3A_128 : memref<54x96xi32, #tpu.memory_space<hbm>>) target(%arg6 : memref<54x96xi32, #tpu.memory_space<vmem>>) target_semaphore(%run_scoped3A : memref<!tpu.dma_semaphore, #tpu.memory_space<semaphore_mem>>)
      %dma_wait3A_129 = arith.constant 0 : i32
      %dma_wait3A_130 = arith.constant 0 : i32
      %dma_wait3A_131 = tpu.memref_slice %arg2[%add3A, %dma_wait3A_129, %dma_wait3A_130] : memref<32x108x96xi32, #tpu.memory_space<hbm>> -> memref<1x54x96xi32, #tpu.memory_space<hbm>>
      %dma_wait3A_132 = tpu.memref_squeeze %dma_wait3A_131 : memref<1x54x96xi32, #tpu.memory_space<hbm>> -> memref<54x96xi32, #tpu.memory_space<hbm>>
      %dma_wait3A_133 = arith.constant 0 : i32
      %dma_wait3A_134 = arith.constant 0 : i32
      %dma_wait3A_135 = tpu.memref_slice %arg2[%add3A, %dma_wait3A_133, %dma_wait3A_134] : memref<32x108x96xi32, #tpu.memory_space<hbm>> -> memref<1x54x96xi32, #tpu.memory_space<hbm>>
      %dma_wait3A_136 = tpu.memref_squeeze %dma_wait3A_135 : memref<1x54x96xi32, #tpu.memory_space<hbm>> -> memref<54x96xi32, #tpu.memory_space<hbm>>
      tpu.wait_dma2 semaphore(%run_scoped3A : memref<!tpu.dma_semaphore, #tpu.memory_space<semaphore_mem>>) src(%dma_wait3A_136 : memref<54x96xi32, #tpu.memory_space<hbm>>) dst(%arg6 : memref<54x96xi32, #tpu.memory_space<vmem>>)
      tpu.yield
    }) : () -> ()
    "tpu.region"() ({
      %run_scoped3A = tpu.sem_alloc : memref<!tpu.dma_semaphore, #tpu.memory_space<semaphore_mem>>
      %dma_start3A_121 = arith.constant 0 : i32
      %dma_start3A_122 = arith.constant 0 : i32
      %dma_start3A_123 = tpu.memref_slice %arg3[%add3A, %dma_start3A_121, %dma_start3A_122] : memref<32x108x96xi32, #tpu.memory_space<hbm>> -> memref<1x54x96xi32, #tpu.memory_space<hbm>>
      %dma_start3A_124 = tpu.memref_squeeze %dma_start3A_123 : memref<1x54x96xi32, #tpu.memory_space<hbm>> -> memref<54x96xi32, #tpu.memory_space<hbm>>
      %dma_start3A_125 = arith.constant 0 : i32
      %dma_start3A_126 = arith.constant 0 : i32
      %dma_start3A_127 = tpu.memref_slice %arg3[%add3A, %dma_start3A_125, %dma_start3A_126] : memref<32x108x96xi32, #tpu.memory_space<hbm>> -> memref<1x54x96xi32, #tpu.memory_space<hbm>>
      %dma_start3A_128 = tpu.memref_squeeze %dma_start3A_127 : memref<1x54x96xi32, #tpu.memory_space<hbm>> -> memref<54x96xi32, #tpu.memory_space<hbm>>
      tpu.enqueue_dma source(%dma_start3A_128 : memref<54x96xi32, #tpu.memory_space<hbm>>) target(%arg7 : memref<54x96xi32, #tpu.memory_space<vmem>>) target_semaphore(%run_scoped3A : memref<!tpu.dma_semaphore, #tpu.memory_space<semaphore_mem>>)
      %dma_wait3A_129 = arith.constant 0 : i32
      %dma_wait3A_130 = arith.constant 0 : i32
      %dma_wait3A_131 = tpu.memref_slice %arg3[%add3A, %dma_wait3A_129, %dma_wait3A_130] : memref<32x108x96xi32, #tpu.memory_space<hbm>> -> memref<1x54x96xi32, #tpu.memory_space<hbm>>
      %dma_wait3A_132 = tpu.memref_squeeze %dma_wait3A_131 : memref<1x54x96xi32, #tpu.memory_space<hbm>> -> memref<54x96xi32, #tpu.memory_space<hbm>>
      %dma_wait3A_133 = arith.constant 0 : i32
      %dma_wait3A_134 = arith.constant 0 : i32
      %dma_wait3A_135 = tpu.memref_slice %arg3[%add3A, %dma_wait3A_133, %dma_wait3A_134] : memref<32x108x96xi32, #tpu.memory_space<hbm>> -> memref<1x54x96xi32, #tpu.memory_space<hbm>>
      %dma_wait3A_136 = tpu.memref_squeeze %dma_wait3A_135 : memref<1x54x96xi32, #tpu.memory_space<hbm>> -> memref<54x96xi32, #tpu.memory_space<hbm>>
      tpu.wait_dma2 semaphore(%run_scoped3A : memref<!tpu.dma_semaphore, #tpu.memory_space<semaphore_mem>>) src(%dma_wait3A_136 : memref<54x96xi32, #tpu.memory_space<hbm>>) dst(%arg7 : memref<54x96xi32, #tpu.memory_space<vmem>>)
      tpu.yield
    }) : () -> ()
    %lt3A_7 = arith.constant 15 : i32
    %lt3A_8 = arith.cmpi slt, %arg1, %lt3A_7 : i32
    %convert_element_type3A_9 = arith.extui %lt3A_8 : i1 to i32
    %cond3A_10 = arith.constant 0 : i32
    %cond3A_11 = arith.cmpi ne, %convert_element_type3A_9, %cond3A_10 : i32
    scf.if %cond3A_11 {
      %mul3A_121 = arith.constant 640 : i32
      %mul3A_122 = arith.muli %arg1, %mul3A_121 : i32
      %mul3A_123 = arith.constant 640 : i32
      %mul3A_124 = arith.muli %arg1, %mul3A_123 : i32
      %dma_wait3A_125 = arith.constant 0 : i32
      %dma_wait3A_126 = tpu.memref_slice %arg11[%mul3A_124, %dma_wait3A_125] : memref<10240x128xf32, #tpu.memory_space<vmem_shared>> -> memref<640x128xf32, #tpu.memory_space<vmem_shared>>
      %dma_wait3A_127 = arith.constant 0 : i32
      %dma_wait3A_128 = tpu.memref_slice %arg4[%mul3A_122, %dma_wait3A_127] : memref<10000x128xf32, #tpu.memory_space<hbm>> -> memref<640x128xf32, #tpu.memory_space<hbm>>
      tpu.wait_dma2 semaphore(%arg18 : memref<!tpu.dma_semaphore, #tpu.memory_space<semaphore_mem>>) src(%dma_wait3A_128 : memref<640x128xf32, #tpu.memory_space<hbm>>) dst(%dma_wait3A_126 : memref<640x128xf32, #tpu.memory_space<vmem_shared>>)
    } else {
    }
    %eq3A_12 = arith.constant 15 : i32
    %eq3A_13 = arith.cmpi eq, %arg1, %eq3A_12 : i32
    %convert_element_type3A_14 = arith.extui %eq3A_13 : i1 to i32
    %cond3A_15 = arith.constant 0 : i32
    %cond3A_16 = arith.cmpi ne, %convert_element_type3A_14, %cond3A_15 : i32
    scf.if %cond3A_16 {
      %dma_wait3A_121 = arith.constant 9600 : i32
      %dma_wait3A_122 = arith.constant 0 : i32
      %dma_wait3A_123 = tpu.memref_slice %arg11[%dma_wait3A_121, %dma_wait3A_122] : memref<10240x128xf32, #tpu.memory_space<vmem_shared>> -> memref<400x128xf32, #tpu.memory_space<vmem_shared>>
      %dma_wait3A_124 = arith.constant 9600 : i32
      %dma_wait3A_125 = arith.constant 0 : i32
      %dma_wait3A_126 = tpu.memref_slice %arg4[%dma_wait3A_124, %dma_wait3A_125] : memref<10000x128xf32, #tpu.memory_space<hbm>> -> memref<400x128xf32, #tpu.memory_space<hbm>>
      tpu.wait_dma2 semaphore(%arg18 : memref<!tpu.dma_semaphore, #tpu.memory_space<semaphore_mem>>) src(%dma_wait3A_126 : memref<400x128xf32, #tpu.memory_space<hbm>>) dst(%dma_wait3A_123 : memref<400x128xf32, #tpu.memory_space<vmem_shared>>)
    } else {
    }
    %barrier3A = arith.constant 0 : index
    tpu.barrier barrier_id(%barrier3A)
    %dma_start3A = arith.constant 0 : i32
    %dma_start3A_17 = arith.constant 0 : i32
    %dma_start3A_18 = tpu.memref_slice %arg6[%dma_start3A, %dma_start3A_17] : memref<54x96xi32, #tpu.memory_space<vmem>> -> memref<1x96xi32, #tpu.memory_space<vmem>>
    %dma_start3A_19 = tpu.memref_squeeze %dma_start3A_18 : memref<1x96xi32, #tpu.memory_space<vmem>> -> memref<96xi32, #tpu.memory_space<vmem>>
    %dma_start3A_20 = arith.constant 0 : i32
    %dma_start3A_21 = arith.constant 0 : i32
    %dma_start3A_22 = tpu.memref_slice %arg4[%dma_start3A_20, %dma_start3A_21] : memref<10000x128xf32, #tpu.memory_space<hbm>> -> memref<10000x128xf32, #tpu.memory_space<hbm>>
    tpu.enqueue_indirect_dma source(%dma_start3A_22 : memref<10000x128xf32, #tpu.memory_space<hbm>>) target(%arg8 : memref<96x128xf32, #tpu.memory_space<vmem>>) offsets(%dma_start3A_19 : memref<96xi32, #tpu.memory_space<vmem>>) semaphore(%arg12 : memref<!tpu.dma_semaphore, #tpu.memory_space<semaphore_mem>>)
    %dma_start3A_23 = arith.constant 1 : i32
    %dma_start3A_24 = arith.constant 0 : i32
    %dma_start3A_25 = tpu.memref_slice %arg6[%dma_start3A_23, %dma_start3A_24] : memref<54x96xi32, #tpu.memory_space<vmem>> -> memref<1x96xi32, #tpu.memory_space<vmem>>
    %dma_start3A_26 = tpu.memref_squeeze %dma_start3A_25 : memref<1x96xi32, #tpu.memory_space<vmem>> -> memref<96xi32, #tpu.memory_space<vmem>>
    %dma_start3A_27 = arith.constant 0 : i32
    %dma_start3A_28 = arith.constant 0 : i32
    %dma_start3A_29 = tpu.memref_slice %arg4[%dma_start3A_27, %dma_start3A_28] : memref<10000x128xf32, #tpu.memory_space<hbm>> -> memref<10000x128xf32, #tpu.memory_space<hbm>>
    tpu.enqueue_indirect_dma source(%dma_start3A_29 : memref<10000x128xf32, #tpu.memory_space<hbm>>) target(%arg9 : memref<96x128xf32, #tpu.memory_space<vmem>>) offsets(%dma_start3A_26 : memref<96xi32, #tpu.memory_space<vmem>>) semaphore(%arg13 : memref<!tpu.dma_semaphore, #tpu.memory_space<semaphore_mem>>)
    %dma_start3A_30 = arith.constant 2 : i32
    %dma_start3A_31 = arith.constant 0 : i32
    %dma_start3A_32 = tpu.memref_slice %arg6[%dma_start3A_30, %dma_start3A_31] : memref<54x96xi32, #tpu.memory_space<vmem>> -> memref<1x96xi32, #tpu.memory_space<vmem>>
    %dma_start3A_33 = tpu.memref_squeeze %dma_start3A_32 : memref<1x96xi32, #tpu.memory_space<vmem>> -> memref<96xi32, #tpu.memory_space<vmem>>
    %dma_start3A_34 = arith.constant 0 : i32
    %dma_start3A_35 = arith.constant 0 : i32
    %dma_start3A_36 = tpu.memref_slice %arg4[%dma_start3A_34, %dma_start3A_35] : memref<10000x128xf32, #tpu.memory_space<hbm>> -> memref<10000x128xf32, #tpu.memory_space<hbm>>
    tpu.enqueue_indirect_dma source(%dma_start3A_36 : memref<10000x128xf32, #tpu.memory_space<hbm>>) target(%arg10 : memref<96x128xf32, #tpu.memory_space<vmem>>) offsets(%dma_start3A_33 : memref<96xi32, #tpu.memory_space<vmem>>) semaphore(%arg14 : memref<!tpu.dma_semaphore, #tpu.memory_space<semaphore_mem>>)
    %scan3A = arith.constant 0 : i32
    %scan3A_37 = arith.constant 0 : i32
    %scan3A_38 = arith.constant 18 : i32
    %scan3A_39 = arith.addi %scan3A_37, %scan3A_38 : i32
    %scan3A_40 = arith.constant 1 : i32
    scf.for %scan3A_121 = %scan3A_37 to %scan3A_39 step %scan3A_40  : i32 {
      %mul3A_122 = arith.constant 3 : i32
      %mul3A_123 = arith.muli %mul3A_122, %scan3A_121 : i32
      %add3A_124 = arith.constant 0 : i32
      %add3A_125 = arith.addi %mul3A_123, %add3A_124 : i32
      %dma_wait3A_126 = arith.constant 0 : i32
      %dma_wait3A_127 = tpu.memref_slice %arg6[%add3A_125, %dma_wait3A_126] : memref<54x96xi32, #tpu.memory_space<vmem>> -> memref<1x96xi32, #tpu.memory_space<vmem>>
      %dma_wait3A_128 = tpu.memref_squeeze %dma_wait3A_127 : memref<1x96xi32, #tpu.memory_space<vmem>> -> memref<96xi32, #tpu.memory_space<vmem>>
      %dma_wait3A_129 = arith.constant 0 : i32
      %dma_wait3A_130 = arith.constant 0 : i32
      %dma_wait3A_131 = tpu.memref_slice %arg4[%dma_wait3A_129, %dma_wait3A_130] : memref<10000x128xf32, #tpu.memory_space<hbm>> -> memref<10000x128xf32, #tpu.memory_space<hbm>>
      tpu.wait_indirect_dma semaphore(%arg12 : memref<!tpu.dma_semaphore, #tpu.memory_space<semaphore_mem>>) src(%dma_wait3A_131 : memref<10000x128xf32, #tpu.memory_space<hbm>>) dst(%arg8 : memref<96x128xf32, #tpu.memory_space<vmem>>)
      %dma_start3A_132 = arith.constant 0 : i32
      %dma_start3A_133 = tpu.memref_slice %arg7[%add3A_125, %dma_start3A_132] : memref<54x96xi32, #tpu.memory_space<vmem>> -> memref<1x96xi32, #tpu.memory_space<vmem>>
      %dma_start3A_134 = tpu.memref_squeeze %dma_start3A_133 : memref<1x96xi32, #tpu.memory_space<vmem>> -> memref<96xi32, #tpu.memory_space<vmem>>
      %dma_start3A_135 = arith.constant 0 : i32
      %dma_start3A_136 = arith.constant 0 : i32
      %dma_start3A_137 = tpu.memref_slice %arg11[%dma_start3A_135, %dma_start3A_136] : memref<10240x128xf32, #tpu.memory_space<vmem_shared>> -> memref<10240x128xf32, #tpu.memory_space<vmem_shared>>
      tpu.enqueue_indirect_dma source(%arg8 : memref<96x128xf32, #tpu.memory_space<vmem>>) target(%dma_start3A_137 : memref<10240x128xf32, #tpu.memory_space<vmem_shared>>) offsets(%dma_start3A_134 : memref<96xi32, #tpu.memory_space<vmem>>) semaphore(%arg15 : memref<!tpu.dma_semaphore, #tpu.memory_space<semaphore_mem>>) {add = true}
      %lt3A_138 = arith.constant 17 : i32
      %lt3A_139 = arith.cmpi slt, %scan3A_121, %lt3A_138 : i32
      %convert_element_type3A_140 = arith.extui %lt3A_139 : i1 to i32
      %cond3A_141 = arith.constant 0 : i32
      %cond3A_142 = arith.cmpi ne, %convert_element_type3A_140, %cond3A_141 : i32
      scf.if %cond3A_142 {
        %dma_wait3A_185 = arith.constant 0 : i32
        %dma_wait3A_186 = tpu.memref_slice %arg7[%add3A_125, %dma_wait3A_185] : memref<54x96xi32, #tpu.memory_space<vmem>> -> memref<1x96xi32, #tpu.memory_space<vmem>>
        %dma_wait3A_187 = tpu.memref_squeeze %dma_wait3A_186 : memref<1x96xi32, #tpu.memory_space<vmem>> -> memref<96xi32, #tpu.memory_space<vmem>>
        %dma_wait3A_188 = arith.constant 0 : i32
        %dma_wait3A_189 = arith.constant 0 : i32
        %dma_wait3A_190 = tpu.memref_slice %arg11[%dma_wait3A_188, %dma_wait3A_189] : memref<10240x128xf32, #tpu.memory_space<vmem_shared>> -> memref<10240x128xf32, #tpu.memory_space<vmem_shared>>
        tpu.wait_indirect_dma semaphore(%arg15 : memref<!tpu.dma_semaphore, #tpu.memory_space<semaphore_mem>>) src(%arg8 : memref<96x128xf32, #tpu.memory_space<vmem>>) dst(%dma_wait3A_190 : memref<10240x128xf32, #tpu.memory_space<vmem_shared>>)
        %add3A_191 = arith.constant 3 : i32
        %add3A_192 = arith.addi %add3A_125, %add3A_191 : i32
        %dma_start3A_193 = arith.constant 0 : i32
        %dma_start3A_194 = tpu.memref_slice %arg6[%add3A_192, %dma_start3A_193] : memref<54x96xi32, #tpu.memory_space<vmem>> -> memref<1x96xi32, #tpu.memory_space<vmem>>
        %dma_start3A_195 = tpu.memref_squeeze %dma_start3A_194 : memref<1x96xi32, #tpu.memory_space<vmem>> -> memref<96xi32, #tpu.memory_space<vmem>>
        %dma_start3A_196 = arith.constant 0 : i32
        %dma_start3A_197 = arith.constant 0 : i32
        %dma_start3A_198 = tpu.memref_slice %arg4[%dma_start3A_196, %dma_start3A_197] : memref<10000x128xf32, #tpu.memory_space<hbm>> -> memref<10000x128xf32, #tpu.memory_space<hbm>>
        tpu.enqueue_indirect_dma source(%dma_start3A_198 : memref<10000x128xf32, #tpu.memory_space<hbm>>) target(%arg8 : memref<96x128xf32, #tpu.memory_space<vmem>>) offsets(%dma_start3A_195 : memref<96xi32, #tpu.memory_space<vmem>>) semaphore(%arg12 : memref<!tpu.dma_semaphore, #tpu.memory_space<semaphore_mem>>)
      } else {
      }
      %mul3A_143 = arith.constant 3 : i32
      %mul3A_144 = arith.muli %mul3A_143, %scan3A_121 : i32
      %add3A_145 = arith.constant 1 : i32
      %add3A_146 = arith.addi %mul3A_144, %add3A_145 : i32
      %dma_wait3A_147 = arith.constant 0 : i32
      %dma_wait3A_148 = tpu.memref_slice %arg6[%add3A_146, %dma_wait3A_147] : memref<54x96xi32, #tpu.memory_space<vmem>> -> memref<1x96xi32, #tpu.memory_space<vmem>>
      %dma_wait3A_149 = tpu.memref_squeeze %dma_wait3A_148 : memref<1x96xi32, #tpu.memory_space<vmem>> -> memref<96xi32, #tpu.memory_space<vmem>>
      %dma_wait3A_150 = arith.constant 0 : i32
      %dma_wait3A_151 = arith.constant 0 : i32
      %dma_wait3A_152 = tpu.memref_slice %arg4[%dma_wait3A_150, %dma_wait3A_151] : memref<10000x128xf32, #tpu.memory_space<hbm>> -> memref<10000x128xf32, #tpu.memory_space<hbm>>
      tpu.wait_indirect_dma semaphore(%arg13 : memref<!tpu.dma_semaphore, #tpu.memory_space<semaphore_mem>>) src(%dma_wait3A_152 : memref<10000x128xf32, #tpu.memory_space<hbm>>) dst(%arg9 : memref<96x128xf32, #tpu.memory_space<vmem>>)
      %dma_start3A_153 = arith.constant 0 : i32
      %dma_start3A_154 = tpu.memref_slice %arg7[%add3A_146, %dma_start3A_153] : memref<54x96xi32, #tpu.memory_space<vmem>> -> memref<1x96xi32, #tpu.memory_space<vmem>>
      %dma_start3A_155 = tpu.memref_squeeze %dma_start3A_154 : memref<1x96xi32, #tpu.memory_space<vmem>> -> memref<96xi32, #tpu.memory_space<vmem>>
      %dma_start3A_156 = arith.constant 0 : i32
      %dma_start3A_157 = arith.constant 0 : i32
      %dma_start3A_158 = tpu.memref_slice %arg11[%dma_start3A_156, %dma_start3A_157] : memref<10240x128xf32, #tpu.memory_space<vmem_shared>> -> memref<10240x128xf32, #tpu.memory_space<vmem_shared>>
      tpu.enqueue_indirect_dma source(%arg9 : memref<96x128xf32, #tpu.memory_space<vmem>>) target(%dma_start3A_158 : memref<10240x128xf32, #tpu.memory_space<vmem_shared>>) offsets(%dma_start3A_155 : memref<96xi32, #tpu.memory_space<vmem>>) semaphore(%arg16 : memref<!tpu.dma_semaphore, #tpu.memory_space<semaphore_mem>>) {add = true}
      %lt3A_159 = arith.constant 17 : i32
      %lt3A_160 = arith.cmpi slt, %scan3A_121, %lt3A_159 : i32
      %convert_element_type3A_161 = arith.extui %lt3A_160 : i1 to i32
      %cond3A_162 = arith.constant 0 : i32
      %cond3A_163 = arith.cmpi ne, %convert_element_type3A_161, %cond3A_162 : i32
      scf.if %cond3A_163 {
        %dma_wait3A_185 = arith.constant 0 : i32
        %dma_wait3A_186 = tpu.memref_slice %arg7[%add3A_146, %dma_wait3A_185] : memref<54x96xi32, #tpu.memory_space<vmem>> -> memref<1x96xi32, #tpu.memory_space<vmem>>
        %dma_wait3A_187 = tpu.memref_squeeze %dma_wait3A_186 : memref<1x96xi32, #tpu.memory_space<vmem>> -> memref<96xi32, #tpu.memory_space<vmem>>
        %dma_wait3A_188 = arith.constant 0 : i32
        %dma_wait3A_189 = arith.constant 0 : i32
        %dma_wait3A_190 = tpu.memref_slice %arg11[%dma_wait3A_188, %dma_wait3A_189] : memref<10240x128xf32, #tpu.memory_space<vmem_shared>> -> memref<10240x128xf32, #tpu.memory_space<vmem_shared>>
        tpu.wait_indirect_dma semaphore(%arg16 : memref<!tpu.dma_semaphore, #tpu.memory_space<semaphore_mem>>) src(%arg9 : memref<96x128xf32, #tpu.memory_space<vmem>>) dst(%dma_wait3A_190 : memref<10240x128xf32, #tpu.memory_space<vmem_shared>>)
        %add3A_191 = arith.constant 3 : i32
        %add3A_192 = arith.addi %add3A_146, %add3A_191 : i32
        %dma_start3A_193 = arith.constant 0 : i32
        %dma_start3A_194 = tpu.memref_slice %arg6[%add3A_192, %dma_start3A_193] : memref<54x96xi32, #tpu.memory_space<vmem>> -> memref<1x96xi32, #tpu.memory_space<vmem>>
        %dma_start3A_195 = tpu.memref_squeeze %dma_start3A_194 : memref<1x96xi32, #tpu.memory_space<vmem>> -> memref<96xi32, #tpu.memory_space<vmem>>
        %dma_start3A_196 = arith.constant 0 : i32
        %dma_start3A_197 = arith.constant 0 : i32
        %dma_start3A_198 = tpu.memref_slice %arg4[%dma_start3A_196, %dma_start3A_197] : memref<10000x128xf32, #tpu.memory_space<hbm>> -> memref<10000x128xf32, #tpu.memory_space<hbm>>
        tpu.enqueue_indirect_dma source(%dma_start3A_198 : memref<10000x128xf32, #tpu.memory_space<hbm>>) target(%arg9 : memref<96x128xf32, #tpu.memory_space<vmem>>) offsets(%dma_start3A_195 : memref<96xi32, #tpu.memory_space<vmem>>) semaphore(%arg13 : memref<!tpu.dma_semaphore, #tpu.memory_space<semaphore_mem>>)
      } else {
      }
      %mul3A_164 = arith.constant 3 : i32
      %mul3A_165 = arith.muli %mul3A_164, %scan3A_121 : i32
      %add3A_166 = arith.constant 2 : i32
      %add3A_167 = arith.addi %mul3A_165, %add3A_166 : i32
      %dma_wait3A_168 = arith.constant 0 : i32
      %dma_wait3A_169 = tpu.memref_slice %arg6[%add3A_167, %dma_wait3A_168] : memref<54x96xi32, #tpu.memory_space<vmem>> -> memref<1x96xi32, #tpu.memory_space<vmem>>
      %dma_wait3A_170 = tpu.memref_squeeze %dma_wait3A_169 : memref<1x96xi32, #tpu.memory_space<vmem>> -> memref<96xi32, #tpu.memory_space<vmem>>
      %dma_wait3A_171 = arith.constant 0 : i32
      %dma_wait3A_172 = arith.constant 0 : i32
      %dma_wait3A_173 = tpu.memref_slice %arg4[%dma_wait3A_171, %dma_wait3A_172] : memref<10000x128xf32, #tpu.memory_space<hbm>> -> memref<10000x128xf32, #tpu.memory_space<hbm>>
      tpu.wait_indirect_dma semaphore(%arg14 : memref<!tpu.dma_semaphore, #tpu.memory_space<semaphore_mem>>) src(%dma_wait3A_173 : memref<10000x128xf32, #tpu.memory_space<hbm>>) dst(%arg10 : memref<96x128xf32, #tpu.memory_space<vmem>>)
      %dma_start3A_174 = arith.constant 0 : i32
      %dma_start3A_175 = tpu.memref_slice %arg7[%add3A_167, %dma_start3A_174] : memref<54x96xi32, #tpu.memory_space<vmem>> -> memref<1x96xi32, #tpu.memory_space<vmem>>
      %dma_start3A_176 = tpu.memref_squeeze %dma_start3A_175 : memref<1x96xi32, #tpu.memory_space<vmem>> -> memref<96xi32, #tpu.memory_space<vmem>>
      %dma_start3A_177 = arith.constant 0 : i32
      %dma_start3A_178 = arith.constant 0 : i32
      %dma_start3A_179 = tpu.memref_slice %arg11[%dma_start3A_177, %dma_start3A_178] : memref<10240x128xf32, #tpu.memory_space<vmem_shared>> -> memref<10240x128xf32, #tpu.memory_space<vmem_shared>>
      tpu.enqueue_indirect_dma source(%arg10 : memref<96x128xf32, #tpu.memory_space<vmem>>) target(%dma_start3A_179 : memref<10240x128xf32, #tpu.memory_space<vmem_shared>>) offsets(%dma_start3A_176 : memref<96xi32, #tpu.memory_space<vmem>>) semaphore(%arg17 : memref<!tpu.dma_semaphore, #tpu.memory_space<semaphore_mem>>) {add = true}
      %lt3A_180 = arith.constant 17 : i32
      %lt3A_181 = arith.cmpi slt, %scan3A_121, %lt3A_180 : i32
      %convert_element_type3A_182 = arith.extui %lt3A_181 : i1 to i32
      %cond3A_183 = arith.constant 0 : i32
      %cond3A_184 = arith.cmpi ne, %convert_element_type3A_182, %cond3A_183 : i32
      scf.if %cond3A_184 {
        %dma_wait3A_185 = arith.constant 0 : i32
        %dma_wait3A_186 = tpu.memref_slice %arg7[%add3A_167, %dma_wait3A_185] : memref<54x96xi32, #tpu.memory_space<vmem>> -> memref<1x96xi32, #tpu.memory_space<vmem>>
        %dma_wait3A_187 = tpu.memref_squeeze %dma_wait3A_186 : memref<1x96xi32, #tpu.memory_space<vmem>> -> memref<96xi32, #tpu.memory_space<vmem>>
        %dma_wait3A_188 = arith.constant 0 : i32
        %dma_wait3A_189 = arith.constant 0 : i32
        %dma_wait3A_190 = tpu.memref_slice %arg11[%dma_wait3A_188, %dma_wait3A_189] : memref<10240x128xf32, #tpu.memory_space<vmem_shared>> -> memref<10240x128xf32, #tpu.memory_space<vmem_shared>>
        tpu.wait_indirect_dma semaphore(%arg17 : memref<!tpu.dma_semaphore, #tpu.memory_space<semaphore_mem>>) src(%arg10 : memref<96x128xf32, #tpu.memory_space<vmem>>) dst(%dma_wait3A_190 : memref<10240x128xf32, #tpu.memory_space<vmem_shared>>)
        %add3A_191 = arith.constant 3 : i32
        %add3A_192 = arith.addi %add3A_167, %add3A_191 : i32
        %dma_start3A_193 = arith.constant 0 : i32
        %dma_start3A_194 = tpu.memref_slice %arg6[%add3A_192, %dma_start3A_193] : memref<54x96xi32, #tpu.memory_space<vmem>> -> memref<1x96xi32, #tpu.memory_space<vmem>>
        %dma_start3A_195 = tpu.memref_squeeze %dma_start3A_194 : memref<1x96xi32, #tpu.memory_space<vmem>> -> memref<96xi32, #tpu.memory_space<vmem>>
        %dma_start3A_196 = arith.constant 0 : i32
        %dma_start3A_197 = arith.constant 0 : i32
        %dma_start3A_198 = tpu.memref_slice %arg4[%dma_start3A_196, %dma_start3A_197] : memref<10000x128xf32, #tpu.memory_space<hbm>> -> memref<10000x128xf32, #tpu.memory_space<hbm>>
        tpu.enqueue_indirect_dma source(%dma_start3A_198 : memref<10000x128xf32, #tpu.memory_space<hbm>>) target(%arg10 : memref<96x128xf32, #tpu.memory_space<vmem>>) offsets(%dma_start3A_195 : memref<96xi32, #tpu.memory_space<vmem>>) semaphore(%arg14 : memref<!tpu.dma_semaphore, #tpu.memory_space<semaphore_mem>>)
      } else {
      }
    }
    %scan3A_41 = arith.constant 18 : i32
    %dma_wait3A = arith.constant 0 : i32
    %dma_wait3A_42 = arith.constant 0 : i32
    %dma_wait3A_43 = tpu.memref_slice %arg7[%dma_wait3A, %dma_wait3A_42] : memref<54x96xi32, #tpu.memory_space<vmem>> -> memref<1x96xi32, #tpu.memory_space<vmem>>
    %dma_wait3A_44 = tpu.memref_squeeze %dma_wait3A_43 : memref<1x96xi32, #tpu.memory_space<vmem>> -> memref<96xi32, #tpu.memory_space<vmem>>
    %dma_wait3A_45 = arith.constant 0 : i32
    %dma_wait3A_46 = arith.constant 0 : i32
    %dma_wait3A_47 = tpu.memref_slice %arg11[%dma_wait3A_45, %dma_wait3A_46] : memref<10240x128xf32, #tpu.memory_space<vmem_shared>> -> memref<10240x128xf32, #tpu.memory_space<vmem_shared>>
    tpu.wait_indirect_dma semaphore(%arg15 : memref<!tpu.dma_semaphore, #tpu.memory_space<semaphore_mem>>) src(%arg8 : memref<96x128xf32, #tpu.memory_space<vmem>>) dst(%dma_wait3A_47 : memref<10240x128xf32, #tpu.memory_space<vmem_shared>>)
    %dma_wait3A_48 = arith.constant 0 : i32
    %dma_wait3A_49 = arith.constant 0 : i32
    %dma_wait3A_50 = tpu.memref_slice %arg7[%dma_wait3A_48, %dma_wait3A_49] : memref<54x96xi32, #tpu.memory_space<vmem>> -> memref<1x96xi32, #tpu.memory_space<vmem>>
    %dma_wait3A_51 = tpu.memref_squeeze %dma_wait3A_50 : memref<1x96xi32, #tpu.memory_space<vmem>> -> memref<96xi32, #tpu.memory_space<vmem>>
    %dma_wait3A_52 = arith.constant 0 : i32
    %dma_wait3A_53 = arith.constant 0 : i32
    %dma_wait3A_54 = tpu.memref_slice %arg11[%dma_wait3A_52, %dma_wait3A_53] : memref<10240x128xf32, #tpu.memory_space<vmem_shared>> -> memref<10240x128xf32, #tpu.memory_space<vmem_shared>>
    tpu.wait_indirect_dma semaphore(%arg16 : memref<!tpu.dma_semaphore, #tpu.memory_space<semaphore_mem>>) src(%arg9 : memref<96x128xf32, #tpu.memory_space<vmem>>) dst(%dma_wait3A_54 : memref<10240x128xf32, #tpu.memory_space<vmem_shared>>)
    %dma_wait3A_55 = arith.constant 0 : i32
    %dma_wait3A_56 = arith.constant 0 : i32
    %dma_wait3A_57 = tpu.memref_slice %arg7[%dma_wait3A_55, %dma_wait3A_56] : memref<54x96xi32, #tpu.memory_space<vmem>> -> memref<1x96xi32, #tpu.memory_space<vmem>>
    %dma_wait3A_58 = tpu.memref_squeeze %dma_wait3A_57 : memref<1x96xi32, #tpu.memory_space<vmem>> -> memref<96xi32, #tpu.memory_space<vmem>>
    %dma_wait3A_59 = arith.constant 0 : i32
    %dma_wait3A_60 = arith.constant 0 : i32
    %dma_wait3A_61 = tpu.memref_slice %arg11[%dma_wait3A_59, %dma_wait3A_60] : memref<10240x128xf32, #tpu.memory_space<vmem_shared>> -> memref<10240x128xf32, #tpu.memory_space<vmem_shared>>
    tpu.wait_indirect_dma semaphore(%arg17 : memref<!tpu.dma_semaphore, #tpu.memory_space<semaphore_mem>>) src(%arg10 : memref<96x128xf32, #tpu.memory_space<vmem>>) dst(%dma_wait3A_61 : memref<10240x128xf32, #tpu.memory_space<vmem_shared>>)
    "tpu.region"() ({
      %run_scoped3A = tpu.sem_alloc : memref<!tpu.dma_semaphore, #tpu.memory_space<semaphore_mem>>
      %dma_start3A_121 = arith.constant 54 : i32
      %dma_start3A_122 = arith.constant 0 : i32
      %dma_start3A_123 = tpu.memref_slice %arg2[%add3A, %dma_start3A_121, %dma_start3A_122] : memref<32x108x96xi32, #tpu.memory_space<hbm>> -> memref<1x54x96xi32, #tpu.memory_space<hbm>>
      %dma_start3A_124 = tpu.memref_squeeze %dma_start3A_123 : memref<1x54x96xi32, #tpu.memory_space<hbm>> -> memref<54x96xi32, #tpu.memory_space<hbm>>
      %dma_start3A_125 = arith.constant 54 : i32
      %dma_start3A_126 = arith.constant 0 : i32
      %dma_start3A_127 = tpu.memref_slice %arg2[%add3A, %dma_start3A_125, %dma_start3A_126] : memref<32x108x96xi32, #tpu.memory_space<hbm>> -> memref<1x54x96xi32, #tpu.memory_space<hbm>>
      %dma_start3A_128 = tpu.memref_squeeze %dma_start3A_127 : memref<1x54x96xi32, #tpu.memory_space<hbm>> -> memref<54x96xi32, #tpu.memory_space<hbm>>
      tpu.enqueue_dma source(%dma_start3A_128 : memref<54x96xi32, #tpu.memory_space<hbm>>) target(%arg6 : memref<54x96xi32, #tpu.memory_space<vmem>>) target_semaphore(%run_scoped3A : memref<!tpu.dma_semaphore, #tpu.memory_space<semaphore_mem>>)
      %dma_wait3A_129 = arith.constant 54 : i32
      %dma_wait3A_130 = arith.constant 0 : i32
      %dma_wait3A_131 = tpu.memref_slice %arg2[%add3A, %dma_wait3A_129, %dma_wait3A_130] : memref<32x108x96xi32, #tpu.memory_space<hbm>> -> memref<1x54x96xi32, #tpu.memory_space<hbm>>
      %dma_wait3A_132 = tpu.memref_squeeze %dma_wait3A_131 : memref<1x54x96xi32, #tpu.memory_space<hbm>> -> memref<54x96xi32, #tpu.memory_space<hbm>>
      %dma_wait3A_133 = arith.constant 54 : i32
      %dma_wait3A_134 = arith.constant 0 : i32
      %dma_wait3A_135 = tpu.memref_slice %arg2[%add3A, %dma_wait3A_133, %dma_wait3A_134] : memref<32x108x96xi32, #tpu.memory_space<hbm>> -> memref<1x54x96xi32, #tpu.memory_space<hbm>>
      %dma_wait3A_136 = tpu.memref_squeeze %dma_wait3A_135 : memref<1x54x96xi32, #tpu.memory_space<hbm>> -> memref<54x96xi32, #tpu.memory_space<hbm>>
      tpu.wait_dma2 semaphore(%run_scoped3A : memref<!tpu.dma_semaphore, #tpu.memory_space<semaphore_mem>>) src(%dma_wait3A_136 : memref<54x96xi32, #tpu.memory_space<hbm>>) dst(%arg6 : memref<54x96xi32, #tpu.memory_space<vmem>>)
      tpu.yield
    }) : () -> ()
    "tpu.region"() ({
      %run_scoped3A = tpu.sem_alloc : memref<!tpu.dma_semaphore, #tpu.memory_space<semaphore_mem>>
      %dma_start3A_121 = arith.constant 54 : i32
      %dma_start3A_122 = arith.constant 0 : i32
      %dma_start3A_123 = tpu.memref_slice %arg3[%add3A, %dma_start3A_121, %dma_start3A_122] : memref<32x108x96xi32, #tpu.memory_space<hbm>> -> memref<1x54x96xi32, #tpu.memory_space<hbm>>
      %dma_start3A_124 = tpu.memref_squeeze %dma_start3A_123 : memref<1x54x96xi32, #tpu.memory_space<hbm>> -> memref<54x96xi32, #tpu.memory_space<hbm>>
      %dma_start3A_125 = arith.constant 54 : i32
      %dma_start3A_126 = arith.constant 0 : i32
      %dma_start3A_127 = tpu.memref_slice %arg3[%add3A, %dma_start3A_125, %dma_start3A_126] : memref<32x108x96xi32, #tpu.memory_space<hbm>> -> memref<1x54x96xi32, #tpu.memory_space<hbm>>
      %dma_start3A_128 = tpu.memref_squeeze %dma_start3A_127 : memref<1x54x96xi32, #tpu.memory_space<hbm>> -> memref<54x96xi32, #tpu.memory_space<hbm>>
      tpu.enqueue_dma source(%dma_start3A_128 : memref<54x96xi32, #tpu.memory_space<hbm>>) target(%arg7 : memref<54x96xi32, #tpu.memory_space<vmem>>) target_semaphore(%run_scoped3A : memref<!tpu.dma_semaphore, #tpu.memory_space<semaphore_mem>>)
      %dma_wait3A_129 = arith.constant 54 : i32
      %dma_wait3A_130 = arith.constant 0 : i32
      %dma_wait3A_131 = tpu.memref_slice %arg3[%add3A, %dma_wait3A_129, %dma_wait3A_130] : memref<32x108x96xi32, #tpu.memory_space<hbm>> -> memref<1x54x96xi32, #tpu.memory_space<hbm>>
      %dma_wait3A_132 = tpu.memref_squeeze %dma_wait3A_131 : memref<1x54x96xi32, #tpu.memory_space<hbm>> -> memref<54x96xi32, #tpu.memory_space<hbm>>
      %dma_wait3A_133 = arith.constant 54 : i32
      %dma_wait3A_134 = arith.constant 0 : i32
      %dma_wait3A_135 = tpu.memref_slice %arg3[%add3A, %dma_wait3A_133, %dma_wait3A_134] : memref<32x108x96xi32, #tpu.memory_space<hbm>> -> memref<1x54x96xi32, #tpu.memory_space<hbm>>
      %dma_wait3A_136 = tpu.memref_squeeze %dma_wait3A_135 : memref<1x54x96xi32, #tpu.memory_space<hbm>> -> memref<54x96xi32, #tpu.memory_space<hbm>>
      tpu.wait_dma2 semaphore(%run_scoped3A : memref<!tpu.dma_semaphore, #tpu.memory_space<semaphore_mem>>) src(%dma_wait3A_136 : memref<54x96xi32, #tpu.memory_space<hbm>>) dst(%arg7 : memref<54x96xi32, #tpu.memory_space<vmem>>)
      tpu.yield
    }) : () -> ()
    %dma_start3A_62 = arith.constant 0 : i32
    %dma_start3A_63 = arith.constant 0 : i32
    %dma_start3A_64 = tpu.memref_slice %arg6[%dma_start3A_62, %dma_start3A_63] : memref<54x96xi32, #tpu.memory_space<vmem>> -> memref<1x96xi32, #tpu.memory_space<vmem>>
    %dma_start3A_65 = tpu.memref_squeeze %dma_start3A_64 : memref<1x96xi32, #tpu.memory_space<vmem>> -> memref<96xi32, #tpu.memory_space<vmem>>
    %dma_start3A_66 = arith.constant 0 : i32
    %dma_start3A_67 = arith.constant 0 : i32
    %dma_start3A_68 = tpu.memref_slice %arg4[%dma_start3A_66, %dma_start3A_67] : memref<10000x128xf32, #tpu.memory_space<hbm>> -> memref<10000x128xf32, #tpu.memory_space<hbm>>
    tpu.enqueue_indirect_dma source(%dma_start3A_68 : memref<10000x128xf32, #tpu.memory_space<hbm>>) target(%arg8 : memref<96x128xf32, #tpu.memory_space<vmem>>) offsets(%dma_start3A_65 : memref<96xi32, #tpu.memory_space<vmem>>) semaphore(%arg12 : memref<!tpu.dma_semaphore, #tpu.memory_space<semaphore_mem>>)
    %dma_start3A_69 = arith.constant 1 : i32
    %dma_start3A_70 = arith.constant 0 : i32
    %dma_start3A_71 = tpu.memref_slice %arg6[%dma_start3A_69, %dma_start3A_70] : memref<54x96xi32, #tpu.memory_space<vmem>> -> memref<1x96xi32, #tpu.memory_space<vmem>>
    %dma_start3A_72 = tpu.memref_squeeze %dma_start3A_71 : memref<1x96xi32, #tpu.memory_space<vmem>> -> memref<96xi32, #tpu.memory_space<vmem>>
    %dma_start3A_73 = arith.constant 0 : i32
    %dma_start3A_74 = arith.constant 0 : i32
    %dma_start3A_75 = tpu.memref_slice %arg4[%dma_start3A_73, %dma_start3A_74] : memref<10000x128xf32, #tpu.memory_space<hbm>> -> memref<10000x128xf32, #tpu.memory_space<hbm>>
    tpu.enqueue_indirect_dma source(%dma_start3A_75 : memref<10000x128xf32, #tpu.memory_space<hbm>>) target(%arg9 : memref<96x128xf32, #tpu.memory_space<vmem>>) offsets(%dma_start3A_72 : memref<96xi32, #tpu.memory_space<vmem>>) semaphore(%arg13 : memref<!tpu.dma_semaphore, #tpu.memory_space<semaphore_mem>>)
    %dma_start3A_76 = arith.constant 2 : i32
    %dma_start3A_77 = arith.constant 0 : i32
    %dma_start3A_78 = tpu.memref_slice %arg6[%dma_start3A_76, %dma_start3A_77] : memref<54x96xi32, #tpu.memory_space<vmem>> -> memref<1x96xi32, #tpu.memory_space<vmem>>
    %dma_start3A_79 = tpu.memref_squeeze %dma_start3A_78 : memref<1x96xi32, #tpu.memory_space<vmem>> -> memref<96xi32, #tpu.memory_space<vmem>>
    %dma_start3A_80 = arith.constant 0 : i32
    %dma_start3A_81 = arith.constant 0 : i32
    %dma_start3A_82 = tpu.memref_slice %arg4[%dma_start3A_80, %dma_start3A_81] : memref<10000x128xf32, #tpu.memory_space<hbm>> -> memref<10000x128xf32, #tpu.memory_space<hbm>>
    tpu.enqueue_indirect_dma source(%dma_start3A_82 : memref<10000x128xf32, #tpu.memory_space<hbm>>) target(%arg10 : memref<96x128xf32, #tpu.memory_space<vmem>>) offsets(%dma_start3A_79 : memref<96xi32, #tpu.memory_space<vmem>>) semaphore(%arg14 : memref<!tpu.dma_semaphore, #tpu.memory_space<semaphore_mem>>)
    %scan3A_83 = arith.constant 0 : i32
    %scan3A_84 = arith.constant 0 : i32
    %scan3A_85 = arith.constant 18 : i32
    %scan3A_86 = arith.addi %scan3A_84, %scan3A_85 : i32
    %scan3A_87 = arith.constant 1 : i32
    scf.for %scan3A_121 = %scan3A_84 to %scan3A_86 step %scan3A_87  : i32 {
      %mul3A_122 = arith.constant 3 : i32
      %mul3A_123 = arith.muli %mul3A_122, %scan3A_121 : i32
      %add3A_124 = arith.constant 0 : i32
      %add3A_125 = arith.addi %mul3A_123, %add3A_124 : i32
      %dma_wait3A_126 = arith.constant 0 : i32
      %dma_wait3A_127 = tpu.memref_slice %arg6[%add3A_125, %dma_wait3A_126] : memref<54x96xi32, #tpu.memory_space<vmem>> -> memref<1x96xi32, #tpu.memory_space<vmem>>
      %dma_wait3A_128 = tpu.memref_squeeze %dma_wait3A_127 : memref<1x96xi32, #tpu.memory_space<vmem>> -> memref<96xi32, #tpu.memory_space<vmem>>
      %dma_wait3A_129 = arith.constant 0 : i32
      %dma_wait3A_130 = arith.constant 0 : i32
      %dma_wait3A_131 = tpu.memref_slice %arg4[%dma_wait3A_129, %dma_wait3A_130] : memref<10000x128xf32, #tpu.memory_space<hbm>> -> memref<10000x128xf32, #tpu.memory_space<hbm>>
      tpu.wait_indirect_dma semaphore(%arg12 : memref<!tpu.dma_semaphore, #tpu.memory_space<semaphore_mem>>) src(%dma_wait3A_131 : memref<10000x128xf32, #tpu.memory_space<hbm>>) dst(%arg8 : memref<96x128xf32, #tpu.memory_space<vmem>>)
      %dma_start3A_132 = arith.constant 0 : i32
      %dma_start3A_133 = tpu.memref_slice %arg7[%add3A_125, %dma_start3A_132] : memref<54x96xi32, #tpu.memory_space<vmem>> -> memref<1x96xi32, #tpu.memory_space<vmem>>
      %dma_start3A_134 = tpu.memref_squeeze %dma_start3A_133 : memref<1x96xi32, #tpu.memory_space<vmem>> -> memref<96xi32, #tpu.memory_space<vmem>>
      %dma_start3A_135 = arith.constant 0 : i32
      %dma_start3A_136 = arith.constant 0 : i32
      %dma_start3A_137 = tpu.memref_slice %arg11[%dma_start3A_135, %dma_start3A_136] : memref<10240x128xf32, #tpu.memory_space<vmem_shared>> -> memref<10240x128xf32, #tpu.memory_space<vmem_shared>>
      tpu.enqueue_indirect_dma source(%arg8 : memref<96x128xf32, #tpu.memory_space<vmem>>) target(%dma_start3A_137 : memref<10240x128xf32, #tpu.memory_space<vmem_shared>>) offsets(%dma_start3A_134 : memref<96xi32, #tpu.memory_space<vmem>>) semaphore(%arg15 : memref<!tpu.dma_semaphore, #tpu.memory_space<semaphore_mem>>) {add = true}
      %lt3A_138 = arith.constant 17 : i32
      %lt3A_139 = arith.cmpi slt, %scan3A_121, %lt3A_138 : i32
      %convert_element_type3A_140 = arith.extui %lt3A_139 : i1 to i32
      %cond3A_141 = arith.constant 0 : i32
      %cond3A_142 = arith.cmpi ne, %convert_element_type3A_140, %cond3A_141 : i32
      scf.if %cond3A_142 {
        %dma_wait3A_185 = arith.constant 0 : i32
        %dma_wait3A_186 = tpu.memref_slice %arg7[%add3A_125, %dma_wait3A_185] : memref<54x96xi32, #tpu.memory_space<vmem>> -> memref<1x96xi32, #tpu.memory_space<vmem>>
        %dma_wait3A_187 = tpu.memref_squeeze %dma_wait3A_186 : memref<1x96xi32, #tpu.memory_space<vmem>> -> memref<96xi32, #tpu.memory_space<vmem>>
        %dma_wait3A_188 = arith.constant 0 : i32
        %dma_wait3A_189 = arith.constant 0 : i32
        %dma_wait3A_190 = tpu.memref_slice %arg11[%dma_wait3A_188, %dma_wait3A_189] : memref<10240x128xf32, #tpu.memory_space<vmem_shared>> -> memref<10240x128xf32, #tpu.memory_space<vmem_shared>>
        tpu.wait_indirect_dma semaphore(%arg15 : memref<!tpu.dma_semaphore, #tpu.memory_space<semaphore_mem>>) src(%arg8 : memref<96x128xf32, #tpu.memory_space<vmem>>) dst(%dma_wait3A_190 : memref<10240x128xf32, #tpu.memory_space<vmem_shared>>)
        %add3A_191 = arith.constant 3 : i32
        %add3A_192 = arith.addi %add3A_125, %add3A_191 : i32
        %dma_start3A_193 = arith.constant 0 : i32
        %dma_start3A_194 = tpu.memref_slice %arg6[%add3A_192, %dma_start3A_193] : memref<54x96xi32, #tpu.memory_space<vmem>> -> memref<1x96xi32, #tpu.memory_space<vmem>>
        %dma_start3A_195 = tpu.memref_squeeze %dma_start3A_194 : memref<1x96xi32, #tpu.memory_space<vmem>> -> memref<96xi32, #tpu.memory_space<vmem>>
        %dma_start3A_196 = arith.constant 0 : i32
        %dma_start3A_197 = arith.constant 0 : i32
        %dma_start3A_198 = tpu.memref_slice %arg4[%dma_start3A_196, %dma_start3A_197] : memref<10000x128xf32, #tpu.memory_space<hbm>> -> memref<10000x128xf32, #tpu.memory_space<hbm>>
        tpu.enqueue_indirect_dma source(%dma_start3A_198 : memref<10000x128xf32, #tpu.memory_space<hbm>>) target(%arg8 : memref<96x128xf32, #tpu.memory_space<vmem>>) offsets(%dma_start3A_195 : memref<96xi32, #tpu.memory_space<vmem>>) semaphore(%arg12 : memref<!tpu.dma_semaphore, #tpu.memory_space<semaphore_mem>>)
      } else {
      }
      %mul3A_143 = arith.constant 3 : i32
      %mul3A_144 = arith.muli %mul3A_143, %scan3A_121 : i32
      %add3A_145 = arith.constant 1 : i32
      %add3A_146 = arith.addi %mul3A_144, %add3A_145 : i32
      %dma_wait3A_147 = arith.constant 0 : i32
      %dma_wait3A_148 = tpu.memref_slice %arg6[%add3A_146, %dma_wait3A_147] : memref<54x96xi32, #tpu.memory_space<vmem>> -> memref<1x96xi32, #tpu.memory_space<vmem>>
      %dma_wait3A_149 = tpu.memref_squeeze %dma_wait3A_148 : memref<1x96xi32, #tpu.memory_space<vmem>> -> memref<96xi32, #tpu.memory_space<vmem>>
      %dma_wait3A_150 = arith.constant 0 : i32
      %dma_wait3A_151 = arith.constant 0 : i32
      %dma_wait3A_152 = tpu.memref_slice %arg4[%dma_wait3A_150, %dma_wait3A_151] : memref<10000x128xf32, #tpu.memory_space<hbm>> -> memref<10000x128xf32, #tpu.memory_space<hbm>>
      tpu.wait_indirect_dma semaphore(%arg13 : memref<!tpu.dma_semaphore, #tpu.memory_space<semaphore_mem>>) src(%dma_wait3A_152 : memref<10000x128xf32, #tpu.memory_space<hbm>>) dst(%arg9 : memref<96x128xf32, #tpu.memory_space<vmem>>)
      %dma_start3A_153 = arith.constant 0 : i32
      %dma_start3A_154 = tpu.memref_slice %arg7[%add3A_146, %dma_start3A_153] : memref<54x96xi32, #tpu.memory_space<vmem>> -> memref<1x96xi32, #tpu.memory_space<vmem>>
      %dma_start3A_155 = tpu.memref_squeeze %dma_start3A_154 : memref<1x96xi32, #tpu.memory_space<vmem>> -> memref<96xi32, #tpu.memory_space<vmem>>
      %dma_start3A_156 = arith.constant 0 : i32
      %dma_start3A_157 = arith.constant 0 : i32
      %dma_start3A_158 = tpu.memref_slice %arg11[%dma_start3A_156, %dma_start3A_157] : memref<10240x128xf32, #tpu.memory_space<vmem_shared>> -> memref<10240x128xf32, #tpu.memory_space<vmem_shared>>
      tpu.enqueue_indirect_dma source(%arg9 : memref<96x128xf32, #tpu.memory_space<vmem>>) target(%dma_start3A_158 : memref<10240x128xf32, #tpu.memory_space<vmem_shared>>) offsets(%dma_start3A_155 : memref<96xi32, #tpu.memory_space<vmem>>) semaphore(%arg16 : memref<!tpu.dma_semaphore, #tpu.memory_space<semaphore_mem>>) {add = true}
      %lt3A_159 = arith.constant 17 : i32
      %lt3A_160 = arith.cmpi slt, %scan3A_121, %lt3A_159 : i32
      %convert_element_type3A_161 = arith.extui %lt3A_160 : i1 to i32
      %cond3A_162 = arith.constant 0 : i32
      %cond3A_163 = arith.cmpi ne, %convert_element_type3A_161, %cond3A_162 : i32
      scf.if %cond3A_163 {
        %dma_wait3A_185 = arith.constant 0 : i32
        %dma_wait3A_186 = tpu.memref_slice %arg7[%add3A_146, %dma_wait3A_185] : memref<54x96xi32, #tpu.memory_space<vmem>> -> memref<1x96xi32, #tpu.memory_space<vmem>>
        %dma_wait3A_187 = tpu.memref_squeeze %dma_wait3A_186 : memref<1x96xi32, #tpu.memory_space<vmem>> -> memref<96xi32, #tpu.memory_space<vmem>>
        %dma_wait3A_188 = arith.constant 0 : i32
        %dma_wait3A_189 = arith.constant 0 : i32
        %dma_wait3A_190 = tpu.memref_slice %arg11[%dma_wait3A_188, %dma_wait3A_189] : memref<10240x128xf32, #tpu.memory_space<vmem_shared>> -> memref<10240x128xf32, #tpu.memory_space<vmem_shared>>
        tpu.wait_indirect_dma semaphore(%arg16 : memref<!tpu.dma_semaphore, #tpu.memory_space<semaphore_mem>>) src(%arg9 : memref<96x128xf32, #tpu.memory_space<vmem>>) dst(%dma_wait3A_190 : memref<10240x128xf32, #tpu.memory_space<vmem_shared>>)
        %add3A_191 = arith.constant 3 : i32
        %add3A_192 = arith.addi %add3A_146, %add3A_191 : i32
        %dma_start3A_193 = arith.constant 0 : i32
        %dma_start3A_194 = tpu.memref_slice %arg6[%add3A_192, %dma_start3A_193] : memref<54x96xi32, #tpu.memory_space<vmem>> -> memref<1x96xi32, #tpu.memory_space<vmem>>
        %dma_start3A_195 = tpu.memref_squeeze %dma_start3A_194 : memref<1x96xi32, #tpu.memory_space<vmem>> -> memref<96xi32, #tpu.memory_space<vmem>>
        %dma_start3A_196 = arith.constant 0 : i32
        %dma_start3A_197 = arith.constant 0 : i32
        %dma_start3A_198 = tpu.memref_slice %arg4[%dma_start3A_196, %dma_start3A_197] : memref<10000x128xf32, #tpu.memory_space<hbm>> -> memref<10000x128xf32, #tpu.memory_space<hbm>>
        tpu.enqueue_indirect_dma source(%dma_start3A_198 : memref<10000x128xf32, #tpu.memory_space<hbm>>) target(%arg9 : memref<96x128xf32, #tpu.memory_space<vmem>>) offsets(%dma_start3A_195 : memref<96xi32, #tpu.memory_space<vmem>>) semaphore(%arg13 : memref<!tpu.dma_semaphore, #tpu.memory_space<semaphore_mem>>)
      } else {
      }
      %mul3A_164 = arith.constant 3 : i32
      %mul3A_165 = arith.muli %mul3A_164, %scan3A_121 : i32
      %add3A_166 = arith.constant 2 : i32
      %add3A_167 = arith.addi %mul3A_165, %add3A_166 : i32
      %dma_wait3A_168 = arith.constant 0 : i32
      %dma_wait3A_169 = tpu.memref_slice %arg6[%add3A_167, %dma_wait3A_168] : memref<54x96xi32, #tpu.memory_space<vmem>> -> memref<1x96xi32, #tpu.memory_space<vmem>>
      %dma_wait3A_170 = tpu.memref_squeeze %dma_wait3A_169 : memref<1x96xi32, #tpu.memory_space<vmem>> -> memref<96xi32, #tpu.memory_space<vmem>>
      %dma_wait3A_171 = arith.constant 0 : i32
      %dma_wait3A_172 = arith.constant 0 : i32
      %dma_wait3A_173 = tpu.memref_slice %arg4[%dma_wait3A_171, %dma_wait3A_172] : memref<10000x128xf32, #tpu.memory_space<hbm>> -> memref<10000x128xf32, #tpu.memory_space<hbm>>
      tpu.wait_indirect_dma semaphore(%arg14 : memref<!tpu.dma_semaphore, #tpu.memory_space<semaphore_mem>>) src(%dma_wait3A_173 : memref<10000x128xf32, #tpu.memory_space<hbm>>) dst(%arg10 : memref<96x128xf32, #tpu.memory_space<vmem>>)
      %dma_start3A_174 = arith.constant 0 : i32
      %dma_start3A_175 = tpu.memref_slice %arg7[%add3A_167, %dma_start3A_174] : memref<54x96xi32, #tpu.memory_space<vmem>> -> memref<1x96xi32, #tpu.memory_space<vmem>>
      %dma_start3A_176 = tpu.memref_squeeze %dma_start3A_175 : memref<1x96xi32, #tpu.memory_space<vmem>> -> memref<96xi32, #tpu.memory_space<vmem>>
      %dma_start3A_177 = arith.constant 0 : i32
      %dma_start3A_178 = arith.constant 0 : i32
      %dma_start3A_179 = tpu.memref_slice %arg11[%dma_start3A_177, %dma_start3A_178] : memref<10240x128xf32, #tpu.memory_space<vmem_shared>> -> memref<10240x128xf32, #tpu.memory_space<vmem_shared>>
      tpu.enqueue_indirect_dma source(%arg10 : memref<96x128xf32, #tpu.memory_space<vmem>>) target(%dma_start3A_179 : memref<10240x128xf32, #tpu.memory_space<vmem_shared>>) offsets(%dma_start3A_176 : memref<96xi32, #tpu.memory_space<vmem>>) semaphore(%arg17 : memref<!tpu.dma_semaphore, #tpu.memory_space<semaphore_mem>>) {add = true}
      %lt3A_180 = arith.constant 17 : i32
      %lt3A_181 = arith.cmpi slt, %scan3A_121, %lt3A_180 : i32
      %convert_element_type3A_182 = arith.extui %lt3A_181 : i1 to i32
      %cond3A_183 = arith.constant 0 : i32
      %cond3A_184 = arith.cmpi ne, %convert_element_type3A_182, %cond3A_183 : i32
      scf.if %cond3A_184 {
        %dma_wait3A_185 = arith.constant 0 : i32
        %dma_wait3A_186 = tpu.memref_slice %arg7[%add3A_167, %dma_wait3A_185] : memref<54x96xi32, #tpu.memory_space<vmem>> -> memref<1x96xi32, #tpu.memory_space<vmem>>
        %dma_wait3A_187 = tpu.memref_squeeze %dma_wait3A_186 : memref<1x96xi32, #tpu.memory_space<vmem>> -> memref<96xi32, #tpu.memory_space<vmem>>
        %dma_wait3A_188 = arith.constant 0 : i32
        %dma_wait3A_189 = arith.constant 0 : i32
        %dma_wait3A_190 = tpu.memref_slice %arg11[%dma_wait3A_188, %dma_wait3A_189] : memref<10240x128xf32, #tpu.memory_space<vmem_shared>> -> memref<10240x128xf32, #tpu.memory_space<vmem_shared>>
        tpu.wait_indirect_dma semaphore(%arg17 : memref<!tpu.dma_semaphore, #tpu.memory_space<semaphore_mem>>) src(%arg10 : memref<96x128xf32, #tpu.memory_space<vmem>>) dst(%dma_wait3A_190 : memref<10240x128xf32, #tpu.memory_space<vmem_shared>>)
        %add3A_191 = arith.constant 3 : i32
        %add3A_192 = arith.addi %add3A_167, %add3A_191 : i32
        %dma_start3A_193 = arith.constant 0 : i32
        %dma_start3A_194 = tpu.memref_slice %arg6[%add3A_192, %dma_start3A_193] : memref<54x96xi32, #tpu.memory_space<vmem>> -> memref<1x96xi32, #tpu.memory_space<vmem>>
        %dma_start3A_195 = tpu.memref_squeeze %dma_start3A_194 : memref<1x96xi32, #tpu.memory_space<vmem>> -> memref<96xi32, #tpu.memory_space<vmem>>
        %dma_start3A_196 = arith.constant 0 : i32
        %dma_start3A_197 = arith.constant 0 : i32
        %dma_start3A_198 = tpu.memref_slice %arg4[%dma_start3A_196, %dma_start3A_197] : memref<10000x128xf32, #tpu.memory_space<hbm>> -> memref<10000x128xf32, #tpu.memory_space<hbm>>
        tpu.enqueue_indirect_dma source(%dma_start3A_198 : memref<10000x128xf32, #tpu.memory_space<hbm>>) target(%arg10 : memref<96x128xf32, #tpu.memory_space<vmem>>) offsets(%dma_start3A_195 : memref<96xi32, #tpu.memory_space<vmem>>) semaphore(%arg14 : memref<!tpu.dma_semaphore, #tpu.memory_space<semaphore_mem>>)
      } else {
      }
    }
    %scan3A_88 = arith.constant 18 : i32
    %dma_wait3A_89 = arith.constant 0 : i32
    %dma_wait3A_90 = arith.constant 0 : i32
    %dma_wait3A_91 = tpu.memref_slice %arg7[%dma_wait3A_89, %dma_wait3A_90] : memref<54x96xi32, #tpu.memory_space<vmem>> -> memref<1x96xi32, #tpu.memory_space<vmem>>
    %dma_wait3A_92 = tpu.memref_squeeze %dma_wait3A_91 : memref<1x96xi32, #tpu.memory_space<vmem>> -> memref<96xi32, #tpu.memory_space<vmem>>
    %dma_wait3A_93 = arith.constant 0 : i32
    %dma_wait3A_94 = arith.constant 0 : i32
    %dma_wait3A_95 = tpu.memref_slice %arg11[%dma_wait3A_93, %dma_wait3A_94] : memref<10240x128xf32, #tpu.memory_space<vmem_shared>> -> memref<10240x128xf32, #tpu.memory_space<vmem_shared>>
    tpu.wait_indirect_dma semaphore(%arg15 : memref<!tpu.dma_semaphore, #tpu.memory_space<semaphore_mem>>) src(%arg8 : memref<96x128xf32, #tpu.memory_space<vmem>>) dst(%dma_wait3A_95 : memref<10240x128xf32, #tpu.memory_space<vmem_shared>>)
    %dma_wait3A_96 = arith.constant 0 : i32
    %dma_wait3A_97 = arith.constant 0 : i32
    %dma_wait3A_98 = tpu.memref_slice %arg7[%dma_wait3A_96, %dma_wait3A_97] : memref<54x96xi32, #tpu.memory_space<vmem>> -> memref<1x96xi32, #tpu.memory_space<vmem>>
    %dma_wait3A_99 = tpu.memref_squeeze %dma_wait3A_98 : memref<1x96xi32, #tpu.memory_space<vmem>> -> memref<96xi32, #tpu.memory_space<vmem>>
    %dma_wait3A_100 = arith.constant 0 : i32
    %dma_wait3A_101 = arith.constant 0 : i32
    %dma_wait3A_102 = tpu.memref_slice %arg11[%dma_wait3A_100, %dma_wait3A_101] : memref<10240x128xf32, #tpu.memory_space<vmem_shared>> -> memref<10240x128xf32, #tpu.memory_space<vmem_shared>>
    tpu.wait_indirect_dma semaphore(%arg16 : memref<!tpu.dma_semaphore, #tpu.memory_space<semaphore_mem>>) src(%arg9 : memref<96x128xf32, #tpu.memory_space<vmem>>) dst(%dma_wait3A_102 : memref<10240x128xf32, #tpu.memory_space<vmem_shared>>)
    %dma_wait3A_103 = arith.constant 0 : i32
    %dma_wait3A_104 = arith.constant 0 : i32
    %dma_wait3A_105 = tpu.memref_slice %arg7[%dma_wait3A_103, %dma_wait3A_104] : memref<54x96xi32, #tpu.memory_space<vmem>> -> memref<1x96xi32, #tpu.memory_space<vmem>>
    %dma_wait3A_106 = tpu.memref_squeeze %dma_wait3A_105 : memref<1x96xi32, #tpu.memory_space<vmem>> -> memref<96xi32, #tpu.memory_space<vmem>>
    %dma_wait3A_107 = arith.constant 0 : i32
    %dma_wait3A_108 = arith.constant 0 : i32
    %dma_wait3A_109 = tpu.memref_slice %arg11[%dma_wait3A_107, %dma_wait3A_108] : memref<10240x128xf32, #tpu.memory_space<vmem_shared>> -> memref<10240x128xf32, #tpu.memory_space<vmem_shared>>
    tpu.wait_indirect_dma semaphore(%arg17 : memref<!tpu.dma_semaphore, #tpu.memory_space<semaphore_mem>>) src(%arg10 : memref<96x128xf32, #tpu.memory_space<vmem>>) dst(%dma_wait3A_109 : memref<10240x128xf32, #tpu.memory_space<vmem_shared>>)
    %barrier3A_110 = arith.constant 0 : index
    tpu.barrier barrier_id(%barrier3A_110)
    %lt3A_111 = arith.constant 15 : i32
    %lt3A_112 = arith.cmpi slt, %arg1, %lt3A_111 : i32
    %convert_element_type3A_113 = arith.extui %lt3A_112 : i1 to i32
    %cond3A_114 = arith.constant 0 : i32
    %cond3A_115 = arith.cmpi ne, %convert_element_type3A_113, %cond3A_114 : i32
    scf.if %cond3A_115 {
      %mul3A_121 = arith.constant 640 : i32
      %mul3A_122 = arith.muli %arg1, %mul3A_121 : i32
      %mul3A_123 = arith.constant 640 : i32
      %mul3A_124 = arith.muli %arg1, %mul3A_123 : i32
      "tpu.region"() ({
        %run_scoped3A = tpu.sem_alloc : memref<!tpu.dma_semaphore, #tpu.memory_space<semaphore_mem>>
        %dma_start3A_125 = arith.constant 0 : i32
        %dma_start3A_126 = tpu.memref_slice %arg5[%arg0, %mul3A_124, %dma_start3A_125] : memref<2x10240x128xf32, #tpu.memory_space<hbm>> -> memref<1x640x128xf32, #tpu.memory_space<hbm>>
        %dma_start3A_127 = tpu.memref_squeeze %dma_start3A_126 : memref<1x640x128xf32, #tpu.memory_space<hbm>> -> memref<640x128xf32, #tpu.memory_space<hbm>>
        %dma_start3A_128 = arith.constant 0 : i32
        %dma_start3A_129 = tpu.memref_slice %arg11[%mul3A_122, %dma_start3A_128] : memref<10240x128xf32, #tpu.memory_space<vmem_shared>> -> memref<640x128xf32, #tpu.memory_space<vmem_shared>>
        tpu.enqueue_dma source(%dma_start3A_129 : memref<640x128xf32, #tpu.memory_space<vmem_shared>>) target(%dma_start3A_127 : memref<640x128xf32, #tpu.memory_space<hbm>>) target_semaphore(%run_scoped3A : memref<!tpu.dma_semaphore, #tpu.memory_space<semaphore_mem>>)
        %dma_wait3A_130 = arith.constant 0 : i32
        %dma_wait3A_131 = tpu.memref_slice %arg5[%arg0, %mul3A_124, %dma_wait3A_130] : memref<2x10240x128xf32, #tpu.memory_space<hbm>> -> memref<1x640x128xf32, #tpu.memory_space<hbm>>
        %dma_wait3A_132 = tpu.memref_squeeze %dma_wait3A_131 : memref<1x640x128xf32, #tpu.memory_space<hbm>> -> memref<640x128xf32, #tpu.memory_space<hbm>>
        %dma_wait3A_133 = arith.constant 0 : i32
        %dma_wait3A_134 = tpu.memref_slice %arg11[%mul3A_122, %dma_wait3A_133] : memref<10240x128xf32, #tpu.memory_space<vmem_shared>> -> memref<640x128xf32, #tpu.memory_space<vmem_shared>>
        tpu.wait_dma2 semaphore(%run_scoped3A : memref<!tpu.dma_semaphore, #tpu.memory_space<semaphore_mem>>) src(%dma_wait3A_134 : memref<640x128xf32, #tpu.memory_space<vmem_shared>>) dst(%dma_wait3A_132 : memref<640x128xf32, #tpu.memory_space<hbm>>)
        tpu.yield
      }) : () -> ()
    } else {
    }
    %eq3A_116 = arith.constant 15 : i32
    %eq3A_117 = arith.cmpi eq, %arg1, %eq3A_116 : i32
    %convert_element_type3A_118 = arith.extui %eq3A_117 : i1 to i32
    %cond3A_119 = arith.constant 0 : i32
    %cond3A_120 = arith.cmpi ne, %convert_element_type3A_118, %cond3A_119 : i32
    scf.if %cond3A_120 {
      "tpu.region"() ({
        %run_scoped3A = tpu.sem_alloc : memref<!tpu.dma_semaphore, #tpu.memory_space<semaphore_mem>>
        %dma_start3A_121 = arith.constant 9600 : i32
        %dma_start3A_122 = arith.constant 0 : i32
        %dma_start3A_123 = tpu.memref_slice %arg5[%arg0, %dma_start3A_121, %dma_start3A_122] : memref<2x10240x128xf32, #tpu.memory_space<hbm>> -> memref<1x400x128xf32, #tpu.memory_space<hbm>>
        %dma_start3A_124 = tpu.memref_squeeze %dma_start3A_123 : memref<1x400x128xf32, #tpu.memory_space<hbm>> -> memref<400x128xf32, #tpu.memory_space<hbm>>
        %dma_start3A_125 = arith.constant 9600 : i32
        %dma_start3A_126 = arith.constant 0 : i32
        %dma_start3A_127 = tpu.memref_slice %arg11[%dma_start3A_125, %dma_start3A_126] : memref<10240x128xf32, #tpu.memory_space<vmem_shared>> -> memref<400x128xf32, #tpu.memory_space<vmem_shared>>
        tpu.enqueue_dma source(%dma_start3A_127 : memref<400x128xf32, #tpu.memory_space<vmem_shared>>) target(%dma_start3A_124 : memref<400x128xf32, #tpu.memory_space<hbm>>) target_semaphore(%run_scoped3A : memref<!tpu.dma_semaphore, #tpu.memory_space<semaphore_mem>>)
        %dma_wait3A_128 = arith.constant 9600 : i32
        %dma_wait3A_129 = arith.constant 0 : i32
        %dma_wait3A_130 = tpu.memref_slice %arg5[%arg0, %dma_wait3A_128, %dma_wait3A_129] : memref<2x10240x128xf32, #tpu.memory_space<hbm>> -> memref<1x400x128xf32, #tpu.memory_space<hbm>>
        %dma_wait3A_131 = tpu.memref_squeeze %dma_wait3A_130 : memref<1x400x128xf32, #tpu.memory_space<hbm>> -> memref<400x128xf32, #tpu.memory_space<hbm>>
        %dma_wait3A_132 = arith.constant 9600 : i32
        %dma_wait3A_133 = arith.constant 0 : i32
        %dma_wait3A_134 = tpu.memref_slice %arg11[%dma_wait3A_132, %dma_wait3A_133] : memref<10240x128xf32, #tpu.memory_space<vmem_shared>> -> memref<400x128xf32, #tpu.memory_space<vmem_shared>>
        tpu.wait_dma2 semaphore(%run_scoped3A : memref<!tpu.dma_semaphore, #tpu.memory_space<semaphore_mem>>) src(%dma_wait3A_134 : memref<400x128xf32, #tpu.memory_space<vmem_shared>>) dst(%dma_wait3A_131 : memref<400x128xf32, #tpu.memory_space<hbm>>)
        tpu.yield
      }) : () -> ()
    } else {
    }
    return
  }
}

#map = affine_map<(d0, d1) -> (0, 0, 0)>
#map1 = affine_map<(d0, d1) -> (0, 0)>
module attributes {stable_mosaic.version = 14 : i64} {
  func.func @agg(%arg0: i32, %arg1: i32, %arg2: memref<32x80x128xi32, #tpu.memory_space<hbm>>, %arg3: memref<32x80x128xi32, #tpu.memory_space<hbm>>, %arg4: memref<10000x32xf32, #tpu.memory_space<hbm>>, %arg5: memref<2x10240x32xf32, #tpu.memory_space<hbm>>, %arg6: memref<80x128xi32, #tpu.memory_space<vmem>>, %arg7: memref<80x128xi32, #tpu.memory_space<vmem>>, %arg8: memref<128x32xf32, #tpu.memory_space<vmem>>, %arg9: memref<128x32xf32, #tpu.memory_space<vmem>>, %arg10: memref<128x32xf32, #tpu.memory_space<vmem>>, %arg11: memref<128x32xf32, #tpu.memory_space<vmem>>, %arg12: memref<128x32xf32, #tpu.memory_space<vmem>>, %arg13: memref<128x32xf32, #tpu.memory_space<vmem>>, %arg14: memref<128x32xf32, #tpu.memory_space<vmem>>, %arg15: memref<128x32xf32, #tpu.memory_space<vmem>>, %arg16: memref<10240x32xf32, #tpu.memory_space<vmem_shared>>, %arg17: memref<!tpu.dma_semaphore, #tpu.memory_space<semaphore_mem>>, %arg18: memref<!tpu.dma_semaphore, #tpu.memory_space<semaphore_mem>>, %arg19: memref<!tpu.dma_semaphore, #tpu.memory_space<semaphore_mem>>, %arg20: memref<!tpu.dma_semaphore, #tpu.memory_space<semaphore_mem>>, %arg21: memref<!tpu.dma_semaphore, #tpu.memory_space<semaphore_mem>>, %arg22: memref<!tpu.dma_semaphore, #tpu.memory_space<semaphore_mem>>, %arg23: memref<!tpu.dma_semaphore, #tpu.memory_space<semaphore_mem>>, %arg24: memref<!tpu.dma_semaphore, #tpu.memory_space<semaphore_mem>>, %arg25: memref<!tpu.dma_semaphore, #tpu.memory_space<semaphore_mem>>, %arg26: memref<!tpu.dma_semaphore, #tpu.memory_space<semaphore_mem>>, %arg27: memref<!tpu.dma_semaphore, #tpu.memory_space<semaphore_mem>>, %arg28: memref<!tpu.dma_semaphore, #tpu.memory_space<semaphore_mem>>, %arg29: memref<!tpu.dma_semaphore, #tpu.memory_space<semaphore_mem>>, %arg30: memref<!tpu.dma_semaphore, #tpu.memory_space<semaphore_mem>>, %arg31: memref<!tpu.dma_semaphore, #tpu.memory_space<semaphore_mem>>, %arg32: memref<!tpu.dma_semaphore, #tpu.memory_space<semaphore_mem>>, %arg33: memref<!tpu.dma_semaphore, #tpu.memory_space<semaphore_mem>>) attributes {dimension_semantics = [#tpu.dimension_semantics<core_parallel>, #tpu.dimension_semantics<subcore_parallel>], iteration_bounds = array<i64: 2, 16>, scalar_prefetch = 0 : i64, scratch_operands = 28 : i64, tpu.core_type = #tpu.core_type<sc_vector_subcore>, window_params = [{transform_indices = #map}, {transform_indices = #map}, {transform_indices = #map1}, {transform_indices = #map}]} {
    %mul3A = arith.constant 2 : i32
    %mul3A_0 = arith.muli %arg1, %mul3A : i32
    %add3A = arith.addi %mul3A_0, %arg0 : i32
    %lt3A = arith.constant 15 : i32
    %lt3A_1 = arith.cmpi slt, %arg1, %lt3A : i32
    %convert_element_type3A = arith.extui %lt3A_1 : i1 to i32
    %cond3A = arith.constant 0 : i32
    %cond3A_2 = arith.cmpi ne, %convert_element_type3A, %cond3A : i32
    scf.if %cond3A_2 {
      %mul3A_143 = arith.constant 640 : i32
      %mul3A_144 = arith.muli %arg1, %mul3A_143 : i32
      %mul3A_145 = arith.constant 640 : i32
      %mul3A_146 = arith.muli %arg1, %mul3A_145 : i32
      %dma_start3A_147 = arith.constant 0 : i32
      %dma_start3A_148 = tpu.memref_slice %arg16[%mul3A_146, %dma_start3A_147] : memref<10240x32xf32, #tpu.memory_space<vmem_shared>> -> memref<640x32xf32, #tpu.memory_space<vmem_shared>>
      %dma_start3A_149 = arith.constant 0 : i32
      %dma_start3A_150 = tpu.memref_slice %arg4[%mul3A_144, %dma_start3A_149] : memref<10000x32xf32, #tpu.memory_space<hbm>> -> memref<640x32xf32, #tpu.memory_space<hbm>>
      tpu.enqueue_dma source(%dma_start3A_150 : memref<640x32xf32, #tpu.memory_space<hbm>>) target(%dma_start3A_148 : memref<640x32xf32, #tpu.memory_space<vmem_shared>>) target_semaphore(%arg33 : memref<!tpu.dma_semaphore, #tpu.memory_space<semaphore_mem>>)
    } else {
    }
    %eq3A = arith.constant 15 : i32
    %eq3A_3 = arith.cmpi eq, %arg1, %eq3A : i32
    %convert_element_type3A_4 = arith.extui %eq3A_3 : i1 to i32
    %cond3A_5 = arith.constant 0 : i32
    %cond3A_6 = arith.cmpi ne, %convert_element_type3A_4, %cond3A_5 : i32
    scf.if %cond3A_6 {
      %dma_start3A_143 = arith.constant 9600 : i32
      %dma_start3A_144 = arith.constant 0 : i32
      %dma_start3A_145 = tpu.memref_slice %arg16[%dma_start3A_143, %dma_start3A_144] : memref<10240x32xf32, #tpu.memory_space<vmem_shared>> -> memref<400x32xf32, #tpu.memory_space<vmem_shared>>
      %dma_start3A_146 = arith.constant 9600 : i32
      %dma_start3A_147 = arith.constant 0 : i32
      %dma_start3A_148 = tpu.memref_slice %arg4[%dma_start3A_146, %dma_start3A_147] : memref<10000x32xf32, #tpu.memory_space<hbm>> -> memref<400x32xf32, #tpu.memory_space<hbm>>
      tpu.enqueue_dma source(%dma_start3A_148 : memref<400x32xf32, #tpu.memory_space<hbm>>) target(%dma_start3A_145 : memref<400x32xf32, #tpu.memory_space<vmem_shared>>) target_semaphore(%arg33 : memref<!tpu.dma_semaphore, #tpu.memory_space<semaphore_mem>>)
    } else {
    }
    "tpu.region"() ({
      %run_scoped3A = tpu.sem_alloc : memref<!tpu.dma_semaphore, #tpu.memory_space<semaphore_mem>>
      %dma_start3A_143 = arith.constant 0 : i32
      %dma_start3A_144 = arith.constant 0 : i32
      %dma_start3A_145 = tpu.memref_slice %arg2[%add3A, %dma_start3A_143, %dma_start3A_144] : memref<32x80x128xi32, #tpu.memory_space<hbm>> -> memref<1x80x128xi32, #tpu.memory_space<hbm>>
      %dma_start3A_146 = tpu.memref_squeeze %dma_start3A_145 : memref<1x80x128xi32, #tpu.memory_space<hbm>> -> memref<80x128xi32, #tpu.memory_space<hbm>>
      %dma_start3A_147 = arith.constant 0 : i32
      %dma_start3A_148 = arith.constant 0 : i32
      %dma_start3A_149 = tpu.memref_slice %arg2[%add3A, %dma_start3A_147, %dma_start3A_148] : memref<32x80x128xi32, #tpu.memory_space<hbm>> -> memref<1x80x128xi32, #tpu.memory_space<hbm>>
      %dma_start3A_150 = tpu.memref_squeeze %dma_start3A_149 : memref<1x80x128xi32, #tpu.memory_space<hbm>> -> memref<80x128xi32, #tpu.memory_space<hbm>>
      tpu.enqueue_dma source(%dma_start3A_150 : memref<80x128xi32, #tpu.memory_space<hbm>>) target(%arg6 : memref<80x128xi32, #tpu.memory_space<vmem>>) target_semaphore(%run_scoped3A : memref<!tpu.dma_semaphore, #tpu.memory_space<semaphore_mem>>)
      %dma_wait3A_151 = arith.constant 0 : i32
      %dma_wait3A_152 = arith.constant 0 : i32
      %dma_wait3A_153 = tpu.memref_slice %arg2[%add3A, %dma_wait3A_151, %dma_wait3A_152] : memref<32x80x128xi32, #tpu.memory_space<hbm>> -> memref<1x80x128xi32, #tpu.memory_space<hbm>>
      %dma_wait3A_154 = tpu.memref_squeeze %dma_wait3A_153 : memref<1x80x128xi32, #tpu.memory_space<hbm>> -> memref<80x128xi32, #tpu.memory_space<hbm>>
      %dma_wait3A_155 = arith.constant 0 : i32
      %dma_wait3A_156 = arith.constant 0 : i32
      %dma_wait3A_157 = tpu.memref_slice %arg2[%add3A, %dma_wait3A_155, %dma_wait3A_156] : memref<32x80x128xi32, #tpu.memory_space<hbm>> -> memref<1x80x128xi32, #tpu.memory_space<hbm>>
      %dma_wait3A_158 = tpu.memref_squeeze %dma_wait3A_157 : memref<1x80x128xi32, #tpu.memory_space<hbm>> -> memref<80x128xi32, #tpu.memory_space<hbm>>
      tpu.wait_dma2 semaphore(%run_scoped3A : memref<!tpu.dma_semaphore, #tpu.memory_space<semaphore_mem>>) src(%dma_wait3A_158 : memref<80x128xi32, #tpu.memory_space<hbm>>) dst(%arg6 : memref<80x128xi32, #tpu.memory_space<vmem>>)
      tpu.yield
    }) : () -> ()
    "tpu.region"() ({
      %run_scoped3A = tpu.sem_alloc : memref<!tpu.dma_semaphore, #tpu.memory_space<semaphore_mem>>
      %dma_start3A_143 = arith.constant 0 : i32
      %dma_start3A_144 = arith.constant 0 : i32
      %dma_start3A_145 = tpu.memref_slice %arg3[%add3A, %dma_start3A_143, %dma_start3A_144] : memref<32x80x128xi32, #tpu.memory_space<hbm>> -> memref<1x80x128xi32, #tpu.memory_space<hbm>>
      %dma_start3A_146 = tpu.memref_squeeze %dma_start3A_145 : memref<1x80x128xi32, #tpu.memory_space<hbm>> -> memref<80x128xi32, #tpu.memory_space<hbm>>
      %dma_start3A_147 = arith.constant 0 : i32
      %dma_start3A_148 = arith.constant 0 : i32
      %dma_start3A_149 = tpu.memref_slice %arg3[%add3A, %dma_start3A_147, %dma_start3A_148] : memref<32x80x128xi32, #tpu.memory_space<hbm>> -> memref<1x80x128xi32, #tpu.memory_space<hbm>>
      %dma_start3A_150 = tpu.memref_squeeze %dma_start3A_149 : memref<1x80x128xi32, #tpu.memory_space<hbm>> -> memref<80x128xi32, #tpu.memory_space<hbm>>
      tpu.enqueue_dma source(%dma_start3A_150 : memref<80x128xi32, #tpu.memory_space<hbm>>) target(%arg7 : memref<80x128xi32, #tpu.memory_space<vmem>>) target_semaphore(%run_scoped3A : memref<!tpu.dma_semaphore, #tpu.memory_space<semaphore_mem>>)
      %dma_wait3A_151 = arith.constant 0 : i32
      %dma_wait3A_152 = arith.constant 0 : i32
      %dma_wait3A_153 = tpu.memref_slice %arg3[%add3A, %dma_wait3A_151, %dma_wait3A_152] : memref<32x80x128xi32, #tpu.memory_space<hbm>> -> memref<1x80x128xi32, #tpu.memory_space<hbm>>
      %dma_wait3A_154 = tpu.memref_squeeze %dma_wait3A_153 : memref<1x80x128xi32, #tpu.memory_space<hbm>> -> memref<80x128xi32, #tpu.memory_space<hbm>>
      %dma_wait3A_155 = arith.constant 0 : i32
      %dma_wait3A_156 = arith.constant 0 : i32
      %dma_wait3A_157 = tpu.memref_slice %arg3[%add3A, %dma_wait3A_155, %dma_wait3A_156] : memref<32x80x128xi32, #tpu.memory_space<hbm>> -> memref<1x80x128xi32, #tpu.memory_space<hbm>>
      %dma_wait3A_158 = tpu.memref_squeeze %dma_wait3A_157 : memref<1x80x128xi32, #tpu.memory_space<hbm>> -> memref<80x128xi32, #tpu.memory_space<hbm>>
      tpu.wait_dma2 semaphore(%run_scoped3A : memref<!tpu.dma_semaphore, #tpu.memory_space<semaphore_mem>>) src(%dma_wait3A_158 : memref<80x128xi32, #tpu.memory_space<hbm>>) dst(%arg7 : memref<80x128xi32, #tpu.memory_space<vmem>>)
      tpu.yield
    }) : () -> ()
    %lt3A_7 = arith.constant 15 : i32
    %lt3A_8 = arith.cmpi slt, %arg1, %lt3A_7 : i32
    %convert_element_type3A_9 = arith.extui %lt3A_8 : i1 to i32
    %cond3A_10 = arith.constant 0 : i32
    %cond3A_11 = arith.cmpi ne, %convert_element_type3A_9, %cond3A_10 : i32
    scf.if %cond3A_11 {
      %mul3A_143 = arith.constant 640 : i32
      %mul3A_144 = arith.muli %arg1, %mul3A_143 : i32
      %mul3A_145 = arith.constant 640 : i32
      %mul3A_146 = arith.muli %arg1, %mul3A_145 : i32
      %dma_wait3A_147 = arith.constant 0 : i32
      %dma_wait3A_148 = tpu.memref_slice %arg16[%mul3A_146, %dma_wait3A_147] : memref<10240x32xf32, #tpu.memory_space<vmem_shared>> -> memref<640x32xf32, #tpu.memory_space<vmem_shared>>
      %dma_wait3A_149 = arith.constant 0 : i32
      %dma_wait3A_150 = tpu.memref_slice %arg4[%mul3A_144, %dma_wait3A_149] : memref<10000x32xf32, #tpu.memory_space<hbm>> -> memref<640x32xf32, #tpu.memory_space<hbm>>
      tpu.wait_dma2 semaphore(%arg33 : memref<!tpu.dma_semaphore, #tpu.memory_space<semaphore_mem>>) src(%dma_wait3A_150 : memref<640x32xf32, #tpu.memory_space<hbm>>) dst(%dma_wait3A_148 : memref<640x32xf32, #tpu.memory_space<vmem_shared>>)
    } else {
    }
    %eq3A_12 = arith.constant 15 : i32
    %eq3A_13 = arith.cmpi eq, %arg1, %eq3A_12 : i32
    %convert_element_type3A_14 = arith.extui %eq3A_13 : i1 to i32
    %cond3A_15 = arith.constant 0 : i32
    %cond3A_16 = arith.cmpi ne, %convert_element_type3A_14, %cond3A_15 : i32
    scf.if %cond3A_16 {
      %dma_wait3A_143 = arith.constant 9600 : i32
      %dma_wait3A_144 = arith.constant 0 : i32
      %dma_wait3A_145 = tpu.memref_slice %arg16[%dma_wait3A_143, %dma_wait3A_144] : memref<10240x32xf32, #tpu.memory_space<vmem_shared>> -> memref<400x32xf32, #tpu.memory_space<vmem_shared>>
      %dma_wait3A_146 = arith.constant 9600 : i32
      %dma_wait3A_147 = arith.constant 0 : i32
      %dma_wait3A_148 = tpu.memref_slice %arg4[%dma_wait3A_146, %dma_wait3A_147] : memref<10000x32xf32, #tpu.memory_space<hbm>> -> memref<400x32xf32, #tpu.memory_space<hbm>>
      tpu.wait_dma2 semaphore(%arg33 : memref<!tpu.dma_semaphore, #tpu.memory_space<semaphore_mem>>) src(%dma_wait3A_148 : memref<400x32xf32, #tpu.memory_space<hbm>>) dst(%dma_wait3A_145 : memref<400x32xf32, #tpu.memory_space<vmem_shared>>)
    } else {
    }
    %barrier3A = arith.constant 0 : index
    tpu.barrier barrier_id(%barrier3A)
    %dma_start3A = arith.constant 0 : i32
    %dma_start3A_17 = arith.constant 0 : i32
    %dma_start3A_18 = tpu.memref_slice %arg6[%dma_start3A, %dma_start3A_17] : memref<80x128xi32, #tpu.memory_space<vmem>> -> memref<1x128xi32, #tpu.memory_space<vmem>>
    %dma_start3A_19 = tpu.memref_squeeze %dma_start3A_18 : memref<1x128xi32, #tpu.memory_space<vmem>> -> memref<128xi32, #tpu.memory_space<vmem>>
    %dma_start3A_20 = arith.constant 0 : i32
    %dma_start3A_21 = arith.constant 0 : i32
    %dma_start3A_22 = tpu.memref_slice %arg4[%dma_start3A_20, %dma_start3A_21] : memref<10000x32xf32, #tpu.memory_space<hbm>> -> memref<10000x32xf32, #tpu.memory_space<hbm>>
    tpu.enqueue_indirect_dma source(%dma_start3A_22 : memref<10000x32xf32, #tpu.memory_space<hbm>>) target(%arg8 : memref<128x32xf32, #tpu.memory_space<vmem>>) offsets(%dma_start3A_19 : memref<128xi32, #tpu.memory_space<vmem>>) semaphore(%arg17 : memref<!tpu.dma_semaphore, #tpu.memory_space<semaphore_mem>>)
    %dma_start3A_23 = arith.constant 1 : i32
    %dma_start3A_24 = arith.constant 0 : i32
    %dma_start3A_25 = tpu.memref_slice %arg6[%dma_start3A_23, %dma_start3A_24] : memref<80x128xi32, #tpu.memory_space<vmem>> -> memref<1x128xi32, #tpu.memory_space<vmem>>
    %dma_start3A_26 = tpu.memref_squeeze %dma_start3A_25 : memref<1x128xi32, #tpu.memory_space<vmem>> -> memref<128xi32, #tpu.memory_space<vmem>>
    %dma_start3A_27 = arith.constant 0 : i32
    %dma_start3A_28 = arith.constant 0 : i32
    %dma_start3A_29 = tpu.memref_slice %arg4[%dma_start3A_27, %dma_start3A_28] : memref<10000x32xf32, #tpu.memory_space<hbm>> -> memref<10000x32xf32, #tpu.memory_space<hbm>>
    tpu.enqueue_indirect_dma source(%dma_start3A_29 : memref<10000x32xf32, #tpu.memory_space<hbm>>) target(%arg9 : memref<128x32xf32, #tpu.memory_space<vmem>>) offsets(%dma_start3A_26 : memref<128xi32, #tpu.memory_space<vmem>>) semaphore(%arg18 : memref<!tpu.dma_semaphore, #tpu.memory_space<semaphore_mem>>)
    %dma_start3A_30 = arith.constant 2 : i32
    %dma_start3A_31 = arith.constant 0 : i32
    %dma_start3A_32 = tpu.memref_slice %arg6[%dma_start3A_30, %dma_start3A_31] : memref<80x128xi32, #tpu.memory_space<vmem>> -> memref<1x128xi32, #tpu.memory_space<vmem>>
    %dma_start3A_33 = tpu.memref_squeeze %dma_start3A_32 : memref<1x128xi32, #tpu.memory_space<vmem>> -> memref<128xi32, #tpu.memory_space<vmem>>
    %dma_start3A_34 = arith.constant 0 : i32
    %dma_start3A_35 = arith.constant 0 : i32
    %dma_start3A_36 = tpu.memref_slice %arg4[%dma_start3A_34, %dma_start3A_35] : memref<10000x32xf32, #tpu.memory_space<hbm>> -> memref<10000x32xf32, #tpu.memory_space<hbm>>
    tpu.enqueue_indirect_dma source(%dma_start3A_36 : memref<10000x32xf32, #tpu.memory_space<hbm>>) target(%arg10 : memref<128x32xf32, #tpu.memory_space<vmem>>) offsets(%dma_start3A_33 : memref<128xi32, #tpu.memory_space<vmem>>) semaphore(%arg19 : memref<!tpu.dma_semaphore, #tpu.memory_space<semaphore_mem>>)
    %dma_start3A_37 = arith.constant 3 : i32
    %dma_start3A_38 = arith.constant 0 : i32
    %dma_start3A_39 = tpu.memref_slice %arg6[%dma_start3A_37, %dma_start3A_38] : memref<80x128xi32, #tpu.memory_space<vmem>> -> memref<1x128xi32, #tpu.memory_space<vmem>>
    %dma_start3A_40 = tpu.memref_squeeze %dma_start3A_39 : memref<1x128xi32, #tpu.memory_space<vmem>> -> memref<128xi32, #tpu.memory_space<vmem>>
    %dma_start3A_41 = arith.constant 0 : i32
    %dma_start3A_42 = arith.constant 0 : i32
    %dma_start3A_43 = tpu.memref_slice %arg4[%dma_start3A_41, %dma_start3A_42] : memref<10000x32xf32, #tpu.memory_space<hbm>> -> memref<10000x32xf32, #tpu.memory_space<hbm>>
    tpu.enqueue_indirect_dma source(%dma_start3A_43 : memref<10000x32xf32, #tpu.memory_space<hbm>>) target(%arg11 : memref<128x32xf32, #tpu.memory_space<vmem>>) offsets(%dma_start3A_40 : memref<128xi32, #tpu.memory_space<vmem>>) semaphore(%arg20 : memref<!tpu.dma_semaphore, #tpu.memory_space<semaphore_mem>>)
    %dma_start3A_44 = arith.constant 4 : i32
    %dma_start3A_45 = arith.constant 0 : i32
    %dma_start3A_46 = tpu.memref_slice %arg6[%dma_start3A_44, %dma_start3A_45] : memref<80x128xi32, #tpu.memory_space<vmem>> -> memref<1x128xi32, #tpu.memory_space<vmem>>
    %dma_start3A_47 = tpu.memref_squeeze %dma_start3A_46 : memref<1x128xi32, #tpu.memory_space<vmem>> -> memref<128xi32, #tpu.memory_space<vmem>>
    %dma_start3A_48 = arith.constant 0 : i32
    %dma_start3A_49 = arith.constant 0 : i32
    %dma_start3A_50 = tpu.memref_slice %arg4[%dma_start3A_48, %dma_start3A_49] : memref<10000x32xf32, #tpu.memory_space<hbm>> -> memref<10000x32xf32, #tpu.memory_space<hbm>>
    tpu.enqueue_indirect_dma source(%dma_start3A_50 : memref<10000x32xf32, #tpu.memory_space<hbm>>) target(%arg12 : memref<128x32xf32, #tpu.memory_space<vmem>>) offsets(%dma_start3A_47 : memref<128xi32, #tpu.memory_space<vmem>>) semaphore(%arg21 : memref<!tpu.dma_semaphore, #tpu.memory_space<semaphore_mem>>)
    %dma_start3A_51 = arith.constant 5 : i32
    %dma_start3A_52 = arith.constant 0 : i32
    %dma_start3A_53 = tpu.memref_slice %arg6[%dma_start3A_51, %dma_start3A_52] : memref<80x128xi32, #tpu.memory_space<vmem>> -> memref<1x128xi32, #tpu.memory_space<vmem>>
    %dma_start3A_54 = tpu.memref_squeeze %dma_start3A_53 : memref<1x128xi32, #tpu.memory_space<vmem>> -> memref<128xi32, #tpu.memory_space<vmem>>
    %dma_start3A_55 = arith.constant 0 : i32
    %dma_start3A_56 = arith.constant 0 : i32
    %dma_start3A_57 = tpu.memref_slice %arg4[%dma_start3A_55, %dma_start3A_56] : memref<10000x32xf32, #tpu.memory_space<hbm>> -> memref<10000x32xf32, #tpu.memory_space<hbm>>
    tpu.enqueue_indirect_dma source(%dma_start3A_57 : memref<10000x32xf32, #tpu.memory_space<hbm>>) target(%arg13 : memref<128x32xf32, #tpu.memory_space<vmem>>) offsets(%dma_start3A_54 : memref<128xi32, #tpu.memory_space<vmem>>) semaphore(%arg22 : memref<!tpu.dma_semaphore, #tpu.memory_space<semaphore_mem>>)
    %dma_start3A_58 = arith.constant 6 : i32
    %dma_start3A_59 = arith.constant 0 : i32
    %dma_start3A_60 = tpu.memref_slice %arg6[%dma_start3A_58, %dma_start3A_59] : memref<80x128xi32, #tpu.memory_space<vmem>> -> memref<1x128xi32, #tpu.memory_space<vmem>>
    %dma_start3A_61 = tpu.memref_squeeze %dma_start3A_60 : memref<1x128xi32, #tpu.memory_space<vmem>> -> memref<128xi32, #tpu.memory_space<vmem>>
    %dma_start3A_62 = arith.constant 0 : i32
    %dma_start3A_63 = arith.constant 0 : i32
    %dma_start3A_64 = tpu.memref_slice %arg4[%dma_start3A_62, %dma_start3A_63] : memref<10000x32xf32, #tpu.memory_space<hbm>> -> memref<10000x32xf32, #tpu.memory_space<hbm>>
    tpu.enqueue_indirect_dma source(%dma_start3A_64 : memref<10000x32xf32, #tpu.memory_space<hbm>>) target(%arg14 : memref<128x32xf32, #tpu.memory_space<vmem>>) offsets(%dma_start3A_61 : memref<128xi32, #tpu.memory_space<vmem>>) semaphore(%arg23 : memref<!tpu.dma_semaphore, #tpu.memory_space<semaphore_mem>>)
    %dma_start3A_65 = arith.constant 7 : i32
    %dma_start3A_66 = arith.constant 0 : i32
    %dma_start3A_67 = tpu.memref_slice %arg6[%dma_start3A_65, %dma_start3A_66] : memref<80x128xi32, #tpu.memory_space<vmem>> -> memref<1x128xi32, #tpu.memory_space<vmem>>
    %dma_start3A_68 = tpu.memref_squeeze %dma_start3A_67 : memref<1x128xi32, #tpu.memory_space<vmem>> -> memref<128xi32, #tpu.memory_space<vmem>>
    %dma_start3A_69 = arith.constant 0 : i32
    %dma_start3A_70 = arith.constant 0 : i32
    %dma_start3A_71 = tpu.memref_slice %arg4[%dma_start3A_69, %dma_start3A_70] : memref<10000x32xf32, #tpu.memory_space<hbm>> -> memref<10000x32xf32, #tpu.memory_space<hbm>>
    tpu.enqueue_indirect_dma source(%dma_start3A_71 : memref<10000x32xf32, #tpu.memory_space<hbm>>) target(%arg15 : memref<128x32xf32, #tpu.memory_space<vmem>>) offsets(%dma_start3A_68 : memref<128xi32, #tpu.memory_space<vmem>>) semaphore(%arg24 : memref<!tpu.dma_semaphore, #tpu.memory_space<semaphore_mem>>)
    %scan3A = arith.constant 0 : i32
    %scan3A_72 = arith.constant 0 : i32
    %scan3A_73 = arith.constant 10 : i32
    %scan3A_74 = arith.addi %scan3A_72, %scan3A_73 : i32
    %scan3A_75 = arith.constant 1 : i32
    scf.for %scan3A_143 = %scan3A_72 to %scan3A_74 step %scan3A_75  : i32 {
      %mul3A_144 = arith.constant 8 : i32
      %mul3A_145 = arith.muli %mul3A_144, %scan3A_143 : i32
      %add3A_146 = arith.constant 0 : i32
      %add3A_147 = arith.addi %mul3A_145, %add3A_146 : i32
      %dma_wait3A_148 = arith.constant 0 : i32
      %dma_wait3A_149 = tpu.memref_slice %arg6[%add3A_147, %dma_wait3A_148] : memref<80x128xi32, #tpu.memory_space<vmem>> -> memref<1x128xi32, #tpu.memory_space<vmem>>
      %dma_wait3A_150 = tpu.memref_squeeze %dma_wait3A_149 : memref<1x128xi32, #tpu.memory_space<vmem>> -> memref<128xi32, #tpu.memory_space<vmem>>
      %dma_wait3A_151 = arith.constant 0 : i32
      %dma_wait3A_152 = arith.constant 0 : i32
      %dma_wait3A_153 = tpu.memref_slice %arg4[%dma_wait3A_151, %dma_wait3A_152] : memref<10000x32xf32, #tpu.memory_space<hbm>> -> memref<10000x32xf32, #tpu.memory_space<hbm>>
      tpu.wait_indirect_dma semaphore(%arg17 : memref<!tpu.dma_semaphore, #tpu.memory_space<semaphore_mem>>) src(%dma_wait3A_153 : memref<10000x32xf32, #tpu.memory_space<hbm>>) dst(%arg8 : memref<128x32xf32, #tpu.memory_space<vmem>>)
      %dma_start3A_154 = arith.constant 0 : i32
      %dma_start3A_155 = tpu.memref_slice %arg7[%add3A_147, %dma_start3A_154] : memref<80x128xi32, #tpu.memory_space<vmem>> -> memref<1x128xi32, #tpu.memory_space<vmem>>
      %dma_start3A_156 = tpu.memref_squeeze %dma_start3A_155 : memref<1x128xi32, #tpu.memory_space<vmem>> -> memref<128xi32, #tpu.memory_space<vmem>>
      %dma_start3A_157 = arith.constant 0 : i32
      %dma_start3A_158 = arith.constant 0 : i32
      %dma_start3A_159 = tpu.memref_slice %arg16[%dma_start3A_157, %dma_start3A_158] : memref<10240x32xf32, #tpu.memory_space<vmem_shared>> -> memref<10240x32xf32, #tpu.memory_space<vmem_shared>>
      tpu.enqueue_indirect_dma source(%arg8 : memref<128x32xf32, #tpu.memory_space<vmem>>) target(%dma_start3A_159 : memref<10240x32xf32, #tpu.memory_space<vmem_shared>>) offsets(%dma_start3A_156 : memref<128xi32, #tpu.memory_space<vmem>>) semaphore(%arg25 : memref<!tpu.dma_semaphore, #tpu.memory_space<semaphore_mem>>) {add = true}
      %lt3A_160 = arith.constant 9 : i32
      %lt3A_161 = arith.cmpi slt, %scan3A_143, %lt3A_160 : i32
      %convert_element_type3A_162 = arith.extui %lt3A_161 : i1 to i32
      %cond3A_163 = arith.constant 0 : i32
      %cond3A_164 = arith.cmpi ne, %convert_element_type3A_162, %cond3A_163 : i32
      scf.if %cond3A_164 {
        %dma_wait3A_312 = arith.constant 0 : i32
        %dma_wait3A_313 = tpu.memref_slice %arg7[%add3A_147, %dma_wait3A_312] : memref<80x128xi32, #tpu.memory_space<vmem>> -> memref<1x128xi32, #tpu.memory_space<vmem>>
        %dma_wait3A_314 = tpu.memref_squeeze %dma_wait3A_313 : memref<1x128xi32, #tpu.memory_space<vmem>> -> memref<128xi32, #tpu.memory_space<vmem>>
        %dma_wait3A_315 = arith.constant 0 : i32
        %dma_wait3A_316 = arith.constant 0 : i32
        %dma_wait3A_317 = tpu.memref_slice %arg16[%dma_wait3A_315, %dma_wait3A_316] : memref<10240x32xf32, #tpu.memory_space<vmem_shared>> -> memref<10240x32xf32, #tpu.memory_space<vmem_shared>>
        tpu.wait_indirect_dma semaphore(%arg25 : memref<!tpu.dma_semaphore, #tpu.memory_space<semaphore_mem>>) src(%arg8 : memref<128x32xf32, #tpu.memory_space<vmem>>) dst(%dma_wait3A_317 : memref<10240x32xf32, #tpu.memory_space<vmem_shared>>)
        %add3A_318 = arith.constant 8 : i32
        %add3A_319 = arith.addi %add3A_147, %add3A_318 : i32
        %dma_start3A_320 = arith.constant 0 : i32
        %dma_start3A_321 = tpu.memref_slice %arg6[%add3A_319, %dma_start3A_320] : memref<80x128xi32, #tpu.memory_space<vmem>> -> memref<1x128xi32, #tpu.memory_space<vmem>>
        %dma_start3A_322 = tpu.memref_squeeze %dma_start3A_321 : memref<1x128xi32, #tpu.memory_space<vmem>> -> memref<128xi32, #tpu.memory_space<vmem>>
        %dma_start3A_323 = arith.constant 0 : i32
        %dma_start3A_324 = arith.constant 0 : i32
        %dma_start3A_325 = tpu.memref_slice %arg4[%dma_start3A_323, %dma_start3A_324] : memref<10000x32xf32, #tpu.memory_space<hbm>> -> memref<10000x32xf32, #tpu.memory_space<hbm>>
        tpu.enqueue_indirect_dma source(%dma_start3A_325 : memref<10000x32xf32, #tpu.memory_space<hbm>>) target(%arg8 : memref<128x32xf32, #tpu.memory_space<vmem>>) offsets(%dma_start3A_322 : memref<128xi32, #tpu.memory_space<vmem>>) semaphore(%arg17 : memref<!tpu.dma_semaphore, #tpu.memory_space<semaphore_mem>>)
      } else {
      }
      %mul3A_165 = arith.constant 8 : i32
      %mul3A_166 = arith.muli %mul3A_165, %scan3A_143 : i32
      %add3A_167 = arith.constant 1 : i32
      %add3A_168 = arith.addi %mul3A_166, %add3A_167 : i32
      %dma_wait3A_169 = arith.constant 0 : i32
      %dma_wait3A_170 = tpu.memref_slice %arg6[%add3A_168, %dma_wait3A_169] : memref<80x128xi32, #tpu.memory_space<vmem>> -> memref<1x128xi32, #tpu.memory_space<vmem>>
      %dma_wait3A_171 = tpu.memref_squeeze %dma_wait3A_170 : memref<1x128xi32, #tpu.memory_space<vmem>> -> memref<128xi32, #tpu.memory_space<vmem>>
      %dma_wait3A_172 = arith.constant 0 : i32
      %dma_wait3A_173 = arith.constant 0 : i32
      %dma_wait3A_174 = tpu.memref_slice %arg4[%dma_wait3A_172, %dma_wait3A_173] : memref<10000x32xf32, #tpu.memory_space<hbm>> -> memref<10000x32xf32, #tpu.memory_space<hbm>>
      tpu.wait_indirect_dma semaphore(%arg18 : memref<!tpu.dma_semaphore, #tpu.memory_space<semaphore_mem>>) src(%dma_wait3A_174 : memref<10000x32xf32, #tpu.memory_space<hbm>>) dst(%arg9 : memref<128x32xf32, #tpu.memory_space<vmem>>)
      %dma_start3A_175 = arith.constant 0 : i32
      %dma_start3A_176 = tpu.memref_slice %arg7[%add3A_168, %dma_start3A_175] : memref<80x128xi32, #tpu.memory_space<vmem>> -> memref<1x128xi32, #tpu.memory_space<vmem>>
      %dma_start3A_177 = tpu.memref_squeeze %dma_start3A_176 : memref<1x128xi32, #tpu.memory_space<vmem>> -> memref<128xi32, #tpu.memory_space<vmem>>
      %dma_start3A_178 = arith.constant 0 : i32
      %dma_start3A_179 = arith.constant 0 : i32
      %dma_start3A_180 = tpu.memref_slice %arg16[%dma_start3A_178, %dma_start3A_179] : memref<10240x32xf32, #tpu.memory_space<vmem_shared>> -> memref<10240x32xf32, #tpu.memory_space<vmem_shared>>
      tpu.enqueue_indirect_dma source(%arg9 : memref<128x32xf32, #tpu.memory_space<vmem>>) target(%dma_start3A_180 : memref<10240x32xf32, #tpu.memory_space<vmem_shared>>) offsets(%dma_start3A_177 : memref<128xi32, #tpu.memory_space<vmem>>) semaphore(%arg26 : memref<!tpu.dma_semaphore, #tpu.memory_space<semaphore_mem>>) {add = true}
      %lt3A_181 = arith.constant 9 : i32
      %lt3A_182 = arith.cmpi slt, %scan3A_143, %lt3A_181 : i32
      %convert_element_type3A_183 = arith.extui %lt3A_182 : i1 to i32
      %cond3A_184 = arith.constant 0 : i32
      %cond3A_185 = arith.cmpi ne, %convert_element_type3A_183, %cond3A_184 : i32
      scf.if %cond3A_185 {
        %dma_wait3A_312 = arith.constant 0 : i32
        %dma_wait3A_313 = tpu.memref_slice %arg7[%add3A_168, %dma_wait3A_312] : memref<80x128xi32, #tpu.memory_space<vmem>> -> memref<1x128xi32, #tpu.memory_space<vmem>>
        %dma_wait3A_314 = tpu.memref_squeeze %dma_wait3A_313 : memref<1x128xi32, #tpu.memory_space<vmem>> -> memref<128xi32, #tpu.memory_space<vmem>>
        %dma_wait3A_315 = arith.constant 0 : i32
        %dma_wait3A_316 = arith.constant 0 : i32
        %dma_wait3A_317 = tpu.memref_slice %arg16[%dma_wait3A_315, %dma_wait3A_316] : memref<10240x32xf32, #tpu.memory_space<vmem_shared>> -> memref<10240x32xf32, #tpu.memory_space<vmem_shared>>
        tpu.wait_indirect_dma semaphore(%arg26 : memref<!tpu.dma_semaphore, #tpu.memory_space<semaphore_mem>>) src(%arg9 : memref<128x32xf32, #tpu.memory_space<vmem>>) dst(%dma_wait3A_317 : memref<10240x32xf32, #tpu.memory_space<vmem_shared>>)
        %add3A_318 = arith.constant 8 : i32
        %add3A_319 = arith.addi %add3A_168, %add3A_318 : i32
        %dma_start3A_320 = arith.constant 0 : i32
        %dma_start3A_321 = tpu.memref_slice %arg6[%add3A_319, %dma_start3A_320] : memref<80x128xi32, #tpu.memory_space<vmem>> -> memref<1x128xi32, #tpu.memory_space<vmem>>
        %dma_start3A_322 = tpu.memref_squeeze %dma_start3A_321 : memref<1x128xi32, #tpu.memory_space<vmem>> -> memref<128xi32, #tpu.memory_space<vmem>>
        %dma_start3A_323 = arith.constant 0 : i32
        %dma_start3A_324 = arith.constant 0 : i32
        %dma_start3A_325 = tpu.memref_slice %arg4[%dma_start3A_323, %dma_start3A_324] : memref<10000x32xf32, #tpu.memory_space<hbm>> -> memref<10000x32xf32, #tpu.memory_space<hbm>>
        tpu.enqueue_indirect_dma source(%dma_start3A_325 : memref<10000x32xf32, #tpu.memory_space<hbm>>) target(%arg9 : memref<128x32xf32, #tpu.memory_space<vmem>>) offsets(%dma_start3A_322 : memref<128xi32, #tpu.memory_space<vmem>>) semaphore(%arg18 : memref<!tpu.dma_semaphore, #tpu.memory_space<semaphore_mem>>)
      } else {
      }
      %mul3A_186 = arith.constant 8 : i32
      %mul3A_187 = arith.muli %mul3A_186, %scan3A_143 : i32
      %add3A_188 = arith.constant 2 : i32
      %add3A_189 = arith.addi %mul3A_187, %add3A_188 : i32
      %dma_wait3A_190 = arith.constant 0 : i32
      %dma_wait3A_191 = tpu.memref_slice %arg6[%add3A_189, %dma_wait3A_190] : memref<80x128xi32, #tpu.memory_space<vmem>> -> memref<1x128xi32, #tpu.memory_space<vmem>>
      %dma_wait3A_192 = tpu.memref_squeeze %dma_wait3A_191 : memref<1x128xi32, #tpu.memory_space<vmem>> -> memref<128xi32, #tpu.memory_space<vmem>>
      %dma_wait3A_193 = arith.constant 0 : i32
      %dma_wait3A_194 = arith.constant 0 : i32
      %dma_wait3A_195 = tpu.memref_slice %arg4[%dma_wait3A_193, %dma_wait3A_194] : memref<10000x32xf32, #tpu.memory_space<hbm>> -> memref<10000x32xf32, #tpu.memory_space<hbm>>
      tpu.wait_indirect_dma semaphore(%arg19 : memref<!tpu.dma_semaphore, #tpu.memory_space<semaphore_mem>>) src(%dma_wait3A_195 : memref<10000x32xf32, #tpu.memory_space<hbm>>) dst(%arg10 : memref<128x32xf32, #tpu.memory_space<vmem>>)
      %dma_start3A_196 = arith.constant 0 : i32
      %dma_start3A_197 = tpu.memref_slice %arg7[%add3A_189, %dma_start3A_196] : memref<80x128xi32, #tpu.memory_space<vmem>> -> memref<1x128xi32, #tpu.memory_space<vmem>>
      %dma_start3A_198 = tpu.memref_squeeze %dma_start3A_197 : memref<1x128xi32, #tpu.memory_space<vmem>> -> memref<128xi32, #tpu.memory_space<vmem>>
      %dma_start3A_199 = arith.constant 0 : i32
      %dma_start3A_200 = arith.constant 0 : i32
      %dma_start3A_201 = tpu.memref_slice %arg16[%dma_start3A_199, %dma_start3A_200] : memref<10240x32xf32, #tpu.memory_space<vmem_shared>> -> memref<10240x32xf32, #tpu.memory_space<vmem_shared>>
      tpu.enqueue_indirect_dma source(%arg10 : memref<128x32xf32, #tpu.memory_space<vmem>>) target(%dma_start3A_201 : memref<10240x32xf32, #tpu.memory_space<vmem_shared>>) offsets(%dma_start3A_198 : memref<128xi32, #tpu.memory_space<vmem>>) semaphore(%arg27 : memref<!tpu.dma_semaphore, #tpu.memory_space<semaphore_mem>>) {add = true}
      %lt3A_202 = arith.constant 9 : i32
      %lt3A_203 = arith.cmpi slt, %scan3A_143, %lt3A_202 : i32
      %convert_element_type3A_204 = arith.extui %lt3A_203 : i1 to i32
      %cond3A_205 = arith.constant 0 : i32
      %cond3A_206 = arith.cmpi ne, %convert_element_type3A_204, %cond3A_205 : i32
      scf.if %cond3A_206 {
        %dma_wait3A_312 = arith.constant 0 : i32
        %dma_wait3A_313 = tpu.memref_slice %arg7[%add3A_189, %dma_wait3A_312] : memref<80x128xi32, #tpu.memory_space<vmem>> -> memref<1x128xi32, #tpu.memory_space<vmem>>
        %dma_wait3A_314 = tpu.memref_squeeze %dma_wait3A_313 : memref<1x128xi32, #tpu.memory_space<vmem>> -> memref<128xi32, #tpu.memory_space<vmem>>
        %dma_wait3A_315 = arith.constant 0 : i32
        %dma_wait3A_316 = arith.constant 0 : i32
        %dma_wait3A_317 = tpu.memref_slice %arg16[%dma_wait3A_315, %dma_wait3A_316] : memref<10240x32xf32, #tpu.memory_space<vmem_shared>> -> memref<10240x32xf32, #tpu.memory_space<vmem_shared>>
        tpu.wait_indirect_dma semaphore(%arg27 : memref<!tpu.dma_semaphore, #tpu.memory_space<semaphore_mem>>) src(%arg10 : memref<128x32xf32, #tpu.memory_space<vmem>>) dst(%dma_wait3A_317 : memref<10240x32xf32, #tpu.memory_space<vmem_shared>>)
        %add3A_318 = arith.constant 8 : i32
        %add3A_319 = arith.addi %add3A_189, %add3A_318 : i32
        %dma_start3A_320 = arith.constant 0 : i32
        %dma_start3A_321 = tpu.memref_slice %arg6[%add3A_319, %dma_start3A_320] : memref<80x128xi32, #tpu.memory_space<vmem>> -> memref<1x128xi32, #tpu.memory_space<vmem>>
        %dma_start3A_322 = tpu.memref_squeeze %dma_start3A_321 : memref<1x128xi32, #tpu.memory_space<vmem>> -> memref<128xi32, #tpu.memory_space<vmem>>
        %dma_start3A_323 = arith.constant 0 : i32
        %dma_start3A_324 = arith.constant 0 : i32
        %dma_start3A_325 = tpu.memref_slice %arg4[%dma_start3A_323, %dma_start3A_324] : memref<10000x32xf32, #tpu.memory_space<hbm>> -> memref<10000x32xf32, #tpu.memory_space<hbm>>
        tpu.enqueue_indirect_dma source(%dma_start3A_325 : memref<10000x32xf32, #tpu.memory_space<hbm>>) target(%arg10 : memref<128x32xf32, #tpu.memory_space<vmem>>) offsets(%dma_start3A_322 : memref<128xi32, #tpu.memory_space<vmem>>) semaphore(%arg19 : memref<!tpu.dma_semaphore, #tpu.memory_space<semaphore_mem>>)
      } else {
      }
      %mul3A_207 = arith.constant 8 : i32
      %mul3A_208 = arith.muli %mul3A_207, %scan3A_143 : i32
      %add3A_209 = arith.constant 3 : i32
      %add3A_210 = arith.addi %mul3A_208, %add3A_209 : i32
      %dma_wait3A_211 = arith.constant 0 : i32
      %dma_wait3A_212 = tpu.memref_slice %arg6[%add3A_210, %dma_wait3A_211] : memref<80x128xi32, #tpu.memory_space<vmem>> -> memref<1x128xi32, #tpu.memory_space<vmem>>
      %dma_wait3A_213 = tpu.memref_squeeze %dma_wait3A_212 : memref<1x128xi32, #tpu.memory_space<vmem>> -> memref<128xi32, #tpu.memory_space<vmem>>
      %dma_wait3A_214 = arith.constant 0 : i32
      %dma_wait3A_215 = arith.constant 0 : i32
      %dma_wait3A_216 = tpu.memref_slice %arg4[%dma_wait3A_214, %dma_wait3A_215] : memref<10000x32xf32, #tpu.memory_space<hbm>> -> memref<10000x32xf32, #tpu.memory_space<hbm>>
      tpu.wait_indirect_dma semaphore(%arg20 : memref<!tpu.dma_semaphore, #tpu.memory_space<semaphore_mem>>) src(%dma_wait3A_216 : memref<10000x32xf32, #tpu.memory_space<hbm>>) dst(%arg11 : memref<128x32xf32, #tpu.memory_space<vmem>>)
      %dma_start3A_217 = arith.constant 0 : i32
      %dma_start3A_218 = tpu.memref_slice %arg7[%add3A_210, %dma_start3A_217] : memref<80x128xi32, #tpu.memory_space<vmem>> -> memref<1x128xi32, #tpu.memory_space<vmem>>
      %dma_start3A_219 = tpu.memref_squeeze %dma_start3A_218 : memref<1x128xi32, #tpu.memory_space<vmem>> -> memref<128xi32, #tpu.memory_space<vmem>>
      %dma_start3A_220 = arith.constant 0 : i32
      %dma_start3A_221 = arith.constant 0 : i32
      %dma_start3A_222 = tpu.memref_slice %arg16[%dma_start3A_220, %dma_start3A_221] : memref<10240x32xf32, #tpu.memory_space<vmem_shared>> -> memref<10240x32xf32, #tpu.memory_space<vmem_shared>>
      tpu.enqueue_indirect_dma source(%arg11 : memref<128x32xf32, #tpu.memory_space<vmem>>) target(%dma_start3A_222 : memref<10240x32xf32, #tpu.memory_space<vmem_shared>>) offsets(%dma_start3A_219 : memref<128xi32, #tpu.memory_space<vmem>>) semaphore(%arg28 : memref<!tpu.dma_semaphore, #tpu.memory_space<semaphore_mem>>) {add = true}
      %lt3A_223 = arith.constant 9 : i32
      %lt3A_224 = arith.cmpi slt, %scan3A_143, %lt3A_223 : i32
      %convert_element_type3A_225 = arith.extui %lt3A_224 : i1 to i32
      %cond3A_226 = arith.constant 0 : i32
      %cond3A_227 = arith.cmpi ne, %convert_element_type3A_225, %cond3A_226 : i32
      scf.if %cond3A_227 {
        %dma_wait3A_312 = arith.constant 0 : i32
        %dma_wait3A_313 = tpu.memref_slice %arg7[%add3A_210, %dma_wait3A_312] : memref<80x128xi32, #tpu.memory_space<vmem>> -> memref<1x128xi32, #tpu.memory_space<vmem>>
        %dma_wait3A_314 = tpu.memref_squeeze %dma_wait3A_313 : memref<1x128xi32, #tpu.memory_space<vmem>> -> memref<128xi32, #tpu.memory_space<vmem>>
        %dma_wait3A_315 = arith.constant 0 : i32
        %dma_wait3A_316 = arith.constant 0 : i32
        %dma_wait3A_317 = tpu.memref_slice %arg16[%dma_wait3A_315, %dma_wait3A_316] : memref<10240x32xf32, #tpu.memory_space<vmem_shared>> -> memref<10240x32xf32, #tpu.memory_space<vmem_shared>>
        tpu.wait_indirect_dma semaphore(%arg28 : memref<!tpu.dma_semaphore, #tpu.memory_space<semaphore_mem>>) src(%arg11 : memref<128x32xf32, #tpu.memory_space<vmem>>) dst(%dma_wait3A_317 : memref<10240x32xf32, #tpu.memory_space<vmem_shared>>)
        %add3A_318 = arith.constant 8 : i32
        %add3A_319 = arith.addi %add3A_210, %add3A_318 : i32
        %dma_start3A_320 = arith.constant 0 : i32
        %dma_start3A_321 = tpu.memref_slice %arg6[%add3A_319, %dma_start3A_320] : memref<80x128xi32, #tpu.memory_space<vmem>> -> memref<1x128xi32, #tpu.memory_space<vmem>>
        %dma_start3A_322 = tpu.memref_squeeze %dma_start3A_321 : memref<1x128xi32, #tpu.memory_space<vmem>> -> memref<128xi32, #tpu.memory_space<vmem>>
        %dma_start3A_323 = arith.constant 0 : i32
        %dma_start3A_324 = arith.constant 0 : i32
        %dma_start3A_325 = tpu.memref_slice %arg4[%dma_start3A_323, %dma_start3A_324] : memref<10000x32xf32, #tpu.memory_space<hbm>> -> memref<10000x32xf32, #tpu.memory_space<hbm>>
        tpu.enqueue_indirect_dma source(%dma_start3A_325 : memref<10000x32xf32, #tpu.memory_space<hbm>>) target(%arg11 : memref<128x32xf32, #tpu.memory_space<vmem>>) offsets(%dma_start3A_322 : memref<128xi32, #tpu.memory_space<vmem>>) semaphore(%arg20 : memref<!tpu.dma_semaphore, #tpu.memory_space<semaphore_mem>>)
      } else {
      }
      %mul3A_228 = arith.constant 8 : i32
      %mul3A_229 = arith.muli %mul3A_228, %scan3A_143 : i32
      %add3A_230 = arith.constant 4 : i32
      %add3A_231 = arith.addi %mul3A_229, %add3A_230 : i32
      %dma_wait3A_232 = arith.constant 0 : i32
      %dma_wait3A_233 = tpu.memref_slice %arg6[%add3A_231, %dma_wait3A_232] : memref<80x128xi32, #tpu.memory_space<vmem>> -> memref<1x128xi32, #tpu.memory_space<vmem>>
      %dma_wait3A_234 = tpu.memref_squeeze %dma_wait3A_233 : memref<1x128xi32, #tpu.memory_space<vmem>> -> memref<128xi32, #tpu.memory_space<vmem>>
      %dma_wait3A_235 = arith.constant 0 : i32
      %dma_wait3A_236 = arith.constant 0 : i32
      %dma_wait3A_237 = tpu.memref_slice %arg4[%dma_wait3A_235, %dma_wait3A_236] : memref<10000x32xf32, #tpu.memory_space<hbm>> -> memref<10000x32xf32, #tpu.memory_space<hbm>>
      tpu.wait_indirect_dma semaphore(%arg21 : memref<!tpu.dma_semaphore, #tpu.memory_space<semaphore_mem>>) src(%dma_wait3A_237 : memref<10000x32xf32, #tpu.memory_space<hbm>>) dst(%arg12 : memref<128x32xf32, #tpu.memory_space<vmem>>)
      %dma_start3A_238 = arith.constant 0 : i32
      %dma_start3A_239 = tpu.memref_slice %arg7[%add3A_231, %dma_start3A_238] : memref<80x128xi32, #tpu.memory_space<vmem>> -> memref<1x128xi32, #tpu.memory_space<vmem>>
      %dma_start3A_240 = tpu.memref_squeeze %dma_start3A_239 : memref<1x128xi32, #tpu.memory_space<vmem>> -> memref<128xi32, #tpu.memory_space<vmem>>
      %dma_start3A_241 = arith.constant 0 : i32
      %dma_start3A_242 = arith.constant 0 : i32
      %dma_start3A_243 = tpu.memref_slice %arg16[%dma_start3A_241, %dma_start3A_242] : memref<10240x32xf32, #tpu.memory_space<vmem_shared>> -> memref<10240x32xf32, #tpu.memory_space<vmem_shared>>
      tpu.enqueue_indirect_dma source(%arg12 : memref<128x32xf32, #tpu.memory_space<vmem>>) target(%dma_start3A_243 : memref<10240x32xf32, #tpu.memory_space<vmem_shared>>) offsets(%dma_start3A_240 : memref<128xi32, #tpu.memory_space<vmem>>) semaphore(%arg29 : memref<!tpu.dma_semaphore, #tpu.memory_space<semaphore_mem>>) {add = true}
      %lt3A_244 = arith.constant 9 : i32
      %lt3A_245 = arith.cmpi slt, %scan3A_143, %lt3A_244 : i32
      %convert_element_type3A_246 = arith.extui %lt3A_245 : i1 to i32
      %cond3A_247 = arith.constant 0 : i32
      %cond3A_248 = arith.cmpi ne, %convert_element_type3A_246, %cond3A_247 : i32
      scf.if %cond3A_248 {
        %dma_wait3A_312 = arith.constant 0 : i32
        %dma_wait3A_313 = tpu.memref_slice %arg7[%add3A_231, %dma_wait3A_312] : memref<80x128xi32, #tpu.memory_space<vmem>> -> memref<1x128xi32, #tpu.memory_space<vmem>>
        %dma_wait3A_314 = tpu.memref_squeeze %dma_wait3A_313 : memref<1x128xi32, #tpu.memory_space<vmem>> -> memref<128xi32, #tpu.memory_space<vmem>>
        %dma_wait3A_315 = arith.constant 0 : i32
        %dma_wait3A_316 = arith.constant 0 : i32
        %dma_wait3A_317 = tpu.memref_slice %arg16[%dma_wait3A_315, %dma_wait3A_316] : memref<10240x32xf32, #tpu.memory_space<vmem_shared>> -> memref<10240x32xf32, #tpu.memory_space<vmem_shared>>
        tpu.wait_indirect_dma semaphore(%arg29 : memref<!tpu.dma_semaphore, #tpu.memory_space<semaphore_mem>>) src(%arg12 : memref<128x32xf32, #tpu.memory_space<vmem>>) dst(%dma_wait3A_317 : memref<10240x32xf32, #tpu.memory_space<vmem_shared>>)
        %add3A_318 = arith.constant 8 : i32
        %add3A_319 = arith.addi %add3A_231, %add3A_318 : i32
        %dma_start3A_320 = arith.constant 0 : i32
        %dma_start3A_321 = tpu.memref_slice %arg6[%add3A_319, %dma_start3A_320] : memref<80x128xi32, #tpu.memory_space<vmem>> -> memref<1x128xi32, #tpu.memory_space<vmem>>
        %dma_start3A_322 = tpu.memref_squeeze %dma_start3A_321 : memref<1x128xi32, #tpu.memory_space<vmem>> -> memref<128xi32, #tpu.memory_space<vmem>>
        %dma_start3A_323 = arith.constant 0 : i32
        %dma_start3A_324 = arith.constant 0 : i32
        %dma_start3A_325 = tpu.memref_slice %arg4[%dma_start3A_323, %dma_start3A_324] : memref<10000x32xf32, #tpu.memory_space<hbm>> -> memref<10000x32xf32, #tpu.memory_space<hbm>>
        tpu.enqueue_indirect_dma source(%dma_start3A_325 : memref<10000x32xf32, #tpu.memory_space<hbm>>) target(%arg12 : memref<128x32xf32, #tpu.memory_space<vmem>>) offsets(%dma_start3A_322 : memref<128xi32, #tpu.memory_space<vmem>>) semaphore(%arg21 : memref<!tpu.dma_semaphore, #tpu.memory_space<semaphore_mem>>)
      } else {
      }
      %mul3A_249 = arith.constant 8 : i32
      %mul3A_250 = arith.muli %mul3A_249, %scan3A_143 : i32
      %add3A_251 = arith.constant 5 : i32
      %add3A_252 = arith.addi %mul3A_250, %add3A_251 : i32
      %dma_wait3A_253 = arith.constant 0 : i32
      %dma_wait3A_254 = tpu.memref_slice %arg6[%add3A_252, %dma_wait3A_253] : memref<80x128xi32, #tpu.memory_space<vmem>> -> memref<1x128xi32, #tpu.memory_space<vmem>>
      %dma_wait3A_255 = tpu.memref_squeeze %dma_wait3A_254 : memref<1x128xi32, #tpu.memory_space<vmem>> -> memref<128xi32, #tpu.memory_space<vmem>>
      %dma_wait3A_256 = arith.constant 0 : i32
      %dma_wait3A_257 = arith.constant 0 : i32
      %dma_wait3A_258 = tpu.memref_slice %arg4[%dma_wait3A_256, %dma_wait3A_257] : memref<10000x32xf32, #tpu.memory_space<hbm>> -> memref<10000x32xf32, #tpu.memory_space<hbm>>
      tpu.wait_indirect_dma semaphore(%arg22 : memref<!tpu.dma_semaphore, #tpu.memory_space<semaphore_mem>>) src(%dma_wait3A_258 : memref<10000x32xf32, #tpu.memory_space<hbm>>) dst(%arg13 : memref<128x32xf32, #tpu.memory_space<vmem>>)
      %dma_start3A_259 = arith.constant 0 : i32
      %dma_start3A_260 = tpu.memref_slice %arg7[%add3A_252, %dma_start3A_259] : memref<80x128xi32, #tpu.memory_space<vmem>> -> memref<1x128xi32, #tpu.memory_space<vmem>>
      %dma_start3A_261 = tpu.memref_squeeze %dma_start3A_260 : memref<1x128xi32, #tpu.memory_space<vmem>> -> memref<128xi32, #tpu.memory_space<vmem>>
      %dma_start3A_262 = arith.constant 0 : i32
      %dma_start3A_263 = arith.constant 0 : i32
      %dma_start3A_264 = tpu.memref_slice %arg16[%dma_start3A_262, %dma_start3A_263] : memref<10240x32xf32, #tpu.memory_space<vmem_shared>> -> memref<10240x32xf32, #tpu.memory_space<vmem_shared>>
      tpu.enqueue_indirect_dma source(%arg13 : memref<128x32xf32, #tpu.memory_space<vmem>>) target(%dma_start3A_264 : memref<10240x32xf32, #tpu.memory_space<vmem_shared>>) offsets(%dma_start3A_261 : memref<128xi32, #tpu.memory_space<vmem>>) semaphore(%arg30 : memref<!tpu.dma_semaphore, #tpu.memory_space<semaphore_mem>>) {add = true}
      %lt3A_265 = arith.constant 9 : i32
      %lt3A_266 = arith.cmpi slt, %scan3A_143, %lt3A_265 : i32
      %convert_element_type3A_267 = arith.extui %lt3A_266 : i1 to i32
      %cond3A_268 = arith.constant 0 : i32
      %cond3A_269 = arith.cmpi ne, %convert_element_type3A_267, %cond3A_268 : i32
      scf.if %cond3A_269 {
        %dma_wait3A_312 = arith.constant 0 : i32
        %dma_wait3A_313 = tpu.memref_slice %arg7[%add3A_252, %dma_wait3A_312] : memref<80x128xi32, #tpu.memory_space<vmem>> -> memref<1x128xi32, #tpu.memory_space<vmem>>
        %dma_wait3A_314 = tpu.memref_squeeze %dma_wait3A_313 : memref<1x128xi32, #tpu.memory_space<vmem>> -> memref<128xi32, #tpu.memory_space<vmem>>
        %dma_wait3A_315 = arith.constant 0 : i32
        %dma_wait3A_316 = arith.constant 0 : i32
        %dma_wait3A_317 = tpu.memref_slice %arg16[%dma_wait3A_315, %dma_wait3A_316] : memref<10240x32xf32, #tpu.memory_space<vmem_shared>> -> memref<10240x32xf32, #tpu.memory_space<vmem_shared>>
        tpu.wait_indirect_dma semaphore(%arg30 : memref<!tpu.dma_semaphore, #tpu.memory_space<semaphore_mem>>) src(%arg13 : memref<128x32xf32, #tpu.memory_space<vmem>>) dst(%dma_wait3A_317 : memref<10240x32xf32, #tpu.memory_space<vmem_shared>>)
        %add3A_318 = arith.constant 8 : i32
        %add3A_319 = arith.addi %add3A_252, %add3A_318 : i32
        %dma_start3A_320 = arith.constant 0 : i32
        %dma_start3A_321 = tpu.memref_slice %arg6[%add3A_319, %dma_start3A_320] : memref<80x128xi32, #tpu.memory_space<vmem>> -> memref<1x128xi32, #tpu.memory_space<vmem>>
        %dma_start3A_322 = tpu.memref_squeeze %dma_start3A_321 : memref<1x128xi32, #tpu.memory_space<vmem>> -> memref<128xi32, #tpu.memory_space<vmem>>
        %dma_start3A_323 = arith.constant 0 : i32
        %dma_start3A_324 = arith.constant 0 : i32
        %dma_start3A_325 = tpu.memref_slice %arg4[%dma_start3A_323, %dma_start3A_324] : memref<10000x32xf32, #tpu.memory_space<hbm>> -> memref<10000x32xf32, #tpu.memory_space<hbm>>
        tpu.enqueue_indirect_dma source(%dma_start3A_325 : memref<10000x32xf32, #tpu.memory_space<hbm>>) target(%arg13 : memref<128x32xf32, #tpu.memory_space<vmem>>) offsets(%dma_start3A_322 : memref<128xi32, #tpu.memory_space<vmem>>) semaphore(%arg22 : memref<!tpu.dma_semaphore, #tpu.memory_space<semaphore_mem>>)
      } else {
      }
      %mul3A_270 = arith.constant 8 : i32
      %mul3A_271 = arith.muli %mul3A_270, %scan3A_143 : i32
      %add3A_272 = arith.constant 6 : i32
      %add3A_273 = arith.addi %mul3A_271, %add3A_272 : i32
      %dma_wait3A_274 = arith.constant 0 : i32
      %dma_wait3A_275 = tpu.memref_slice %arg6[%add3A_273, %dma_wait3A_274] : memref<80x128xi32, #tpu.memory_space<vmem>> -> memref<1x128xi32, #tpu.memory_space<vmem>>
      %dma_wait3A_276 = tpu.memref_squeeze %dma_wait3A_275 : memref<1x128xi32, #tpu.memory_space<vmem>> -> memref<128xi32, #tpu.memory_space<vmem>>
      %dma_wait3A_277 = arith.constant 0 : i32
      %dma_wait3A_278 = arith.constant 0 : i32
      %dma_wait3A_279 = tpu.memref_slice %arg4[%dma_wait3A_277, %dma_wait3A_278] : memref<10000x32xf32, #tpu.memory_space<hbm>> -> memref<10000x32xf32, #tpu.memory_space<hbm>>
      tpu.wait_indirect_dma semaphore(%arg23 : memref<!tpu.dma_semaphore, #tpu.memory_space<semaphore_mem>>) src(%dma_wait3A_279 : memref<10000x32xf32, #tpu.memory_space<hbm>>) dst(%arg14 : memref<128x32xf32, #tpu.memory_space<vmem>>)
      %dma_start3A_280 = arith.constant 0 : i32
      %dma_start3A_281 = tpu.memref_slice %arg7[%add3A_273, %dma_start3A_280] : memref<80x128xi32, #tpu.memory_space<vmem>> -> memref<1x128xi32, #tpu.memory_space<vmem>>
      %dma_start3A_282 = tpu.memref_squeeze %dma_start3A_281 : memref<1x128xi32, #tpu.memory_space<vmem>> -> memref<128xi32, #tpu.memory_space<vmem>>
      %dma_start3A_283 = arith.constant 0 : i32
      %dma_start3A_284 = arith.constant 0 : i32
      %dma_start3A_285 = tpu.memref_slice %arg16[%dma_start3A_283, %dma_start3A_284] : memref<10240x32xf32, #tpu.memory_space<vmem_shared>> -> memref<10240x32xf32, #tpu.memory_space<vmem_shared>>
      tpu.enqueue_indirect_dma source(%arg14 : memref<128x32xf32, #tpu.memory_space<vmem>>) target(%dma_start3A_285 : memref<10240x32xf32, #tpu.memory_space<vmem_shared>>) offsets(%dma_start3A_282 : memref<128xi32, #tpu.memory_space<vmem>>) semaphore(%arg31 : memref<!tpu.dma_semaphore, #tpu.memory_space<semaphore_mem>>) {add = true}
      %lt3A_286 = arith.constant 9 : i32
      %lt3A_287 = arith.cmpi slt, %scan3A_143, %lt3A_286 : i32
      %convert_element_type3A_288 = arith.extui %lt3A_287 : i1 to i32
      %cond3A_289 = arith.constant 0 : i32
      %cond3A_290 = arith.cmpi ne, %convert_element_type3A_288, %cond3A_289 : i32
      scf.if %cond3A_290 {
        %dma_wait3A_312 = arith.constant 0 : i32
        %dma_wait3A_313 = tpu.memref_slice %arg7[%add3A_273, %dma_wait3A_312] : memref<80x128xi32, #tpu.memory_space<vmem>> -> memref<1x128xi32, #tpu.memory_space<vmem>>
        %dma_wait3A_314 = tpu.memref_squeeze %dma_wait3A_313 : memref<1x128xi32, #tpu.memory_space<vmem>> -> memref<128xi32, #tpu.memory_space<vmem>>
        %dma_wait3A_315 = arith.constant 0 : i32
        %dma_wait3A_316 = arith.constant 0 : i32
        %dma_wait3A_317 = tpu.memref_slice %arg16[%dma_wait3A_315, %dma_wait3A_316] : memref<10240x32xf32, #tpu.memory_space<vmem_shared>> -> memref<10240x32xf32, #tpu.memory_space<vmem_shared>>
        tpu.wait_indirect_dma semaphore(%arg31 : memref<!tpu.dma_semaphore, #tpu.memory_space<semaphore_mem>>) src(%arg14 : memref<128x32xf32, #tpu.memory_space<vmem>>) dst(%dma_wait3A_317 : memref<10240x32xf32, #tpu.memory_space<vmem_shared>>)
        %add3A_318 = arith.constant 8 : i32
        %add3A_319 = arith.addi %add3A_273, %add3A_318 : i32
        %dma_start3A_320 = arith.constant 0 : i32
        %dma_start3A_321 = tpu.memref_slice %arg6[%add3A_319, %dma_start3A_320] : memref<80x128xi32, #tpu.memory_space<vmem>> -> memref<1x128xi32, #tpu.memory_space<vmem>>
        %dma_start3A_322 = tpu.memref_squeeze %dma_start3A_321 : memref<1x128xi32, #tpu.memory_space<vmem>> -> memref<128xi32, #tpu.memory_space<vmem>>
        %dma_start3A_323 = arith.constant 0 : i32
        %dma_start3A_324 = arith.constant 0 : i32
        %dma_start3A_325 = tpu.memref_slice %arg4[%dma_start3A_323, %dma_start3A_324] : memref<10000x32xf32, #tpu.memory_space<hbm>> -> memref<10000x32xf32, #tpu.memory_space<hbm>>
        tpu.enqueue_indirect_dma source(%dma_start3A_325 : memref<10000x32xf32, #tpu.memory_space<hbm>>) target(%arg14 : memref<128x32xf32, #tpu.memory_space<vmem>>) offsets(%dma_start3A_322 : memref<128xi32, #tpu.memory_space<vmem>>) semaphore(%arg23 : memref<!tpu.dma_semaphore, #tpu.memory_space<semaphore_mem>>)
      } else {
      }
      %mul3A_291 = arith.constant 8 : i32
      %mul3A_292 = arith.muli %mul3A_291, %scan3A_143 : i32
      %add3A_293 = arith.constant 7 : i32
      %add3A_294 = arith.addi %mul3A_292, %add3A_293 : i32
      %dma_wait3A_295 = arith.constant 0 : i32
      %dma_wait3A_296 = tpu.memref_slice %arg6[%add3A_294, %dma_wait3A_295] : memref<80x128xi32, #tpu.memory_space<vmem>> -> memref<1x128xi32, #tpu.memory_space<vmem>>
      %dma_wait3A_297 = tpu.memref_squeeze %dma_wait3A_296 : memref<1x128xi32, #tpu.memory_space<vmem>> -> memref<128xi32, #tpu.memory_space<vmem>>
      %dma_wait3A_298 = arith.constant 0 : i32
      %dma_wait3A_299 = arith.constant 0 : i32
      %dma_wait3A_300 = tpu.memref_slice %arg4[%dma_wait3A_298, %dma_wait3A_299] : memref<10000x32xf32, #tpu.memory_space<hbm>> -> memref<10000x32xf32, #tpu.memory_space<hbm>>
      tpu.wait_indirect_dma semaphore(%arg24 : memref<!tpu.dma_semaphore, #tpu.memory_space<semaphore_mem>>) src(%dma_wait3A_300 : memref<10000x32xf32, #tpu.memory_space<hbm>>) dst(%arg15 : memref<128x32xf32, #tpu.memory_space<vmem>>)
      %dma_start3A_301 = arith.constant 0 : i32
      %dma_start3A_302 = tpu.memref_slice %arg7[%add3A_294, %dma_start3A_301] : memref<80x128xi32, #tpu.memory_space<vmem>> -> memref<1x128xi32, #tpu.memory_space<vmem>>
      %dma_start3A_303 = tpu.memref_squeeze %dma_start3A_302 : memref<1x128xi32, #tpu.memory_space<vmem>> -> memref<128xi32, #tpu.memory_space<vmem>>
      %dma_start3A_304 = arith.constant 0 : i32
      %dma_start3A_305 = arith.constant 0 : i32
      %dma_start3A_306 = tpu.memref_slice %arg16[%dma_start3A_304, %dma_start3A_305] : memref<10240x32xf32, #tpu.memory_space<vmem_shared>> -> memref<10240x32xf32, #tpu.memory_space<vmem_shared>>
      tpu.enqueue_indirect_dma source(%arg15 : memref<128x32xf32, #tpu.memory_space<vmem>>) target(%dma_start3A_306 : memref<10240x32xf32, #tpu.memory_space<vmem_shared>>) offsets(%dma_start3A_303 : memref<128xi32, #tpu.memory_space<vmem>>) semaphore(%arg32 : memref<!tpu.dma_semaphore, #tpu.memory_space<semaphore_mem>>) {add = true}
      %lt3A_307 = arith.constant 9 : i32
      %lt3A_308 = arith.cmpi slt, %scan3A_143, %lt3A_307 : i32
      %convert_element_type3A_309 = arith.extui %lt3A_308 : i1 to i32
      %cond3A_310 = arith.constant 0 : i32
      %cond3A_311 = arith.cmpi ne, %convert_element_type3A_309, %cond3A_310 : i32
      scf.if %cond3A_311 {
        %dma_wait3A_312 = arith.constant 0 : i32
        %dma_wait3A_313 = tpu.memref_slice %arg7[%add3A_294, %dma_wait3A_312] : memref<80x128xi32, #tpu.memory_space<vmem>> -> memref<1x128xi32, #tpu.memory_space<vmem>>
        %dma_wait3A_314 = tpu.memref_squeeze %dma_wait3A_313 : memref<1x128xi32, #tpu.memory_space<vmem>> -> memref<128xi32, #tpu.memory_space<vmem>>
        %dma_wait3A_315 = arith.constant 0 : i32
        %dma_wait3A_316 = arith.constant 0 : i32
        %dma_wait3A_317 = tpu.memref_slice %arg16[%dma_wait3A_315, %dma_wait3A_316] : memref<10240x32xf32, #tpu.memory_space<vmem_shared>> -> memref<10240x32xf32, #tpu.memory_space<vmem_shared>>
        tpu.wait_indirect_dma semaphore(%arg32 : memref<!tpu.dma_semaphore, #tpu.memory_space<semaphore_mem>>) src(%arg15 : memref<128x32xf32, #tpu.memory_space<vmem>>) dst(%dma_wait3A_317 : memref<10240x32xf32, #tpu.memory_space<vmem_shared>>)
        %add3A_318 = arith.constant 8 : i32
        %add3A_319 = arith.addi %add3A_294, %add3A_318 : i32
        %dma_start3A_320 = arith.constant 0 : i32
        %dma_start3A_321 = tpu.memref_slice %arg6[%add3A_319, %dma_start3A_320] : memref<80x128xi32, #tpu.memory_space<vmem>> -> memref<1x128xi32, #tpu.memory_space<vmem>>
        %dma_start3A_322 = tpu.memref_squeeze %dma_start3A_321 : memref<1x128xi32, #tpu.memory_space<vmem>> -> memref<128xi32, #tpu.memory_space<vmem>>
        %dma_start3A_323 = arith.constant 0 : i32
        %dma_start3A_324 = arith.constant 0 : i32
        %dma_start3A_325 = tpu.memref_slice %arg4[%dma_start3A_323, %dma_start3A_324] : memref<10000x32xf32, #tpu.memory_space<hbm>> -> memref<10000x32xf32, #tpu.memory_space<hbm>>
        tpu.enqueue_indirect_dma source(%dma_start3A_325 : memref<10000x32xf32, #tpu.memory_space<hbm>>) target(%arg15 : memref<128x32xf32, #tpu.memory_space<vmem>>) offsets(%dma_start3A_322 : memref<128xi32, #tpu.memory_space<vmem>>) semaphore(%arg24 : memref<!tpu.dma_semaphore, #tpu.memory_space<semaphore_mem>>)
      } else {
      }
    }
    %scan3A_76 = arith.constant 10 : i32
    %dma_wait3A = arith.constant 0 : i32
    %dma_wait3A_77 = arith.constant 0 : i32
    %dma_wait3A_78 = tpu.memref_slice %arg7[%dma_wait3A, %dma_wait3A_77] : memref<80x128xi32, #tpu.memory_space<vmem>> -> memref<1x128xi32, #tpu.memory_space<vmem>>
    %dma_wait3A_79 = tpu.memref_squeeze %dma_wait3A_78 : memref<1x128xi32, #tpu.memory_space<vmem>> -> memref<128xi32, #tpu.memory_space<vmem>>
    %dma_wait3A_80 = arith.constant 0 : i32
    %dma_wait3A_81 = arith.constant 0 : i32
    %dma_wait3A_82 = tpu.memref_slice %arg16[%dma_wait3A_80, %dma_wait3A_81] : memref<10240x32xf32, #tpu.memory_space<vmem_shared>> -> memref<10240x32xf32, #tpu.memory_space<vmem_shared>>
    tpu.wait_indirect_dma semaphore(%arg25 : memref<!tpu.dma_semaphore, #tpu.memory_space<semaphore_mem>>) src(%arg8 : memref<128x32xf32, #tpu.memory_space<vmem>>) dst(%dma_wait3A_82 : memref<10240x32xf32, #tpu.memory_space<vmem_shared>>)
    %dma_wait3A_83 = arith.constant 0 : i32
    %dma_wait3A_84 = arith.constant 0 : i32
    %dma_wait3A_85 = tpu.memref_slice %arg7[%dma_wait3A_83, %dma_wait3A_84] : memref<80x128xi32, #tpu.memory_space<vmem>> -> memref<1x128xi32, #tpu.memory_space<vmem>>
    %dma_wait3A_86 = tpu.memref_squeeze %dma_wait3A_85 : memref<1x128xi32, #tpu.memory_space<vmem>> -> memref<128xi32, #tpu.memory_space<vmem>>
    %dma_wait3A_87 = arith.constant 0 : i32
    %dma_wait3A_88 = arith.constant 0 : i32
    %dma_wait3A_89 = tpu.memref_slice %arg16[%dma_wait3A_87, %dma_wait3A_88] : memref<10240x32xf32, #tpu.memory_space<vmem_shared>> -> memref<10240x32xf32, #tpu.memory_space<vmem_shared>>
    tpu.wait_indirect_dma semaphore(%arg26 : memref<!tpu.dma_semaphore, #tpu.memory_space<semaphore_mem>>) src(%arg9 : memref<128x32xf32, #tpu.memory_space<vmem>>) dst(%dma_wait3A_89 : memref<10240x32xf32, #tpu.memory_space<vmem_shared>>)
    %dma_wait3A_90 = arith.constant 0 : i32
    %dma_wait3A_91 = arith.constant 0 : i32
    %dma_wait3A_92 = tpu.memref_slice %arg7[%dma_wait3A_90, %dma_wait3A_91] : memref<80x128xi32, #tpu.memory_space<vmem>> -> memref<1x128xi32, #tpu.memory_space<vmem>>
    %dma_wait3A_93 = tpu.memref_squeeze %dma_wait3A_92 : memref<1x128xi32, #tpu.memory_space<vmem>> -> memref<128xi32, #tpu.memory_space<vmem>>
    %dma_wait3A_94 = arith.constant 0 : i32
    %dma_wait3A_95 = arith.constant 0 : i32
    %dma_wait3A_96 = tpu.memref_slice %arg16[%dma_wait3A_94, %dma_wait3A_95] : memref<10240x32xf32, #tpu.memory_space<vmem_shared>> -> memref<10240x32xf32, #tpu.memory_space<vmem_shared>>
    tpu.wait_indirect_dma semaphore(%arg27 : memref<!tpu.dma_semaphore, #tpu.memory_space<semaphore_mem>>) src(%arg10 : memref<128x32xf32, #tpu.memory_space<vmem>>) dst(%dma_wait3A_96 : memref<10240x32xf32, #tpu.memory_space<vmem_shared>>)
    %dma_wait3A_97 = arith.constant 0 : i32
    %dma_wait3A_98 = arith.constant 0 : i32
    %dma_wait3A_99 = tpu.memref_slice %arg7[%dma_wait3A_97, %dma_wait3A_98] : memref<80x128xi32, #tpu.memory_space<vmem>> -> memref<1x128xi32, #tpu.memory_space<vmem>>
    %dma_wait3A_100 = tpu.memref_squeeze %dma_wait3A_99 : memref<1x128xi32, #tpu.memory_space<vmem>> -> memref<128xi32, #tpu.memory_space<vmem>>
    %dma_wait3A_101 = arith.constant 0 : i32
    %dma_wait3A_102 = arith.constant 0 : i32
    %dma_wait3A_103 = tpu.memref_slice %arg16[%dma_wait3A_101, %dma_wait3A_102] : memref<10240x32xf32, #tpu.memory_space<vmem_shared>> -> memref<10240x32xf32, #tpu.memory_space<vmem_shared>>
    tpu.wait_indirect_dma semaphore(%arg28 : memref<!tpu.dma_semaphore, #tpu.memory_space<semaphore_mem>>) src(%arg11 : memref<128x32xf32, #tpu.memory_space<vmem>>) dst(%dma_wait3A_103 : memref<10240x32xf32, #tpu.memory_space<vmem_shared>>)
    %dma_wait3A_104 = arith.constant 0 : i32
    %dma_wait3A_105 = arith.constant 0 : i32
    %dma_wait3A_106 = tpu.memref_slice %arg7[%dma_wait3A_104, %dma_wait3A_105] : memref<80x128xi32, #tpu.memory_space<vmem>> -> memref<1x128xi32, #tpu.memory_space<vmem>>
    %dma_wait3A_107 = tpu.memref_squeeze %dma_wait3A_106 : memref<1x128xi32, #tpu.memory_space<vmem>> -> memref<128xi32, #tpu.memory_space<vmem>>
    %dma_wait3A_108 = arith.constant 0 : i32
    %dma_wait3A_109 = arith.constant 0 : i32
    %dma_wait3A_110 = tpu.memref_slice %arg16[%dma_wait3A_108, %dma_wait3A_109] : memref<10240x32xf32, #tpu.memory_space<vmem_shared>> -> memref<10240x32xf32, #tpu.memory_space<vmem_shared>>
    tpu.wait_indirect_dma semaphore(%arg29 : memref<!tpu.dma_semaphore, #tpu.memory_space<semaphore_mem>>) src(%arg12 : memref<128x32xf32, #tpu.memory_space<vmem>>) dst(%dma_wait3A_110 : memref<10240x32xf32, #tpu.memory_space<vmem_shared>>)
    %dma_wait3A_111 = arith.constant 0 : i32
    %dma_wait3A_112 = arith.constant 0 : i32
    %dma_wait3A_113 = tpu.memref_slice %arg7[%dma_wait3A_111, %dma_wait3A_112] : memref<80x128xi32, #tpu.memory_space<vmem>> -> memref<1x128xi32, #tpu.memory_space<vmem>>
    %dma_wait3A_114 = tpu.memref_squeeze %dma_wait3A_113 : memref<1x128xi32, #tpu.memory_space<vmem>> -> memref<128xi32, #tpu.memory_space<vmem>>
    %dma_wait3A_115 = arith.constant 0 : i32
    %dma_wait3A_116 = arith.constant 0 : i32
    %dma_wait3A_117 = tpu.memref_slice %arg16[%dma_wait3A_115, %dma_wait3A_116] : memref<10240x32xf32, #tpu.memory_space<vmem_shared>> -> memref<10240x32xf32, #tpu.memory_space<vmem_shared>>
    tpu.wait_indirect_dma semaphore(%arg30 : memref<!tpu.dma_semaphore, #tpu.memory_space<semaphore_mem>>) src(%arg13 : memref<128x32xf32, #tpu.memory_space<vmem>>) dst(%dma_wait3A_117 : memref<10240x32xf32, #tpu.memory_space<vmem_shared>>)
    %dma_wait3A_118 = arith.constant 0 : i32
    %dma_wait3A_119 = arith.constant 0 : i32
    %dma_wait3A_120 = tpu.memref_slice %arg7[%dma_wait3A_118, %dma_wait3A_119] : memref<80x128xi32, #tpu.memory_space<vmem>> -> memref<1x128xi32, #tpu.memory_space<vmem>>
    %dma_wait3A_121 = tpu.memref_squeeze %dma_wait3A_120 : memref<1x128xi32, #tpu.memory_space<vmem>> -> memref<128xi32, #tpu.memory_space<vmem>>
    %dma_wait3A_122 = arith.constant 0 : i32
    %dma_wait3A_123 = arith.constant 0 : i32
    %dma_wait3A_124 = tpu.memref_slice %arg16[%dma_wait3A_122, %dma_wait3A_123] : memref<10240x32xf32, #tpu.memory_space<vmem_shared>> -> memref<10240x32xf32, #tpu.memory_space<vmem_shared>>
    tpu.wait_indirect_dma semaphore(%arg31 : memref<!tpu.dma_semaphore, #tpu.memory_space<semaphore_mem>>) src(%arg14 : memref<128x32xf32, #tpu.memory_space<vmem>>) dst(%dma_wait3A_124 : memref<10240x32xf32, #tpu.memory_space<vmem_shared>>)
    %dma_wait3A_125 = arith.constant 0 : i32
    %dma_wait3A_126 = arith.constant 0 : i32
    %dma_wait3A_127 = tpu.memref_slice %arg7[%dma_wait3A_125, %dma_wait3A_126] : memref<80x128xi32, #tpu.memory_space<vmem>> -> memref<1x128xi32, #tpu.memory_space<vmem>>
    %dma_wait3A_128 = tpu.memref_squeeze %dma_wait3A_127 : memref<1x128xi32, #tpu.memory_space<vmem>> -> memref<128xi32, #tpu.memory_space<vmem>>
    %dma_wait3A_129 = arith.constant 0 : i32
    %dma_wait3A_130 = arith.constant 0 : i32
    %dma_wait3A_131 = tpu.memref_slice %arg16[%dma_wait3A_129, %dma_wait3A_130] : memref<10240x32xf32, #tpu.memory_space<vmem_shared>> -> memref<10240x32xf32, #tpu.memory_space<vmem_shared>>
    tpu.wait_indirect_dma semaphore(%arg32 : memref<!tpu.dma_semaphore, #tpu.memory_space<semaphore_mem>>) src(%arg15 : memref<128x32xf32, #tpu.memory_space<vmem>>) dst(%dma_wait3A_131 : memref<10240x32xf32, #tpu.memory_space<vmem_shared>>)
    %barrier3A_132 = arith.constant 0 : index
    tpu.barrier barrier_id(%barrier3A_132)
    %lt3A_133 = arith.constant 15 : i32
    %lt3A_134 = arith.cmpi slt, %arg1, %lt3A_133 : i32
    %convert_element_type3A_135 = arith.extui %lt3A_134 : i1 to i32
    %cond3A_136 = arith.constant 0 : i32
    %cond3A_137 = arith.cmpi ne, %convert_element_type3A_135, %cond3A_136 : i32
    scf.if %cond3A_137 {
      %mul3A_143 = arith.constant 640 : i32
      %mul3A_144 = arith.muli %arg1, %mul3A_143 : i32
      %mul3A_145 = arith.constant 640 : i32
      %mul3A_146 = arith.muli %arg1, %mul3A_145 : i32
      "tpu.region"() ({
        %run_scoped3A = tpu.sem_alloc : memref<!tpu.dma_semaphore, #tpu.memory_space<semaphore_mem>>
        %dma_start3A_147 = arith.constant 0 : i32
        %dma_start3A_148 = tpu.memref_slice %arg5[%arg0, %mul3A_146, %dma_start3A_147] : memref<2x10240x32xf32, #tpu.memory_space<hbm>> -> memref<1x640x32xf32, #tpu.memory_space<hbm>>
        %dma_start3A_149 = tpu.memref_squeeze %dma_start3A_148 : memref<1x640x32xf32, #tpu.memory_space<hbm>> -> memref<640x32xf32, #tpu.memory_space<hbm>>
        %dma_start3A_150 = arith.constant 0 : i32
        %dma_start3A_151 = tpu.memref_slice %arg16[%mul3A_144, %dma_start3A_150] : memref<10240x32xf32, #tpu.memory_space<vmem_shared>> -> memref<640x32xf32, #tpu.memory_space<vmem_shared>>
        tpu.enqueue_dma source(%dma_start3A_151 : memref<640x32xf32, #tpu.memory_space<vmem_shared>>) target(%dma_start3A_149 : memref<640x32xf32, #tpu.memory_space<hbm>>) target_semaphore(%run_scoped3A : memref<!tpu.dma_semaphore, #tpu.memory_space<semaphore_mem>>)
        %dma_wait3A_152 = arith.constant 0 : i32
        %dma_wait3A_153 = tpu.memref_slice %arg5[%arg0, %mul3A_146, %dma_wait3A_152] : memref<2x10240x32xf32, #tpu.memory_space<hbm>> -> memref<1x640x32xf32, #tpu.memory_space<hbm>>
        %dma_wait3A_154 = tpu.memref_squeeze %dma_wait3A_153 : memref<1x640x32xf32, #tpu.memory_space<hbm>> -> memref<640x32xf32, #tpu.memory_space<hbm>>
        %dma_wait3A_155 = arith.constant 0 : i32
        %dma_wait3A_156 = tpu.memref_slice %arg16[%mul3A_144, %dma_wait3A_155] : memref<10240x32xf32, #tpu.memory_space<vmem_shared>> -> memref<640x32xf32, #tpu.memory_space<vmem_shared>>
        tpu.wait_dma2 semaphore(%run_scoped3A : memref<!tpu.dma_semaphore, #tpu.memory_space<semaphore_mem>>) src(%dma_wait3A_156 : memref<640x32xf32, #tpu.memory_space<vmem_shared>>) dst(%dma_wait3A_154 : memref<640x32xf32, #tpu.memory_space<hbm>>)
        tpu.yield
      }) : () -> ()
    } else {
    }
    %eq3A_138 = arith.constant 15 : i32
    %eq3A_139 = arith.cmpi eq, %arg1, %eq3A_138 : i32
    %convert_element_type3A_140 = arith.extui %eq3A_139 : i1 to i32
    %cond3A_141 = arith.constant 0 : i32
    %cond3A_142 = arith.cmpi ne, %convert_element_type3A_140, %cond3A_141 : i32
    scf.if %cond3A_142 {
      "tpu.region"() ({
        %run_scoped3A = tpu.sem_alloc : memref<!tpu.dma_semaphore, #tpu.memory_space<semaphore_mem>>
        %dma_start3A_143 = arith.constant 9600 : i32
        %dma_start3A_144 = arith.constant 0 : i32
        %dma_start3A_145 = tpu.memref_slice %arg5[%arg0, %dma_start3A_143, %dma_start3A_144] : memref<2x10240x32xf32, #tpu.memory_space<hbm>> -> memref<1x400x32xf32, #tpu.memory_space<hbm>>
        %dma_start3A_146 = tpu.memref_squeeze %dma_start3A_145 : memref<1x400x32xf32, #tpu.memory_space<hbm>> -> memref<400x32xf32, #tpu.memory_space<hbm>>
        %dma_start3A_147 = arith.constant 9600 : i32
        %dma_start3A_148 = arith.constant 0 : i32
        %dma_start3A_149 = tpu.memref_slice %arg16[%dma_start3A_147, %dma_start3A_148] : memref<10240x32xf32, #tpu.memory_space<vmem_shared>> -> memref<400x32xf32, #tpu.memory_space<vmem_shared>>
        tpu.enqueue_dma source(%dma_start3A_149 : memref<400x32xf32, #tpu.memory_space<vmem_shared>>) target(%dma_start3A_146 : memref<400x32xf32, #tpu.memory_space<hbm>>) target_semaphore(%run_scoped3A : memref<!tpu.dma_semaphore, #tpu.memory_space<semaphore_mem>>)
        %dma_wait3A_150 = arith.constant 9600 : i32
        %dma_wait3A_151 = arith.constant 0 : i32
        %dma_wait3A_152 = tpu.memref_slice %arg5[%arg0, %dma_wait3A_150, %dma_wait3A_151] : memref<2x10240x32xf32, #tpu.memory_space<hbm>> -> memref<1x400x32xf32, #tpu.memory_space<hbm>>
        %dma_wait3A_153 = tpu.memref_squeeze %dma_wait3A_152 : memref<1x400x32xf32, #tpu.memory_space<hbm>> -> memref<400x32xf32, #tpu.memory_space<hbm>>
        %dma_wait3A_154 = arith.constant 9600 : i32
        %dma_wait3A_155 = arith.constant 0 : i32
        %dma_wait3A_156 = tpu.memref_slice %arg16[%dma_wait3A_154, %dma_wait3A_155] : memref<10240x32xf32, #tpu.memory_space<vmem_shared>> -> memref<400x32xf32, #tpu.memory_space<vmem_shared>>
        tpu.wait_dma2 semaphore(%run_scoped3A : memref<!tpu.dma_semaphore, #tpu.memory_space<semaphore_mem>>) src(%dma_wait3A_156 : memref<400x32xf32, #tpu.memory_space<vmem_shared>>) dst(%dma_wait3A_153 : memref<400x32xf32, #tpu.memory_space<hbm>>)
        tpu.yield
      }) : () -> ()
    } else {
    }
    return
  }
}

#map = affine_map<(d0, d1) -> (0, 0, 0)>
#map1 = affine_map<(d0, d1) -> (0, 0)>
module attributes {stable_mosaic.version = 14 : i64} {
  func.func @agg(%arg0: i32, %arg1: i32, %arg2: memref<32x80x128xi32, #tpu.memory_space<hbm>>, %arg3: memref<32x80x128xi32, #tpu.memory_space<hbm>>, %arg4: memref<10000x64xf32, #tpu.memory_space<hbm>>, %arg5: memref<2x10240x64xf32, #tpu.memory_space<hbm>>, %arg6: memref<80x128xi32, #tpu.memory_space<vmem>>, %arg7: memref<80x128xi32, #tpu.memory_space<vmem>>, %arg8: memref<128x64xf32, #tpu.memory_space<vmem>>, %arg9: memref<128x64xf32, #tpu.memory_space<vmem>>, %arg10: memref<128x64xf32, #tpu.memory_space<vmem>>, %arg11: memref<128x64xf32, #tpu.memory_space<vmem>>, %arg12: memref<10240x64xf32, #tpu.memory_space<vmem_shared>>, %arg13: memref<!tpu.dma_semaphore, #tpu.memory_space<semaphore_mem>>, %arg14: memref<!tpu.dma_semaphore, #tpu.memory_space<semaphore_mem>>, %arg15: memref<!tpu.dma_semaphore, #tpu.memory_space<semaphore_mem>>, %arg16: memref<!tpu.dma_semaphore, #tpu.memory_space<semaphore_mem>>, %arg17: memref<!tpu.dma_semaphore, #tpu.memory_space<semaphore_mem>>, %arg18: memref<!tpu.dma_semaphore, #tpu.memory_space<semaphore_mem>>, %arg19: memref<!tpu.dma_semaphore, #tpu.memory_space<semaphore_mem>>, %arg20: memref<!tpu.dma_semaphore, #tpu.memory_space<semaphore_mem>>, %arg21: memref<!tpu.dma_semaphore, #tpu.memory_space<semaphore_mem>>) attributes {dimension_semantics = [#tpu.dimension_semantics<core_parallel>, #tpu.dimension_semantics<subcore_parallel>], iteration_bounds = array<i64: 2, 16>, scalar_prefetch = 0 : i64, scratch_operands = 16 : i64, tpu.core_type = #tpu.core_type<sc_vector_subcore>, window_params = [{transform_indices = #map}, {transform_indices = #map}, {transform_indices = #map1}, {transform_indices = #map}]} {
    %mul3A = arith.constant 2 : i32
    %mul3A_0 = arith.muli %arg1, %mul3A : i32
    %add3A = arith.addi %mul3A_0, %arg0 : i32
    %lt3A = arith.constant 15 : i32
    %lt3A_1 = arith.cmpi slt, %arg1, %lt3A : i32
    %convert_element_type3A = arith.extui %lt3A_1 : i1 to i32
    %cond3A = arith.constant 0 : i32
    %cond3A_2 = arith.cmpi ne, %convert_element_type3A, %cond3A : i32
    scf.if %cond3A_2 {
      %mul3A_87 = arith.constant 640 : i32
      %mul3A_88 = arith.muli %arg1, %mul3A_87 : i32
      %mul3A_89 = arith.constant 640 : i32
      %mul3A_90 = arith.muli %arg1, %mul3A_89 : i32
      %dma_start3A_91 = arith.constant 0 : i32
      %dma_start3A_92 = tpu.memref_slice %arg12[%mul3A_90, %dma_start3A_91] : memref<10240x64xf32, #tpu.memory_space<vmem_shared>> -> memref<640x64xf32, #tpu.memory_space<vmem_shared>>
      %dma_start3A_93 = arith.constant 0 : i32
      %dma_start3A_94 = tpu.memref_slice %arg4[%mul3A_88, %dma_start3A_93] : memref<10000x64xf32, #tpu.memory_space<hbm>> -> memref<640x64xf32, #tpu.memory_space<hbm>>
      tpu.enqueue_dma source(%dma_start3A_94 : memref<640x64xf32, #tpu.memory_space<hbm>>) target(%dma_start3A_92 : memref<640x64xf32, #tpu.memory_space<vmem_shared>>) target_semaphore(%arg21 : memref<!tpu.dma_semaphore, #tpu.memory_space<semaphore_mem>>)
    } else {
    }
    %eq3A = arith.constant 15 : i32
    %eq3A_3 = arith.cmpi eq, %arg1, %eq3A : i32
    %convert_element_type3A_4 = arith.extui %eq3A_3 : i1 to i32
    %cond3A_5 = arith.constant 0 : i32
    %cond3A_6 = arith.cmpi ne, %convert_element_type3A_4, %cond3A_5 : i32
    scf.if %cond3A_6 {
      %dma_start3A_87 = arith.constant 9600 : i32
      %dma_start3A_88 = arith.constant 0 : i32
      %dma_start3A_89 = tpu.memref_slice %arg12[%dma_start3A_87, %dma_start3A_88] : memref<10240x64xf32, #tpu.memory_space<vmem_shared>> -> memref<400x64xf32, #tpu.memory_space<vmem_shared>>
      %dma_start3A_90 = arith.constant 9600 : i32
      %dma_start3A_91 = arith.constant 0 : i32
      %dma_start3A_92 = tpu.memref_slice %arg4[%dma_start3A_90, %dma_start3A_91] : memref<10000x64xf32, #tpu.memory_space<hbm>> -> memref<400x64xf32, #tpu.memory_space<hbm>>
      tpu.enqueue_dma source(%dma_start3A_92 : memref<400x64xf32, #tpu.memory_space<hbm>>) target(%dma_start3A_89 : memref<400x64xf32, #tpu.memory_space<vmem_shared>>) target_semaphore(%arg21 : memref<!tpu.dma_semaphore, #tpu.memory_space<semaphore_mem>>)
    } else {
    }
    "tpu.region"() ({
      %run_scoped3A = tpu.sem_alloc : memref<!tpu.dma_semaphore, #tpu.memory_space<semaphore_mem>>
      %dma_start3A_87 = arith.constant 0 : i32
      %dma_start3A_88 = arith.constant 0 : i32
      %dma_start3A_89 = tpu.memref_slice %arg2[%add3A, %dma_start3A_87, %dma_start3A_88] : memref<32x80x128xi32, #tpu.memory_space<hbm>> -> memref<1x80x128xi32, #tpu.memory_space<hbm>>
      %dma_start3A_90 = tpu.memref_squeeze %dma_start3A_89 : memref<1x80x128xi32, #tpu.memory_space<hbm>> -> memref<80x128xi32, #tpu.memory_space<hbm>>
      %dma_start3A_91 = arith.constant 0 : i32
      %dma_start3A_92 = arith.constant 0 : i32
      %dma_start3A_93 = tpu.memref_slice %arg2[%add3A, %dma_start3A_91, %dma_start3A_92] : memref<32x80x128xi32, #tpu.memory_space<hbm>> -> memref<1x80x128xi32, #tpu.memory_space<hbm>>
      %dma_start3A_94 = tpu.memref_squeeze %dma_start3A_93 : memref<1x80x128xi32, #tpu.memory_space<hbm>> -> memref<80x128xi32, #tpu.memory_space<hbm>>
      tpu.enqueue_dma source(%dma_start3A_94 : memref<80x128xi32, #tpu.memory_space<hbm>>) target(%arg6 : memref<80x128xi32, #tpu.memory_space<vmem>>) target_semaphore(%run_scoped3A : memref<!tpu.dma_semaphore, #tpu.memory_space<semaphore_mem>>)
      %dma_wait3A_95 = arith.constant 0 : i32
      %dma_wait3A_96 = arith.constant 0 : i32
      %dma_wait3A_97 = tpu.memref_slice %arg2[%add3A, %dma_wait3A_95, %dma_wait3A_96] : memref<32x80x128xi32, #tpu.memory_space<hbm>> -> memref<1x80x128xi32, #tpu.memory_space<hbm>>
      %dma_wait3A_98 = tpu.memref_squeeze %dma_wait3A_97 : memref<1x80x128xi32, #tpu.memory_space<hbm>> -> memref<80x128xi32, #tpu.memory_space<hbm>>
      %dma_wait3A_99 = arith.constant 0 : i32
      %dma_wait3A_100 = arith.constant 0 : i32
      %dma_wait3A_101 = tpu.memref_slice %arg2[%add3A, %dma_wait3A_99, %dma_wait3A_100] : memref<32x80x128xi32, #tpu.memory_space<hbm>> -> memref<1x80x128xi32, #tpu.memory_space<hbm>>
      %dma_wait3A_102 = tpu.memref_squeeze %dma_wait3A_101 : memref<1x80x128xi32, #tpu.memory_space<hbm>> -> memref<80x128xi32, #tpu.memory_space<hbm>>
      tpu.wait_dma2 semaphore(%run_scoped3A : memref<!tpu.dma_semaphore, #tpu.memory_space<semaphore_mem>>) src(%dma_wait3A_102 : memref<80x128xi32, #tpu.memory_space<hbm>>) dst(%arg6 : memref<80x128xi32, #tpu.memory_space<vmem>>)
      tpu.yield
    }) : () -> ()
    "tpu.region"() ({
      %run_scoped3A = tpu.sem_alloc : memref<!tpu.dma_semaphore, #tpu.memory_space<semaphore_mem>>
      %dma_start3A_87 = arith.constant 0 : i32
      %dma_start3A_88 = arith.constant 0 : i32
      %dma_start3A_89 = tpu.memref_slice %arg3[%add3A, %dma_start3A_87, %dma_start3A_88] : memref<32x80x128xi32, #tpu.memory_space<hbm>> -> memref<1x80x128xi32, #tpu.memory_space<hbm>>
      %dma_start3A_90 = tpu.memref_squeeze %dma_start3A_89 : memref<1x80x128xi32, #tpu.memory_space<hbm>> -> memref<80x128xi32, #tpu.memory_space<hbm>>
      %dma_start3A_91 = arith.constant 0 : i32
      %dma_start3A_92 = arith.constant 0 : i32
      %dma_start3A_93 = tpu.memref_slice %arg3[%add3A, %dma_start3A_91, %dma_start3A_92] : memref<32x80x128xi32, #tpu.memory_space<hbm>> -> memref<1x80x128xi32, #tpu.memory_space<hbm>>
      %dma_start3A_94 = tpu.memref_squeeze %dma_start3A_93 : memref<1x80x128xi32, #tpu.memory_space<hbm>> -> memref<80x128xi32, #tpu.memory_space<hbm>>
      tpu.enqueue_dma source(%dma_start3A_94 : memref<80x128xi32, #tpu.memory_space<hbm>>) target(%arg7 : memref<80x128xi32, #tpu.memory_space<vmem>>) target_semaphore(%run_scoped3A : memref<!tpu.dma_semaphore, #tpu.memory_space<semaphore_mem>>)
      %dma_wait3A_95 = arith.constant 0 : i32
      %dma_wait3A_96 = arith.constant 0 : i32
      %dma_wait3A_97 = tpu.memref_slice %arg3[%add3A, %dma_wait3A_95, %dma_wait3A_96] : memref<32x80x128xi32, #tpu.memory_space<hbm>> -> memref<1x80x128xi32, #tpu.memory_space<hbm>>
      %dma_wait3A_98 = tpu.memref_squeeze %dma_wait3A_97 : memref<1x80x128xi32, #tpu.memory_space<hbm>> -> memref<80x128xi32, #tpu.memory_space<hbm>>
      %dma_wait3A_99 = arith.constant 0 : i32
      %dma_wait3A_100 = arith.constant 0 : i32
      %dma_wait3A_101 = tpu.memref_slice %arg3[%add3A, %dma_wait3A_99, %dma_wait3A_100] : memref<32x80x128xi32, #tpu.memory_space<hbm>> -> memref<1x80x128xi32, #tpu.memory_space<hbm>>
      %dma_wait3A_102 = tpu.memref_squeeze %dma_wait3A_101 : memref<1x80x128xi32, #tpu.memory_space<hbm>> -> memref<80x128xi32, #tpu.memory_space<hbm>>
      tpu.wait_dma2 semaphore(%run_scoped3A : memref<!tpu.dma_semaphore, #tpu.memory_space<semaphore_mem>>) src(%dma_wait3A_102 : memref<80x128xi32, #tpu.memory_space<hbm>>) dst(%arg7 : memref<80x128xi32, #tpu.memory_space<vmem>>)
      tpu.yield
    }) : () -> ()
    %lt3A_7 = arith.constant 15 : i32
    %lt3A_8 = arith.cmpi slt, %arg1, %lt3A_7 : i32
    %convert_element_type3A_9 = arith.extui %lt3A_8 : i1 to i32
    %cond3A_10 = arith.constant 0 : i32
    %cond3A_11 = arith.cmpi ne, %convert_element_type3A_9, %cond3A_10 : i32
    scf.if %cond3A_11 {
      %mul3A_87 = arith.constant 640 : i32
      %mul3A_88 = arith.muli %arg1, %mul3A_87 : i32
      %mul3A_89 = arith.constant 640 : i32
      %mul3A_90 = arith.muli %arg1, %mul3A_89 : i32
      %dma_wait3A_91 = arith.constant 0 : i32
      %dma_wait3A_92 = tpu.memref_slice %arg12[%mul3A_90, %dma_wait3A_91] : memref<10240x64xf32, #tpu.memory_space<vmem_shared>> -> memref<640x64xf32, #tpu.memory_space<vmem_shared>>
      %dma_wait3A_93 = arith.constant 0 : i32
      %dma_wait3A_94 = tpu.memref_slice %arg4[%mul3A_88, %dma_wait3A_93] : memref<10000x64xf32, #tpu.memory_space<hbm>> -> memref<640x64xf32, #tpu.memory_space<hbm>>
      tpu.wait_dma2 semaphore(%arg21 : memref<!tpu.dma_semaphore, #tpu.memory_space<semaphore_mem>>) src(%dma_wait3A_94 : memref<640x64xf32, #tpu.memory_space<hbm>>) dst(%dma_wait3A_92 : memref<640x64xf32, #tpu.memory_space<vmem_shared>>)
    } else {
    }
    %eq3A_12 = arith.constant 15 : i32
    %eq3A_13 = arith.cmpi eq, %arg1, %eq3A_12 : i32
    %convert_element_type3A_14 = arith.extui %eq3A_13 : i1 to i32
    %cond3A_15 = arith.constant 0 : i32
    %cond3A_16 = arith.cmpi ne, %convert_element_type3A_14, %cond3A_15 : i32
    scf.if %cond3A_16 {
      %dma_wait3A_87 = arith.constant 9600 : i32
      %dma_wait3A_88 = arith.constant 0 : i32
      %dma_wait3A_89 = tpu.memref_slice %arg12[%dma_wait3A_87, %dma_wait3A_88] : memref<10240x64xf32, #tpu.memory_space<vmem_shared>> -> memref<400x64xf32, #tpu.memory_space<vmem_shared>>
      %dma_wait3A_90 = arith.constant 9600 : i32
      %dma_wait3A_91 = arith.constant 0 : i32
      %dma_wait3A_92 = tpu.memref_slice %arg4[%dma_wait3A_90, %dma_wait3A_91] : memref<10000x64xf32, #tpu.memory_space<hbm>> -> memref<400x64xf32, #tpu.memory_space<hbm>>
      tpu.wait_dma2 semaphore(%arg21 : memref<!tpu.dma_semaphore, #tpu.memory_space<semaphore_mem>>) src(%dma_wait3A_92 : memref<400x64xf32, #tpu.memory_space<hbm>>) dst(%dma_wait3A_89 : memref<400x64xf32, #tpu.memory_space<vmem_shared>>)
    } else {
    }
    %barrier3A = arith.constant 0 : index
    tpu.barrier barrier_id(%barrier3A)
    %dma_start3A = arith.constant 0 : i32
    %dma_start3A_17 = arith.constant 0 : i32
    %dma_start3A_18 = tpu.memref_slice %arg6[%dma_start3A, %dma_start3A_17] : memref<80x128xi32, #tpu.memory_space<vmem>> -> memref<1x128xi32, #tpu.memory_space<vmem>>
    %dma_start3A_19 = tpu.memref_squeeze %dma_start3A_18 : memref<1x128xi32, #tpu.memory_space<vmem>> -> memref<128xi32, #tpu.memory_space<vmem>>
    %dma_start3A_20 = arith.constant 0 : i32
    %dma_start3A_21 = arith.constant 0 : i32
    %dma_start3A_22 = tpu.memref_slice %arg4[%dma_start3A_20, %dma_start3A_21] : memref<10000x64xf32, #tpu.memory_space<hbm>> -> memref<10000x64xf32, #tpu.memory_space<hbm>>
    tpu.enqueue_indirect_dma source(%dma_start3A_22 : memref<10000x64xf32, #tpu.memory_space<hbm>>) target(%arg8 : memref<128x64xf32, #tpu.memory_space<vmem>>) offsets(%dma_start3A_19 : memref<128xi32, #tpu.memory_space<vmem>>) semaphore(%arg13 : memref<!tpu.dma_semaphore, #tpu.memory_space<semaphore_mem>>)
    %dma_start3A_23 = arith.constant 1 : i32
    %dma_start3A_24 = arith.constant 0 : i32
    %dma_start3A_25 = tpu.memref_slice %arg6[%dma_start3A_23, %dma_start3A_24] : memref<80x128xi32, #tpu.memory_space<vmem>> -> memref<1x128xi32, #tpu.memory_space<vmem>>
    %dma_start3A_26 = tpu.memref_squeeze %dma_start3A_25 : memref<1x128xi32, #tpu.memory_space<vmem>> -> memref<128xi32, #tpu.memory_space<vmem>>
    %dma_start3A_27 = arith.constant 0 : i32
    %dma_start3A_28 = arith.constant 0 : i32
    %dma_start3A_29 = tpu.memref_slice %arg4[%dma_start3A_27, %dma_start3A_28] : memref<10000x64xf32, #tpu.memory_space<hbm>> -> memref<10000x64xf32, #tpu.memory_space<hbm>>
    tpu.enqueue_indirect_dma source(%dma_start3A_29 : memref<10000x64xf32, #tpu.memory_space<hbm>>) target(%arg9 : memref<128x64xf32, #tpu.memory_space<vmem>>) offsets(%dma_start3A_26 : memref<128xi32, #tpu.memory_space<vmem>>) semaphore(%arg14 : memref<!tpu.dma_semaphore, #tpu.memory_space<semaphore_mem>>)
    %dma_start3A_30 = arith.constant 2 : i32
    %dma_start3A_31 = arith.constant 0 : i32
    %dma_start3A_32 = tpu.memref_slice %arg6[%dma_start3A_30, %dma_start3A_31] : memref<80x128xi32, #tpu.memory_space<vmem>> -> memref<1x128xi32, #tpu.memory_space<vmem>>
    %dma_start3A_33 = tpu.memref_squeeze %dma_start3A_32 : memref<1x128xi32, #tpu.memory_space<vmem>> -> memref<128xi32, #tpu.memory_space<vmem>>
    %dma_start3A_34 = arith.constant 0 : i32
    %dma_start3A_35 = arith.constant 0 : i32
    %dma_start3A_36 = tpu.memref_slice %arg4[%dma_start3A_34, %dma_start3A_35] : memref<10000x64xf32, #tpu.memory_space<hbm>> -> memref<10000x64xf32, #tpu.memory_space<hbm>>
    tpu.enqueue_indirect_dma source(%dma_start3A_36 : memref<10000x64xf32, #tpu.memory_space<hbm>>) target(%arg10 : memref<128x64xf32, #tpu.memory_space<vmem>>) offsets(%dma_start3A_33 : memref<128xi32, #tpu.memory_space<vmem>>) semaphore(%arg15 : memref<!tpu.dma_semaphore, #tpu.memory_space<semaphore_mem>>)
    %dma_start3A_37 = arith.constant 3 : i32
    %dma_start3A_38 = arith.constant 0 : i32
    %dma_start3A_39 = tpu.memref_slice %arg6[%dma_start3A_37, %dma_start3A_38] : memref<80x128xi32, #tpu.memory_space<vmem>> -> memref<1x128xi32, #tpu.memory_space<vmem>>
    %dma_start3A_40 = tpu.memref_squeeze %dma_start3A_39 : memref<1x128xi32, #tpu.memory_space<vmem>> -> memref<128xi32, #tpu.memory_space<vmem>>
    %dma_start3A_41 = arith.constant 0 : i32
    %dma_start3A_42 = arith.constant 0 : i32
    %dma_start3A_43 = tpu.memref_slice %arg4[%dma_start3A_41, %dma_start3A_42] : memref<10000x64xf32, #tpu.memory_space<hbm>> -> memref<10000x64xf32, #tpu.memory_space<hbm>>
    tpu.enqueue_indirect_dma source(%dma_start3A_43 : memref<10000x64xf32, #tpu.memory_space<hbm>>) target(%arg11 : memref<128x64xf32, #tpu.memory_space<vmem>>) offsets(%dma_start3A_40 : memref<128xi32, #tpu.memory_space<vmem>>) semaphore(%arg16 : memref<!tpu.dma_semaphore, #tpu.memory_space<semaphore_mem>>)
    %scan3A = arith.constant 0 : i32
    %scan3A_44 = arith.constant 0 : i32
    %scan3A_45 = arith.constant 20 : i32
    %scan3A_46 = arith.addi %scan3A_44, %scan3A_45 : i32
    %scan3A_47 = arith.constant 1 : i32
    scf.for %scan3A_87 = %scan3A_44 to %scan3A_46 step %scan3A_47  : i32 {
      %mul3A_88 = arith.constant 4 : i32
      %mul3A_89 = arith.muli %mul3A_88, %scan3A_87 : i32
      %add3A_90 = arith.constant 0 : i32
      %add3A_91 = arith.addi %mul3A_89, %add3A_90 : i32
      %dma_wait3A_92 = arith.constant 0 : i32
      %dma_wait3A_93 = tpu.memref_slice %arg6[%add3A_91, %dma_wait3A_92] : memref<80x128xi32, #tpu.memory_space<vmem>> -> memref<1x128xi32, #tpu.memory_space<vmem>>
      %dma_wait3A_94 = tpu.memref_squeeze %dma_wait3A_93 : memref<1x128xi32, #tpu.memory_space<vmem>> -> memref<128xi32, #tpu.memory_space<vmem>>
      %dma_wait3A_95 = arith.constant 0 : i32
      %dma_wait3A_96 = arith.constant 0 : i32
      %dma_wait3A_97 = tpu.memref_slice %arg4[%dma_wait3A_95, %dma_wait3A_96] : memref<10000x64xf32, #tpu.memory_space<hbm>> -> memref<10000x64xf32, #tpu.memory_space<hbm>>
      tpu.wait_indirect_dma semaphore(%arg13 : memref<!tpu.dma_semaphore, #tpu.memory_space<semaphore_mem>>) src(%dma_wait3A_97 : memref<10000x64xf32, #tpu.memory_space<hbm>>) dst(%arg8 : memref<128x64xf32, #tpu.memory_space<vmem>>)
      %dma_start3A_98 = arith.constant 0 : i32
      %dma_start3A_99 = tpu.memref_slice %arg7[%add3A_91, %dma_start3A_98] : memref<80x128xi32, #tpu.memory_space<vmem>> -> memref<1x128xi32, #tpu.memory_space<vmem>>
      %dma_start3A_100 = tpu.memref_squeeze %dma_start3A_99 : memref<1x128xi32, #tpu.memory_space<vmem>> -> memref<128xi32, #tpu.memory_space<vmem>>
      %dma_start3A_101 = arith.constant 0 : i32
      %dma_start3A_102 = arith.constant 0 : i32
      %dma_start3A_103 = tpu.memref_slice %arg12[%dma_start3A_101, %dma_start3A_102] : memref<10240x64xf32, #tpu.memory_space<vmem_shared>> -> memref<10240x64xf32, #tpu.memory_space<vmem_shared>>
      tpu.enqueue_indirect_dma source(%arg8 : memref<128x64xf32, #tpu.memory_space<vmem>>) target(%dma_start3A_103 : memref<10240x64xf32, #tpu.memory_space<vmem_shared>>) offsets(%dma_start3A_100 : memref<128xi32, #tpu.memory_space<vmem>>) semaphore(%arg17 : memref<!tpu.dma_semaphore, #tpu.memory_space<semaphore_mem>>) {add = true}
      %lt3A_104 = arith.constant 19 : i32
      %lt3A_105 = arith.cmpi slt, %scan3A_87, %lt3A_104 : i32
      %convert_element_type3A_106 = arith.extui %lt3A_105 : i1 to i32
      %cond3A_107 = arith.constant 0 : i32
      %cond3A_108 = arith.cmpi ne, %convert_element_type3A_106, %cond3A_107 : i32
      scf.if %cond3A_108 {
        %dma_wait3A_172 = arith.constant 0 : i32
        %dma_wait3A_173 = tpu.memref_slice %arg7[%add3A_91, %dma_wait3A_172] : memref<80x128xi32, #tpu.memory_space<vmem>> -> memref<1x128xi32, #tpu.memory_space<vmem>>
        %dma_wait3A_174 = tpu.memref_squeeze %dma_wait3A_173 : memref<1x128xi32, #tpu.memory_space<vmem>> -> memref<128xi32, #tpu.memory_space<vmem>>
        %dma_wait3A_175 = arith.constant 0 : i32
        %dma_wait3A_176 = arith.constant 0 : i32
        %dma_wait3A_177 = tpu.memref_slice %arg12[%dma_wait3A_175, %dma_wait3A_176] : memref<10240x64xf32, #tpu.memory_space<vmem_shared>> -> memref<10240x64xf32, #tpu.memory_space<vmem_shared>>
        tpu.wait_indirect_dma semaphore(%arg17 : memref<!tpu.dma_semaphore, #tpu.memory_space<semaphore_mem>>) src(%arg8 : memref<128x64xf32, #tpu.memory_space<vmem>>) dst(%dma_wait3A_177 : memref<10240x64xf32, #tpu.memory_space<vmem_shared>>)
        %add3A_178 = arith.constant 4 : i32
        %add3A_179 = arith.addi %add3A_91, %add3A_178 : i32
        %dma_start3A_180 = arith.constant 0 : i32
        %dma_start3A_181 = tpu.memref_slice %arg6[%add3A_179, %dma_start3A_180] : memref<80x128xi32, #tpu.memory_space<vmem>> -> memref<1x128xi32, #tpu.memory_space<vmem>>
        %dma_start3A_182 = tpu.memref_squeeze %dma_start3A_181 : memref<1x128xi32, #tpu.memory_space<vmem>> -> memref<128xi32, #tpu.memory_space<vmem>>
        %dma_start3A_183 = arith.constant 0 : i32
        %dma_start3A_184 = arith.constant 0 : i32
        %dma_start3A_185 = tpu.memref_slice %arg4[%dma_start3A_183, %dma_start3A_184] : memref<10000x64xf32, #tpu.memory_space<hbm>> -> memref<10000x64xf32, #tpu.memory_space<hbm>>
        tpu.enqueue_indirect_dma source(%dma_start3A_185 : memref<10000x64xf32, #tpu.memory_space<hbm>>) target(%arg8 : memref<128x64xf32, #tpu.memory_space<vmem>>) offsets(%dma_start3A_182 : memref<128xi32, #tpu.memory_space<vmem>>) semaphore(%arg13 : memref<!tpu.dma_semaphore, #tpu.memory_space<semaphore_mem>>)
      } else {
      }
      %mul3A_109 = arith.constant 4 : i32
      %mul3A_110 = arith.muli %mul3A_109, %scan3A_87 : i32
      %add3A_111 = arith.constant 1 : i32
      %add3A_112 = arith.addi %mul3A_110, %add3A_111 : i32
      %dma_wait3A_113 = arith.constant 0 : i32
      %dma_wait3A_114 = tpu.memref_slice %arg6[%add3A_112, %dma_wait3A_113] : memref<80x128xi32, #tpu.memory_space<vmem>> -> memref<1x128xi32, #tpu.memory_space<vmem>>
      %dma_wait3A_115 = tpu.memref_squeeze %dma_wait3A_114 : memref<1x128xi32, #tpu.memory_space<vmem>> -> memref<128xi32, #tpu.memory_space<vmem>>
      %dma_wait3A_116 = arith.constant 0 : i32
      %dma_wait3A_117 = arith.constant 0 : i32
      %dma_wait3A_118 = tpu.memref_slice %arg4[%dma_wait3A_116, %dma_wait3A_117] : memref<10000x64xf32, #tpu.memory_space<hbm>> -> memref<10000x64xf32, #tpu.memory_space<hbm>>
      tpu.wait_indirect_dma semaphore(%arg14 : memref<!tpu.dma_semaphore, #tpu.memory_space<semaphore_mem>>) src(%dma_wait3A_118 : memref<10000x64xf32, #tpu.memory_space<hbm>>) dst(%arg9 : memref<128x64xf32, #tpu.memory_space<vmem>>)
      %dma_start3A_119 = arith.constant 0 : i32
      %dma_start3A_120 = tpu.memref_slice %arg7[%add3A_112, %dma_start3A_119] : memref<80x128xi32, #tpu.memory_space<vmem>> -> memref<1x128xi32, #tpu.memory_space<vmem>>
      %dma_start3A_121 = tpu.memref_squeeze %dma_start3A_120 : memref<1x128xi32, #tpu.memory_space<vmem>> -> memref<128xi32, #tpu.memory_space<vmem>>
      %dma_start3A_122 = arith.constant 0 : i32
      %dma_start3A_123 = arith.constant 0 : i32
      %dma_start3A_124 = tpu.memref_slice %arg12[%dma_start3A_122, %dma_start3A_123] : memref<10240x64xf32, #tpu.memory_space<vmem_shared>> -> memref<10240x64xf32, #tpu.memory_space<vmem_shared>>
      tpu.enqueue_indirect_dma source(%arg9 : memref<128x64xf32, #tpu.memory_space<vmem>>) target(%dma_start3A_124 : memref<10240x64xf32, #tpu.memory_space<vmem_shared>>) offsets(%dma_start3A_121 : memref<128xi32, #tpu.memory_space<vmem>>) semaphore(%arg18 : memref<!tpu.dma_semaphore, #tpu.memory_space<semaphore_mem>>) {add = true}
      %lt3A_125 = arith.constant 19 : i32
      %lt3A_126 = arith.cmpi slt, %scan3A_87, %lt3A_125 : i32
      %convert_element_type3A_127 = arith.extui %lt3A_126 : i1 to i32
      %cond3A_128 = arith.constant 0 : i32
      %cond3A_129 = arith.cmpi ne, %convert_element_type3A_127, %cond3A_128 : i32
      scf.if %cond3A_129 {
        %dma_wait3A_172 = arith.constant 0 : i32
        %dma_wait3A_173 = tpu.memref_slice %arg7[%add3A_112, %dma_wait3A_172] : memref<80x128xi32, #tpu.memory_space<vmem>> -> memref<1x128xi32, #tpu.memory_space<vmem>>
        %dma_wait3A_174 = tpu.memref_squeeze %dma_wait3A_173 : memref<1x128xi32, #tpu.memory_space<vmem>> -> memref<128xi32, #tpu.memory_space<vmem>>
        %dma_wait3A_175 = arith.constant 0 : i32
        %dma_wait3A_176 = arith.constant 0 : i32
        %dma_wait3A_177 = tpu.memref_slice %arg12[%dma_wait3A_175, %dma_wait3A_176] : memref<10240x64xf32, #tpu.memory_space<vmem_shared>> -> memref<10240x64xf32, #tpu.memory_space<vmem_shared>>
        tpu.wait_indirect_dma semaphore(%arg18 : memref<!tpu.dma_semaphore, #tpu.memory_space<semaphore_mem>>) src(%arg9 : memref<128x64xf32, #tpu.memory_space<vmem>>) dst(%dma_wait3A_177 : memref<10240x64xf32, #tpu.memory_space<vmem_shared>>)
        %add3A_178 = arith.constant 4 : i32
        %add3A_179 = arith.addi %add3A_112, %add3A_178 : i32
        %dma_start3A_180 = arith.constant 0 : i32
        %dma_start3A_181 = tpu.memref_slice %arg6[%add3A_179, %dma_start3A_180] : memref<80x128xi32, #tpu.memory_space<vmem>> -> memref<1x128xi32, #tpu.memory_space<vmem>>
        %dma_start3A_182 = tpu.memref_squeeze %dma_start3A_181 : memref<1x128xi32, #tpu.memory_space<vmem>> -> memref<128xi32, #tpu.memory_space<vmem>>
        %dma_start3A_183 = arith.constant 0 : i32
        %dma_start3A_184 = arith.constant 0 : i32
        %dma_start3A_185 = tpu.memref_slice %arg4[%dma_start3A_183, %dma_start3A_184] : memref<10000x64xf32, #tpu.memory_space<hbm>> -> memref<10000x64xf32, #tpu.memory_space<hbm>>
        tpu.enqueue_indirect_dma source(%dma_start3A_185 : memref<10000x64xf32, #tpu.memory_space<hbm>>) target(%arg9 : memref<128x64xf32, #tpu.memory_space<vmem>>) offsets(%dma_start3A_182 : memref<128xi32, #tpu.memory_space<vmem>>) semaphore(%arg14 : memref<!tpu.dma_semaphore, #tpu.memory_space<semaphore_mem>>)
      } else {
      }
      %mul3A_130 = arith.constant 4 : i32
      %mul3A_131 = arith.muli %mul3A_130, %scan3A_87 : i32
      %add3A_132 = arith.constant 2 : i32
      %add3A_133 = arith.addi %mul3A_131, %add3A_132 : i32
      %dma_wait3A_134 = arith.constant 0 : i32
      %dma_wait3A_135 = tpu.memref_slice %arg6[%add3A_133, %dma_wait3A_134] : memref<80x128xi32, #tpu.memory_space<vmem>> -> memref<1x128xi32, #tpu.memory_space<vmem>>
      %dma_wait3A_136 = tpu.memref_squeeze %dma_wait3A_135 : memref<1x128xi32, #tpu.memory_space<vmem>> -> memref<128xi32, #tpu.memory_space<vmem>>
      %dma_wait3A_137 = arith.constant 0 : i32
      %dma_wait3A_138 = arith.constant 0 : i32
      %dma_wait3A_139 = tpu.memref_slice %arg4[%dma_wait3A_137, %dma_wait3A_138] : memref<10000x64xf32, #tpu.memory_space<hbm>> -> memref<10000x64xf32, #tpu.memory_space<hbm>>
      tpu.wait_indirect_dma semaphore(%arg15 : memref<!tpu.dma_semaphore, #tpu.memory_space<semaphore_mem>>) src(%dma_wait3A_139 : memref<10000x64xf32, #tpu.memory_space<hbm>>) dst(%arg10 : memref<128x64xf32, #tpu.memory_space<vmem>>)
      %dma_start3A_140 = arith.constant 0 : i32
      %dma_start3A_141 = tpu.memref_slice %arg7[%add3A_133, %dma_start3A_140] : memref<80x128xi32, #tpu.memory_space<vmem>> -> memref<1x128xi32, #tpu.memory_space<vmem>>
      %dma_start3A_142 = tpu.memref_squeeze %dma_start3A_141 : memref<1x128xi32, #tpu.memory_space<vmem>> -> memref<128xi32, #tpu.memory_space<vmem>>
      %dma_start3A_143 = arith.constant 0 : i32
      %dma_start3A_144 = arith.constant 0 : i32
      %dma_start3A_145 = tpu.memref_slice %arg12[%dma_start3A_143, %dma_start3A_144] : memref<10240x64xf32, #tpu.memory_space<vmem_shared>> -> memref<10240x64xf32, #tpu.memory_space<vmem_shared>>
      tpu.enqueue_indirect_dma source(%arg10 : memref<128x64xf32, #tpu.memory_space<vmem>>) target(%dma_start3A_145 : memref<10240x64xf32, #tpu.memory_space<vmem_shared>>) offsets(%dma_start3A_142 : memref<128xi32, #tpu.memory_space<vmem>>) semaphore(%arg19 : memref<!tpu.dma_semaphore, #tpu.memory_space<semaphore_mem>>) {add = true}
      %lt3A_146 = arith.constant 19 : i32
      %lt3A_147 = arith.cmpi slt, %scan3A_87, %lt3A_146 : i32
      %convert_element_type3A_148 = arith.extui %lt3A_147 : i1 to i32
      %cond3A_149 = arith.constant 0 : i32
      %cond3A_150 = arith.cmpi ne, %convert_element_type3A_148, %cond3A_149 : i32
      scf.if %cond3A_150 {
        %dma_wait3A_172 = arith.constant 0 : i32
        %dma_wait3A_173 = tpu.memref_slice %arg7[%add3A_133, %dma_wait3A_172] : memref<80x128xi32, #tpu.memory_space<vmem>> -> memref<1x128xi32, #tpu.memory_space<vmem>>
        %dma_wait3A_174 = tpu.memref_squeeze %dma_wait3A_173 : memref<1x128xi32, #tpu.memory_space<vmem>> -> memref<128xi32, #tpu.memory_space<vmem>>
        %dma_wait3A_175 = arith.constant 0 : i32
        %dma_wait3A_176 = arith.constant 0 : i32
        %dma_wait3A_177 = tpu.memref_slice %arg12[%dma_wait3A_175, %dma_wait3A_176] : memref<10240x64xf32, #tpu.memory_space<vmem_shared>> -> memref<10240x64xf32, #tpu.memory_space<vmem_shared>>
        tpu.wait_indirect_dma semaphore(%arg19 : memref<!tpu.dma_semaphore, #tpu.memory_space<semaphore_mem>>) src(%arg10 : memref<128x64xf32, #tpu.memory_space<vmem>>) dst(%dma_wait3A_177 : memref<10240x64xf32, #tpu.memory_space<vmem_shared>>)
        %add3A_178 = arith.constant 4 : i32
        %add3A_179 = arith.addi %add3A_133, %add3A_178 : i32
        %dma_start3A_180 = arith.constant 0 : i32
        %dma_start3A_181 = tpu.memref_slice %arg6[%add3A_179, %dma_start3A_180] : memref<80x128xi32, #tpu.memory_space<vmem>> -> memref<1x128xi32, #tpu.memory_space<vmem>>
        %dma_start3A_182 = tpu.memref_squeeze %dma_start3A_181 : memref<1x128xi32, #tpu.memory_space<vmem>> -> memref<128xi32, #tpu.memory_space<vmem>>
        %dma_start3A_183 = arith.constant 0 : i32
        %dma_start3A_184 = arith.constant 0 : i32
        %dma_start3A_185 = tpu.memref_slice %arg4[%dma_start3A_183, %dma_start3A_184] : memref<10000x64xf32, #tpu.memory_space<hbm>> -> memref<10000x64xf32, #tpu.memory_space<hbm>>
        tpu.enqueue_indirect_dma source(%dma_start3A_185 : memref<10000x64xf32, #tpu.memory_space<hbm>>) target(%arg10 : memref<128x64xf32, #tpu.memory_space<vmem>>) offsets(%dma_start3A_182 : memref<128xi32, #tpu.memory_space<vmem>>) semaphore(%arg15 : memref<!tpu.dma_semaphore, #tpu.memory_space<semaphore_mem>>)
      } else {
      }
      %mul3A_151 = arith.constant 4 : i32
      %mul3A_152 = arith.muli %mul3A_151, %scan3A_87 : i32
      %add3A_153 = arith.constant 3 : i32
      %add3A_154 = arith.addi %mul3A_152, %add3A_153 : i32
      %dma_wait3A_155 = arith.constant 0 : i32
      %dma_wait3A_156 = tpu.memref_slice %arg6[%add3A_154, %dma_wait3A_155] : memref<80x128xi32, #tpu.memory_space<vmem>> -> memref<1x128xi32, #tpu.memory_space<vmem>>
      %dma_wait3A_157 = tpu.memref_squeeze %dma_wait3A_156 : memref<1x128xi32, #tpu.memory_space<vmem>> -> memref<128xi32, #tpu.memory_space<vmem>>
      %dma_wait3A_158 = arith.constant 0 : i32
      %dma_wait3A_159 = arith.constant 0 : i32
      %dma_wait3A_160 = tpu.memref_slice %arg4[%dma_wait3A_158, %dma_wait3A_159] : memref<10000x64xf32, #tpu.memory_space<hbm>> -> memref<10000x64xf32, #tpu.memory_space<hbm>>
      tpu.wait_indirect_dma semaphore(%arg16 : memref<!tpu.dma_semaphore, #tpu.memory_space<semaphore_mem>>) src(%dma_wait3A_160 : memref<10000x64xf32, #tpu.memory_space<hbm>>) dst(%arg11 : memref<128x64xf32, #tpu.memory_space<vmem>>)
      %dma_start3A_161 = arith.constant 0 : i32
      %dma_start3A_162 = tpu.memref_slice %arg7[%add3A_154, %dma_start3A_161] : memref<80x128xi32, #tpu.memory_space<vmem>> -> memref<1x128xi32, #tpu.memory_space<vmem>>
      %dma_start3A_163 = tpu.memref_squeeze %dma_start3A_162 : memref<1x128xi32, #tpu.memory_space<vmem>> -> memref<128xi32, #tpu.memory_space<vmem>>
      %dma_start3A_164 = arith.constant 0 : i32
      %dma_start3A_165 = arith.constant 0 : i32
      %dma_start3A_166 = tpu.memref_slice %arg12[%dma_start3A_164, %dma_start3A_165] : memref<10240x64xf32, #tpu.memory_space<vmem_shared>> -> memref<10240x64xf32, #tpu.memory_space<vmem_shared>>
      tpu.enqueue_indirect_dma source(%arg11 : memref<128x64xf32, #tpu.memory_space<vmem>>) target(%dma_start3A_166 : memref<10240x64xf32, #tpu.memory_space<vmem_shared>>) offsets(%dma_start3A_163 : memref<128xi32, #tpu.memory_space<vmem>>) semaphore(%arg20 : memref<!tpu.dma_semaphore, #tpu.memory_space<semaphore_mem>>) {add = true}
      %lt3A_167 = arith.constant 19 : i32
      %lt3A_168 = arith.cmpi slt, %scan3A_87, %lt3A_167 : i32
      %convert_element_type3A_169 = arith.extui %lt3A_168 : i1 to i32
      %cond3A_170 = arith.constant 0 : i32
      %cond3A_171 = arith.cmpi ne, %convert_element_type3A_169, %cond3A_170 : i32
      scf.if %cond3A_171 {
        %dma_wait3A_172 = arith.constant 0 : i32
        %dma_wait3A_173 = tpu.memref_slice %arg7[%add3A_154, %dma_wait3A_172] : memref<80x128xi32, #tpu.memory_space<vmem>> -> memref<1x128xi32, #tpu.memory_space<vmem>>
        %dma_wait3A_174 = tpu.memref_squeeze %dma_wait3A_173 : memref<1x128xi32, #tpu.memory_space<vmem>> -> memref<128xi32, #tpu.memory_space<vmem>>
        %dma_wait3A_175 = arith.constant 0 : i32
        %dma_wait3A_176 = arith.constant 0 : i32
        %dma_wait3A_177 = tpu.memref_slice %arg12[%dma_wait3A_175, %dma_wait3A_176] : memref<10240x64xf32, #tpu.memory_space<vmem_shared>> -> memref<10240x64xf32, #tpu.memory_space<vmem_shared>>
        tpu.wait_indirect_dma semaphore(%arg20 : memref<!tpu.dma_semaphore, #tpu.memory_space<semaphore_mem>>) src(%arg11 : memref<128x64xf32, #tpu.memory_space<vmem>>) dst(%dma_wait3A_177 : memref<10240x64xf32, #tpu.memory_space<vmem_shared>>)
        %add3A_178 = arith.constant 4 : i32
        %add3A_179 = arith.addi %add3A_154, %add3A_178 : i32
        %dma_start3A_180 = arith.constant 0 : i32
        %dma_start3A_181 = tpu.memref_slice %arg6[%add3A_179, %dma_start3A_180] : memref<80x128xi32, #tpu.memory_space<vmem>> -> memref<1x128xi32, #tpu.memory_space<vmem>>
        %dma_start3A_182 = tpu.memref_squeeze %dma_start3A_181 : memref<1x128xi32, #tpu.memory_space<vmem>> -> memref<128xi32, #tpu.memory_space<vmem>>
        %dma_start3A_183 = arith.constant 0 : i32
        %dma_start3A_184 = arith.constant 0 : i32
        %dma_start3A_185 = tpu.memref_slice %arg4[%dma_start3A_183, %dma_start3A_184] : memref<10000x64xf32, #tpu.memory_space<hbm>> -> memref<10000x64xf32, #tpu.memory_space<hbm>>
        tpu.enqueue_indirect_dma source(%dma_start3A_185 : memref<10000x64xf32, #tpu.memory_space<hbm>>) target(%arg11 : memref<128x64xf32, #tpu.memory_space<vmem>>) offsets(%dma_start3A_182 : memref<128xi32, #tpu.memory_space<vmem>>) semaphore(%arg16 : memref<!tpu.dma_semaphore, #tpu.memory_space<semaphore_mem>>)
      } else {
      }
    }
    %scan3A_48 = arith.constant 20 : i32
    %dma_wait3A = arith.constant 0 : i32
    %dma_wait3A_49 = arith.constant 0 : i32
    %dma_wait3A_50 = tpu.memref_slice %arg7[%dma_wait3A, %dma_wait3A_49] : memref<80x128xi32, #tpu.memory_space<vmem>> -> memref<1x128xi32, #tpu.memory_space<vmem>>
    %dma_wait3A_51 = tpu.memref_squeeze %dma_wait3A_50 : memref<1x128xi32, #tpu.memory_space<vmem>> -> memref<128xi32, #tpu.memory_space<vmem>>
    %dma_wait3A_52 = arith.constant 0 : i32
    %dma_wait3A_53 = arith.constant 0 : i32
    %dma_wait3A_54 = tpu.memref_slice %arg12[%dma_wait3A_52, %dma_wait3A_53] : memref<10240x64xf32, #tpu.memory_space<vmem_shared>> -> memref<10240x64xf32, #tpu.memory_space<vmem_shared>>
    tpu.wait_indirect_dma semaphore(%arg17 : memref<!tpu.dma_semaphore, #tpu.memory_space<semaphore_mem>>) src(%arg8 : memref<128x64xf32, #tpu.memory_space<vmem>>) dst(%dma_wait3A_54 : memref<10240x64xf32, #tpu.memory_space<vmem_shared>>)
    %dma_wait3A_55 = arith.constant 0 : i32
    %dma_wait3A_56 = arith.constant 0 : i32
    %dma_wait3A_57 = tpu.memref_slice %arg7[%dma_wait3A_55, %dma_wait3A_56] : memref<80x128xi32, #tpu.memory_space<vmem>> -> memref<1x128xi32, #tpu.memory_space<vmem>>
    %dma_wait3A_58 = tpu.memref_squeeze %dma_wait3A_57 : memref<1x128xi32, #tpu.memory_space<vmem>> -> memref<128xi32, #tpu.memory_space<vmem>>
    %dma_wait3A_59 = arith.constant 0 : i32
    %dma_wait3A_60 = arith.constant 0 : i32
    %dma_wait3A_61 = tpu.memref_slice %arg12[%dma_wait3A_59, %dma_wait3A_60] : memref<10240x64xf32, #tpu.memory_space<vmem_shared>> -> memref<10240x64xf32, #tpu.memory_space<vmem_shared>>
    tpu.wait_indirect_dma semaphore(%arg18 : memref<!tpu.dma_semaphore, #tpu.memory_space<semaphore_mem>>) src(%arg9 : memref<128x64xf32, #tpu.memory_space<vmem>>) dst(%dma_wait3A_61 : memref<10240x64xf32, #tpu.memory_space<vmem_shared>>)
    %dma_wait3A_62 = arith.constant 0 : i32
    %dma_wait3A_63 = arith.constant 0 : i32
    %dma_wait3A_64 = tpu.memref_slice %arg7[%dma_wait3A_62, %dma_wait3A_63] : memref<80x128xi32, #tpu.memory_space<vmem>> -> memref<1x128xi32, #tpu.memory_space<vmem>>
    %dma_wait3A_65 = tpu.memref_squeeze %dma_wait3A_64 : memref<1x128xi32, #tpu.memory_space<vmem>> -> memref<128xi32, #tpu.memory_space<vmem>>
    %dma_wait3A_66 = arith.constant 0 : i32
    %dma_wait3A_67 = arith.constant 0 : i32
    %dma_wait3A_68 = tpu.memref_slice %arg12[%dma_wait3A_66, %dma_wait3A_67] : memref<10240x64xf32, #tpu.memory_space<vmem_shared>> -> memref<10240x64xf32, #tpu.memory_space<vmem_shared>>
    tpu.wait_indirect_dma semaphore(%arg19 : memref<!tpu.dma_semaphore, #tpu.memory_space<semaphore_mem>>) src(%arg10 : memref<128x64xf32, #tpu.memory_space<vmem>>) dst(%dma_wait3A_68 : memref<10240x64xf32, #tpu.memory_space<vmem_shared>>)
    %dma_wait3A_69 = arith.constant 0 : i32
    %dma_wait3A_70 = arith.constant 0 : i32
    %dma_wait3A_71 = tpu.memref_slice %arg7[%dma_wait3A_69, %dma_wait3A_70] : memref<80x128xi32, #tpu.memory_space<vmem>> -> memref<1x128xi32, #tpu.memory_space<vmem>>
    %dma_wait3A_72 = tpu.memref_squeeze %dma_wait3A_71 : memref<1x128xi32, #tpu.memory_space<vmem>> -> memref<128xi32, #tpu.memory_space<vmem>>
    %dma_wait3A_73 = arith.constant 0 : i32
    %dma_wait3A_74 = arith.constant 0 : i32
    %dma_wait3A_75 = tpu.memref_slice %arg12[%dma_wait3A_73, %dma_wait3A_74] : memref<10240x64xf32, #tpu.memory_space<vmem_shared>> -> memref<10240x64xf32, #tpu.memory_space<vmem_shared>>
    tpu.wait_indirect_dma semaphore(%arg20 : memref<!tpu.dma_semaphore, #tpu.memory_space<semaphore_mem>>) src(%arg11 : memref<128x64xf32, #tpu.memory_space<vmem>>) dst(%dma_wait3A_75 : memref<10240x64xf32, #tpu.memory_space<vmem_shared>>)
    %barrier3A_76 = arith.constant 0 : index
    tpu.barrier barrier_id(%barrier3A_76)
    %lt3A_77 = arith.constant 15 : i32
    %lt3A_78 = arith.cmpi slt, %arg1, %lt3A_77 : i32
    %convert_element_type3A_79 = arith.extui %lt3A_78 : i1 to i32
    %cond3A_80 = arith.constant 0 : i32
    %cond3A_81 = arith.cmpi ne, %convert_element_type3A_79, %cond3A_80 : i32
    scf.if %cond3A_81 {
      %mul3A_87 = arith.constant 640 : i32
      %mul3A_88 = arith.muli %arg1, %mul3A_87 : i32
      %mul3A_89 = arith.constant 640 : i32
      %mul3A_90 = arith.muli %arg1, %mul3A_89 : i32
      "tpu.region"() ({
        %run_scoped3A = tpu.sem_alloc : memref<!tpu.dma_semaphore, #tpu.memory_space<semaphore_mem>>
        %dma_start3A_91 = arith.constant 0 : i32
        %dma_start3A_92 = tpu.memref_slice %arg5[%arg0, %mul3A_90, %dma_start3A_91] : memref<2x10240x64xf32, #tpu.memory_space<hbm>> -> memref<1x640x64xf32, #tpu.memory_space<hbm>>
        %dma_start3A_93 = tpu.memref_squeeze %dma_start3A_92 : memref<1x640x64xf32, #tpu.memory_space<hbm>> -> memref<640x64xf32, #tpu.memory_space<hbm>>
        %dma_start3A_94 = arith.constant 0 : i32
        %dma_start3A_95 = tpu.memref_slice %arg12[%mul3A_88, %dma_start3A_94] : memref<10240x64xf32, #tpu.memory_space<vmem_shared>> -> memref<640x64xf32, #tpu.memory_space<vmem_shared>>
        tpu.enqueue_dma source(%dma_start3A_95 : memref<640x64xf32, #tpu.memory_space<vmem_shared>>) target(%dma_start3A_93 : memref<640x64xf32, #tpu.memory_space<hbm>>) target_semaphore(%run_scoped3A : memref<!tpu.dma_semaphore, #tpu.memory_space<semaphore_mem>>)
        %dma_wait3A_96 = arith.constant 0 : i32
        %dma_wait3A_97 = tpu.memref_slice %arg5[%arg0, %mul3A_90, %dma_wait3A_96] : memref<2x10240x64xf32, #tpu.memory_space<hbm>> -> memref<1x640x64xf32, #tpu.memory_space<hbm>>
        %dma_wait3A_98 = tpu.memref_squeeze %dma_wait3A_97 : memref<1x640x64xf32, #tpu.memory_space<hbm>> -> memref<640x64xf32, #tpu.memory_space<hbm>>
        %dma_wait3A_99 = arith.constant 0 : i32
        %dma_wait3A_100 = tpu.memref_slice %arg12[%mul3A_88, %dma_wait3A_99] : memref<10240x64xf32, #tpu.memory_space<vmem_shared>> -> memref<640x64xf32, #tpu.memory_space<vmem_shared>>
        tpu.wait_dma2 semaphore(%run_scoped3A : memref<!tpu.dma_semaphore, #tpu.memory_space<semaphore_mem>>) src(%dma_wait3A_100 : memref<640x64xf32, #tpu.memory_space<vmem_shared>>) dst(%dma_wait3A_98 : memref<640x64xf32, #tpu.memory_space<hbm>>)
        tpu.yield
      }) : () -> ()
    } else {
    }
    %eq3A_82 = arith.constant 15 : i32
    %eq3A_83 = arith.cmpi eq, %arg1, %eq3A_82 : i32
    %convert_element_type3A_84 = arith.extui %eq3A_83 : i1 to i32
    %cond3A_85 = arith.constant 0 : i32
    %cond3A_86 = arith.cmpi ne, %convert_element_type3A_84, %cond3A_85 : i32
    scf.if %cond3A_86 {
      "tpu.region"() ({
        %run_scoped3A = tpu.sem_alloc : memref<!tpu.dma_semaphore, #tpu.memory_space<semaphore_mem>>
        %dma_start3A_87 = arith.constant 9600 : i32
        %dma_start3A_88 = arith.constant 0 : i32
        %dma_start3A_89 = tpu.memref_slice %arg5[%arg0, %dma_start3A_87, %dma_start3A_88] : memref<2x10240x64xf32, #tpu.memory_space<hbm>> -> memref<1x400x64xf32, #tpu.memory_space<hbm>>
        %dma_start3A_90 = tpu.memref_squeeze %dma_start3A_89 : memref<1x400x64xf32, #tpu.memory_space<hbm>> -> memref<400x64xf32, #tpu.memory_space<hbm>>
        %dma_start3A_91 = arith.constant 9600 : i32
        %dma_start3A_92 = arith.constant 0 : i32
        %dma_start3A_93 = tpu.memref_slice %arg12[%dma_start3A_91, %dma_start3A_92] : memref<10240x64xf32, #tpu.memory_space<vmem_shared>> -> memref<400x64xf32, #tpu.memory_space<vmem_shared>>
        tpu.enqueue_dma source(%dma_start3A_93 : memref<400x64xf32, #tpu.memory_space<vmem_shared>>) target(%dma_start3A_90 : memref<400x64xf32, #tpu.memory_space<hbm>>) target_semaphore(%run_scoped3A : memref<!tpu.dma_semaphore, #tpu.memory_space<semaphore_mem>>)
        %dma_wait3A_94 = arith.constant 9600 : i32
        %dma_wait3A_95 = arith.constant 0 : i32
        %dma_wait3A_96 = tpu.memref_slice %arg5[%arg0, %dma_wait3A_94, %dma_wait3A_95] : memref<2x10240x64xf32, #tpu.memory_space<hbm>> -> memref<1x400x64xf32, #tpu.memory_space<hbm>>
        %dma_wait3A_97 = tpu.memref_squeeze %dma_wait3A_96 : memref<1x400x64xf32, #tpu.memory_space<hbm>> -> memref<400x64xf32, #tpu.memory_space<hbm>>
        %dma_wait3A_98 = arith.constant 9600 : i32
        %dma_wait3A_99 = arith.constant 0 : i32
        %dma_wait3A_100 = tpu.memref_slice %arg12[%dma_wait3A_98, %dma_wait3A_99] : memref<10240x64xf32, #tpu.memory_space<vmem_shared>> -> memref<400x64xf32, #tpu.memory_space<vmem_shared>>
        tpu.wait_dma2 semaphore(%run_scoped3A : memref<!tpu.dma_semaphore, #tpu.memory_space<semaphore_mem>>) src(%dma_wait3A_100 : memref<400x64xf32, #tpu.memory_space<vmem_shared>>) dst(%dma_wait3A_97 : memref<400x64xf32, #tpu.memory_space<hbm>>)
        tpu.yield
      }) : () -> ()
    } else {
    }
    return
  }
}

module attributes {stable_mosaic.version = 14 : i64} {
  func.func @_tc_mm_body(%arg0: i32, %arg1: memref<5000x128xf32, #tpu.memory_space<vmem>>, %arg2: memref<128x128xf32, #tpu.memory_space<vmem>>, %arg3: memref<5000x128xf32, #tpu.memory_space<vmem>>) attributes {dimension_semantics = [#tpu.dimension_semantics<arbitrary>], iteration_bounds = array<i64: 2>, scalar_prefetch = 0 : i64, scratch_operands = 0 : i64, tpu.core_type = #tpu.core_type<tc>, window_params = [{transform_indices = @transform_0, window_bounds = array<i64: 5000, 128>}, {pipeline_mode = #tpu.pipeline_mode<synchronous>, transform_indices = @transform_1, window_bounds = array<i64: 128, 128>}, {transform_indices = @transform_2, window_bounds = array<i64: 5000, 128>}]} {
    %get3A = arith.constant 0 : index
    %get3A_0 = arith.constant 0 : index
    %get3A_1 = vector.load %arg1[%get3A, %get3A_0] : memref<5000x128xf32, #tpu.memory_space<vmem>>, vector<5000x128xf32>
    %get3A_2 = arith.constant 0 : index
    %get3A_3 = arith.constant 0 : index
    %get3A_4 = vector.load %arg2[%get3A_2, %get3A_3] : memref<128x128xf32, #tpu.memory_space<vmem>>, vector<128x128xf32>
    %dot_general3A = arith.constant dense<0.000000e+00> : vector<5000x128xf32>
    %dot_general3A_5 = tpu.matmul %get3A_1, %get3A_4, %dot_general3A {dimension_numbers = #tpu.dot_dimension_numbers<[1], [0], [0], [1], [0, 0, 1, 1], [], []>, transpose_lhs_hint = false} : vector<5000x128xf32>, vector<128x128xf32>, vector<5000x128xf32> -> vector<5000x128xf32>
    %swap3A = arith.constant 0 : index
    %swap3A_6 = arith.constant 0 : index
    %swap3A_7 = vector.load %arg3[%swap3A, %swap3A_6] : memref<5000x128xf32, #tpu.memory_space<vmem>>, vector<5000x128xf32>
    tpu.vector_store %arg3[%swap3A, %swap3A_6], %dot_general3A_5 {strides = array<i32>} : memref<5000x128xf32, #tpu.memory_space<vmem>>, vector<5000x128xf32>,
    return
  }
  func.func @transform_0(%arg0: i32) -> (i32, i32) {
    %c0_i32 = arith.constant 0 : i32
    %c0_i32_0 = arith.constant 0 : i32
    return %arg0, %c0_i32 : i32, i32
  }
  func.func @transform_1(%arg0: i32) -> (i32, i32) {
    %c0_i32 = arith.constant 0 : i32
    %c0_i32_0 = arith.constant 0 : i32
    %c0_i32_1 = arith.constant 0 : i32
    return %c0_i32, %c0_i32_0 : i32, i32
  }
  func.func @transform_2(%arg0: i32) -> (i32, i32) {
    %c0_i32 = arith.constant 0 : i32
    %c0_i32_0 = arith.constant 0 : i32
    return %arg0, %c0_i32 : i32, i32
  }
}

module attributes {stable_mosaic.version = 14 : i64} {
  func.func @_tc_scale_body(%arg0: i32, %arg1: memref<2x5000x16xf32, #tpu.memory_space<vmem>>, %arg2: memref<5000x128xf32, #tpu.memory_space<vmem>>, %arg3: memref<5000x1xf32, #tpu.memory_space<vmem>>, %arg4: memref<5000x128xf32, #tpu.memory_space<vmem>>) attributes {dimension_semantics = [#tpu.dimension_semantics<arbitrary>], iteration_bounds = array<i64: 2>, scalar_prefetch = 0 : i64, scratch_operands = 0 : i64, tpu.core_type = #tpu.core_type<tc>, window_params = [{transform_indices = @transform_0, window_bounds = array<i64: 2, 5000, 16>}, {transform_indices = @transform_1, window_bounds = array<i64: 5000, 128>}, {transform_indices = @transform_2, window_bounds = array<i64: 5000, 1>}, {transform_indices = @transform_3, window_bounds = array<i64: 5000, 128>}]} {
    %get3A = arith.constant 0 : index
    %get3A_0 = arith.constant 0 : index
    %get3A_1 = arith.constant 0 : index
    %get3A_2 = vector.load %arg1[%get3A, %get3A_0, %get3A_1] : memref<2x5000x16xf32, #tpu.memory_space<vmem>>, vector<1x5000x1xf32>
    %get3A_3 = vector.shape_cast %get3A_2 : vector<1x5000x1xf32> to vector<5000x1xf32>
    %get3A_4 = arith.constant 1 : index
    %get3A_5 = arith.constant 0 : index
    %get3A_6 = arith.constant 0 : index
    %get3A_7 = vector.load %arg1[%get3A_4, %get3A_5, %get3A_6] : memref<2x5000x16xf32, #tpu.memory_space<vmem>>, vector<1x5000x1xf32>
    %get3A_8 = vector.shape_cast %get3A_7 : vector<1x5000x1xf32> to vector<5000x1xf32>
    %add3A = arith.addf %get3A_3, %get3A_8 : vector<5000x1xf32>
    %add3A_9 = arith.constant 1.000000e+00 : f32
    %add3A_10 = vector.broadcast %add3A_9 : f32 to vector<5000x1xf32>
    %add3A_11 = arith.addf %add3A, %add3A_10 : vector<5000x1xf32>
    %rsqrt3A = math.rsqrt %add3A_11 : vector<5000x1xf32>
    %swap3A = arith.constant 0 : index
    %swap3A_12 = arith.constant 0 : index
    %swap3A_13 = vector.load %arg3[%swap3A, %swap3A_12] : memref<5000x1xf32, #tpu.memory_space<vmem>>, vector<5000x1xf32>
    tpu.vector_store %arg3[%swap3A, %swap3A_12], %rsqrt3A {strides = array<i32>} : memref<5000x1xf32, #tpu.memory_space<vmem>>, vector<5000x1xf32>,
    %get3A_14 = arith.constant 0 : index
    %get3A_15 = arith.constant 0 : index
    %get3A_16 = vector.load %arg2[%get3A_14, %get3A_15] : memref<5000x128xf32, #tpu.memory_space<vmem>>, vector<5000x128xf32>
    %mul3A = vector.broadcast %rsqrt3A : vector<5000x1xf32> to vector<5000x128xf32>
    %mul3A_17 = arith.mulf %mul3A, %get3A_16 : vector<5000x128xf32>
    %swap3A_18 = arith.constant 0 : index
    %swap3A_19 = arith.constant 0 : index
    %swap3A_20 = vector.load %arg4[%swap3A_18, %swap3A_19] : memref<5000x128xf32, #tpu.memory_space<vmem>>, vector<5000x128xf32>
    tpu.vector_store %arg4[%swap3A_18, %swap3A_19], %mul3A_17 {strides = array<i32>} : memref<5000x128xf32, #tpu.memory_space<vmem>>, vector<5000x128xf32>,
    return
  }
  func.func @transform_0(%arg0: i32) -> (i32, i32, i32) {
    %c0_i32 = arith.constant 0 : i32
    %c0_i32_0 = arith.constant 0 : i32
    %c0_i32_1 = arith.constant 0 : i32
    return %c0_i32, %arg0, %c0_i32_0 : i32, i32, i32
  }
  func.func @transform_1(%arg0: i32) -> (i32, i32) {
    %c0_i32 = arith.constant 0 : i32
    %c0_i32_0 = arith.constant 0 : i32
    return %arg0, %c0_i32 : i32, i32
  }
  func.func @transform_2(%arg0: i32) -> (i32, i32) {
    %c0_i32 = arith.constant 0 : i32
    %c0_i32_0 = arith.constant 0 : i32
    return %arg0, %c0_i32 : i32, i32
  }
  func.func @transform_3(%arg0: i32) -> (i32, i32) {
    %c0_i32 = arith.constant 0 : i32
    %c0_i32_0 = arith.constant 0 : i32
    return %arg0, %c0_i32 : i32, i32
  }
}

module attributes {stable_mosaic.version = 14 : i64} {
  func.func @_tc_mid_body(%arg0: i32, %arg1: memref<2x5000x128xf32, #tpu.memory_space<vmem>>, %arg2: memref<5000x128xf32, #tpu.memory_space<vmem>>, %arg3: memref<5000x1xf32, #tpu.memory_space<vmem>>, %arg4: memref<1x128xf32, #tpu.memory_space<vmem>>, %arg5: memref<128x64xf32, #tpu.memory_space<vmem>>, %arg6: memref<5000x64xf32, #tpu.memory_space<vmem>>) attributes {dimension_semantics = [#tpu.dimension_semantics<arbitrary>], iteration_bounds = array<i64: 2>, scalar_prefetch = 0 : i64, scratch_operands = 0 : i64, tpu.core_type = #tpu.core_type<tc>, window_params = [{transform_indices = @transform_0, window_bounds = array<i64: 2, 5000, 128>}, {transform_indices = @transform_1, window_bounds = array<i64: 5000, 128>}, {transform_indices = @transform_2, window_bounds = array<i64: 5000, 1>}, {pipeline_mode = #tpu.pipeline_mode<synchronous>, transform_indices = @transform_3, window_bounds = array<i64: 1, 128>}, {pipeline_mode = #tpu.pipeline_mode<synchronous>, transform_indices = @transform_4, window_bounds = array<i64: 128, 64>}, {transform_indices = @transform_5, window_bounds = array<i64: 5000, 64>}]} {
    %get3A = arith.constant 0 : index
    %get3A_0 = arith.constant 0 : index
    %get3A_1 = vector.load %arg3[%get3A, %get3A_0] : memref<5000x1xf32, #tpu.memory_space<vmem>>, vector<5000x1xf32>
    %get3A_2 = arith.constant 0 : index
    %get3A_3 = arith.constant 0 : index
    %get3A_4 = arith.constant 0 : index
    %get3A_5 = vector.load %arg1[%get3A_2, %get3A_3, %get3A_4] : memref<2x5000x128xf32, #tpu.memory_space<vmem>>, vector<1x5000x128xf32>
    %get3A_6 = vector.shape_cast %get3A_5 : vector<1x5000x128xf32> to vector<5000x128xf32>
    %get3A_7 = arith.constant 1 : index
    %get3A_8 = arith.constant 0 : index
    %get3A_9 = arith.constant 0 : index
    %get3A_10 = vector.load %arg1[%get3A_7, %get3A_8, %get3A_9] : memref<2x5000x128xf32, #tpu.memory_space<vmem>>, vector<1x5000x128xf32>
    %get3A_11 = vector.shape_cast %get3A_10 : vector<1x5000x128xf32> to vector<5000x128xf32>
    %add3A = arith.addf %get3A_6, %get3A_11 : vector<5000x128xf32>
    %get3A_12 = arith.constant 0 : index
    %get3A_13 = arith.constant 0 : index
    %get3A_14 = vector.load %arg2[%get3A_12, %get3A_13] : memref<5000x128xf32, #tpu.memory_space<vmem>>, vector<5000x128xf32>
    %sub3A = arith.subf %add3A, %get3A_14 : vector<5000x128xf32>
    %mul3A = vector.broadcast %get3A_1 : vector<5000x1xf32> to vector<5000x128xf32>
    %mul3A_15 = arith.mulf %mul3A, %sub3A : vector<5000x128xf32>
    %get3A_16 = arith.constant 0 : index
    %get3A_17 = arith.constant 0 : index
    %get3A_18 = vector.load %arg4[%get3A_16, %get3A_17] : memref<1x128xf32, #tpu.memory_space<vmem>>, vector<1x128xf32>
    %add3A_19 = vector.broadcast %get3A_18 : vector<1x128xf32> to vector<5000x128xf32>
    %add3A_20 = arith.addf %mul3A_15, %add3A_19 : vector<5000x128xf32>
    %max3A = arith.constant 0.000000e+00 : f32
    %max3A_21 = vector.broadcast %max3A : f32 to vector<5000x128xf32>
    %max3A_22 = arith.maximumf %add3A_20, %max3A_21 : vector<5000x128xf32>
    %get3A_23 = arith.constant 0 : index
    %get3A_24 = arith.constant 0 : index
    %get3A_25 = vector.load %arg5[%get3A_23, %get3A_24] : memref<128x64xf32, #tpu.memory_space<vmem>>, vector<128x64xf32>
    %dot_general3A = arith.constant dense<0.000000e+00> : vector<5000x64xf32>
    %dot_general3A_26 = tpu.matmul %max3A_22, %get3A_25, %dot_general3A {dimension_numbers = #tpu.dot_dimension_numbers<[1], [0], [0], [1], [0, 0, 1, 1], [], []>, transpose_lhs_hint = false} : vector<5000x128xf32>, vector<128x64xf32>, vector<5000x64xf32> -> vector<5000x64xf32>
    %mul3A_27 = vector.broadcast %get3A_1 : vector<5000x1xf32> to vector<5000x64xf32>
    %mul3A_28 = arith.mulf %mul3A_27, %dot_general3A_26 : vector<5000x64xf32>
    %swap3A = arith.constant 0 : index
    %swap3A_29 = arith.constant 0 : index
    %swap3A_30 = vector.load %arg6[%swap3A, %swap3A_29] : memref<5000x64xf32, #tpu.memory_space<vmem>>, vector<5000x64xf32>
    tpu.vector_store %arg6[%swap3A, %swap3A_29], %mul3A_28 {strides = array<i32>} : memref<5000x64xf32, #tpu.memory_space<vmem>>, vector<5000x64xf32>,
    return
  }
  func.func @transform_0(%arg0: i32) -> (i32, i32, i32) {
    %c0_i32 = arith.constant 0 : i32
    %c0_i32_0 = arith.constant 0 : i32
    %c0_i32_1 = arith.constant 0 : i32
    return %c0_i32, %arg0, %c0_i32_0 : i32, i32, i32
  }
  func.func @transform_1(%arg0: i32) -> (i32, i32) {
    %c0_i32 = arith.constant 0 : i32
    %c0_i32_0 = arith.constant 0 : i32
    return %arg0, %c0_i32 : i32, i32
  }
  func.func @transform_2(%arg0: i32) -> (i32, i32) {
    %c0_i32 = arith.constant 0 : i32
    %c0_i32_0 = arith.constant 0 : i32
    return %arg0, %c0_i32 : i32, i32
  }
  func.func @transform_3(%arg0: i32) -> (i32, i32) {
    %c0_i32 = arith.constant 0 : i32
    %c0_i32_0 = arith.constant 0 : i32
    %c0_i32_1 = arith.constant 0 : i32
    return %c0_i32, %c0_i32_0 : i32, i32
  }
  func.func @transform_4(%arg0: i32) -> (i32, i32) {
    %c0_i32 = arith.constant 0 : i32
    %c0_i32_0 = arith.constant 0 : i32
    %c0_i32_1 = arith.constant 0 : i32
    return %c0_i32, %c0_i32_0 : i32, i32
  }
  func.func @transform_5(%arg0: i32) -> (i32, i32) {
    %c0_i32 = arith.constant 0 : i32
    %c0_i32_0 = arith.constant 0 : i32
    return %arg0, %c0_i32 : i32, i32
  }
}

module attributes {stable_mosaic.version = 14 : i64} {
  func.func @_tc_mid_body(%arg0: i32, %arg1: memref<2x5000x64xf32, #tpu.memory_space<vmem>>, %arg2: memref<5000x64xf32, #tpu.memory_space<vmem>>, %arg3: memref<5000x1xf32, #tpu.memory_space<vmem>>, %arg4: memref<1x64xf32, #tpu.memory_space<vmem>>, %arg5: memref<64x32xf32, #tpu.memory_space<vmem>>, %arg6: memref<5000x32xf32, #tpu.memory_space<vmem>>) attributes {dimension_semantics = [#tpu.dimension_semantics<arbitrary>], iteration_bounds = array<i64: 2>, scalar_prefetch = 0 : i64, scratch_operands = 0 : i64, tpu.core_type = #tpu.core_type<tc>, window_params = [{transform_indices = @transform_0, window_bounds = array<i64: 2, 5000, 64>}, {transform_indices = @transform_1, window_bounds = array<i64: 5000, 64>}, {transform_indices = @transform_2, window_bounds = array<i64: 5000, 1>}, {pipeline_mode = #tpu.pipeline_mode<synchronous>, transform_indices = @transform_3, window_bounds = array<i64: 1, 64>}, {pipeline_mode = #tpu.pipeline_mode<synchronous>, transform_indices = @transform_4, window_bounds = array<i64: 64, 32>}, {transform_indices = @transform_5, window_bounds = array<i64: 5000, 32>}]} {
    %get3A = arith.constant 0 : index
    %get3A_0 = arith.constant 0 : index
    %get3A_1 = vector.load %arg3[%get3A, %get3A_0] : memref<5000x1xf32, #tpu.memory_space<vmem>>, vector<5000x1xf32>
    %get3A_2 = arith.constant 0 : index
    %get3A_3 = arith.constant 0 : index
    %get3A_4 = arith.constant 0 : index
    %get3A_5 = vector.load %arg1[%get3A_2, %get3A_3, %get3A_4] : memref<2x5000x64xf32, #tpu.memory_space<vmem>>, vector<1x5000x64xf32>
    %get3A_6 = vector.shape_cast %get3A_5 : vector<1x5000x64xf32> to vector<5000x64xf32>
    %get3A_7 = arith.constant 1 : index
    %get3A_8 = arith.constant 0 : index
    %get3A_9 = arith.constant 0 : index
    %get3A_10 = vector.load %arg1[%get3A_7, %get3A_8, %get3A_9] : memref<2x5000x64xf32, #tpu.memory_space<vmem>>, vector<1x5000x64xf32>
    %get3A_11 = vector.shape_cast %get3A_10 : vector<1x5000x64xf32> to vector<5000x64xf32>
    %add3A = arith.addf %get3A_6, %get3A_11 : vector<5000x64xf32>
    %get3A_12 = arith.constant 0 : index
    %get3A_13 = arith.constant 0 : index
    %get3A_14 = vector.load %arg2[%get3A_12, %get3A_13] : memref<5000x64xf32, #tpu.memory_space<vmem>>, vector<5000x64xf32>
    %sub3A = arith.subf %add3A, %get3A_14 : vector<5000x64xf32>
    %mul3A = vector.broadcast %get3A_1 : vector<5000x1xf32> to vector<5000x64xf32>
    %mul3A_15 = arith.mulf %mul3A, %sub3A : vector<5000x64xf32>
    %get3A_16 = arith.constant 0 : index
    %get3A_17 = arith.constant 0 : index
    %get3A_18 = vector.load %arg4[%get3A_16, %get3A_17] : memref<1x64xf32, #tpu.memory_space<vmem>>, vector<1x64xf32>
    %add3A_19 = vector.broadcast %get3A_18 : vector<1x64xf32> to vector<5000x64xf32>
    %add3A_20 = arith.addf %mul3A_15, %add3A_19 : vector<5000x64xf32>
    %max3A = arith.constant 0.000000e+00 : f32
    %max3A_21 = vector.broadcast %max3A : f32 to vector<5000x64xf32>
    %max3A_22 = arith.maximumf %add3A_20, %max3A_21 : vector<5000x64xf32>
    %get3A_23 = arith.constant 0 : index
    %get3A_24 = arith.constant 0 : index
    %get3A_25 = vector.load %arg5[%get3A_23, %get3A_24] : memref<64x32xf32, #tpu.memory_space<vmem>>, vector<64x32xf32>
    %dot_general3A = arith.constant dense<0.000000e+00> : vector<5000x32xf32>
    %dot_general3A_26 = tpu.matmul %max3A_22, %get3A_25, %dot_general3A {dimension_numbers = #tpu.dot_dimension_numbers<[1], [0], [0], [1], [0, 0, 1, 1], [], []>, transpose_lhs_hint = false} : vector<5000x64xf32>, vector<64x32xf32>, vector<5000x32xf32> -> vector<5000x32xf32>
    %mul3A_27 = vector.broadcast %get3A_1 : vector<5000x1xf32> to vector<5000x32xf32>
    %mul3A_28 = arith.mulf %mul3A_27, %dot_general3A_26 : vector<5000x32xf32>
    %swap3A = arith.constant 0 : index
    %swap3A_29 = arith.constant 0 : index
    %swap3A_30 = vector.load %arg6[%swap3A, %swap3A_29] : memref<5000x32xf32, #tpu.memory_space<vmem>>, vector<5000x32xf32>
    tpu.vector_store %arg6[%swap3A, %swap3A_29], %mul3A_28 {strides = array<i32>} : memref<5000x32xf32, #tpu.memory_space<vmem>>, vector<5000x32xf32>,
    return
  }
  func.func @transform_0(%arg0: i32) -> (i32, i32, i32) {
    %c0_i32 = arith.constant 0 : i32
    %c0_i32_0 = arith.constant 0 : i32
    %c0_i32_1 = arith.constant 0 : i32
    return %c0_i32, %arg0, %c0_i32_0 : i32, i32, i32
  }
  func.func @transform_1(%arg0: i32) -> (i32, i32) {
    %c0_i32 = arith.constant 0 : i32
    %c0_i32_0 = arith.constant 0 : i32
    return %arg0, %c0_i32 : i32, i32
  }
  func.func @transform_2(%arg0: i32) -> (i32, i32) {
    %c0_i32 = arith.constant 0 : i32
    %c0_i32_0 = arith.constant 0 : i32
    return %arg0, %c0_i32 : i32, i32
  }
  func.func @transform_3(%arg0: i32) -> (i32, i32) {
    %c0_i32 = arith.constant 0 : i32
    %c0_i32_0 = arith.constant 0 : i32
    %c0_i32_1 = arith.constant 0 : i32
    return %c0_i32, %c0_i32_0 : i32, i32
  }
  func.func @transform_4(%arg0: i32) -> (i32, i32) {
    %c0_i32 = arith.constant 0 : i32
    %c0_i32_0 = arith.constant 0 : i32
    %c0_i32_1 = arith.constant 0 : i32
    return %c0_i32, %c0_i32_0 : i32, i32
  }
  func.func @transform_5(%arg0: i32) -> (i32, i32) {
    %c0_i32 = arith.constant 0 : i32
    %c0_i32_0 = arith.constant 0 : i32
    return %arg0, %c0_i32 : i32, i32
  }
}

module attributes {stable_mosaic.version = 14 : i64} {
  func.func @_tc_final_body(%arg0: i32, %arg1: memref<2x5000x32xf32, #tpu.memory_space<vmem>>, %arg2: memref<5000x32xf32, #tpu.memory_space<vmem>>, %arg3: memref<5000x1xf32, #tpu.memory_space<vmem>>, %arg4: memref<1x32xf32, #tpu.memory_space<vmem>>, %arg5: memref<32x1xf32, #tpu.memory_space<vmem>>, %arg6: memref<1x1xf32, #tpu.memory_space<vmem>>, %arg7: memref<5000x1xf32, #tpu.memory_space<vmem>>) attributes {dimension_semantics = [#tpu.dimension_semantics<arbitrary>], iteration_bounds = array<i64: 2>, scalar_prefetch = 0 : i64, scratch_operands = 0 : i64, tpu.core_type = #tpu.core_type<tc>, window_params = [{transform_indices = @transform_0, window_bounds = array<i64: 2, 5000, 32>}, {transform_indices = @transform_1, window_bounds = array<i64: 5000, 32>}, {transform_indices = @transform_2, window_bounds = array<i64: 5000, 1>}, {pipeline_mode = #tpu.pipeline_mode<synchronous>, transform_indices = @transform_3, window_bounds = array<i64: 1, 32>}, {pipeline_mode = #tpu.pipeline_mode<synchronous>, transform_indices = @transform_4, window_bounds = array<i64: 32, 1>}, {pipeline_mode = #tpu.pipeline_mode<synchronous>, transform_indices = @transform_5, window_bounds = array<i64: 1, 1>}, {transform_indices = @transform_6, window_bounds = array<i64: 5000, 1>}]} {
    %get3A = arith.constant 0 : index
    %get3A_0 = arith.constant 0 : index
    %get3A_1 = vector.load %arg3[%get3A, %get3A_0] : memref<5000x1xf32, #tpu.memory_space<vmem>>, vector<5000x1xf32>
    %get3A_2 = arith.constant 0 : index
    %get3A_3 = arith.constant 0 : index
    %get3A_4 = arith.constant 0 : index
    %get3A_5 = vector.load %arg1[%get3A_2, %get3A_3, %get3A_4] : memref<2x5000x32xf32, #tpu.memory_space<vmem>>, vector<1x5000x32xf32>
    %get3A_6 = vector.shape_cast %get3A_5 : vector<1x5000x32xf32> to vector<5000x32xf32>
    %get3A_7 = arith.constant 1 : index
    %get3A_8 = arith.constant 0 : index
    %get3A_9 = arith.constant 0 : index
    %get3A_10 = vector.load %arg1[%get3A_7, %get3A_8, %get3A_9] : memref<2x5000x32xf32, #tpu.memory_space<vmem>>, vector<1x5000x32xf32>
    %get3A_11 = vector.shape_cast %get3A_10 : vector<1x5000x32xf32> to vector<5000x32xf32>
    %add3A = arith.addf %get3A_6, %get3A_11 : vector<5000x32xf32>
    %get3A_12 = arith.constant 0 : index
    %get3A_13 = arith.constant 0 : index
    %get3A_14 = vector.load %arg2[%get3A_12, %get3A_13] : memref<5000x32xf32, #tpu.memory_space<vmem>>, vector<5000x32xf32>
    %sub3A = arith.subf %add3A, %get3A_14 : vector<5000x32xf32>
    %mul3A = vector.broadcast %get3A_1 : vector<5000x1xf32> to vector<5000x32xf32>
    %mul3A_15 = arith.mulf %mul3A, %sub3A : vector<5000x32xf32>
    %get3A_16 = arith.constant 0 : index
    %get3A_17 = arith.constant 0 : index
    %get3A_18 = vector.load %arg4[%get3A_16, %get3A_17] : memref<1x32xf32, #tpu.memory_space<vmem>>, vector<1x32xf32>
    %add3A_19 = vector.broadcast %get3A_18 : vector<1x32xf32> to vector<5000x32xf32>
    %add3A_20 = arith.addf %mul3A_15, %add3A_19 : vector<5000x32xf32>
    %max3A = arith.constant 0.000000e+00 : f32
    %max3A_21 = vector.broadcast %max3A : f32 to vector<5000x32xf32>
    %max3A_22 = arith.maximumf %add3A_20, %max3A_21 : vector<5000x32xf32>
    %get3A_23 = arith.constant 0 : index
    %get3A_24 = arith.constant 0 : index
    %get3A_25 = vector.load %arg5[%get3A_23, %get3A_24] : memref<32x1xf32, #tpu.memory_space<vmem>>, vector<32x1xf32>
    %dot_general3A = arith.constant dense<0.000000e+00> : vector<5000x1xf32>
    %dot_general3A_26 = tpu.matmul %max3A_22, %get3A_25, %dot_general3A {dimension_numbers = #tpu.dot_dimension_numbers<[1], [0], [0], [1], [0, 0, 1, 1], [], []>, transpose_lhs_hint = false} : vector<5000x32xf32>, vector<32x1xf32>, vector<5000x1xf32> -> vector<5000x1xf32>
    %get3A_27 = arith.constant 0 : index
    %get3A_28 = arith.constant 0 : index
    %get3A_29 = vector.load %arg6[%get3A_27, %get3A_28] : memref<1x1xf32, #tpu.memory_space<vmem>>, vector<1x1xf32>
    %add3A_30 = vector.broadcast %get3A_29 : vector<1x1xf32> to vector<5000x1xf32>
    %add3A_31 = arith.addf %dot_general3A_26, %add3A_30 : vector<5000x1xf32>
    %swap3A = arith.constant 0 : index
    %swap3A_32 = arith.constant 0 : index
    %swap3A_33 = vector.load %arg7[%swap3A, %swap3A_32] : memref<5000x1xf32, #tpu.memory_space<vmem>>, vector<5000x1xf32>
    tpu.vector_store %arg7[%swap3A, %swap3A_32], %add3A_31 {strides = array<i32>} : memref<5000x1xf32, #tpu.memory_space<vmem>>, vector<5000x1xf32>,
    return
  }
  func.func @transform_0(%arg0: i32) -> (i32, i32, i32) {
    %c0_i32 = arith.constant 0 : i32
    %c0_i32_0 = arith.constant 0 : i32
    %c0_i32_1 = arith.constant 0 : i32
    return %c0_i32, %arg0, %c0_i32_0 : i32, i32, i32
  }
  func.func @transform_1(%arg0: i32) -> (i32, i32) {
    %c0_i32 = arith.constant 0 : i32
    %c0_i32_0 = arith.constant 0 : i32
    return %arg0, %c0_i32 : i32, i32
  }
  func.func @transform_2(%arg0: i32) -> (i32, i32) {
    %c0_i32 = arith.constant 0 : i32
    %c0_i32_0 = arith.constant 0 : i32
    return %arg0, %c0_i32 : i32, i32
  }
  func.func @transform_3(%arg0: i32) -> (i32, i32) {
    %c0_i32 = arith.constant 0 : i32
    %c0_i32_0 = arith.constant 0 : i32
    %c0_i32_1 = arith.constant 0 : i32
    return %c0_i32, %c0_i32_0 : i32, i32
  }
  func.func @transform_4(%arg0: i32) -> (i32, i32) {
    %c0_i32 = arith.constant 0 : i32
    %c0_i32_0 = arith.constant 0 : i32
    %c0_i32_1 = arith.constant 0 : i32
    return %c0_i32, %c0_i32_0 : i32, i32
  }
  func.func @transform_5(%arg0: i32) -> (i32, i32) {
    %c0_i32 = arith.constant 0 : i32
    %c0_i32_0 = arith.constant 0 : i32
    %c0_i32_1 = arith.constant 0 : i32
    return %c0_i32, %c0_i32_0 : i32, i32
  }
  func.func @transform_6(%arg0: i32) -> (i32, i32) {
    %c0_i32 = arith.constant 0 : i32
    %c0_i32_0 = arith.constant 0 : i32
    return %arg0, %c0_i32 : i32, i32
  }
}

</mosaic_0001>

<sc_bundles>
// kernel: kernel.11.cloned.1.call-start
scs
__scs_entry_jumppad:
0x0: {  	(pc) =	sbr.rel $0x88, $3  }
0x1: {  	(tag) =	ssettag $0x0;
	lr =	simm.s32 $0x1  }
0x2: {  	[smem:$0x3F97] =	sst lr;
	_ =	strace $0xD0000000  }
0x3: {  	_ = 	snop  }
0x4: {  	_ = 	snop  }
0x5: {  	_ = 	snop  }
0x6: {  	_ = 	snop  }
0x7: {  	_ = 	snop  }
__scs_overlays_trampoline_lowered:
0x8: {  	[smem:$0x3FA6] =	sst s0  }
0x9: {  	[smem:$0x3FA7] =	sst s1  }
0xa: {  	[smem:$0x3FA8] =	sst s2  }
0xb: {  	[smem:$0x3FA9] =	sst s3  }
0xc: {  	[smem:$0x3FAA] =	sst s4  }
0xd: {  	[smem:$0x3FAB] =	sst s5  }
0xe: {  	[smem:$0x3FAC] =	sst s6  }
0xf: {  	[smem:$0x3FAD] =	sst s7  }
0x10: {  	[smem:$0x3FAE] =	sst s8  }
0x11: {  	[smem:$0x3FAF] =	sst s9;
	s0 =	simm.s32 @!p0 $0x0  }
0x12: {  	s1 =	sld [smem:$0x3F95];
	s0 =	simm.s32 @p0 $0x1  }
0x13: {  	[smem:$0x3FB0] =	sst s0;
	s0 =	simm.s32 @!p1 $0x0  }
0x14: {  	s2 =	sld [smem:$0x3F94];
	s0 =	simm.s32 @p1 $0x1  }
0x15: {  	[smem:$0x3FB1] =	sst s0;
	s0 =	simm.s32 @!p2 $0x0  }
0x16: {  	s3 =	sld [smem:$0x3FDB];
	s0 =	simm.s32 @p2 $0x1  }
0x17: {  	s4 =	simm.s32 $0x1BF5;
	[smem:$0x3FB3] =	sst s0  }
0x18: {  	s0 =	sld [smem:$0x3F96];
	_ =	swait.ge [sflag:s4], $0x0  }
0x19: {  	s7 =	sld [smem:$0x3F97]  }
0x1a: {  	s8 =	sadd.s32 $0xFFFFE003, lr  }
0x1b: {  	s9 =	sadd.s32 $0xFFFFFEF7, lr;
	s5 =	simm.s32 $0xFFFFFFFF;
	p2 =	slt.u32 s8, $0xFFFFF086  }
0x1c: {  	p1 =	slt.u32 s9, $0xF7A;
	s5 =	simm.s32 @!p2 $0x0  }
0x1d: {  	s5 =	simm.s32 @p1 $0x1;
	p0 =	seq.s32 s7, s2  }
0x1e: {  	s7 =	smul.u32 @!p0 $0xF7A, s2;
	p2 =	seq.s32 @!p0 s5, $0x0  }
0x1f: {  	s9 =	smul.u32 $0xF7A, s1;
	s8 =	simm.s32 @!p0 $0x1BF5;
	p2 =	por !p2, p0  }
0x20: {  	[sflag:s8] =	ssyncset.s32 @!p0 $0xFFFFF086;
	s6 =	sadd.s32 @!p0 s3, s7;
	s7 =	simm.s32 @!p0 $0x108  }
0x21: {  	s3 =	sadd.s32 s3, s9;
	s6 =	sadd.s32 @!p0 $0x88, s6;
	s7 =	simm.s32 @p2 $0x1082  }
0x22: {  	[simem:s7], [sflag:s8] =	dma.local @!p0 [hbm:s6], $0xF7A  }
0x23: {  	s9 =	sor.u32 $0xD0000000, s2;
	s6 =	simm.s32 $0x108;
	_ =	swait.ge @!p0 [sflag:s8], $0x0  }
0x24: {  	s3 =	sadd.s32 $0x88, s3;
	s6 =	simm.s32 @!p1 $0x1082;
	[sflag:s4] =	ssyncset.s32 $0xFFFFF086  }
0x25: {  	[simem:s6], [sflag:s4] =	dma.local [hbm:s3], $0xF7A  }
0x26: {  	[smem:$0x3F97] =	sst s1;
	(tag) =	ssettag s2;
	_ =	strace s9  }
0x27: {  	s1 =	sld [smem:$0x3FA7]  }
0x28: {  	s2 =	sld [smem:$0x3FA8]  }
0x29: {  	s4 =	sld [smem:$0x3FAA]  }
0x2a: {  	p0 =	seq.s32 s5, $0x0;
	s5 =	sld [smem:$0x3FAB]  }
0x2b: {  	s6 =	sld [smem:$0x3FAC]  }
0x2c: {  	s7 =	sld [smem:$0x3FAD]  }
0x2d: {  	s3 =	simm.s32 $0x108;
	s8 =	sld [smem:$0x3FAE]  }
0x2e: {  	s3 =	simm.s32 @!p0 $0x1082;
	s9 =	sld [smem:$0x3FAF]  }
0x2f: {  	lr =	sadd.s32 s0, s3;
	s0 =	sld [smem:$0x3FA6]  }
0x30: {  	s3 =	sld [smem:$0x3FA9]  }
0x31: {  	[smem:$0x3FB2] =	sst s10  }
0x32: {  	s10 =	sld [smem:$0x3FB0];
	_ =	sdelay $0x3  }
0x33: {  	p0 =	seq.s32 s10, $0x1;
	s10 =	sld [smem:$0x3FB2];
	_ =	sdelay $0x3  }
0x34: {  	[smem:$0x3FB2] =	sst s10  }
0x35: {  	s10 =	sld [smem:$0x3FB1];
	_ =	sdelay $0x3  }
0x36: {  	p1 =	seq.s32 s10, $0x1;
	s10 =	sld [smem:$0x3FB2];
	_ =	sdelay $0x3  }
0x37: {  	[smem:$0x3FB2] =	sst s10  }
0x38: {  	s10 =	sld [smem:$0x3FB3]  }
0x39: {  	_ = 	snop;
	(pc) =	sbr.ind lr, $3  }
0x3a: {  	_ = 	snop  }
0x3b: {  	_ = 	snop  }
0x3c: {  	p2 =	seq.s32 s10, $0x1;
	s10 =	sld [smem:$0x3FB2]  }
0x3d: {  	_ =	shalt  }
0x3e: {  	_ =	shalt  }
0x3f: {  	_ =	shalt  }
0x40: {  	_ =	shalt  }
0x41: {  	_ =	shalt  }
0x42: {  	_ =	shalt  }
0x43: {  	_ =	shalt  }
0x44: {  	_ =	shalt  }
0x45: {  	_ =	shalt  }
0x46: {  	_ =	shalt  }
0x47: {  	_ =	shalt  }
0x48: {  	_ =	shalt  }
0x49: {  	_ =	shalt  }
0x4a: {  	_ =	shalt  }
0x4b: {  	_ =	shalt  }
0x4c: {  	_ =	shalt  }
0x4d: {  	_ =	shalt  }
0x4e: {  	_ =	shalt  }
0x4f: {  	_ =	shalt  }
0x50: {  	_ =	shalt  }
0x51: {  	_ =	shalt  }
0x52: {  	_ =	shalt  }
0x53: {  	_ =	shalt  }
0x54: {  	_ =	shalt  }
0x55: {  	_ =	shalt  }
0x56: {  	_ =	shalt  }
0x57: {  	_ =	shalt  }
0x58: {  	_ =	shalt  }
0x59: {  	_ =	shalt  }
0x5a: {  	_ =	shalt  }
0x5b: {  	_ =	shalt  }
0x5c: {  	_ =	shalt  }
0x5d: {  	_ =	shalt  }
0x5e: {  	_ =	shalt  }
0x5f: {  	_ =	shalt  }
0x60: {  	_ =	shalt  }
0x61: {  	_ =	shalt  }
0x62: {  	_ =	shalt  }
0x63: {  	_ =	shalt  }
0x64: {  	_ =	shalt  }
0x65: {  	_ =	shalt  }
0x66: {  	_ =	shalt  }
0x67: {  	_ =	shalt  }
0x68: {  	_ =	shalt  }
0x69: {  	_ =	shalt  }
0x6a: {  	_ =	shalt  }
0x6b: {  	_ =	shalt  }
0x6c: {  	_ =	shalt  }
0x6d: {  	_ =	shalt  }
0x6e: {  	_ =	shalt  }
0x6f: {  	_ =	shalt  }
0x70: {  	_ =	shalt  }
0x71: {  	_ =	shalt  }
0x72: {  	_ =	shalt  }
0x73: {  	_ =	shalt  }
0x74: {  	_ =	shalt  }
0x75: {  	_ =	shalt  }
0x76: {  	_ =	shalt  }
0x77: {  	_ =	shalt  }
0x78: {  	_ =	shalt  }
0x79: {  	_ =	shalt  }
0x7a: {  	_ =	shalt  }
0x7b: {  	_ =	shalt  }
0x7c: {  	_ =	shalt  }
0x7d: {  	_ =	shalt  }
0x7e: {  	_ =	shalt  }
0x7f: {  	_ =	shalt  }
0x80: {  	_ =	shalt  }
0x81: {  	_ =	shalt  }
0x82: {  	_ =	shalt  }
0x83: {  	_ =	shalt  }
0x84: {  	_ =	shalt  }
0x85: {  	_ =	shalt  }
0x86: {  	_ =	shalt  }
0x87: {  	_ =	shalt  }
.Lfunc_end0:
.L_simem_size_0:
called_computation_lowered:
.L_overlay_start_0:
0x88: {  	s2 =	sld [smem:$0x3FD9]  }
0x89: {  	s3 =	sld [smem:$0x3FFE];
	_ =	sdelay $0x1  }
0x8a: {  	s1 =	srdreg.scid  }
0x8b: {  	s0 =	sand.u32 $0x1, s1  }
0x8c: {  	s16 =	sshll.u32 s0, $0xA;
	s2 =	sadd.s32 s3, s2  }
0x8d: {  	s2 =	sadd.s32 s2, s16  }
0x8e: {  	[smem:$0x3FBE] =	sst s2  }
0x8f: {  	_ = 	snop  }
0x90: {  	(tm) =	ssettm $0x1  }
0x91: {  	s17 =	sld [smem:$0x3FFB];
	_ =	sdelay $0x3  }
0x92: {  	_ =	strace s17  }
0x93: {  	s2 =	sld [smem:$0x3FFC];
	_ =	sdelay $0x3  }
0x94: {  	_ =	strace s2  }
0x95: {  	s2 =	sld [smem:$0x3FFD];
	_ =	sdelay $0x3  }
0x96: {  	_ =	strace s2  }
0x97: {  	_ =	strace $0x8FFFFFFF  }
0x98: {  	s18 =	sld [smem:$0x3FDB];
	_ =	sdelay $0x1  }
0x99: {  	s19 =	simm.s32 $_scs_section_size  }
0x9a: {  	s4 =	simm.s32 $_size__tile_overlayer_lowered;
	s5 =	simm.s32 $_tile_overlayer_lowered  }
0x9b: {  	s22 =	simm.s32 $0x1BFF;
	s21 =	sshll.u32 s5, $0x1;
	s2 =	sadd.s32 s19, s18  }
0x9c: {  	s6 =	simm.s32 $0x0;
	s20 =	sshll.u32 s4, $0x1;
	s4 =	sadd.s32 s21, s2  }
0x9d: {  	[timem:s6], [sflag:s22] =	dma.local [hbm:s4], s20  }
0x9e: {  	_ =	swait.ge [sflag:s22], s20  }
0x9f: {  	s3 =	ssub.s32 $0x0, s20;
	[sflag:s22] =	ssyncset.done $0x0  }
0xa0: {  	[sflag:s22] =	ssyncadd.s32 s3;
	_ =	sdelay $0x1  }
0xa1: {  	s23 =	simm.s32 $0x1B8B  }
0xa2: {  	_ =	swait.ge [sflag:s23], $0x1  }
0xa3: {  	[sflag:s23] =	ssyncset.done $0x0  }
0xa4: {  	s25 =	simm.s32 $0x1B8E;
	s24 =	sld [smem:$0x3FFE];
	[sflag:s23] =	ssyncadd.s32 $0xFFFFFFFF  }
0xa5: {  	s26 =	simm.s32 $execute0_lowered;
	[smem:$0x3FD2] =	sst s25  }
0xa6: {  	s4 =	sshll.u32 s26, $0x1;
	_ =	strace $0x80000046;
	[dreg:$0x1] =	wrdreg $0xFFFFFFFF  }
0xa7: {  	s28 =	simm.s32 $_size_execute0_lowered;
	s2 =	sadd.s32 s2, s4;
	[dreg:$0x0] =	wrdreg $0x0  }
0xa8: {  	s4 =	sshll.u32 s28, $0x1;
	[dreg:$0x2] =	wrdreg s2  }
0xa9: {  	[dreg:$0x3] =	wrdreg s4  }
0xaa: {  	[dreg:$0x4] =	wrdreg $0xC0  }
0xab: {  	_ =	task [dreg:s6], $0x5FFFF  }
0xac: {  	[dreg:$0x1] =	wrdreg $0xFFFFFFFF  }
0xad: {  	[dreg:$0x0] =	wrdreg $0x60  }
0xae: {  	[dreg:$0x2] =	wrdreg s24  }
0xaf: {  	[dreg:$0x3] =	wrdreg $0x30000  }
0xb0: {  	[dreg:$0x4] =	wrdreg $0x9  }
0xb1: {  	_ =	task.clear_ibuf [dreg:s6], $0x5FFFF;
	_ =	strace $0x90000046  }
0xb2: {  	s29 =	simm.s32 $0x9;
	_ =	strace $0x80000048  }
0xb3: {  	_ =	swait.ge [sflag:s29], $0x1  }
0xb4: {  	[sflag:s29] =	ssyncadd.s32 $0xFFFFFFFF  }
0xb5: {  	_ =	strace $0x90000048  }
0xb6: {  	_ =	sfence  }
0xb7: {  	s30 =	sld [smem:$0x0];
	_ =	sdelay $0x2  }
0xb8: {  	s31 =	sshll.u32 s1, $0xD;
	s1 =	sshrl.u32 s1, $0x2  }
0xb9: {  	s3 =	sand.u32 $0x4000, s31;
	s1 =	sadd.s32 s1, s30  }
0xba: {  	s0 =	sor.u32 s3, s0;
	s1 =	sshll.u32 s1, $0x11  }
0xbb: {  	s0 =	sor.u32 s1, s0  }
0xbc: {  	s0 =	sadd.s32 $0x8F2B, s0  }
0xbd: {  	[sflag:s0] =	ssyncadd.remote.s32 $0x1  }
0xbe: {  	_ =	sfence.sel $0xFFFF  }
0xbf: {  	[dreg:$0x0] =	wrdreg $0xFFFFFFFF;
	(pc) =	sbr.abs _section_cstart, $3  }
0xc0: {  	[dreg:$0x1] =	wrdreg $0xFFFFFFFF  }
0xc1: {  	_ =	task.clear_ibuf [dreg:s6], $0x2FFFF;
	_ =	strace $0x9FFFFFFF  }
0xc2: {  	(tm) =	ssettm $0x7FFFFFFF  }
0xc3: {  	_ =	shalt  }
tec
execute0_lowered:
.L_overlay_start_1:
0x0: {  	(tag) =	ssettag $0x1  }
0x1: {  	s1 =	srdreg.scid;
	s5 =	rddreg [dreg:$0x0]  }
0x2: {  	s0 =	stileid.u32;
	s2 =	rddreg [dreg:$0x1];
	s3 =	simm.s32 $0x0  }
0x3: {  	s12 =	simm.s32 $0x2800;
	s13 =	simm.s32 $0x100;
	s14 =	simm.s32 $0x180  }
0x4: {  	s15 =	simm.s32 $0x1;
	s16 =	simm.s32 $0x2;
	s17 =	simm.s32 $0x3  }
0x5: {  	s18 =	simm.s32 $0x4;
	s19 =	simm.s32 $0x0;
	s4 =	sand.u32 $0x1, s1  }
0x6: {  	s30 =	sshll.u32 s0, $0x1;
	s7 =	smul.u32 $0x2800, s0;
	[smem:$0x7FF] =	sst s3  }
0x7: {  	s31 =	sshll.u32 s0, $0x6;
	s1 =	sor.u32 s4, s30;
	s8 =	smul.u32 $0x28000, s4  }
0x8: {  	s4 =	ssub.s32 $0x2, s4;
	s6 =	smul.u32 $0x500, s1;
	s1 =	rddreg [dreg:$0x2]  }
0x9: {  	_ =	strace $0x80000047;
	s9 =	sshrl.u32 s7, $0x3;
	s10 =	sshrl.u32 s4, $0x1  }
0xa: {  	s11 =	sadd.s32 s7, s2;
	s8 =	sadd.s32 s7, s8;
	s9 =	sadd.s32 s9, s5  }
0xb: {  	s10 =	ssub.s32 s4, s10;
	s6 =	sadd.s32 s6, s5;
	s8 =	sshrl.u32 s8, $0x3  }
0xc: {  	s4 =	sadd.s32 $0x16E00, s9;
	s9 =	sshrl.u32 s11, $0x3;
	s11 =	simm.s32 $0x80  }
0xd: {  	s8 =	sadd.s32 s8, s5;
	s5 =	sor.u32 $0x1C05, s31;
	s6 =	sadd.s32 $0xCE00, s6  }
0xe: {  	v0 =	vimm.f32 $1.000000000e+00;
	s7 =	sadd.s32 $0x1BE00, s8;
	s8 =	smax.u32 s10, $0x1;
	s10 =	simm.s32 $0x5  }
.LBB2_1:
0xf: {  	[spmem:s9], [sflag:s5] =	dma.local [hbm:s4], $0x500  }
0x10: {  	_ =	swait.ge [sflag:s10], $0x500  }
0x11: {  	[sflag:s10] =	ssyncset.done $0x0  }
0x12: {  	[sflag:s10] =	ssyncadd.s32 $0xFFFFFB00  }
0x13: {  	[tilespmem:s3], [sflag:$0x5] =	stream.linear.gather [hbm4b:s6+s3], $0x2800, $0x38;
	[tilespmem:$0x5800] =	vst v63  }
0x14: {  	_ =	swait.ge [sflag:s10], $0x2800  }
0x15: {  	[sflag:s10] =	ssyncset.done $0x0  }
0x16: {  	[sflag:s10] =	ssyncadd.s32 $0xFFFFD800  }
0x17: {  	[tilespmem:$0x2800] =	vst v0  }
0x18: {  	[tilespmem:$0x2810] =	vst v0  }
0x19: {  	[tilespmem:$0x2820] =	vst v0  }
0x1a: {  	[tilespmem:$0x2830] =	vst v0  }
0x1b: {  	[tilespmem:$0x2840] =	vst v0  }
0x1c: {  	[tilespmem:$0x2850] =	vst v0  }
0x1d: {  	[tilespmem:$0x2860] =	vst v0  }
0x1e: {  	[tilespmem:$0x2870] =	vst v0  }
0x1f: {  	[tilespmem:$0x2880] =	vst v0  }
0x20: {  	[tilespmem:$0x2890] =	vst v0  }
0x21: {  	[tilespmem:$0x28A0] =	vst v0  }
0x22: {  	[tilespmem:$0x28B0] =	vst v0  }
0x23: {  	[tilespmem:$0x28C0] =	vst v0  }
0x24: {  	[tilespmem:$0x28D0] =	vst v0  }
0x25: {  	[tilespmem:$0x28E0] =	vst v0  }
0x26: {  	[tilespmem:$0x28F0] =	vst v0  }
0x27: {  	[tilespmem:$0x2900] =	vst v0  }
0x28: {  	[tilespmem:$0x2910] =	vst v0  }
0x29: {  	[tilespmem:$0x2920] =	vst v0  }
0x2a: {  	[tilespmem:$0x2930] =	vst v0  }
0x2b: {  	[tilespmem:$0x2940] =	vst v0  }
0x2c: {  	[tilespmem:$0x2950] =	vst v0  }
0x2d: {  	[tilespmem:$0x2960] =	vst v0  }
0x2e: {  	[tilespmem:$0x2970] =	vst v0  }
0x2f: {  	[tilespmem:$0x2980] =	vst v0  }
0x30: {  	[tilespmem:$0x2990] =	vst v0  }
0x31: {  	[tilespmem:$0x29A0] =	vst v0  }
0x32: {  	[tilespmem:$0x29B0] =	vst v0  }
0x33: {  	[tilespmem:$0x29C0] =	vst v0  }
0x34: {  	[tilespmem:$0x29D0] =	vst v0  }
0x35: {  	[tilespmem:$0x29E0] =	vst v0  }
0x36: {  	[tilespmem:$0x29F0] =	vst v0  }
0x37: {  	[tilespmem:$0x2A00] =	vst v0  }
0x38: {  	[tilespmem:$0x2A10] =	vst v0  }
0x39: {  	[tilespmem:$0x2A20] =	vst v0  }
0x3a: {  	[tilespmem:$0x2A30] =	vst v0  }
0x3b: {  	[tilespmem:$0x2A40] =	vst v0  }
0x3c: {  	[tilespmem:$0x2A50] =	vst v0  }
0x3d: {  	[tilespmem:$0x2A60] =	vst v0  }
0x3e: {  	[tilespmem:$0x2A70] =	vst v0  }
0x3f: {  	[tilespmem:$0x2A80] =	vst v0  }
0x40: {  	[tilespmem:$0x2A90] =	vst v0  }
0x41: {  	[tilespmem:$0x2AA0] =	vst v0  }
0x42: {  	[tilespmem:$0x2AB0] =	vst v0  }
0x43: {  	[tilespmem:$0x2AC0] =	vst v0  }
0x44: {  	[tilespmem:$0x2AD0] =	vst v0  }
0x45: {  	[tilespmem:$0x2AE0] =	vst v0  }
0x46: {  	[tilespmem:$0x2AF0] =	vst v0  }
0x47: {  	[tilespmem:$0x2B00] =	vst v0  }
0x48: {  	[tilespmem:$0x2B10] =	vst v0  }
0x49: {  	[tilespmem:$0x2B20] =	vst v0  }
0x4a: {  	[tilespmem:$0x2B30] =	vst v0  }
0x4b: {  	[tilespmem:$0x2B40] =	vst v0  }
0x4c: {  	[tilespmem:$0x2B50] =	vst v0  }
0x4d: {  	[tilespmem:$0x2B60] =	vst v0  }
0x4e: {  	[tilespmem:$0x2B70] =	vst v0  }
0x4f: {  	[tilespmem:$0x2B80] =	vst v0  }
0x50: {  	[tilespmem:$0x2B90] =	vst v0  }
0x51: {  	[tilespmem:$0x2BA0] =	vst v0  }
0x52: {  	[tilespmem:$0x2BB0] =	vst v0  }
0x53: {  	[tilespmem:$0x2BC0] =	vst v0  }
0x54: {  	[tilespmem:$0x2BD0] =	vst v0  }
0x55: {  	[tilespmem:$0x2BE0] =	vst v0  }
0x56: {  	[tilespmem:$0x2BF0] =	vst v0  }
0x57: {  	[tilespmem:$0x2C00] =	vst v0  }
0x58: {  	[tilespmem:$0x2C10] =	vst v0  }
0x59: {  	[tilespmem:$0x2C20] =	vst v0  }
0x5a: {  	[tilespmem:$0x2C30] =	vst v0  }
0x5b: {  	[tilespmem:$0x2C40] =	vst v0  }
0x5c: {  	[tilespmem:$0x2C50] =	vst v0  }
0x5d: {  	[tilespmem:$0x2C60] =	vst v0  }
0x5e: {  	[tilespmem:$0x2C70] =	vst v0  }
0x5f: {  	[tilespmem:$0x2C80] =	vst v0  }
0x60: {  	[tilespmem:$0x2C90] =	vst v0  }
0x61: {  	[tilespmem:$0x2CA0] =	vst v0  }
0x62: {  	[tilespmem:$0x2CB0] =	vst v0  }
0x63: {  	[tilespmem:$0x2CC0] =	vst v0  }
0x64: {  	[tilespmem:$0x2CD0] =	vst v0  }
0x65: {  	[tilespmem:$0x2CE0] =	vst v0  }
0x66: {  	[tilespmem:$0x2CF0] =	vst v0  }
0x67: {  	[tilespmem:$0x2D00] =	vst v0  }
0x68: {  	[tilespmem:$0x2D10] =	vst v0  }
0x69: {  	[tilespmem:$0x2D20] =	vst v0  }
0x6a: {  	[tilespmem:$0x2D30] =	vst v0  }
0x6b: {  	[tilespmem:$0x2D40] =	vst v0  }
0x6c: {  	[tilespmem:$0x2D50] =	vst v0  }
0x6d: {  	[tilespmem:$0x2D60] =	vst v0  }
0x6e: {  	[tilespmem:$0x2D70] =	vst v0  }
0x6f: {  	[tilespmem:$0x2D80] =	vst v0  }
0x70: {  	[tilespmem:$0x2D90] =	vst v0  }
0x71: {  	[tilespmem:$0x2DA0] =	vst v0  }
0x72: {  	[tilespmem:$0x2DB0] =	vst v0  }
0x73: {  	[tilespmem:$0x2DC0] =	vst v0  }
0x74: {  	[tilespmem:$0x2DD0] =	vst v0  }
0x75: {  	[tilespmem:$0x2DE0] =	vst v0  }
0x76: {  	[tilespmem:$0x2DF0] =	vst v0  }
0x77: {  	[tilespmem:$0x2E00] =	vst v0  }
0x78: {  	[tilespmem:$0x2E10] =	vst v0  }
0x79: {  	[tilespmem:$0x2E20] =	vst v0  }
0x7a: {  	[tilespmem:$0x2E30] =	vst v0  }
0x7b: {  	[tilespmem:$0x2E40] =	vst v0  }
0x7c: {  	[tilespmem:$0x2E50] =	vst v0  }
0x7d: {  	[tilespmem:$0x2E60] =	vst v0  }
0x7e: {  	[tilespmem:$0x2E70] =	vst v0  }
0x7f: {  	[tilespmem:$0x2E80] =	vst v0  }
0x80: {  	[tilespmem:$0x2E90] =	vst v0  }
0x81: {  	[tilespmem:$0x2EA0] =	vst v0  }
0x82: {  	[tilespmem:$0x2EB0] =	vst v0  }
0x83: {  	[tilespmem:$0x2EC0] =	vst v0  }
0x84: {  	[tilespmem:$0x2ED0] =	vst v0  }
0x85: {  	[tilespmem:$0x2EE0] =	vst v0  }
0x86: {  	[tilespmem:$0x2EF0] =	vst v0  }
0x87: {  	[tilespmem:$0x2F00] =	vst v0  }
0x88: {  	[tilespmem:$0x2F10] =	vst v0  }
0x89: {  	[tilespmem:$0x2F20] =	vst v0  }
0x8a: {  	[tilespmem:$0x2F30] =	vst v0  }
0x8b: {  	[tilespmem:$0x2F40] =	vst v0  }
0x8c: {  	[tilespmem:$0x2F50] =	vst v0  }
0x8d: {  	[tilespmem:$0x2F60] =	vst v0  }
0x8e: {  	[tilespmem:$0x2F70] =	vst v0  }
0x8f: {  	[tilespmem:$0x2F80] =	vst v0  }
0x90: {  	[tilespmem:$0x2F90] =	vst v0  }
0x91: {  	[tilespmem:$0x2FA0] =	vst v0  }
0x92: {  	[tilespmem:$0x2FB0] =	vst v0  }
0x93: {  	[tilespmem:$0x2FC0] =	vst v0  }
0x94: {  	[tilespmem:$0x2FD0] =	vst v0  }
0x95: {  	[tilespmem:$0x2FE0] =	vst v0  }
0x96: {  	[tilespmem:$0x2FF0] =	vst v0  }
0x97: {  	[bflag:$0x0] =	sbarrier.arrive $0xFFFF  }
0x98: {  	[spmem:s2] =	stream.indirect.scatter.add.f32 [tilespmem:s12], [sflag:$0x1], $0x10, s3, s11, $0xb8;
	[tilespmem:$0x5800] =	vst v63  }
0x99: {  	_ = 	snop  }
0x9a: {  	[spmem:s2] =	stream.indirect.scatter.add.f32 [tilespmem:s12], [sflag:$0x2], $0x10, s11, s11, $0xb8;
	[tilespmem:$0x5800] =	vst v63  }
0x9b: {  	_ = 	snop  }
0x9c: {  	[spmem:s2] =	stream.indirect.scatter.add.f32 [tilespmem:s12], [sflag:$0x3], $0x10, s13, s11, $0xb8;
	[tilespmem:$0x5800] =	vst v63  }
0x9d: {  	_ = 	snop  }
0x9e: {  	[spmem:s2] =	stream.indirect.scatter.add.f32 [tilespmem:s12], [sflag:$0x4], $0x10, s14, s11, $0xb8;
	[tilespmem:$0x5800] =	vst v63  }
0x9f: {  	_ =	swait.ge [sflag:s15], $0x800  }
0xa0: {  	[sflag:s15] =	ssyncset.done $0x0  }
0xa1: {  	s20 =	simm.s32 $0x200;
	[sflag:s15] =	ssyncadd.s32 $0xFFFFF800  }
0xa2: {  	[spmem:s2] =	stream.indirect.scatter.add.f32 [tilespmem:s12], [sflag:$0x1], $0x10, s20, s11, $0xb8;
	[tilespmem:$0x5800] =	vst v63  }
0xa3: {  	_ =	swait.ge [sflag:s16], $0x800  }
0xa4: {  	[sflag:s16] =	ssyncset.done $0x0  }
0xa5: {  	s30 =	simm.s32 $0x280;
	[sflag:s16] =	ssyncadd.s32 $0xFFFFF800  }
0xa6: {  	[spmem:s2] =	stream.indirect.scatter.add.f32 [tilespmem:s12], [sflag:$0x2], $0x10, s30, s11, $0xb8;
	[tilespmem:$0x5800] =	vst v63  }
0xa7: {  	_ =	swait.ge [sflag:s17], $0x800  }
0xa8: {  	[sflag:s17] =	ssyncset.done $0x0  }
0xa9: {  	s31 =	simm.s32 $0x300;
	[sflag:s17] =	ssyncadd.s32 $0xFFFFF800  }
0xaa: {  	[spmem:s2] =	stream.indirect.scatter.add.f32 [tilespmem:s12], [sflag:$0x3], $0x10, s31, s11, $0xb8;
	[tilespmem:$0x5800] =	vst v63  }
0xab: {  	_ =	swait.ge [sflag:s18], $0x800  }
0xac: {  	[sflag:s18] =	ssyncset.done $0x0  }
0xad: {  	s21 =	simm.s32 $0x380;
	s20 =	simm.s32 $0xFFFF7000;
	[sflag:s18] =	ssyncadd.s32 $0xFFFFF800  }
.LBB2_2:
0xae: {  	[spmem:s2] =	stream.indirect.scatter.add.f32 [tilespmem:s12], [sflag:$0x4], $0x10, s21, s11, $0xb8;
	[tilespmem:$0x5800] =	vst v63  }
0xaf: {  	s21 =	smov.u32 s20  }
0xb0: {  	p0 =	sne.s32 s20, $0xFFFFF800;
	s20 =	sadd.s32 $0x800, s20;
	_ =	swait.ge [sflag:s15], $0x800  }
0xb1: {  	s21 =	sshra.s32 s21, $0x2;
	[sflag:s15] =	ssyncset.done $0x0  }
0xb2: {  	s22 =	sadd.s32 $0x2800, s21;
	[sflag:s15] =	ssyncadd.s32 $0xFFFFF800  }
0xb3: {  	[spmem:s2] =	stream.indirect.scatter.add.f32 [tilespmem:s12], [sflag:$0x1], $0x10, s22, s11, $0xb8;
	[tilespmem:$0x5800] =	vst v63  }
0xb4: {  	_ =	swait.ge [sflag:s16], $0x800  }
0xb5: {  	[sflag:s16] =	ssyncset.done $0x0  }
0xb6: {  	s22 =	sadd.s32 $0x2880, s21;
	[sflag:s16] =	ssyncadd.s32 $0xFFFFF800  }
0xb7: {  	[spmem:s2] =	stream.indirect.scatter.add.f32 [tilespmem:s12], [sflag:$0x2], $0x10, s22, s11, $0xb8;
	[tilespmem:$0x5800] =	vst v63  }
0xb8: {  	_ =	swait.ge [sflag:s17], $0x800  }
0xb9: {  	[sflag:s17] =	ssyncset.done $0x0  }
.Ltmp0:
0xba: {  	s22 =	sadd.s32 $0x2900, s21;
	[sflag:s17] =	ssyncadd.s32 $0xFFFFF800;
	(pc) =	sbr.rel @p0 .LBB2_2-.Ltmp0, $4  }
0xbb: {  	[spmem:s2] =	stream.indirect.scatter.add.f32 [tilespmem:s12], [sflag:$0x3], $0x10, s22, s11, $0xb8;
	[tilespmem:$0x5800] =	vst v63  }
0xbc: {  	_ =	swait.ge [sflag:s18], $0x800  }
0xbd: {  	[sflag:s18] =	ssyncset.done $0x0  }
0xbe: {  	s21 =	sadd.s32 $0x2980, s21;
	[sflag:s18] =	ssyncadd.s32 $0xFFFFF800  }
0xbf: {  	[spmem:s2] =	stream.indirect.scatter.add.f32 [tilespmem:s12], [sflag:$0x4], $0x10, s21, s11, $0xb8;
	[tilespmem:$0x5800] =	vst v63  }
0xc0: {  	_ =	swait.ge [sflag:s15], $0x800  }
0xc1: {  	[sflag:s15] =	ssyncset.done $0x0  }
0xc2: {  	[sflag:s15] =	ssyncadd.s32 $0xFFFFF800  }
0xc3: {  	_ =	swait.ge [sflag:s16], $0x800  }
0xc4: {  	[sflag:s16] =	ssyncset.done $0x0  }
0xc5: {  	[sflag:s16] =	ssyncadd.s32 $0xFFFFF800  }
0xc6: {  	_ =	swait.ge [sflag:s17], $0x800  }
0xc7: {  	[sflag:s17] =	ssyncset.done $0x0  }
0xc8: {  	[sflag:s17] =	ssyncadd.s32 $0xFFFFF800  }
0xc9: {  	_ =	swait.ge [sflag:s18], $0x800  }
0xca: {  	s19 =	sadd.s32 $0x1, s19;
	[sflag:s18] =	ssyncset.done $0x0  }
0xcb: {  	p0 =	sne.s32 s19, s8;
	[sflag:s18] =	ssyncadd.s32 $0xFFFFF800  }
.Ltmp1:
0xcc: {  	[bflag:$0x0] =	sbarrier.arrive $0xFFFF;
	(pc) =	sbr.rel @p0 .LBB2_1-.Ltmp1, $4  }
0xcd: {  	[hbm:s7], [sflag:s5] =	dma.local [spmem:s9], $0x500  }
0xce: {  	_ =	swait.ge [sflag:s10], $0x500  }
0xcf: {  	[sflag:s10] =	ssyncset.done $0x0  }
0xd0: {  	[sflag:s10] =	ssyncadd.s32 $0xFFFFFB00  }
0xd1: {  	_ =	sfence.sel $0x180000  }
0xd2: {  	[bflag:$0x0] =	sbarrier.arrive $0xFFFF  }
0xd3: {  	p0 =	sne.s32 s0, $0x0;
	_ =	strace $0x90000047  }
0xd4: {  	s0 =	sadd.s32 @!p0 $0x100000, s1;
	[bflag:$0x2] =	sbarrier.arrive $0xFFFF  }
0xd5: {  	[sflag:s0] =	ssyncadd.tile.s32 @!p0 $0x1;
	_ =	shalt  }
.Lfunc_end2:
_tile_overlayer_lowered:
.L_overlay_start_2:
0xd6: {  	(tag) =	ssettag $0x2  }
0xd7: {  	s0 =	rddreg [dreg:$0x0];
	s2 =	stileid.u32  }
0xd8: {  	s1 =	rddreg [dreg:$0x1];
	p0 =	sne.s32 s2, $0x0  }
0xd9: {  	s3 =	rddreg [dreg:$0x2];
	[bflag:$0x3] =	sbarrier.arrive $0xFFFF;
	s2 =	simm.s32 @!p0 $0x1C05  }
0xda: {  	[timem:s3], [sflag:s2] =	dma.local @!p0 [hbm:s0], s1  }
0xdb: {  	s0 =	simm.s32 @!p0 $0x5  }
0xdc: {  	_ =	swait.ge @!p0 [sflag:s0], s1  }
0xdd: {  	s1 =	ssub.s32 @!p0 $0x0, s1;
	[sflag:s0] =	ssyncset.done @!p0 $0x0  }
0xde: {  	[sflag:s0] =	ssyncadd.s32 @!p0 s1  }
0xdf: {  	[bflag:$0x3] =	sbarrier.arrive $0xFFFF  }
0xe0: {  	_ =	shalt  }

// kernel: kernel.14.cloned.1.call-start
scs
__scs_entry_jumppad:
0x0: {  	(pc) =	sbr.rel $0x88, $3  }
0x1: {  	(tag) =	ssettag $0x0;
	lr =	simm.s32 $0x1  }
0x2: {  	[smem:$0x3F97] =	sst lr;
	_ =	strace $0xD0000000  }
0x3: {  	_ = 	snop  }
0x4: {  	_ = 	snop  }
0x5: {  	_ = 	snop  }
0x6: {  	_ = 	snop  }
0x7: {  	_ = 	snop  }
__scs_overlays_trampoline_lowered:
0x8: {  	[smem:$0x3FA6] =	sst s0  }
0x9: {  	[smem:$0x3FA7] =	sst s1  }
0xa: {  	[smem:$0x3FA8] =	sst s2  }
0xb: {  	[smem:$0x3FA9] =	sst s3  }
0xc: {  	[smem:$0x3FAA] =	sst s4  }
0xd: {  	[smem:$0x3FAB] =	sst s5  }
0xe: {  	[smem:$0x3FAC] =	sst s6  }
0xf: {  	[smem:$0x3FAD] =	sst s7  }
0x10: {  	[smem:$0x3FAE] =	sst s8  }
0x11: {  	[smem:$0x3FAF] =	sst s9;
	s0 =	simm.s32 @!p0 $0x0  }
0x12: {  	s1 =	sld [smem:$0x3F95];
	s0 =	simm.s32 @p0 $0x1  }
0x13: {  	[smem:$0x3FB0] =	sst s0;
	s0 =	simm.s32 @!p1 $0x0  }
0x14: {  	s2 =	sld [smem:$0x3F94];
	s0 =	simm.s32 @p1 $0x1  }
0x15: {  	[smem:$0x3FB1] =	sst s0;
	s0 =	simm.s32 @!p2 $0x0  }
0x16: {  	s3 =	sld [smem:$0x3FDB];
	s0 =	simm.s32 @p2 $0x1  }
0x17: {  	s4 =	simm.s32 $0x1BF5;
	[smem:$0x3FB3] =	sst s0  }
0x18: {  	s0 =	sld [smem:$0x3F96];
	_ =	swait.ge [sflag:s4], $0x0  }
0x19: {  	s7 =	sld [smem:$0x3F97]  }
0x1a: {  	s8 =	sadd.s32 $0xFFFFE003, lr  }
0x1b: {  	s9 =	sadd.s32 $0xFFFFFEF7, lr;
	s5 =	simm.s32 $0xFFFFFFFF;
	p2 =	slt.u32 s8, $0xFFFFF086  }
0x1c: {  	p1 =	slt.u32 s9, $0xF7A;
	s5 =	simm.s32 @!p2 $0x0  }
0x1d: {  	s5 =	simm.s32 @p1 $0x1;
	p0 =	seq.s32 s7, s2  }
0x1e: {  	s7 =	smul.u32 @!p0 $0xF7A, s2;
	p2 =	seq.s32 @!p0 s5, $0x0  }
0x1f: {  	s9 =	smul.u32 $0xF7A, s1;
	s8 =	simm.s32 @!p0 $0x1BF5;
	p2 =	por !p2, p0  }
0x20: {  	[sflag:s8] =	ssyncset.s32 @!p0 $0xFFFFF086;
	s6 =	sadd.s32 @!p0 s3, s7;
	s7 =	simm.s32 @!p0 $0x108  }
0x21: {  	s3 =	sadd.s32 s3, s9;
	s6 =	sadd.s32 @!p0 $0x88, s6;
	s7 =	simm.s32 @p2 $0x1082  }
0x22: {  	[simem:s7], [sflag:s8] =	dma.local @!p0 [hbm:s6], $0xF7A  }
0x23: {  	s9 =	sor.u32 $0xD0000000, s2;
	s6 =	simm.s32 $0x108;
	_ =	swait.ge @!p0 [sflag:s8], $0x0  }
0x24: {  	s3 =	sadd.s32 $0x88, s3;
	s6 =	simm.s32 @!p1 $0x1082;
	[sflag:s4] =	ssyncset.s32 $0xFFFFF086  }
0x25: {  	[simem:s6], [sflag:s4] =	dma.local [hbm:s3], $0xF7A  }
0x26: {  	[smem:$0x3F97] =	sst s1;
	(tag) =	ssettag s2;
	_ =	strace s9  }
0x27: {  	s1 =	sld [smem:$0x3FA7]  }
0x28: {  	s2 =	sld [smem:$0x3FA8]  }
0x29: {  	s4 =	sld [smem:$0x3FAA]  }
0x2a: {  	p0 =	seq.s32 s5, $0x0;
	s5 =	sld [smem:$0x3FAB]  }
0x2b: {  	s6 =	sld [smem:$0x3FAC]  }
0x2c: {  	s7 =	sld [smem:$0x3FAD]  }
0x2d: {  	s3 =	simm.s32 $0x108;
	s8 =	sld [smem:$0x3FAE]  }
0x2e: {  	s3 =	simm.s32 @!p0 $0x1082;
	s9 =	sld [smem:$0x3FAF]  }
0x2f: {  	lr =	sadd.s32 s0, s3;
	s0 =	sld [smem:$0x3FA6]  }
0x30: {  	s3 =	sld [smem:$0x3FA9]  }
0x31: {  	[smem:$0x3FB2] =	sst s10  }
0x32: {  	s10 =	sld [smem:$0x3FB0];
	_ =	sdelay $0x3  }
0x33: {  	p0 =	seq.s32 s10, $0x1;
	s10 =	sld [smem:$0x3FB2];
	_ =	sdelay $0x3  }
0x34: {  	[smem:$0x3FB2] =	sst s10  }
0x35: {  	s10 =	sld [smem:$0x3FB1];
	_ =	sdelay $0x3  }
0x36: {  	p1 =	seq.s32 s10, $0x1;
	s10 =	sld [smem:$0x3FB2];
	_ =	sdelay $0x3  }
0x37: {  	[smem:$0x3FB2] =	sst s10  }
0x38: {  	s10 =	sld [smem:$0x3FB3]  }
0x39: {  	_ = 	snop;
	(pc) =	sbr.ind lr, $3  }
0x3a: {  	_ = 	snop  }
0x3b: {  	_ = 	snop  }
0x3c: {  	p2 =	seq.s32 s10, $0x1;
	s10 =	sld [smem:$0x3FB2]  }
0x3d: {  	_ =	shalt  }
0x3e: {  	_ =	shalt  }
0x3f: {  	_ =	shalt  }
0x40: {  	_ =	shalt  }
0x41: {  	_ =	shalt  }
0x42: {  	_ =	shalt  }
0x43: {  	_ =	shalt  }
0x44: {  	_ =	shalt  }
0x45: {  	_ =	shalt  }
0x46: {  	_ =	shalt  }
0x47: {  	_ =	shalt  }
0x48: {  	_ =	shalt  }
0x49: {  	_ =	shalt  }
0x4a: {  	_ =	shalt  }
0x4b: {  	_ =	shalt  }
0x4c: {  	_ =	shalt  }
0x4d: {  	_ =	shalt  }
0x4e: {  	_ =	shalt  }
0x4f: {  	_ =	shalt  }
0x50: {  	_ =	shalt  }
0x51: {  	_ =	shalt  }
0x52: {  	_ =	shalt  }
0x53: {  	_ =	shalt  }
0x54: {  	_ =	shalt  }
0x55: {  	_ =	shalt  }
0x56: {  	_ =	shalt  }
0x57: {  	_ =	shalt  }
0x58: {  	_ =	shalt  }
0x59: {  	_ =	shalt  }
0x5a: {  	_ =	shalt  }
0x5b: {  	_ =	shalt  }
0x5c: {  	_ =	shalt  }
0x5d: {  	_ =	shalt  }
0x5e: {  	_ =	shalt  }
0x5f: {  	_ =	shalt  }
0x60: {  	_ =	shalt  }
0x61: {  	_ =	shalt  }
0x62: {  	_ =	shalt  }
0x63: {  	_ =	shalt  }
0x64: {  	_ =	shalt  }
0x65: {  	_ =	shalt  }
0x66: {  	_ =	shalt  }
0x67: {  	_ =	shalt  }
0x68: {  	_ =	shalt  }
0x69: {  	_ =	shalt  }
0x6a: {  	_ =	shalt  }
0x6b: {  	_ =	shalt  }
0x6c: {  	_ =	shalt  }
0x6d: {  	_ =	shalt  }
0x6e: {  	_ =	shalt  }
0x6f: {  	_ =	shalt  }
0x70: {  	_ =	shalt  }
0x71: {  	_ =	shalt  }
0x72: {  	_ =	shalt  }
0x73: {  	_ =	shalt  }
0x74: {  	_ =	shalt  }
0x75: {  	_ =	shalt  }
0x76: {  	_ =	shalt  }
0x77: {  	_ =	shalt  }
0x78: {  	_ =	shalt  }
0x79: {  	_ =	shalt  }
0x7a: {  	_ =	shalt  }
0x7b: {  	_ =	shalt  }
0x7c: {  	_ =	shalt  }
0x7d: {  	_ =	shalt  }
0x7e: {  	_ =	shalt  }
0x7f: {  	_ =	shalt  }
0x80: {  	_ =	shalt  }
0x81: {  	_ =	shalt  }
0x82: {  	_ =	shalt  }
0x83: {  	_ =	shalt  }
0x84: {  	_ =	shalt  }
0x85: {  	_ =	shalt  }
0x86: {  	_ =	shalt  }
0x87: {  	_ =	shalt  }
.Lfunc_end0:
.L_simem_size_0:
called_computation.1_lowered:
.L_overlay_start_0:
0x88: {  	s2 =	sld [smem:$0x3FD9]  }
0x89: {  	s3 =	sld [smem:$0x3FFE];
	_ =	sdelay $0x1  }
0x8a: {  	s1 =	srdreg.scid  }
0x8b: {  	s0 =	sand.u32 $0x1, s1  }
0x8c: {  	s16 =	sshll.u32 s0, $0xA;
	s2 =	sadd.s32 s3, s2  }
0x8d: {  	s2 =	sadd.s32 s2, s16  }
0x8e: {  	[smem:$0x3FBE] =	sst s2  }
0x8f: {  	_ = 	snop  }
0x90: {  	(tm) =	ssettm $0x1  }
0x91: {  	s17 =	sld [smem:$0x3FFB];
	_ =	sdelay $0x3  }
0x92: {  	_ =	strace s17  }
0x93: {  	s2 =	sld [smem:$0x3FFC];
	_ =	sdelay $0x3  }
0x94: {  	_ =	strace s2  }
0x95: {  	s2 =	sld [smem:$0x3FFD];
	_ =	sdelay $0x3  }
0x96: {  	_ =	strace s2  }
0x97: {  	_ =	strace $0x8FFFFFFF  }
0x98: {  	s18 =	sld [smem:$0x3FDB];
	_ =	sdelay $0x1  }
0x99: {  	s19 =	simm.s32 $_scs_section_size  }
0x9a: {  	s4 =	simm.s32 $_size__tile_overlayer_lowered;
	s5 =	simm.s32 $_tile_overlayer_lowered  }
0x9b: {  	s22 =	simm.s32 $0x1BFF;
	s21 =	sshll.u32 s5, $0x1;
	s2 =	sadd.s32 s19, s18  }
0x9c: {  	s6 =	simm.s32 $0x0;
	s20 =	sshll.u32 s4, $0x1;
	s4 =	sadd.s32 s21, s2  }
0x9d: {  	[timem:s6], [sflag:s22] =	dma.local [hbm:s4], s20  }
0x9e: {  	_ =	swait.ge [sflag:s22], s20  }
0x9f: {  	s3 =	ssub.s32 $0x0, s20;
	[sflag:s22] =	ssyncset.done $0x0  }
0xa0: {  	[sflag:s22] =	ssyncadd.s32 s3;
	_ =	sdelay $0x1  }
0xa1: {  	s23 =	simm.s32 $0x1B8B  }
0xa2: {  	_ =	swait.ge [sflag:s23], $0x1  }
0xa3: {  	[sflag:s23] =	ssyncset.done $0x0  }
0xa4: {  	s25 =	simm.s32 $0x1B8E;
	s24 =	sld [smem:$0x3FFE];
	[sflag:s23] =	ssyncadd.s32 $0xFFFFFFFF  }
0xa5: {  	s26 =	simm.s32 $execute0_lowered;
	[smem:$0x3FD2] =	sst s25  }
0xa6: {  	s4 =	sshll.u32 s26, $0x1;
	_ =	strace $0x80000049;
	[dreg:$0x1] =	wrdreg $0xFFFFFFFF  }
0xa7: {  	s28 =	simm.s32 $_size_execute0_lowered;
	s2 =	sadd.s32 s2, s4;
	[dreg:$0x0] =	wrdreg $0x0  }
0xa8: {  	s4 =	sshll.u32 s28, $0x1;
	[dreg:$0x2] =	wrdreg s2  }
0xa9: {  	[dreg:$0x3] =	wrdreg s4  }
0xaa: {  	[dreg:$0x4] =	wrdreg $0xC0  }
0xab: {  	_ =	task [dreg:s6], $0x5FFFF  }
0xac: {  	[dreg:$0x1] =	wrdreg $0xFFFFFFFF  }
0xad: {  	[dreg:$0x0] =	wrdreg $0x60  }
0xae: {  	[dreg:$0x2] =	wrdreg s24  }
0xaf: {  	[dreg:$0x3] =	wrdreg $0xB8800  }
0xb0: {  	[dreg:$0x4] =	wrdreg $0x9  }
0xb1: {  	_ =	task.clear_ibuf [dreg:s6], $0x5FFFF;
	_ =	strace $0x90000049  }
0xb2: {  	s29 =	simm.s32 $0x9;
	_ =	strace $0x8000004B  }
0xb3: {  	_ =	swait.ge [sflag:s29], $0x1  }
0xb4: {  	[sflag:s29] =	ssyncadd.s32 $0xFFFFFFFF  }
0xb5: {  	_ =	strace $0x9000004B  }
0xb6: {  	_ =	sfence  }
0xb7: {  	s30 =	sld [smem:$0x0];
	_ =	sdelay $0x2  }
0xb8: {  	s31 =	sshll.u32 s1, $0xD;
	s1 =	sshrl.u32 s1, $0x2  }
0xb9: {  	s3 =	sand.u32 $0x4000, s31;
	s1 =	sadd.s32 s1, s30  }
0xba: {  	s0 =	sor.u32 s3, s0;
	s1 =	sshll.u32 s1, $0x11  }
0xbb: {  	s0 =	sor.u32 s1, s0  }
0xbc: {  	s0 =	sadd.s32 $0x8F2B, s0  }
0xbd: {  	[sflag:s0] =	ssyncadd.remote.s32 $0x1  }
0xbe: {  	_ =	sfence.sel $0xFFFF  }
0xbf: {  	[dreg:$0x0] =	wrdreg $0xFFFFFFFF;
	(pc) =	sbr.abs _section_cstart, $3  }
0xc0: {  	[dreg:$0x1] =	wrdreg $0xFFFFFFFF  }
0xc1: {  	_ =	task.clear_ibuf [dreg:s6], $0x2FFFF;
	_ =	strace $0x9FFFFFFF  }
0xc2: {  	(tm) =	ssettm $0x7FFFFFFF  }
0xc3: {  	_ =	shalt  }
tec
execute0_lowered:
.L_overlay_start_1:
0x0: {  	(tag) =	ssettag $0x1  }
0x1: {  	s0 =	rddreg [dreg:$0x0]  }
0x2: {  	s1 =	rddreg [dreg:$0x1]  }
0x3: {  	s2 =	simm.s32 $0x0;
	s6 =	srdreg.scid;
	s13 =	stileid.u32  }
0x4: {  	s18 =	simm.s32 $0x8;
	s19 =	simm.s32 $0x1440;
	s20 =	simm.s32 $0x60  }
0x5: {  	s21 =	simm.s32 $0x2880;
	s28 =	simm.s32 $0x2;
	s29 =	simm.s32 $0x5  }
0x6: {  	s30 =	simm.s32 $0x3;
	s31 =	simm.s32 $0x6;
	[smem:$0x7FF] =	sst s2  }
0x7: {  	s3 =	sadd.s32 $0x25E00, s0;
	s5 =	sadd.s32 $0x30000, s0;
	s4 =	sadd.s32 $0x3A200, s0  }
0x8: {  	s6 =	sand.u32 $0x1, s6;
	s7 =	sshll.u32 s13, $0x1;
	s11 =	smul.u32 $0x14000, s13  }
0x9: {  	s12 =	sadd.s32 $0x61400, s0;
	s15 =	sadd.s32 $0x12C000, s1;
	s0 =	sadd.s32 $0x5FA00, s0  }
0xa: {  	p0 =	seq.s32 s13, $0xF;
	_ =	strace $0x8000004A;
	s8 =	ssub.s32 $0x2, s6  }
0xb: {  	s7 =	sor.u32 s6, s7;
	[dreg:$0x4] =	wrdreg s0;
	s6 =	smul.u32 $0x140000, s6  }
0xc: {  	s13 =	sshll.u32 @!p0 s13, $0x6;
	s15 =	sshrl.u32 @p0 s15, $0x3;
	s9 =	sshrl.u32 s8, $0x1  }
0xd: {  	s7 =	smul.u32 $0x2880, s7;
	s17 =	sadd.s32 s11, s1;
	s22 =	sshrl.u32 s11, $0x3  }
0xe: {  	s16 =	sor.u32 @!p0 $0x1C07, s13;
	s8 =	ssub.s32 s8, s9;
	s9 =	sadd.s32 s4, s22  }
0xf: {  	s25 =	sadd.s32 s11, s6;
	s26 =	sshrl.u32 s6, $0x3;
	s17 =	sshrl.u32 @!p0 s17, $0x3  }
0x10: {  	s22 =	simm.s32 $0x5880;
	s6 =	simm.s32 $0x0;
	[dreg:$0x3] =	wrdreg s9  }
0x11: {  	s7 =	sshrl.u32 s7, $0x3;
	s0 =	sshrl.u32 s25, $0x3;
	s14 =	smax.u32 s8, $0x1  }
0x12: {  	s25 =	simm.s32 $0x1;
	s23 =	sadd.s32 $0x288, s7;
	s24 =	sadd.s32 s3, s7  }
0x13: {  	s7 =	sadd.s32 s5, s7;
	s11 =	sadd.s32 s12, s0;
	[dreg:$0x5] =	wrdreg s24  }
0x14: {  	s0 =	simm.s32 $0x2760;
	[dreg:$0x6] =	wrdreg s7;
	s3 =	sadd.s32 s3, s23  }
0x15: {  	s10 =	sadd.s32 s5, s23;
	s23 =	simm.s32 $0xC0;
	s24 =	simm.s32 $0x8880  }
0x16: {  	s5 =	simm.s32 $0x2820;
	[dreg:$0x7] =	wrdreg s3;
	s3 =	sadd.s32 s12, s26  }
0x17: {  	s26 =	simm.s32 $0x4;
	s12 =	sadd.s32 $0x25800, s3;
	s3 =	simm.s32 $0x27C0  }
.LBB2_1:
0x18: {  	s7 =	simm.s32 @p0 $0x1FC7;
	s8 =	rddreg [dreg:$0x4]  }
0x19: {  	[spmem:s15], [sflag:s7] =	dma.local @p0 [hbm:s8], $0x1900  }
0x1a: {  	s7 =	rddreg [dreg:$0x3]  }
0x1b: {  	[spmem:s17], [sflag:s16] =	dma.local @!p0 [hbm:s7], $0x2800  }
0x1c: {  	s7 =	rddreg [dreg:$0x5]  }
0x1d: {  	[tilespmem:s2], [sflag:$0x8] =	stream.linear.gather [hbm4b:s7+s2], $0x1440, $0x38;
	[tilespmem:$0x1F880] =	vst v63  }
0x1e: {  	_ =	swait.ge [sflag:s18], $0x1440  }
0x1f: {  	[sflag:s18] =	ssyncset.done $0x0  }
0x20: {  	s8 =	rddreg [dreg:$0x6];
	[sflag:s18] =	ssyncadd.s32 $0xFFFFEBC0  }
0x21: {  	[tilespmem:s19], [sflag:$0x8] =	stream.linear.gather [hbm4b:s8+s2], $0x1440, $0x38;
	[tilespmem:$0x1F880] =	vst v63  }
0x22: {  	_ =	swait.ge [sflag:s18], $0x1440  }
0x23: {  	[sflag:s18] =	ssyncset.done $0x0  }
0x24: {  	s7 =	simm.s32 @p0 $0x7;
	[sflag:s18] =	ssyncadd.s32 $0xFFFFEBC0  }
0x25: {  	_ =	swait.ge @p0 [sflag:s7], $0x1900  }
0x26: {  	[sflag:s7] =	ssyncset.done @p0 $0x0  }
0x27: {  	[sflag:s7] =	ssyncadd.s32 @p0 $0xFFFFE700;
	s7 =	simm.s32 @!p0 $0x7  }
0x28: {  	_ =	swait.ge @!p0 [sflag:s7], $0x2800  }
0x29: {  	[sflag:s7] =	ssyncset.done @!p0 $0x0  }
0x2a: {  	[sflag:s7] =	ssyncadd.s32 @!p0 $0xFFFFD800  }
0x2b: {  	[bflag:$0x0] =	sbarrier.arrive $0xFFFF  }
0x2c: {  	[tilespmem:s21], [sflag:$0x1] =	stream.indirect.gather [hbm4b:s4+s20], $0x80, s2, s20, $0xb8;
	[tilespmem:$0x1F880] =	vst v63  }
0x2d: {  	_ = 	snop  }
0x2e: {  	[tilespmem:s22], [sflag:$0x2] =	stream.indirect.gather [hbm4b:s4+s20], $0x80, s20, s20, $0xb8;
	[tilespmem:$0x1F880] =	vst v63  }
0x2f: {  	_ = 	snop  }
0x30: {  	[tilespmem:s24], [sflag:$0x3] =	stream.indirect.gather [hbm4b:s4+s20], $0x80, s23, s20, $0xb8;
	[tilespmem:$0x1F880] =	vst v63  }
0x31: {  	_ =	swait.ge [sflag:s25], $0x3000  }
0x32: {  	[sflag:s25] =	ssyncset.done $0x0  }
0x33: {  	s9 =	simm.s32 $0x1440;
	[sflag:s25] =	ssyncadd.s32 $0xFFFFD000  }
0x34: {  	[spmem:s1] =	stream.indirect.scatter.add.f32 [tilespmem:s21], [sflag:$0x4], $0x80, s9, s20, $0xb8;
	[tilespmem:$0x1F880] =	vst v63  }
0x35: {  	_ =	swait.ge [sflag:s26], $0x3000  }
0x36: {  	[sflag:s26] =	ssyncset.done $0x0  }
0x37: {  	s8 =	simm.s32 $0x120;
	[sflag:s26] =	ssyncadd.s32 $0xFFFFD000  }
0x38: {  	[tilespmem:s21], [sflag:$0x1] =	stream.indirect.gather [hbm4b:s4+s20], $0x80, s8, s20, $0xb8;
	[tilespmem:$0x1F880] =	vst v63  }
0x39: {  	_ =	swait.ge [sflag:s28], $0x3000  }
0x3a: {  	[sflag:s28] =	ssyncset.done $0x0  }
0x3b: {  	s9 =	simm.s32 $0x14A0;
	[sflag:s28] =	ssyncadd.s32 $0xFFFFD000  }
0x3c: {  	[spmem:s1] =	stream.indirect.scatter.add.f32 [tilespmem:s22], [sflag:$0x5], $0x80, s9, s20, $0xb8;
	[tilespmem:$0x1F880] =	vst v63  }
0x3d: {  	_ =	swait.ge [sflag:s29], $0x3000  }
0x3e: {  	[sflag:s29] =	ssyncset.done $0x0  }
0x3f: {  	s8 =	simm.s32 $0x180;
	[sflag:s29] =	ssyncadd.s32 $0xFFFFD000  }
0x40: {  	[tilespmem:s22], [sflag:$0x2] =	stream.indirect.gather [hbm4b:s4+s20], $0x80, s8, s20, $0xb8;
	[tilespmem:$0x1F880] =	vst v63  }
0x41: {  	_ =	swait.ge [sflag:s30], $0x3000  }
0x42: {  	[sflag:s30] =	ssyncset.done $0x0  }
0x43: {  	s9 =	simm.s32 $0x1500;
	[sflag:s30] =	ssyncadd.s32 $0xFFFFD000  }
0x44: {  	[spmem:s1] =	stream.indirect.scatter.add.f32 [tilespmem:s24], [sflag:$0x6], $0x80, s9, s20, $0xb8;
	[tilespmem:$0x1F880] =	vst v63  }
0x45: {  	_ =	swait.ge [sflag:s31], $0x3000  }
0x46: {  	[sflag:s31] =	ssyncset.done $0x0  }
0x47: {  	s7 =	simm.s32 $0x480;
	s8 =	simm.s32 $0x1E0;
	[sflag:s31] =	ssyncadd.s32 $0xFFFFD000  }
.LBB2_2:
0x48: {  	[tilespmem:s24], [sflag:$0x3] =	stream.indirect.gather [hbm4b:s4+s20], $0x80, s8, s20, $0xb8;
	[tilespmem:$0x1F880] =	vst v63  }
0x49: {  	s8 =	smov.u32 s7  }
0x4a: {  	p1 =	sne.s32 s7, $0x4800;
	s7 =	sadd.s32 $0x480, s7;
	_ =	swait.ge [sflag:s25], $0x3000  }
0x4b: {  	s8 =	sshra.s32 s8, $0x2;
	[sflag:s25] =	ssyncset.done $0x0  }
0x4c: {  	s9 =	sadd.s32 $0x1440, s8;
	[sflag:s25] =	ssyncadd.s32 $0xFFFFD000  }
0x4d: {  	[spmem:s1] =	stream.indirect.scatter.add.f32 [tilespmem:s21], [sflag:$0x4], $0x80, s9, s20, $0xb8;
	[tilespmem:$0x1F880] =	vst v63  }
0x4e: {  	_ =	swait.ge [sflag:s26], $0x3000  }
0x4f: {  	[sflag:s26] =	ssyncset.done $0x0  }
0x50: {  	s9 =	sadd.s32 $0x120, s8;
	[sflag:s26] =	ssyncadd.s32 $0xFFFFD000  }
0x51: {  	[tilespmem:s21], [sflag:$0x1] =	stream.indirect.gather [hbm4b:s4+s20], $0x80, s9, s20, $0xb8;
	[tilespmem:$0x1F880] =	vst v63  }
0x52: {  	_ =	swait.ge [sflag:s28], $0x3000  }
0x53: {  	[sflag:s28] =	ssyncset.done $0x0  }
0x54: {  	s9 =	sadd.s32 $0x14A0, s8;
	[sflag:s28] =	ssyncadd.s32 $0xFFFFD000  }
0x55: {  	[spmem:s1] =	stream.indirect.scatter.add.f32 [tilespmem:s22], [sflag:$0x5], $0x80, s9, s20, $0xb8;
	[tilespmem:$0x1F880] =	vst v63  }
0x56: {  	_ =	swait.ge [sflag:s29], $0x3000  }
0x57: {  	[sflag:s29] =	ssyncset.done $0x0  }
0x58: {  	s9 =	sadd.s32 $0x180, s8;
	[sflag:s29] =	ssyncadd.s32 $0xFFFFD000  }
0x59: {  	[tilespmem:s22], [sflag:$0x2] =	stream.indirect.gather [hbm4b:s4+s20], $0x80, s9, s20, $0xb8;
	[tilespmem:$0x1F880] =	vst v63  }
0x5a: {  	_ =	swait.ge [sflag:s30], $0x3000  }
0x5b: {  	[sflag:s30] =	ssyncset.done $0x0  }
.Ltmp0:
0x5c: {  	s9 =	sadd.s32 $0x1500, s8;
	[sflag:s30] =	ssyncadd.s32 $0xFFFFD000;
	(pc) =	sbr.rel @p1 .LBB2_2-.Ltmp0, $4  }
0x5d: {  	[spmem:s1] =	stream.indirect.scatter.add.f32 [tilespmem:s24], [sflag:$0x6], $0x80, s9, s20, $0xb8;
	[tilespmem:$0x1F880] =	vst v63  }
0x5e: {  	_ =	swait.ge [sflag:s31], $0x3000  }
0x5f: {  	[sflag:s31] =	ssyncset.done $0x0  }
0x60: {  	s8 =	sadd.s32 $0x1E0, s8;
	[sflag:s31] =	ssyncadd.s32 $0xFFFFD000  }
0x61: {  	[tilespmem:s24], [sflag:$0x3] =	stream.indirect.gather [hbm4b:s4+s20], $0x80, s8, s20, $0xb8;
	[tilespmem:$0x1F880] =	vst v63  }
0x62: {  	_ =	swait.ge [sflag:s25], $0x3000  }
0x63: {  	[sflag:s25] =	ssyncset.done $0x0  }
0x64: {  	[sflag:s25] =	ssyncadd.s32 $0xFFFFD000  }
0x65: {  	[spmem:s1] =	stream.indirect.scatter.add.f32 [tilespmem:s21], [sflag:$0x4], $0x80, s0, s20, $0xb8;
	[tilespmem:$0x1F880] =	vst v63  }
0x66: {  	_ =	swait.ge [sflag:s28], $0x3000  }
0x67: {  	[sflag:s28] =	ssyncset.done $0x0  }
0x68: {  	[sflag:s28] =	ssyncadd.s32 $0xFFFFD000  }
0x69: {  	[spmem:s1] =	stream.indirect.scatter.add.f32 [tilespmem:s22], [sflag:$0x5], $0x80, s3, s20, $0xb8;
	[tilespmem:$0x1F880] =	vst v63  }
0x6a: {  	_ =	swait.ge [sflag:s30], $0x3000  }
0x6b: {  	[sflag:s30] =	ssyncset.done $0x0  }
0x6c: {  	[sflag:s30] =	ssyncadd.s32 $0xFFFFD000  }
0x6d: {  	[spmem:s1] =	stream.indirect.scatter.add.f32 [tilespmem:s24], [sflag:$0x6], $0x80, s5, s20, $0xb8;
	[tilespmem:$0x1F880] =	vst v63  }
0x6e: {  	_ =	swait.ge [sflag:s26], $0x3000  }
0x6f: {  	[sflag:s26] =	ssyncset.done $0x0  }
0x70: {  	[sflag:s26] =	ssyncadd.s32 $0xFFFFD000  }
0x71: {  	_ =	swait.ge [sflag:s29], $0x3000  }
0x72: {  	[sflag:s29] =	ssyncset.done $0x0  }
0x73: {  	[sflag:s29] =	ssyncadd.s32 $0xFFFFD000  }
0x74: {  	_ =	swait.ge [sflag:s31], $0x3000  }
0x75: {  	[sflag:s31] =	ssyncset.done $0x0  }
0x76: {  	s7 =	simm.s32 $0x0;
	s9 =	rddreg [dreg:$0x7];
	[sflag:s31] =	ssyncadd.s32 $0xFFFFD000  }
0x77: {  	[tilespmem:s7], [sflag:$0x8] =	stream.linear.gather [hbm4b:s9+s7], $0x1440, $0x38;
	[tilespmem:$0x1F880] =	vst v63  }
0x78: {  	_ =	swait.ge [sflag:s18], $0x1440  }
0x79: {  	[sflag:s18] =	ssyncset.done $0x0  }
0x7a: {  	[sflag:s18] =	ssyncadd.s32 $0xFFFFEBC0  }
0x7b: {  	[tilespmem:s19], [sflag:$0x8] =	stream.linear.gather [hbm4b:s10+s7], $0x1440, $0x38;
	[tilespmem:$0x1F880] =	vst v63  }
0x7c: {  	_ =	swait.ge [sflag:s18], $0x1440  }
0x7d: {  	[sflag:s18] =	ssyncset.done $0x0  }
0x7e: {  	[sflag:s18] =	ssyncadd.s32 $0xFFFFEBC0  }
0x7f: {  	[tilespmem:s21], [sflag:$0x1] =	stream.indirect.gather [hbm4b:s4+s20], $0x80, s7, s20, $0xb8;
	[tilespmem:$0x1F880] =	vst v63  }
0x80: {  	_ = 	snop  }
0x81: {  	[tilespmem:s22], [sflag:$0x2] =	stream.indirect.gather [hbm4b:s4+s20], $0x80, s20, s20, $0xb8;
	[tilespmem:$0x1F880] =	vst v63  }
0x82: {  	_ = 	snop  }
0x83: {  	[tilespmem:s24], [sflag:$0x3] =	stream.indirect.gather [hbm4b:s4+s20], $0x80, s23, s20, $0xb8;
	[tilespmem:$0x1F880] =	vst v63  }
0x84: {  	_ =	swait.ge [sflag:s25], $0x3000  }
0x85: {  	[sflag:s25] =	ssyncset.done $0x0  }
0x86: {  	s9 =	simm.s32 $0x1440;
	[sflag:s25] =	ssyncadd.s32 $0xFFFFD000  }
0x87: {  	[spmem:s1] =	stream.indirect.scatter.add.f32 [tilespmem:s21], [sflag:$0x4], $0x80, s9, s20, $0xb8;
	[tilespmem:$0x1F880] =	vst v63  }
0x88: {  	_ =	swait.ge [sflag:s26], $0x3000  }
0x89: {  	[sflag:s26] =	ssyncset.done $0x0  }
0x8a: {  	s8 =	simm.s32 $0x120;
	[sflag:s26] =	ssyncadd.s32 $0xFFFFD000  }
0x8b: {  	[tilespmem:s21], [sflag:$0x1] =	stream.indirect.gather [hbm4b:s4+s20], $0x80, s8, s20, $0xb8;
	[tilespmem:$0x1F880] =	vst v63  }
0x8c: {  	_ =	swait.ge [sflag:s28], $0x3000  }
0x8d: {  	[sflag:s28] =	ssyncset.done $0x0  }
0x8e: {  	s9 =	simm.s32 $0x14A0;
	[sflag:s28] =	ssyncadd.s32 $0xFFFFD000  }
0x8f: {  	[spmem:s1] =	stream.indirect.scatter.add.f32 [tilespmem:s22], [sflag:$0x5], $0x80, s9, s20, $0xb8;
	[tilespmem:$0x1F880] =	vst v63  }
0x90: {  	_ =	swait.ge [sflag:s29], $0x3000  }
0x91: {  	[sflag:s29] =	ssyncset.done $0x0  }
0x92: {  	s8 =	simm.s32 $0x180;
	[sflag:s29] =	ssyncadd.s32 $0xFFFFD000  }
0x93: {  	[tilespmem:s22], [sflag:$0x2] =	stream.indirect.gather [hbm4b:s4+s20], $0x80, s8, s20, $0xb8;
	[tilespmem:$0x1F880] =	vst v63  }
0x94: {  	_ =	swait.ge [sflag:s30], $0x3000  }
0x95: {  	[sflag:s30] =	ssyncset.done $0x0  }
0x96: {  	s9 =	simm.s32 $0x1500;
	[sflag:s30] =	ssyncadd.s32 $0xFFFFD000  }
0x97: {  	[spmem:s1] =	stream.indirect.scatter.add.f32 [tilespmem:s24], [sflag:$0x6], $0x80, s9, s20, $0xb8;
	[tilespmem:$0x1F880] =	vst v63  }
0x98: {  	_ =	swait.ge [sflag:s31], $0x3000  }
0x99: {  	[sflag:s31] =	ssyncset.done $0x0  }
0x9a: {  	s7 =	simm.s32 $0x480;
	s8 =	simm.s32 $0x1E0;
	[sflag:s31] =	ssyncadd.s32 $0xFFFFD000  }
.LBB2_4:
0x9b: {  	[tilespmem:s24], [sflag:$0x3] =	stream.indirect.gather [hbm4b:s4+s20], $0x80, s8, s20, $0xb8;
	[tilespmem:$0x1F880] =	vst v63  }
0x9c: {  	s8 =	smov.u32 s7  }
0x9d: {  	p1 =	sne.s32 s7, $0x4800;
	s7 =	sadd.s32 $0x480, s7;
	_ =	swait.ge [sflag:s25], $0x3000  }
0x9e: {  	s8 =	sshra.s32 s8, $0x2;
	[sflag:s25] =	ssyncset.done $0x0  }
0x9f: {  	s9 =	sadd.s32 $0x1440, s8;
	[sflag:s25] =	ssyncadd.s32 $0xFFFFD000  }
0xa0: {  	[spmem:s1] =	stream.indirect.scatter.add.f32 [tilespmem:s21], [sflag:$0x4], $0x80, s9, s20, $0xb8;
	[tilespmem:$0x1F880] =	vst v63  }
0xa1: {  	_ =	swait.ge [sflag:s26], $0x3000  }
0xa2: {  	[sflag:s26] =	ssyncset.done $0x0  }
0xa3: {  	s9 =	sadd.s32 $0x120, s8;
	[sflag:s26] =	ssyncadd.s32 $0xFFFFD000  }
0xa4: {  	[tilespmem:s21], [sflag:$0x1] =	stream.indirect.gather [hbm4b:s4+s20], $0x80, s9, s20, $0xb8;
	[tilespmem:$0x1F880] =	vst v63  }
0xa5: {  	_ =	swait.ge [sflag:s28], $0x3000  }
0xa6: {  	[sflag:s28] =	ssyncset.done $0x0  }
0xa7: {  	s9 =	sadd.s32 $0x14A0, s8;
	[sflag:s28] =	ssyncadd.s32 $0xFFFFD000  }
0xa8: {  	[spmem:s1] =	stream.indirect.scatter.add.f32 [tilespmem:s22], [sflag:$0x5], $0x80, s9, s20, $0xb8;
	[tilespmem:$0x1F880] =	vst v63  }
0xa9: {  	_ =	swait.ge [sflag:s29], $0x3000  }
0xaa: {  	[sflag:s29] =	ssyncset.done $0x0  }
0xab: {  	s9 =	sadd.s32 $0x180, s8;
	[sflag:s29] =	ssyncadd.s32 $0xFFFFD000  }
0xac: {  	[tilespmem:s22], [sflag:$0x2] =	stream.indirect.gather [hbm4b:s4+s20], $0x80, s9, s20, $0xb8;
	[tilespmem:$0x1F880] =	vst v63  }
0xad: {  	_ =	swait.ge [sflag:s30], $0x3000  }
0xae: {  	[sflag:s30] =	ssyncset.done $0x0  }
.Ltmp1:
0xaf: {  	s9 =	sadd.s32 $0x1500, s8;
	[sflag:s30] =	ssyncadd.s32 $0xFFFFD000;
	(pc) =	sbr.rel @p1 .LBB2_4-.Ltmp1, $4  }
0xb0: {  	[spmem:s1] =	stream.indirect.scatter.add.f32 [tilespmem:s24], [sflag:$0x6], $0x80, s9, s20, $0xb8;
	[tilespmem:$0x1F880] =	vst v63  }
0xb1: {  	_ =	swait.ge [sflag:s31], $0x3000  }
0xb2: {  	[sflag:s31] =	ssyncset.done $0x0  }
0xb3: {  	s8 =	sadd.s32 $0x1E0, s8;
	[sflag:s31] =	ssyncadd.s32 $0xFFFFD000  }
0xb4: {  	[tilespmem:s24], [sflag:$0x3] =	stream.indirect.gather [hbm4b:s4+s20], $0x80, s8, s20, $0xb8;
	[tilespmem:$0x1F880] =	vst v63  }
0xb5: {  	_ =	swait.ge [sflag:s25], $0x3000  }
0xb6: {  	[sflag:s25] =	ssyncset.done $0x0  }
0xb7: {  	[sflag:s25] =	ssyncadd.s32 $0xFFFFD000  }
0xb8: {  	[spmem:s1] =	stream.indirect.scatter.add.f32 [tilespmem:s21], [sflag:$0x4], $0x80, s0, s20, $0xb8;
	[tilespmem:$0x1F880] =	vst v63  }
0xb9: {  	_ =	swait.ge [sflag:s28], $0x3000  }
0xba: {  	[sflag:s28] =	ssyncset.done $0x0  }
0xbb: {  	[sflag:s28] =	ssyncadd.s32 $0xFFFFD000  }
0xbc: {  	[spmem:s1] =	stream.indirect.scatter.add.f32 [tilespmem:s22], [sflag:$0x5], $0x80, s3, s20, $0xb8;
	[tilespmem:$0x1F880] =	vst v63  }
0xbd: {  	_ =	swait.ge [sflag:s30], $0x3000  }
0xbe: {  	[sflag:s30] =	ssyncset.done $0x0  }
0xbf: {  	[sflag:s30] =	ssyncadd.s32 $0xFFFFD000  }
0xc0: {  	[spmem:s1] =	stream.indirect.scatter.add.f32 [tilespmem:s24], [sflag:$0x6], $0x80, s5, s20, $0xb8;
	[tilespmem:$0x1F880] =	vst v63  }
0xc1: {  	_ =	swait.ge [sflag:s26], $0x3000  }
0xc2: {  	[sflag:s26] =	ssyncset.done $0x0  }
0xc3: {  	[sflag:s26] =	ssyncadd.s32 $0xFFFFD000  }
0xc4: {  	_ =	swait.ge [sflag:s29], $0x3000  }
0xc5: {  	[sflag:s29] =	ssyncset.done $0x0  }
0xc6: {  	[sflag:s29] =	ssyncadd.s32 $0xFFFFD000  }
0xc7: {  	_ =	swait.ge [sflag:s31], $0x3000  }
0xc8: {  	[sflag:s31] =	ssyncset.done $0x0  }
0xc9: {  	[sflag:s31] =	ssyncadd.s32 $0xFFFFD000  }
0xca: {  	s7 =	simm.s32 @p0 $0x1FC8;
	[bflag:$0x0] =	sbarrier.arrive $0xFFFF  }
0xcb: {  	[hbm:s12], [sflag:s7] =	dma.local @p0 [spmem:s15], $0x1900  }
0xcc: {  	s7 =	simm.s32 @p0 $0x8  }
0xcd: {  	_ =	swait.ge @p0 [sflag:s7], $0x1900  }
0xce: {  	s6 =	sadd.s32 $0x1, s6;
	[sflag:s7] =	ssyncset.done @p0 $0x0  }
0xcf: {  	p1 =	sne.s32 s6, s14;
	[sflag:s7] =	ssyncadd.s32 @p0 $0xFFFFE700;
	s7 =	sor.u32 @!p0 $0x1C08, s13  }
0xd0: {  	[hbm:s11], [sflag:s7] =	dma.local @!p0 [spmem:s17], $0x2800  }
.Ltmp2:
0xd1: {  	_ = 	snop;
	(pc) =	sbr.rel @p1 .LBB2_1-.Ltmp2, $4  }
0xd2: {  	s7 =	simm.s32 @!p0 $0x8  }
0xd3: {  	_ =	swait.ge @!p0 [sflag:s7], $0x2800  }
0xd4: {  	[sflag:s7] =	ssyncset.done @!p0 $0x0  }
0xd5: {  	[sflag:s7] =	ssyncadd.s32 @!p0 $0xFFFFD800  }
0xd6: {  	_ =	sfence.sel $0x180000  }
0xd7: {  	[bflag:$0x0] =	sbarrier.arrive $0xFFFF  }
0xd8: {  	_ =	strace $0x9000004A  }
0xd9: {  	s0 =	stileid.u32;
	[bflag:$0x2] =	sbarrier.arrive $0xFFFF  }
0xda: {  	p0 =	sne.s32 s0, $0x0;
	s0 =	rddreg [dreg:$0x2]  }
0xdb: {  	s0 =	sadd.s32 @!p0 $0x100000, s0  }
0xdc: {  	[sflag:s0] =	ssyncadd.tile.s32 @!p0 $0x1;
	_ =	shalt  }
.Lfunc_end2:
_tile_overlayer_lowered:
.L_overlay_start_2:
0xdd: {  	(tag) =	ssettag $0x2  }
0xde: {  	s0 =	rddreg [dreg:$0x0];
	s2 =	stileid.u32  }
0xdf: {  	s1 =	rddreg [dreg:$0x1];
	p0 =	sne.s32 s2, $0x0  }
0xe0: {  	s3 =	rddreg [dreg:$0x2];
	[bflag:$0x3] =	sbarrier.arrive $0xFFFF;
	s2 =	simm.s32 @!p0 $0x1C08  }
0xe1: {  	[timem:s3], [sflag:s2] =	dma.local @!p0 [hbm:s0], s1  }
0xe2: {  	s0 =	simm.s32 @!p0 $0x8  }
0xe3: {  	_ =	swait.ge @!p0 [sflag:s0], s1  }
0xe4: {  	s1 =	ssub.s32 @!p0 $0x0, s1;
	[sflag:s0] =	ssyncset.done @!p0 $0x0  }
0xe5: {  	[sflag:s0] =	ssyncadd.s32 @!p0 s1  }
0xe6: {  	[bflag:$0x3] =	sbarrier.arrive $0xFFFF  }
0xe7: {  	_ =	shalt  }

// kernel: kernel.17.cloned.1.call-start
scs
__scs_entry_jumppad:
0x0: {  	(pc) =	sbr.rel $0x88, $3  }
0x1: {  	(tag) =	ssettag $0x0;
	lr =	simm.s32 $0x1  }
0x2: {  	[smem:$0x3F97] =	sst lr;
	_ =	strace $0xD0000000  }
0x3: {  	_ = 	snop  }
0x4: {  	_ = 	snop  }
0x5: {  	_ = 	snop  }
0x6: {  	_ = 	snop  }
0x7: {  	_ = 	snop  }
__scs_overlays_trampoline_lowered:
0x8: {  	[smem:$0x3FA6] =	sst s0  }
0x9: {  	[smem:$0x3FA7] =	sst s1  }
0xa: {  	[smem:$0x3FA8] =	sst s2  }
0xb: {  	[smem:$0x3FA9] =	sst s3  }
0xc: {  	[smem:$0x3FAA] =	sst s4  }
0xd: {  	[smem:$0x3FAB] =	sst s5  }
0xe: {  	[smem:$0x3FAC] =	sst s6  }
0xf: {  	[smem:$0x3FAD] =	sst s7  }
0x10: {  	[smem:$0x3FAE] =	sst s8  }
0x11: {  	[smem:$0x3FAF] =	sst s9;
	s0 =	simm.s32 @!p0 $0x0  }
0x12: {  	s1 =	sld [smem:$0x3F95];
	s0 =	simm.s32 @p0 $0x1  }
0x13: {  	[smem:$0x3FB0] =	sst s0;
	s0 =	simm.s32 @!p1 $0x0  }
0x14: {  	s2 =	sld [smem:$0x3F94];
	s0 =	simm.s32 @p1 $0x1  }
0x15: {  	[smem:$0x3FB1] =	sst s0;
	s0 =	simm.s32 @!p2 $0x0  }
0x16: {  	s3 =	sld [smem:$0x3FDB];
	s0 =	simm.s32 @p2 $0x1  }
0x17: {  	s4 =	simm.s32 $0x1BF5;
	[smem:$0x3FB3] =	sst s0  }
0x18: {  	s0 =	sld [smem:$0x3F96];
	_ =	swait.ge [sflag:s4], $0x0  }
0x19: {  	s7 =	sld [smem:$0x3F97]  }
0x1a: {  	s8 =	sadd.s32 $0xFFFFE003, lr  }
0x1b: {  	s9 =	sadd.s32 $0xFFFFFEF7, lr;
	s5 =	simm.s32 $0xFFFFFFFF;
	p2 =	slt.u32 s8, $0xFFFFF086  }
0x1c: {  	p1 =	slt.u32 s9, $0xF7A;
	s5 =	simm.s32 @!p2 $0x0  }
0x1d: {  	s5 =	simm.s32 @p1 $0x1;
	p0 =	seq.s32 s7, s2  }
0x1e: {  	s7 =	smul.u32 @!p0 $0xF7A, s2;
	p2 =	seq.s32 @!p0 s5, $0x0  }
0x1f: {  	s9 =	smul.u32 $0xF7A, s1;
	s8 =	simm.s32 @!p0 $0x1BF5;
	p2 =	por !p2, p0  }
0x20: {  	[sflag:s8] =	ssyncset.s32 @!p0 $0xFFFFF086;
	s6 =	sadd.s32 @!p0 s3, s7;
	s7 =	simm.s32 @!p0 $0x108  }
0x21: {  	s3 =	sadd.s32 s3, s9;
	s6 =	sadd.s32 @!p0 $0x88, s6;
	s7 =	simm.s32 @p2 $0x1082  }
0x22: {  	[simem:s7], [sflag:s8] =	dma.local @!p0 [hbm:s6], $0xF7A  }
0x23: {  	s9 =	sor.u32 $0xD0000000, s2;
	s6 =	simm.s32 $0x108;
	_ =	swait.ge @!p0 [sflag:s8], $0x0  }
0x24: {  	s3 =	sadd.s32 $0x88, s3;
	s6 =	simm.s32 @!p1 $0x1082;
	[sflag:s4] =	ssyncset.s32 $0xFFFFF086  }
0x25: {  	[simem:s6], [sflag:s4] =	dma.local [hbm:s3], $0xF7A  }
0x26: {  	[smem:$0x3F97] =	sst s1;
	(tag) =	ssettag s2;
	_ =	strace s9  }
0x27: {  	s1 =	sld [smem:$0x3FA7]  }
0x28: {  	s2 =	sld [smem:$0x3FA8]  }
0x29: {  	s4 =	sld [smem:$0x3FAA]  }
0x2a: {  	p0 =	seq.s32 s5, $0x0;
	s5 =	sld [smem:$0x3FAB]  }
0x2b: {  	s6 =	sld [smem:$0x3FAC]  }
0x2c: {  	s7 =	sld [smem:$0x3FAD]  }
0x2d: {  	s3 =	simm.s32 $0x108;
	s8 =	sld [smem:$0x3FAE]  }
0x2e: {  	s3 =	simm.s32 @!p0 $0x1082;
	s9 =	sld [smem:$0x3FAF]  }
0x2f: {  	lr =	sadd.s32 s0, s3;
	s0 =	sld [smem:$0x3FA6]  }
0x30: {  	s3 =	sld [smem:$0x3FA9]  }
0x31: {  	[smem:$0x3FB2] =	sst s10  }
0x32: {  	s10 =	sld [smem:$0x3FB0];
	_ =	sdelay $0x3  }
0x33: {  	p0 =	seq.s32 s10, $0x1;
	s10 =	sld [smem:$0x3FB2];
	_ =	sdelay $0x3  }
0x34: {  	[smem:$0x3FB2] =	sst s10  }
0x35: {  	s10 =	sld [smem:$0x3FB1];
	_ =	sdelay $0x3  }
0x36: {  	p1 =	seq.s32 s10, $0x1;
	s10 =	sld [smem:$0x3FB2];
	_ =	sdelay $0x3  }
0x37: {  	[smem:$0x3FB2] =	sst s10  }
0x38: {  	s10 =	sld [smem:$0x3FB3]  }
0x39: {  	_ = 	snop;
	(pc) =	sbr.ind lr, $3  }
0x3a: {  	_ = 	snop  }
0x3b: {  	_ = 	snop  }
0x3c: {  	p2 =	seq.s32 s10, $0x1;
	s10 =	sld [smem:$0x3FB2]  }
0x3d: {  	_ =	shalt  }
0x3e: {  	_ =	shalt  }
0x3f: {  	_ =	shalt  }
0x40: {  	_ =	shalt  }
0x41: {  	_ =	shalt  }
0x42: {  	_ =	shalt  }
0x43: {  	_ =	shalt  }
0x44: {  	_ =	shalt  }
0x45: {  	_ =	shalt  }
0x46: {  	_ =	shalt  }
0x47: {  	_ =	shalt  }
0x48: {  	_ =	shalt  }
0x49: {  	_ =	shalt  }
0x4a: {  	_ =	shalt  }
0x4b: {  	_ =	shalt  }
0x4c: {  	_ =	shalt  }
0x4d: {  	_ =	shalt  }
0x4e: {  	_ =	shalt  }
0x4f: {  	_ =	shalt  }
0x50: {  	_ =	shalt  }
0x51: {  	_ =	shalt  }
0x52: {  	_ =	shalt  }
0x53: {  	_ =	shalt  }
0x54: {  	_ =	shalt  }
0x55: {  	_ =	shalt  }
0x56: {  	_ =	shalt  }
0x57: {  	_ =	shalt  }
0x58: {  	_ =	shalt  }
0x59: {  	_ =	shalt  }
0x5a: {  	_ =	shalt  }
0x5b: {  	_ =	shalt  }
0x5c: {  	_ =	shalt  }
0x5d: {  	_ =	shalt  }
0x5e: {  	_ =	shalt  }
0x5f: {  	_ =	shalt  }
0x60: {  	_ =	shalt  }
0x61: {  	_ =	shalt  }
0x62: {  	_ =	shalt  }
0x63: {  	_ =	shalt  }
0x64: {  	_ =	shalt  }
0x65: {  	_ =	shalt  }
0x66: {  	_ =	shalt  }
0x67: {  	_ =	shalt  }
0x68: {  	_ =	shalt  }
0x69: {  	_ =	shalt  }
0x6a: {  	_ =	shalt  }
0x6b: {  	_ =	shalt  }
0x6c: {  	_ =	shalt  }
0x6d: {  	_ =	shalt  }
0x6e: {  	_ =	shalt  }
0x6f: {  	_ =	shalt  }
0x70: {  	_ =	shalt  }
0x71: {  	_ =	shalt  }
0x72: {  	_ =	shalt  }
0x73: {  	_ =	shalt  }
0x74: {  	_ =	shalt  }
0x75: {  	_ =	shalt  }
0x76: {  	_ =	shalt  }
0x77: {  	_ =	shalt  }
0x78: {  	_ =	shalt  }
0x79: {  	_ =	shalt  }
0x7a: {  	_ =	shalt  }
0x7b: {  	_ =	shalt  }
0x7c: {  	_ =	shalt  }
0x7d: {  	_ =	shalt  }
0x7e: {  	_ =	shalt  }
0x7f: {  	_ =	shalt  }
0x80: {  	_ =	shalt  }
0x81: {  	_ =	shalt  }
0x82: {  	_ =	shalt  }
0x83: {  	_ =	shalt  }
0x84: {  	_ =	shalt  }
0x85: {  	_ =	shalt  }
0x86: {  	_ =	shalt  }
0x87: {  	_ =	shalt  }
.Lfunc_end0:
.L_simem_size_0:
called_computation.2_lowered:
.L_overlay_start_0:
0x88: {  	s2 =	sld [smem:$0x3FD9]  }
0x89: {  	s3 =	sld [smem:$0x3FFE];
	_ =	sdelay $0x1  }
0x8a: {  	s1 =	srdreg.scid  }
0x8b: {  	s0 =	sand.u32 $0x1, s1  }
0x8c: {  	s16 =	sshll.u32 s0, $0xA;
	s2 =	sadd.s32 s3, s2  }
0x8d: {  	s2 =	sadd.s32 s2, s16  }
0x8e: {  	[smem:$0x3FBE] =	sst s2  }
0x8f: {  	_ = 	snop  }
0x90: {  	(tm) =	ssettm $0x1  }
0x91: {  	s17 =	sld [smem:$0x3FFB];
	_ =	sdelay $0x3  }
0x92: {  	_ =	strace s17  }
0x93: {  	s2 =	sld [smem:$0x3FFC];
	_ =	sdelay $0x3  }
0x94: {  	_ =	strace s2  }
0x95: {  	s2 =	sld [smem:$0x3FFD];
	_ =	sdelay $0x3  }
0x96: {  	_ =	strace s2  }
0x97: {  	_ =	strace $0x8FFFFFFF  }
0x98: {  	s18 =	sld [smem:$0x3FDB];
	_ =	sdelay $0x1  }
0x99: {  	s19 =	simm.s32 $_scs_section_size  }
0x9a: {  	s4 =	simm.s32 $_size__tile_overlayer_lowered;
	s5 =	simm.s32 $_tile_overlayer_lowered  }
0x9b: {  	s22 =	simm.s32 $0x1BFF;
	s21 =	sshll.u32 s5, $0x1;
	s2 =	sadd.s32 s19, s18  }
0x9c: {  	s6 =	simm.s32 $0x0;
	s20 =	sshll.u32 s4, $0x1;
	s4 =	sadd.s32 s21, s2  }
0x9d: {  	[timem:s6], [sflag:s22] =	dma.local [hbm:s4], s20  }
0x9e: {  	_ =	swait.ge [sflag:s22], s20  }
0x9f: {  	s3 =	ssub.s32 $0x0, s20;
	[sflag:s22] =	ssyncset.done $0x0  }
0xa0: {  	[sflag:s22] =	ssyncadd.s32 s3;
	_ =	sdelay $0x1  }
0xa1: {  	s23 =	simm.s32 $0x1B8B  }
0xa2: {  	_ =	swait.ge [sflag:s23], $0x1  }
0xa3: {  	[sflag:s23] =	ssyncset.done $0x0  }
0xa4: {  	s25 =	simm.s32 $0x1B8E;
	s24 =	sld [smem:$0x3FFE];
	[sflag:s23] =	ssyncadd.s32 $0xFFFFFFFF  }
0xa5: {  	s26 =	simm.s32 $execute0_lowered;
	[smem:$0x3FD2] =	sst s25  }
0xa6: {  	s4 =	sshll.u32 s26, $0x1;
	_ =	strace $0x8000004C;
	[dreg:$0x1] =	wrdreg $0xFFFFFFFF  }
0xa7: {  	s28 =	simm.s32 $_size_execute0_lowered;
	s2 =	sadd.s32 s2, s4;
	[dreg:$0x0] =	wrdreg $0x0  }
0xa8: {  	s4 =	sshll.u32 s28, $0x1;
	[dreg:$0x2] =	wrdreg s2  }
0xa9: {  	[dreg:$0x3] =	wrdreg s4  }
0xaa: {  	[dreg:$0x4] =	wrdreg $0xC0  }
0xab: {  	_ =	task [dreg:s6], $0x5FFFF  }
0xac: {  	[dreg:$0x1] =	wrdreg $0xFFFFFFFF  }
0xad: {  	[dreg:$0x0] =	wrdreg $0x60  }
0xae: {  	[dreg:$0x2] =	wrdreg s24  }
0xaf: {  	[dreg:$0x3] =	wrdreg $0xD0000  }
0xb0: {  	[dreg:$0x4] =	wrdreg $0x9  }
0xb1: {  	_ =	task.clear_ibuf [dreg:s6], $0x5FFFF;
	_ =	strace $0x9000004C  }
0xb2: {  	s29 =	simm.s32 $0x9;
	_ =	strace $0x8000004E  }
0xb3: {  	_ =	swait.ge [sflag:s29], $0x1  }
0xb4: {  	[sflag:s29] =	ssyncadd.s32 $0xFFFFFFFF  }
0xb5: {  	_ =	strace $0x9000004E  }
0xb6: {  	_ =	sfence  }
0xb7: {  	s30 =	sld [smem:$0x0];
	_ =	sdelay $0x2  }
0xb8: {  	s31 =	sshll.u32 s1, $0xD;
	s1 =	sshrl.u32 s1, $0x2  }
0xb9: {  	s3 =	sand.u32 $0x4000, s31;
	s1 =	sadd.s32 s1, s30  }
0xba: {  	s0 =	sor.u32 s3, s0;
	s1 =	sshll.u32 s1, $0x11  }
0xbb: {  	s0 =	sor.u32 s1, s0  }
0xbc: {  	s0 =	sadd.s32 $0x8F2B, s0  }
0xbd: {  	[sflag:s0] =	ssyncadd.remote.s32 $0x1  }
0xbe: {  	_ =	sfence.sel $0xFFFF  }
0xbf: {  	[dreg:$0x0] =	wrdreg $0xFFFFFFFF;
	(pc) =	sbr.abs _section_cstart, $3  }
0xc0: {  	[dreg:$0x1] =	wrdreg $0xFFFFFFFF  }
0xc1: {  	_ =	task.clear_ibuf [dreg:s6], $0x2FFFF;
	_ =	strace $0x9FFFFFFF  }
0xc2: {  	(tm) =	ssettm $0x7FFFFFFF  }
0xc3: {  	_ =	shalt  }
tec
execute0_lowered:
.L_overlay_start_1:
0x0: {  	(tag) =	ssettag $0x1  }
0x1: {  	s0 =	rddreg [dreg:$0x0]  }
0x2: {  	s1 =	srdreg.scid;
	s13 =	stileid.u32  }
0x3: {  	s2 =	rddreg [dreg:$0x1];
	s3 =	simm.s32 $0x0;
	s16 =	simm.s32 $0xA  }
0x4: {  	s18 =	simm.s32 $0x80;
	s19 =	simm.s32 $0x5000;
	s20 =	simm.s32 $0x7000  }
0x5: {  	s22 =	simm.s32 $0x9000;
	s24 =	simm.s32 $0xB000;
	s28 =	simm.s32 $0x2  }
0x6: {  	s29 =	simm.s32 $0x6;
	s30 =	simm.s32 $0x3;
	s31 =	simm.s32 $0x7  }
0x7: {  	s21 =	simm.s32 $0x0;
	s1 =	sand.u32 $0x1, s1;
	s4 =	sshll.u32 s13, $0x1  }
0x8: {  	[smem:$0x7FF] =	sst s3;
	s9 =	smul.u32 $0xA000, s13;
	s10 =	sadd.s32 $0x2A800, s0  }
0x9: {  	s12 =	sadd.s32 $0x96000, s2;
	p0 =	seq.s32 s13, $0xF;
	s4 =	sor.u32 s1, s4  }
0xa: {  	_ =	strace $0x8000004D;
	s5 =	ssub.s32 $0x2, s1;
	s1 =	smul.u32 $0xA0000, s1  }
0xb: {  	s12 =	sshrl.u32 @p0 s12, $0x3;
	s13 =	sshll.u32 @!p0 s13, $0x6;
	s4 =	smul.u32 $0x500, s4  }
0xc: {  	s6 =	sshrl.u32 s5, $0x1;
	s15 =	sadd.s32 s9, s2;
	s25 =	sshrl.u32 s9, $0x3  }
0xd: {  	s14 =	sor.u32 @!p0 $0x1C09, s13;
	s11 =	ssub.s32 s5, s6;
	s6 =	sadd.s32 $0x29A00, s0  }
0xe: {  	s26 =	sadd.s32 s9, s1;
	s1 =	sshrl.u32 s1, $0x3;
	s15 =	sshrl.u32 @!p0 s15, $0x3  }
0xf: {  	s8 =	sadd.s32 s4, s0;
	s4 =	sadd.s32 $0x16E00, s0;
	s0 =	sshrl.u32 s26, $0x3  }
0x10: {  	s1 =	sadd.s32 s10, s1;
	s11 =	smax.u32 s11, $0x1;
	s26 =	simm.s32 $0x5  }
0x11: {  	s5 =	sadd.s32 s4, s25;
	s7 =	sadd.s32 $0x2E00, s8;
	s8 =	sadd.s32 $0xCE00, s8  }
0x12: {  	s9 =	sadd.s32 s10, s0;
	s10 =	sadd.s32 $0x12C00, s1;
	s25 =	simm.s32 $0x1  }
0x13: {  	s1 =	simm.s32 $0x4;
	s0 =	simm.s32 $0x8;
	[dreg:$0x3] =	wrdreg s5  }
.LBB2_1:
0x14: {  	s17 =	simm.s32 @p0 $0x1FC9  }
0x15: {  	[spmem:s12], [sflag:s17] =	dma.local @p0 [hbm:s6], $0xC80  }
0x16: {  	s5 =	rddreg [dreg:$0x3]  }
0x17: {  	[spmem:s15], [sflag:s14] =	dma.local @!p0 [hbm:s5], $0x1400  }
0x18: {  	[tilespmem:s3], [sflag:$0xA] =	stream.linear.gather [hbm4b:s7+s3], $0x2800, $0x38;
	[tilespmem:$0x17000] =	vst v63  }
0x19: {  	_ =	swait.ge [sflag:s16], $0x2800  }
0x1a: {  	[sflag:s16] =	ssyncset.done $0x0  }
0x1b: {  	s17 =	simm.s32 $0x2800;
	[sflag:s16] =	ssyncadd.s32 $0xFFFFD800  }
0x1c: {  	[tilespmem:s17], [sflag:$0xA] =	stream.linear.gather [hbm4b:s8+s3], $0x2800, $0x38;
	[tilespmem:$0x17000] =	vst v63  }
0x1d: {  	_ =	swait.ge [sflag:s16], $0x2800  }
0x1e: {  	[sflag:s16] =	ssyncset.done $0x0  }
0x1f: {  	s17 =	simm.s32 @p0 $0x9;
	[sflag:s16] =	ssyncadd.s32 $0xFFFFD800  }
0x20: {  	_ =	swait.ge @p0 [sflag:s17], $0xC80  }
0x21: {  	[sflag:s17] =	ssyncset.done @p0 $0x0  }
0x22: {  	[sflag:s17] =	ssyncadd.s32 @p0 $0xFFFFF380;
	s17 =	simm.s32 @!p0 $0x9  }
0x23: {  	_ =	swait.ge @!p0 [sflag:s17], $0x1400  }
0x24: {  	[sflag:s17] =	ssyncset.done @!p0 $0x0  }
0x25: {  	[sflag:s17] =	ssyncadd.s32 @!p0 $0xFFFFEC00  }
0x26: {  	[bflag:$0x0] =	sbarrier.arrive $0xFFFF  }
0x27: {  	[tilespmem:s19], [sflag:$0x1] =	stream.indirect.gather [hbm4b:s4+s18], $0x40, s3, s18, $0xb8;
	[tilespmem:$0x17000] =	vst v63  }
0x28: {  	_ = 	snop  }
0x29: {  	[tilespmem:s20], [sflag:$0x2] =	stream.indirect.gather [hbm4b:s4+s18], $0x40, s18, s18, $0xb8;
	[tilespmem:$0x17000] =	vst v63  }
0x2a: {  	s23 =	simm.s32 $0x100  }
0x2b: {  	[tilespmem:s22], [sflag:$0x3] =	stream.indirect.gather [hbm4b:s4+s18], $0x40, s23, s18, $0xb8;
	[tilespmem:$0x17000] =	vst v63  }
0x2c: {  	s17 =	simm.s32 $0x180  }
0x2d: {  	[tilespmem:s24], [sflag:$0x4] =	stream.indirect.gather [hbm4b:s4+s18], $0x40, s17, s18, $0xb8;
	[tilespmem:$0x17000] =	vst v63  }
0x2e: {  	_ =	swait.ge [sflag:s25], $0x2000  }
0x2f: {  	[sflag:s25] =	ssyncset.done $0x0  }
0x30: {  	s23 =	simm.s32 $0x2800;
	[sflag:s25] =	ssyncadd.s32 $0xFFFFE000  }
0x31: {  	[spmem:s2] =	stream.indirect.scatter.add.f32 [tilespmem:s19], [sflag:$0x5], $0x40, s23, s18, $0xb8;
	[tilespmem:$0x17000] =	vst v63  }
0x32: {  	_ =	swait.ge [sflag:s26], $0x2000  }
0x33: {  	[sflag:s26] =	ssyncset.done $0x0  }
0x34: {  	s5 =	simm.s32 $0x200;
	[sflag:s26] =	ssyncadd.s32 $0xFFFFE000  }
0x35: {  	[tilespmem:s19], [sflag:$0x1] =	stream.indirect.gather [hbm4b:s4+s18], $0x40, s5, s18, $0xb8;
	[tilespmem:$0x17000] =	vst v63  }
0x36: {  	_ =	swait.ge [sflag:s28], $0x2000  }
0x37: {  	[sflag:s28] =	ssyncset.done $0x0  }
0x38: {  	s23 =	simm.s32 $0x2880;
	[sflag:s28] =	ssyncadd.s32 $0xFFFFE000  }
0x39: {  	[spmem:s2] =	stream.indirect.scatter.add.f32 [tilespmem:s20], [sflag:$0x6], $0x40, s23, s18, $0xb8;
	[tilespmem:$0x17000] =	vst v63  }
0x3a: {  	_ =	swait.ge [sflag:s29], $0x2000  }
0x3b: {  	[sflag:s29] =	ssyncset.done $0x0  }
0x3c: {  	s5 =	simm.s32 $0x280;
	[sflag:s29] =	ssyncadd.s32 $0xFFFFE000  }
0x3d: {  	[tilespmem:s20], [sflag:$0x2] =	stream.indirect.gather [hbm4b:s4+s18], $0x40, s5, s18, $0xb8;
	[tilespmem:$0x17000] =	vst v63  }
0x3e: {  	_ =	swait.ge [sflag:s30], $0x2000  }
0x3f: {  	[sflag:s30] =	ssyncset.done $0x0  }
0x40: {  	s23 =	simm.s32 $0x2900;
	[sflag:s30] =	ssyncadd.s32 $0xFFFFE000  }
0x41: {  	[spmem:s2] =	stream.indirect.scatter.add.f32 [tilespmem:s22], [sflag:$0x7], $0x40, s23, s18, $0xb8;
	[tilespmem:$0x17000] =	vst v63  }
0x42: {  	_ =	swait.ge [sflag:s31], $0x2000  }
0x43: {  	[sflag:s31] =	ssyncset.done $0x0  }
0x44: {  	s5 =	simm.s32 $0x300;
	[sflag:s31] =	ssyncadd.s32 $0xFFFFE000  }
0x45: {  	[tilespmem:s22], [sflag:$0x3] =	stream.indirect.gather [hbm4b:s4+s18], $0x40, s5, s18, $0xb8;
	[tilespmem:$0x17000] =	vst v63  }
0x46: {  	_ =	swait.ge [sflag:s1], $0x2000  }
0x47: {  	[sflag:s1] =	ssyncset.done $0x0  }
0x48: {  	s23 =	simm.s32 $0x2980;
	[sflag:s1] =	ssyncadd.s32 $0xFFFFE000  }
0x49: {  	[spmem:s2] =	stream.indirect.scatter.add.f32 [tilespmem:s24], [sflag:$0x8], $0x40, s23, s18, $0xb8;
	[tilespmem:$0x17000] =	vst v63  }
0x4a: {  	_ =	swait.ge [sflag:s0], $0x2000  }
0x4b: {  	[sflag:s0] =	ssyncset.done $0x0  }
0x4c: {  	s17 =	simm.s32 $0x380;
	s23 =	simm.s32 $0x800;
	[sflag:s0] =	ssyncadd.s32 $0xFFFFE000  }
.LBB2_2:
0x4d: {  	[tilespmem:s24], [sflag:$0x4] =	stream.indirect.gather [hbm4b:s4+s18], $0x40, s17, s18, $0xb8;
	[tilespmem:$0x17000] =	vst v63  }
0x4e: {  	s17 =	smov.u32 s23  }
0x4f: {  	p1 =	sne.s32 s23, $0x9000;
	s23 =	sadd.s32 $0x800, s23;
	_ =	swait.ge [sflag:s25], $0x2000  }
0x50: {  	s17 =	sshra.s32 s17, $0x2;
	[sflag:s25] =	ssyncset.done $0x0  }
0x51: {  	s5 =	sadd.s32 $0x2800, s17;
	[sflag:s25] =	ssyncadd.s32 $0xFFFFE000  }
0x52: {  	[spmem:s2] =	stream.indirect.scatter.add.f32 [tilespmem:s19], [sflag:$0x5], $0x40, s5, s18, $0xb8;
	[tilespmem:$0x17000] =	vst v63  }
0x53: {  	_ =	swait.ge [sflag:s26], $0x2000  }
0x54: {  	[sflag:s26] =	ssyncset.done $0x0  }
0x55: {  	s5 =	sadd.s32 $0x200, s17;
	[sflag:s26] =	ssyncadd.s32 $0xFFFFE000  }
0x56: {  	[tilespmem:s19], [sflag:$0x1] =	stream.indirect.gather [hbm4b:s4+s18], $0x40, s5, s18, $0xb8;
	[tilespmem:$0x17000] =	vst v63  }
0x57: {  	_ =	swait.ge [sflag:s28], $0x2000  }
0x58: {  	[sflag:s28] =	ssyncset.done $0x0  }
0x59: {  	s5 =	sadd.s32 $0x2880, s17;
	[sflag:s28] =	ssyncadd.s32 $0xFFFFE000  }
0x5a: {  	[spmem:s2] =	stream.indirect.scatter.add.f32 [tilespmem:s20], [sflag:$0x6], $0x40, s5, s18, $0xb8;
	[tilespmem:$0x17000] =	vst v63  }
0x5b: {  	_ =	swait.ge [sflag:s29], $0x2000  }
0x5c: {  	[sflag:s29] =	ssyncset.done $0x0  }
0x5d: {  	s5 =	sadd.s32 $0x280, s17;
	[sflag:s29] =	ssyncadd.s32 $0xFFFFE000  }
0x5e: {  	[tilespmem:s20], [sflag:$0x2] =	stream.indirect.gather [hbm4b:s4+s18], $0x40, s5, s18, $0xb8;
	[tilespmem:$0x17000] =	vst v63  }
0x5f: {  	_ =	swait.ge [sflag:s30], $0x2000  }
0x60: {  	[sflag:s30] =	ssyncset.done $0x0  }
0x61: {  	s5 =	sadd.s32 $0x2900, s17;
	[sflag:s30] =	ssyncadd.s32 $0xFFFFE000  }
0x62: {  	[spmem:s2] =	stream.indirect.scatter.add.f32 [tilespmem:s22], [sflag:$0x7], $0x40, s5, s18, $0xb8;
	[tilespmem:$0x17000] =	vst v63  }
0x63: {  	_ =	swait.ge [sflag:s31], $0x2000  }
0x64: {  	[sflag:s31] =	ssyncset.done $0x0  }
0x65: {  	s5 =	sadd.s32 $0x300, s17;
	[sflag:s31] =	ssyncadd.s32 $0xFFFFE000  }
0x66: {  	[tilespmem:s22], [sflag:$0x3] =	stream.indirect.gather [hbm4b:s4+s18], $0x40, s5, s18, $0xb8;
	[tilespmem:$0x17000] =	vst v63  }
0x67: {  	_ =	swait.ge [sflag:s1], $0x2000  }
0x68: {  	[sflag:s1] =	ssyncset.done $0x0  }
.Ltmp0:
0x69: {  	s5 =	sadd.s32 $0x2980, s17;
	[sflag:s1] =	ssyncadd.s32 $0xFFFFE000;
	(pc) =	sbr.rel @p1 .LBB2_2-.Ltmp0, $4  }
0x6a: {  	[spmem:s2] =	stream.indirect.scatter.add.f32 [tilespmem:s24], [sflag:$0x8], $0x40, s5, s18, $0xb8;
	[tilespmem:$0x17000] =	vst v63  }
0x6b: {  	_ =	swait.ge [sflag:s0], $0x2000  }
0x6c: {  	[sflag:s0] =	ssyncset.done $0x0  }
0x6d: {  	s17 =	sadd.s32 $0x380, s17;
	[sflag:s0] =	ssyncadd.s32 $0xFFFFE000  }
0x6e: {  	[tilespmem:s24], [sflag:$0x4] =	stream.indirect.gather [hbm4b:s4+s18], $0x40, s17, s18, $0xb8;
	[tilespmem:$0x17000] =	vst v63  }
0x6f: {  	_ =	swait.ge [sflag:s25], $0x2000  }
0x70: {  	[sflag:s25] =	ssyncset.done $0x0  }
0x71: {  	s5 =	simm.s32 $0x4E00;
	[sflag:s25] =	ssyncadd.s32 $0xFFFFE000  }
0x72: {  	[spmem:s2] =	stream.indirect.scatter.add.f32 [tilespmem:s19], [sflag:$0x5], $0x40, s5, s18, $0xb8;
	[tilespmem:$0x17000] =	vst v63  }
0x73: {  	_ =	swait.ge [sflag:s28], $0x2000  }
0x74: {  	[sflag:s28] =	ssyncset.done $0x0  }
0x75: {  	s23 =	simm.s32 $0x4E80;
	[sflag:s28] =	ssyncadd.s32 $0xFFFFE000  }
0x76: {  	[spmem:s2] =	stream.indirect.scatter.add.f32 [tilespmem:s20], [sflag:$0x6], $0x40, s23, s18, $0xb8;
	[tilespmem:$0x17000] =	vst v63  }
0x77: {  	_ =	swait.ge [sflag:s30], $0x2000  }
0x78: {  	[sflag:s30] =	ssyncset.done $0x0  }
0x79: {  	s17 =	simm.s32 $0x4F00;
	[sflag:s30] =	ssyncadd.s32 $0xFFFFE000  }
0x7a: {  	[spmem:s2] =	stream.indirect.scatter.add.f32 [tilespmem:s22], [sflag:$0x7], $0x40, s17, s18, $0xb8;
	[tilespmem:$0x17000] =	vst v63  }
0x7b: {  	_ =	swait.ge [sflag:s1], $0x2000  }
0x7c: {  	[sflag:s1] =	ssyncset.done $0x0  }
0x7d: {  	s23 =	simm.s32 $0x4F80;
	[sflag:s1] =	ssyncadd.s32 $0xFFFFE000  }
0x7e: {  	[spmem:s2] =	stream.indirect.scatter.add.f32 [tilespmem:s24], [sflag:$0x8], $0x40, s23, s18, $0xb8;
	[tilespmem:$0x17000] =	vst v63  }
0x7f: {  	_ =	swait.ge [sflag:s26], $0x2000  }
0x80: {  	[sflag:s26] =	ssyncset.done $0x0  }
0x81: {  	[sflag:s26] =	ssyncadd.s32 $0xFFFFE000  }
0x82: {  	_ =	swait.ge [sflag:s29], $0x2000  }
0x83: {  	[sflag:s29] =	ssyncset.done $0x0  }
0x84: {  	[sflag:s29] =	ssyncadd.s32 $0xFFFFE000  }
0x85: {  	_ =	swait.ge [sflag:s31], $0x2000  }
0x86: {  	[sflag:s31] =	ssyncset.done $0x0  }
0x87: {  	[sflag:s31] =	ssyncadd.s32 $0xFFFFE000  }
0x88: {  	_ =	swait.ge [sflag:s0], $0x2000  }
0x89: {  	[sflag:s0] =	ssyncset.done $0x0  }
0x8a: {  	[sflag:s0] =	ssyncadd.s32 $0xFFFFE000  }
0x8b: {  	s5 =	simm.s32 @p0 $0x1FCA;
	[bflag:$0x0] =	sbarrier.arrive $0xFFFF  }
0x8c: {  	[hbm:s10], [sflag:s5] =	dma.local @p0 [spmem:s12], $0xC80  }
0x8d: {  	s5 =	simm.s32 @p0 $0xA  }
0x8e: {  	_ =	swait.ge @p0 [sflag:s5], $0xC80  }
0x8f: {  	s21 =	sadd.s32 $0x1, s21;
	[sflag:s5] =	ssyncset.done @p0 $0x0  }
0x90: {  	p1 =	sne.s32 s21, s11;
	[sflag:s5] =	ssyncadd.s32 @p0 $0xFFFFF380;
	s5 =	sor.u32 @!p0 $0x1C0A, s13  }
0x91: {  	[hbm:s9], [sflag:s5] =	dma.local @!p0 [spmem:s15], $0x1400  }
.Ltmp1:
0x92: {  	_ = 	snop;
	(pc) =	sbr.rel @p1 .LBB2_1-.Ltmp1, $4  }
0x93: {  	s5 =	simm.s32 @!p0 $0xA  }
0x94: {  	_ =	swait.ge @!p0 [sflag:s5], $0x1400  }
0x95: {  	[sflag:s5] =	ssyncset.done @!p0 $0x0  }
0x96: {  	[sflag:s5] =	ssyncadd.s32 @!p0 $0xFFFFEC00  }
0x97: {  	_ =	sfence.sel $0x180000  }
0x98: {  	[bflag:$0x0] =	sbarrier.arrive $0xFFFF  }
0x99: {  	_ =	strace $0x9000004D  }
0x9a: {  	s0 =	stileid.u32;
	[bflag:$0x2] =	sbarrier.arrive $0xFFFF  }
0x9b: {  	p0 =	sne.s32 s0, $0x0;
	s0 =	rddreg [dreg:$0x2]  }
0x9c: {  	s0 =	sadd.s32 @!p0 $0x100000, s0  }
0x9d: {  	[sflag:s0] =	ssyncadd.tile.s32 @!p0 $0x1;
	_ =	shalt  }
.Lfunc_end2:
_tile_overlayer_lowered:
.L_overlay_start_2:
0x9e: {  	(tag) =	ssettag $0x2  }
0x9f: {  	s0 =	rddreg [dreg:$0x0];
	s2 =	stileid.u32  }
0xa0: {  	s1 =	rddreg [dreg:$0x1];
	p0 =	sne.s32 s2, $0x0  }
0xa1: {  	s3 =	rddreg [dreg:$0x2];
	[bflag:$0x3] =	sbarrier.arrive $0xFFFF;
	s2 =	simm.s32 @!p0 $0x1C0A  }
0xa2: {  	[timem:s3], [sflag:s2] =	dma.local @!p0 [hbm:s0], s1  }
0xa3: {  	s0 =	simm.s32 @!p0 $0xA  }
0xa4: {  	_ =	swait.ge @!p0 [sflag:s0], s1  }
0xa5: {  	s1 =	ssub.s32 @!p0 $0x0, s1;
	[sflag:s0] =	ssyncset.done @!p0 $0x0  }
0xa6: {  	[sflag:s0] =	ssyncadd.s32 @!p0 s1  }
0xa7: {  	[bflag:$0x3] =	sbarrier.arrive $0xFFFF  }
0xa8: {  	_ =	shalt  }

// kernel: kernel.20.cloned.1.call-start
scs
__scs_entry_jumppad:
0x0: {  	(pc) =	sbr.rel $0x88, $3  }
0x1: {  	(tag) =	ssettag $0x0;
	lr =	simm.s32 $0x1  }
0x2: {  	[smem:$0x3F97] =	sst lr;
	_ =	strace $0xD0000000  }
0x3: {  	_ = 	snop  }
0x4: {  	_ = 	snop  }
0x5: {  	_ = 	snop  }
0x6: {  	_ = 	snop  }
0x7: {  	_ = 	snop  }
__scs_overlays_trampoline_lowered:
0x8: {  	[smem:$0x3FA6] =	sst s0  }
0x9: {  	[smem:$0x3FA7] =	sst s1  }
0xa: {  	[smem:$0x3FA8] =	sst s2  }
0xb: {  	[smem:$0x3FA9] =	sst s3  }
0xc: {  	[smem:$0x3FAA] =	sst s4  }
0xd: {  	[smem:$0x3FAB] =	sst s5  }
0xe: {  	[smem:$0x3FAC] =	sst s6  }
0xf: {  	[smem:$0x3FAD] =	sst s7  }
0x10: {  	[smem:$0x3FAE] =	sst s8  }
0x11: {  	[smem:$0x3FAF] =	sst s9;
	s0 =	simm.s32 @!p0 $0x0  }
0x12: {  	s1 =	sld [smem:$0x3F95];
	s0 =	simm.s32 @p0 $0x1  }
0x13: {  	[smem:$0x3FB0] =	sst s0;
	s0 =	simm.s32 @!p1 $0x0  }
0x14: {  	s2 =	sld [smem:$0x3F94];
	s0 =	simm.s32 @p1 $0x1  }
0x15: {  	[smem:$0x3FB1] =	sst s0;
	s0 =	simm.s32 @!p2 $0x0  }
0x16: {  	s3 =	sld [smem:$0x3FDB];
	s0 =	simm.s32 @p2 $0x1  }
0x17: {  	s4 =	simm.s32 $0x1BF5;
	[smem:$0x3FB3] =	sst s0  }
0x18: {  	s0 =	sld [smem:$0x3F96];
	_ =	swait.ge [sflag:s4], $0x0  }
0x19: {  	s7 =	sld [smem:$0x3F97]  }
0x1a: {  	s8 =	sadd.s32 $0xFFFFE003, lr  }
0x1b: {  	s9 =	sadd.s32 $0xFFFFFEF7, lr;
	s5 =	simm.s32 $0xFFFFFFFF;
	p2 =	slt.u32 s8, $0xFFFFF086  }
0x1c: {  	p1 =	slt.u32 s9, $0xF7A;
	s5 =	simm.s32 @!p2 $0x0  }
0x1d: {  	s5 =	simm.s32 @p1 $0x1;
	p0 =	seq.s32 s7, s2  }
0x1e: {  	s7 =	smul.u32 @!p0 $0xF7A, s2;
	p2 =	seq.s32 @!p0 s5, $0x0  }
0x1f: {  	s9 =	smul.u32 $0xF7A, s1;
	s8 =	simm.s32 @!p0 $0x1BF5;
	p2 =	por !p2, p0  }
0x20: {  	[sflag:s8] =	ssyncset.s32 @!p0 $0xFFFFF086;
	s6 =	sadd.s32 @!p0 s3, s7;
	s7 =	simm.s32 @!p0 $0x108  }
0x21: {  	s3 =	sadd.s32 s3, s9;
	s6 =	sadd.s32 @!p0 $0x88, s6;
	s7 =	simm.s32 @p2 $0x1082  }
0x22: {  	[simem:s7], [sflag:s8] =	dma.local @!p0 [hbm:s6], $0xF7A  }
0x23: {  	s9 =	sor.u32 $0xD0000000, s2;
	s6 =	simm.s32 $0x108;
	_ =	swait.ge @!p0 [sflag:s8], $0x0  }
0x24: {  	s3 =	sadd.s32 $0x88, s3;
	s6 =	simm.s32 @!p1 $0x1082;
	[sflag:s4] =	ssyncset.s32 $0xFFFFF086  }
0x25: {  	[simem:s6], [sflag:s4] =	dma.local [hbm:s3], $0xF7A  }
0x26: {  	[smem:$0x3F97] =	sst s1;
	(tag) =	ssettag s2;
	_ =	strace s9  }
0x27: {  	s1 =	sld [smem:$0x3FA7]  }
0x28: {  	s2 =	sld [smem:$0x3FA8]  }
0x29: {  	s4 =	sld [smem:$0x3FAA]  }
0x2a: {  	p0 =	seq.s32 s5, $0x0;
	s5 =	sld [smem:$0x3FAB]  }
0x2b: {  	s6 =	sld [smem:$0x3FAC]  }
0x2c: {  	s7 =	sld [smem:$0x3FAD]  }
0x2d: {  	s3 =	simm.s32 $0x108;
	s8 =	sld [smem:$0x3FAE]  }
0x2e: {  	s3 =	simm.s32 @!p0 $0x1082;
	s9 =	sld [smem:$0x3FAF]  }
0x2f: {  	lr =	sadd.s32 s0, s3;
	s0 =	sld [smem:$0x3FA6]  }
0x30: {  	s3 =	sld [smem:$0x3FA9]  }
0x31: {  	[smem:$0x3FB2] =	sst s10  }
0x32: {  	s10 =	sld [smem:$0x3FB0];
	_ =	sdelay $0x3  }
0x33: {  	p0 =	seq.s32 s10, $0x1;
	s10 =	sld [smem:$0x3FB2];
	_ =	sdelay $0x3  }
0x34: {  	[smem:$0x3FB2] =	sst s10  }
0x35: {  	s10 =	sld [smem:$0x3FB1];
	_ =	sdelay $0x3  }
0x36: {  	p1 =	seq.s32 s10, $0x1;
	s10 =	sld [smem:$0x3FB2];
	_ =	sdelay $0x3  }
0x37: {  	[smem:$0x3FB2] =	sst s10  }
0x38: {  	s10 =	sld [smem:$0x3FB3]  }
0x39: {  	_ = 	snop;
	(pc) =	sbr.ind lr, $3  }
0x3a: {  	_ = 	snop  }
0x3b: {  	_ = 	snop  }
0x3c: {  	p2 =	seq.s32 s10, $0x1;
	s10 =	sld [smem:$0x3FB2]  }
0x3d: {  	_ =	shalt  }
0x3e: {  	_ =	shalt  }
0x3f: {  	_ =	shalt  }
0x40: {  	_ =	shalt  }
0x41: {  	_ =	shalt  }
0x42: {  	_ =	shalt  }
0x43: {  	_ =	shalt  }
0x44: {  	_ =	shalt  }
0x45: {  	_ =	shalt  }
0x46: {  	_ =	shalt  }
0x47: {  	_ =	shalt  }
0x48: {  	_ =	shalt  }
0x49: {  	_ =	shalt  }
0x4a: {  	_ =	shalt  }
0x4b: {  	_ =	shalt  }
0x4c: {  	_ =	shalt  }
0x4d: {  	_ =	shalt  }
0x4e: {  	_ =	shalt  }
0x4f: {  	_ =	shalt  }
0x50: {  	_ =	shalt  }
0x51: {  	_ =	shalt  }
0x52: {  	_ =	shalt  }
0x53: {  	_ =	shalt  }
0x54: {  	_ =	shalt  }
0x55: {  	_ =	shalt  }
0x56: {  	_ =	shalt  }
0x57: {  	_ =	shalt  }
0x58: {  	_ =	shalt  }
0x59: {  	_ =	shalt  }
0x5a: {  	_ =	shalt  }
0x5b: {  	_ =	shalt  }
0x5c: {  	_ =	shalt  }
0x5d: {  	_ =	shalt  }
0x5e: {  	_ =	shalt  }
0x5f: {  	_ =	shalt  }
0x60: {  	_ =	shalt  }
0x61: {  	_ =	shalt  }
0x62: {  	_ =	shalt  }
0x63: {  	_ =	shalt  }
0x64: {  	_ =	shalt  }
0x65: {  	_ =	shalt  }
0x66: {  	_ =	shalt  }
0x67: {  	_ =	shalt  }
0x68: {  	_ =	shalt  }
0x69: {  	_ =	shalt  }
0x6a: {  	_ =	shalt  }
0x6b: {  	_ =	shalt  }
0x6c: {  	_ =	shalt  }
0x6d: {  	_ =	shalt  }
0x6e: {  	_ =	shalt  }
0x6f: {  	_ =	shalt  }
0x70: {  	_ =	shalt  }
0x71: {  	_ =	shalt  }
0x72: {  	_ =	shalt  }
0x73: {  	_ =	shalt  }
0x74: {  	_ =	shalt  }
0x75: {  	_ =	shalt  }
0x76: {  	_ =	shalt  }
0x77: {  	_ =	shalt  }
0x78: {  	_ =	shalt  }
0x79: {  	_ =	shalt  }
0x7a: {  	_ =	shalt  }
0x7b: {  	_ =	shalt  }
0x7c: {  	_ =	shalt  }
0x7d: {  	_ =	shalt  }
0x7e: {  	_ =	shalt  }
0x7f: {  	_ =	shalt  }
0x80: {  	_ =	shalt  }
0x81: {  	_ =	shalt  }
0x82: {  	_ =	shalt  }
0x83: {  	_ =	shalt  }
0x84: {  	_ =	shalt  }
0x85: {  	_ =	shalt  }
0x86: {  	_ =	shalt  }
0x87: {  	_ =	shalt  }
.Lfunc_end0:
.L_simem_size_0:
called_computation.3_lowered:
.L_overlay_start_0:
0x88: {  	s2 =	sld [smem:$0x3FD9]  }
0x89: {  	s3 =	sld [smem:$0x3FFE];
	_ =	sdelay $0x1  }
0x8a: {  	s1 =	srdreg.scid  }
0x8b: {  	s0 =	sand.u32 $0x1, s1  }
0x8c: {  	s16 =	sshll.u32 s0, $0xA;
	s2 =	sadd.s32 s3, s2  }
0x8d: {  	s2 =	sadd.s32 s2, s16  }
0x8e: {  	[smem:$0x3FBE] =	sst s2  }
0x8f: {  	_ = 	snop  }
0x90: {  	(tm) =	ssettm $0x1  }
0x91: {  	s17 =	sld [smem:$0x3FFB];
	_ =	sdelay $0x3  }
0x92: {  	_ =	strace s17  }
0x93: {  	s2 =	sld [smem:$0x3FFC];
	_ =	sdelay $0x3  }
0x94: {  	_ =	strace s2  }
0x95: {  	s2 =	sld [smem:$0x3FFD];
	_ =	sdelay $0x3  }
0x96: {  	_ =	strace s2  }
0x97: {  	_ =	strace $0x8FFFFFFF  }
0x98: {  	s18 =	sld [smem:$0x3FDB];
	_ =	sdelay $0x1  }
0x99: {  	s19 =	simm.s32 $_scs_section_size  }
0x9a: {  	s4 =	simm.s32 $_size__tile_overlayer_lowered;
	s5 =	simm.s32 $_tile_overlayer_lowered  }
0x9b: {  	s22 =	simm.s32 $0x1BFF;
	s21 =	sshll.u32 s5, $0x1;
	s2 =	sadd.s32 s19, s18  }
0x9c: {  	s6 =	simm.s32 $0x0;
	s20 =	sshll.u32 s4, $0x1;
	s4 =	sadd.s32 s21, s2  }
0x9d: {  	[timem:s6], [sflag:s22] =	dma.local [hbm:s4], s20  }
0x9e: {  	_ =	swait.ge [sflag:s22], s20  }
0x9f: {  	s3 =	ssub.s32 $0x0, s20;
	[sflag:s22] =	ssyncset.done $0x0  }
0xa0: {  	[sflag:s22] =	ssyncadd.s32 s3;
	_ =	sdelay $0x1  }
0xa1: {  	s23 =	simm.s32 $0x1B8B  }
0xa2: {  	_ =	swait.ge [sflag:s23], $0x1  }
0xa3: {  	[sflag:s23] =	ssyncset.done $0x0  }
0xa4: {  	s25 =	simm.s32 $0x1B8E;
	s24 =	sld [smem:$0x3FFE];
	[sflag:s23] =	ssyncadd.s32 $0xFFFFFFFF  }
0xa5: {  	s26 =	simm.s32 $execute0_lowered;
	[smem:$0x3FD2] =	sst s25  }
0xa6: {  	s4 =	sshll.u32 s26, $0x1;
	_ =	strace $0x8000004F;
	[dreg:$0x1] =	wrdreg $0xFFFFFFFF  }
0xa7: {  	s28 =	simm.s32 $_size_execute0_lowered;
	s2 =	sadd.s32 s2, s4;
	[dreg:$0x0] =	wrdreg $0x0  }
0xa8: {  	s4 =	sshll.u32 s28, $0x1;
	[dreg:$0x2] =	wrdreg s2  }
0xa9: {  	[dreg:$0x3] =	wrdreg s4  }
0xaa: {  	[dreg:$0x4] =	wrdreg $0xC0  }
0xab: {  	_ =	task [dreg:s6], $0x5FFFF  }
0xac: {  	[dreg:$0x1] =	wrdreg $0xFFFFFFFF  }
0xad: {  	[dreg:$0x0] =	wrdreg $0x60  }
0xae: {  	[dreg:$0x2] =	wrdreg s24  }
0xaf: {  	[dreg:$0x3] =	wrdreg $0xD0000  }
0xb0: {  	[dreg:$0x4] =	wrdreg $0x9  }
0xb1: {  	_ =	task.clear_ibuf [dreg:s6], $0x5FFFF;
	_ =	strace $0x9000004F  }
0xb2: {  	s29 =	simm.s32 $0x9;
	_ =	strace $0x80000051  }
0xb3: {  	_ =	swait.ge [sflag:s29], $0x1  }
0xb4: {  	[sflag:s29] =	ssyncadd.s32 $0xFFFFFFFF  }
0xb5: {  	_ =	strace $0x90000051  }
0xb6: {  	_ =	sfence  }
0xb7: {  	s30 =	sld [smem:$0x0];
	_ =	sdelay $0x2  }
0xb8: {  	s31 =	sshll.u32 s1, $0xD;
	s1 =	sshrl.u32 s1, $0x2  }
0xb9: {  	s3 =	sand.u32 $0x4000, s31;
	s1 =	sadd.s32 s1, s30  }
0xba: {  	s0 =	sor.u32 s3, s0;
	s1 =	sshll.u32 s1, $0x11  }
0xbb: {  	s0 =	sor.u32 s1, s0  }
0xbc: {  	s0 =	sadd.s32 $0x8F2B, s0  }
0xbd: {  	[sflag:s0] =	ssyncadd.remote.s32 $0x1  }
0xbe: {  	_ =	sfence.sel $0xFFFF  }
0xbf: {  	[dreg:$0x0] =	wrdreg $0xFFFFFFFF;
	(pc) =	sbr.abs _section_cstart, $3  }
0xc0: {  	[dreg:$0x1] =	wrdreg $0xFFFFFFFF  }
0xc1: {  	_ =	task.clear_ibuf [dreg:s6], $0x2FFFF;
	_ =	strace $0x9FFFFFFF  }
0xc2: {  	(tm) =	ssettm $0x7FFFFFFF  }
0xc3: {  	_ =	shalt  }
tec
execute0_lowered:
.L_overlay_start_1:
0x0: {  	(tag) =	ssettag $0x1  }
0x1: {  	s0 =	rddreg [dreg:$0x0];
	s1 =	srdreg.scid  }
0x2: {  	s10 =	stileid.u32;
	s2 =	rddreg [dreg:$0x1]  }
0x3: {  	s4 =	simm.s32 $0x0;
	s16 =	simm.s32 $0x12;
	s18 =	simm.s32 $0x80  }
0x4: {  	s19 =	simm.s32 $0x5000;
	s22 =	simm.s32 $0x7000;
	s31 =	simm.s32 $0xB000  }
0x5: {  	s17 =	simm.s32 $0x1;
	s20 =	simm.s32 $0x3;
	s21 =	simm.s32 $0x5  }
0x6: {  	s23 =	simm.s32 $0x7;
	s29 =	simm.s32 $0xB;
	s30 =	simm.s32 $0xC  }
0x7: {  	s1 =	sand.u32 $0x1, s1;
	s3 =	sshll.u32 s10, $0x1;
	[smem:$0x7FF] =	sst s4  }
0x8: {  	s7 =	smul.u32 $0x5000, s10;
	s4 =	sadd.s32 $0x16E00, s0;
	s8 =	sadd.s32 $0x20C00, s0  }
0x9: {  	p0 =	seq.s32 s10, $0xF;
	s3 =	sor.u32 s1, s3;
	s5 =	ssub.s32 $0x2, s1  }
0xa: {  	_ =	strace $0x80000050;
	s1 =	smul.u32 $0x50000, s1;
	s6 =	sshrl.u32 s5, $0x1  }
0xb: {  	s3 =	smul.u32 $0x500, s3;
	s9 =	sshrl.u32 s7, $0x3;
	s5 =	ssub.s32 s5, s6  }
0xc: {  	s6 =	sadd.s32 s7, s2;
	s9 =	sadd.s32 s4, s9;
	s25 =	sadd.s32 s7, s1  }
0xd: {  	s1 =	sshrl.u32 s1, $0x3;
	s7 =	simm.s32 $0x10;
	s3 =	sadd.s32 s3, s0  }
0xe: {  	[dreg:$0x3] =	wrdreg s9;
	s9 =	sadd.s32 $0x4B000, s2;
	s0 =	sadd.s32 $0x20400, s0  }
0xf: {  	s1 =	sadd.s32 s8, s1;
	s28 =	smax.u32 s5, $0x1;
	s15 =	sshrl.u32 @!p0 s6, $0x3  }
0x10: {  	s5 =	simm.s32 $0xE;
	s6 =	simm.s32 $0xF;
	[dreg:$0x4] =	wrdreg s0  }
0x11: {  	s24 =	sadd.s32 $0x2E00, s3;
	s3 =	sadd.s32 $0xCE00, s3;
	[dreg:$0x9] =	wrdreg s28  }
0x12: {  	s0 =	sshrl.u32 s25, $0x3;
	s26 =	sadd.s32 $0x9600, s1;
	[dreg:$0x5] =	wrdreg s24  }
.Ltmp0:
0x13: {  	s12 =	sshrl.u32 @p0 s9, $0x3;
	[dreg:$0x6] =	wrdreg s3;
	(pc) =	sbr.rel .LBB2_1-.Ltmp0, $4  }
0x14: {  	s1 =	simm.s32 $0xD;
	s0 =	sadd.s32 s8, s0;
	[dreg:$0x8] =	wrdreg s26  }
0x15: {  	s26 =	simm.s32 $0x9000;
	[dreg:$0x7] =	wrdreg s0;
	s0 =	sshll.u32 @!p0 s10, $0x6  }
0x16: {  	s24 =	simm.s32 $0x8;
	[dreg:$0xa] =	wrdreg s0;
	s0 =	sor.u32 @!p0 $0x1C11, s0  }
0x17: {  	s8 =	simm.s32 $0x0;
	[dreg:$0xb] =	wrdreg s0;
	s0 =	simm.s32 $0xC000  }
.LBB2_4:
0x18: {  	_ =	swait.ge [sflag:s24], $0x1000  }
0x19: {  	[sflag:s24] =	ssyncset.done $0x0  }
0x1a: {  	s14 =	simm.s32 $0x9;
	[sflag:s24] =	ssyncadd.s32 $0xFFFFF000  }
0x1b: {  	[spmem:s2] =	stream.indirect.scatter.add.f32 [tilespmem:s0], [sflag:$0x10], $0x20, s3, s18, $0xb8;
	[tilespmem:$0x12000] =	vst v63  }
0x1c: {  	_ =	swait.ge [sflag:s14], $0x1000  }
0x1d: {  	[sflag:s14] =	ssyncset.done $0x0  }
0x1e: {  	s25 =	simm.s32 $0xA;
	[sflag:s14] =	ssyncadd.s32 $0xFFFFF000  }
0x1f: {  	_ =	swait.ge [sflag:s25], $0x1000  }
0x20: {  	[sflag:s25] =	ssyncset.done $0x0  }
0x21: {  	[sflag:s25] =	ssyncadd.s32 $0xFFFFF000  }
0x22: {  	_ =	swait.ge [sflag:s29], $0x1000  }
0x23: {  	[sflag:s29] =	ssyncset.done $0x0  }
0x24: {  	[sflag:s29] =	ssyncadd.s32 $0xFFFFF000  }
0x25: {  	_ =	swait.ge [sflag:s30], $0x1000  }
0x26: {  	[sflag:s30] =	ssyncset.done $0x0  }
0x27: {  	[sflag:s30] =	ssyncadd.s32 $0xFFFFF000  }
0x28: {  	_ =	swait.ge [sflag:s1], $0x1000  }
0x29: {  	[sflag:s1] =	ssyncset.done $0x0  }
0x2a: {  	[sflag:s1] =	ssyncadd.s32 $0xFFFFF000  }
0x2b: {  	_ =	swait.ge [sflag:s5], $0x1000  }
0x2c: {  	[sflag:s5] =	ssyncset.done $0x0  }
0x2d: {  	[sflag:s5] =	ssyncadd.s32 $0xFFFFF000  }
0x2e: {  	_ =	swait.ge [sflag:s6], $0x1000  }
0x2f: {  	[sflag:s6] =	ssyncset.done $0x0  }
0x30: {  	[sflag:s6] =	ssyncadd.s32 $0xFFFFF000  }
0x31: {  	_ =	swait.ge [sflag:s7], $0x1000  }
0x32: {  	[sflag:s7] =	ssyncset.done $0x0  }
0x33: {  	[sflag:s7] =	ssyncadd.s32 $0xFFFFF000  }
0x34: {  	[bflag:$0x0] =	sbarrier.arrive $0xFFFF  }
0x35: {  	s3 =	simm.s32 @p0 $0x1FD2;
	s9 =	rddreg [dreg:$0x8]  }
0x36: {  	[hbm:s9], [sflag:s3] =	dma.local @p0 [spmem:s12], $0x640  }
0x37: {  	s3 =	simm.s32 @p0 $0x12  }
0x38: {  	_ =	swait.ge @p0 [sflag:s3], $0x640  }
0x39: {  	[sflag:s3] =	ssyncset.done @p0 $0x0  }
0x3a: {  	[sflag:s3] =	ssyncadd.s32 @p0 $0xFFFFF9C0;
	s3 =	rddreg [dreg:$0xa]  }
0x3b: {  	s9 =	rddreg [dreg:$0x7];
	s3 =	sor.u32 @!p0 $0x1C12, s3  }
0x3c: {  	[hbm:s9], [sflag:s3] =	dma.local @!p0 [spmem:s15], $0xA00  }
0x3d: {  	s3 =	simm.s32 @!p0 $0x12  }
0x3e: {  	_ =	swait.ge @!p0 [sflag:s3], $0xA00  }
0x3f: {  	s8 =	sadd.s32 $0x1, s8;
	s28 =	rddreg [dreg:$0x9]  }
0x40: {  	p1 =	sne.s32 s8, s28  }
.Ltmp1:
0x41: {  	_ = 	snop;
	(pc) =	sbr.rel @!p1 .LBB2_5-.Ltmp1, $3  }
0x42: {  	_ =	sdelay $0x1  }
0x43: {  	[sflag:s3] =	ssyncset.done @!p0 $0x0  }
0x44: {  	[sflag:s3] =	ssyncadd.s32 @!p0 $0xFFFFF600  }
.LBB2_1:
0x45: {  	s3 =	simm.s32 @p0 $0x1FD1;
	s9 =	rddreg [dreg:$0x4]  }
0x46: {  	[spmem:s12], [sflag:s3] =	dma.local @p0 [hbm:s9], $0x640  }
0x47: {  	s3 =	rddreg [dreg:$0x3]  }
0x48: {  	s9 =	rddreg [dreg:$0xb]  }
0x49: {  	[spmem:s15], [sflag:s9] =	dma.local @!p0 [hbm:s3], $0xA00  }
0x4a: {  	s13 =	simm.s32 $0x0;
	s3 =	rddreg [dreg:$0x5]  }
0x4b: {  	[tilespmem:s13], [sflag:$0x12] =	stream.linear.gather [hbm4b:s3+s13], $0x2800, $0x38;
	[tilespmem:$0x12000] =	vst v63  }
0x4c: {  	_ =	swait.ge [sflag:s16], $0x2800  }
0x4d: {  	[sflag:s16] =	ssyncset.done $0x0  }
0x4e: {  	s10 =	simm.s32 $0x2800;
	s14 =	rddreg [dreg:$0x6];
	[sflag:s16] =	ssyncadd.s32 $0xFFFFD800  }
0x4f: {  	[tilespmem:s10], [sflag:$0x12] =	stream.linear.gather [hbm4b:s14+s13], $0x2800, $0x38;
	[tilespmem:$0x12000] =	vst v63  }
0x50: {  	_ =	swait.ge [sflag:s16], $0x2800  }
0x51: {  	[sflag:s16] =	ssyncset.done $0x0  }
0x52: {  	s3 =	simm.s32 @p0 $0x11;
	[sflag:s16] =	ssyncadd.s32 $0xFFFFD800  }
0x53: {  	_ =	swait.ge @p0 [sflag:s3], $0x640  }
0x54: {  	[sflag:s3] =	ssyncset.done @p0 $0x0  }
0x55: {  	[sflag:s3] =	ssyncadd.s32 @p0 $0xFFFFF9C0;
	s3 =	simm.s32 @!p0 $0x11  }
0x56: {  	_ =	swait.ge @!p0 [sflag:s3], $0xA00  }
0x57: {  	[sflag:s3] =	ssyncset.done @!p0 $0x0  }
0x58: {  	[sflag:s3] =	ssyncadd.s32 @!p0 $0xFFFFF600  }
0x59: {  	[bflag:$0x0] =	sbarrier.arrive $0xFFFF  }
0x5a: {  	[tilespmem:s19], [sflag:$0x1] =	stream.indirect.gather [hbm4b:s4+s18], $0x20, s13, s18, $0xb8;
	[tilespmem:$0x12000] =	vst v63  }
0x5b: {  	s25 =	simm.s32 $0x6000  }
0x5c: {  	[tilespmem:s25], [sflag:$0x2] =	stream.indirect.gather [hbm4b:s4+s18], $0x20, s18, s18, $0xb8;
	[tilespmem:$0x12000] =	vst v63  }
0x5d: {  	s28 =	simm.s32 $0x100  }
0x5e: {  	[tilespmem:s22], [sflag:$0x3] =	stream.indirect.gather [hbm4b:s4+s18], $0x20, s28, s18, $0xb8;
	[tilespmem:$0x12000] =	vst v63  }
0x5f: {  	s9 =	simm.s32 $0x180;
	s10 =	simm.s32 $0x8000  }
0x60: {  	[tilespmem:s10], [sflag:$0x4] =	stream.indirect.gather [hbm4b:s4+s18], $0x20, s9, s18, $0xb8;
	[tilespmem:$0x12000] =	vst v63  }
0x61: {  	s11 =	simm.s32 $0x200  }
0x62: {  	[tilespmem:s26], [sflag:$0x5] =	stream.indirect.gather [hbm4b:s4+s18], $0x20, s11, s18, $0xb8;
	[tilespmem:$0x12000] =	vst v63  }
0x63: {  	s14 =	simm.s32 $0xA000;
	s13 =	simm.s32 $0x280  }
0x64: {  	[tilespmem:s14], [sflag:$0x6] =	stream.indirect.gather [hbm4b:s4+s18], $0x20, s13, s18, $0xb8;
	[tilespmem:$0x12000] =	vst v63  }
0x65: {  	s25 =	simm.s32 $0x300  }
0x66: {  	[tilespmem:s31], [sflag:$0x7] =	stream.indirect.gather [hbm4b:s4+s18], $0x20, s25, s18, $0xb8;
	[tilespmem:$0x12000] =	vst v63  }
0x67: {  	s28 =	simm.s32 $0x380;
	s9 =	simm.s32 $0x0  }
0x68: {  	[tilespmem:s0], [sflag:$0x8] =	stream.indirect.gather [hbm4b:s4+s18], $0x20, s28, s18, $0xb8;
	[tilespmem:$0x12000] =	vst v63  }
.LBB2_2:
0x69: {  	_ =	swait.ge [sflag:s17], $0x1000  }
0x6a: {  	s10 =	sshra.s32 s9, $0x2;
	[sflag:s17] =	ssyncset.done $0x0  }
0x6b: {  	p1 =	seq.s32 s9, $0x9000;
	s3 =	sadd.s32 $0x2800, s10;
	[sflag:s17] =	ssyncadd.s32 $0xFFFFF000  }
0x6c: {  	[spmem:s2] =	stream.indirect.scatter.add.f32 [tilespmem:s19], [sflag:$0x9], $0x20, s3, s18, $0xb8;
	[tilespmem:$0x12000] =	vst v63  }
0x6d: {  	s3 =	simm.s32 @p1 $0x2  }
0x6e: {  	_ =	swait.ge @p1 [sflag:s3], $0x1000  }
0x6f: {  	s13 =	sshra.s32 @p1 s9, $0x2;
	s14 =	simm.s32 @p1 $0x6000;
	[sflag:s3] =	ssyncset.done @p1 $0x0  }
0x70: {  	s11 =	sadd.s32 @p1 $0x2880, s13;
	[sflag:s3] =	ssyncadd.s32 @p1 $0xFFFFF000;
	s3 =	simm.s32 @p1 $0x80  }
0x71: {  	[spmem:s2] =	stream.indirect.scatter.add.f32 @p1 [tilespmem:s14], [sflag:$0xA], $0x20, s11, s3, $0xb8;
	[tilespmem:$0x12000] =	vst v63  }
0x72: {  	s11 =	simm.s32 @!p1 $0x9  }
0x73: {  	_ =	swait.ge @!p1 [sflag:s11], $0x1000  }
0x74: {  	[sflag:s11] =	ssyncset.done @!p1 $0x0  }
0x75: {  	[sflag:s11] =	ssyncadd.s32 @!p1 $0xFFFFF000;
	s11 =	sshra.s32 @!p1 s9, $0x2  }
0x76: {  	s28 =	simm.s32 @!p1 $0x5000;
	s14 =	simm.s32 @!p1 $0x80;
	s25 =	sadd.s32 @!p1 $0x400, s11  }
0x77: {  	[tilespmem:s28], [sflag:$0x1] =	stream.indirect.gather @!p1 [hbm4b:s4+s14], $0x20, s25, s14, $0xb8;
	[tilespmem:$0x12000] =	vst v63  }
0x78: {  	s25 =	simm.s32 @!p1 $0x2  }
0x79: {  	_ =	swait.ge @!p1 [sflag:s25], $0x1000  }
0x7a: {  	[sflag:s25] =	ssyncset.done @!p1 $0x0  }
0x7b: {  	s28 =	simm.s32 @!p1 $0x6000;
	[sflag:s25] =	ssyncadd.s32 @!p1 $0xFFFFF000;
	s25 =	sadd.s32 @!p1 $0x2880, s11  }
0x7c: {  	[spmem:s2] =	stream.indirect.scatter.add.f32 @!p1 [tilespmem:s28], [sflag:$0xA], $0x20, s25, s14, $0xb8;
	[tilespmem:$0x12000] =	vst v63  }
0x7d: {  	s25 =	simm.s32 @!p1 $0xA  }
0x7e: {  	_ =	swait.ge @!p1 [sflag:s25], $0x1000  }
0x7f: {  	[sflag:s25] =	ssyncset.done @!p1 $0x0  }
0x80: {  	[sflag:s25] =	ssyncadd.s32 @!p1 $0xFFFFF000;
	s25 =	sadd.s32 @!p1 $0x480, s11  }
0x81: {  	[tilespmem:s28], [sflag:$0x2] =	stream.indirect.gather @!p1 [hbm4b:s4+s14], $0x20, s25, s14, $0xb8;
	[tilespmem:$0x12000] =	vst v63  }
0x82: {  	_ =	swait.ge [sflag:s20], $0x1000  }
0x83: {  	[sflag:s20] =	ssyncset.done $0x0  }
0x84: {  	s28 =	sadd.s32 $0x2900, s10;
	s25 =	simm.s32 @p1 $0x4;
	[sflag:s20] =	ssyncadd.s32 $0xFFFFF000  }
0x85: {  	[spmem:s2] =	stream.indirect.scatter.add.f32 [tilespmem:s22], [sflag:$0xB], $0x20, s28, s18, $0xb8;
	[tilespmem:$0x12000] =	vst v63  }
0x86: {  	_ =	swait.ge @p1 [sflag:s25], $0x1000  }
0x87: {  	[sflag:s25] =	ssyncset.done @p1 $0x0  }
0x88: {  	s28 =	simm.s32 @p1 $0x8000;
	[sflag:s25] =	ssyncadd.s32 @p1 $0xFFFFF000;
	s25 =	sadd.s32 @p1 $0x2980, s13  }
0x89: {  	[spmem:s2] =	stream.indirect.scatter.add.f32 @p1 [tilespmem:s28], [sflag:$0xC], $0x20, s25, s3, $0xb8;
	[tilespmem:$0x12000] =	vst v63  }
0x8a: {  	s25 =	simm.s32 @!p1 $0xB  }
0x8b: {  	_ =	swait.ge @!p1 [sflag:s25], $0x1000  }
0x8c: {  	[sflag:s25] =	ssyncset.done @!p1 $0x0  }
0x8d: {  	s28 =	simm.s32 @!p1 $0x7000;
	[sflag:s25] =	ssyncadd.s32 @!p1 $0xFFFFF000;
	s25 =	sadd.s32 @!p1 $0x500, s11  }
0x8e: {  	[tilespmem:s28], [sflag:$0x3] =	stream.indirect.gather @!p1 [hbm4b:s4+s14], $0x20, s25, s14, $0xb8;
	[tilespmem:$0x12000] =	vst v63  }
0x8f: {  	s25 =	simm.s32 @!p1 $0x4  }
0x90: {  	_ =	swait.ge @!p1 [sflag:s25], $0x1000  }
0x91: {  	[sflag:s25] =	ssyncset.done @!p1 $0x0  }
0x92: {  	s28 =	simm.s32 @!p1 $0x8000;
	[sflag:s25] =	ssyncadd.s32 @!p1 $0xFFFFF000;
	s25 =	sadd.s32 @!p1 $0x2980, s11  }
0x93: {  	[spmem:s2] =	stream.indirect.scatter.add.f32 @!p1 [tilespmem:s28], [sflag:$0xC], $0x20, s25, s14, $0xb8;
	[tilespmem:$0x12000] =	vst v63  }
0x94: {  	s25 =	simm.s32 @!p1 $0xC  }
0x95: {  	_ =	swait.ge @!p1 [sflag:s25], $0x1000  }
0x96: {  	[sflag:s25] =	ssyncset.done @!p1 $0x0  }
0x97: {  	[sflag:s25] =	ssyncadd.s32 @!p1 $0xFFFFF000;
	s25 =	sadd.s32 @!p1 $0x580, s11  }
0x98: {  	[tilespmem:s28], [sflag:$0x4] =	stream.indirect.gather @!p1 [hbm4b:s4+s14], $0x20, s25, s14, $0xb8;
	[tilespmem:$0x12000] =	vst v63  }
0x99: {  	_ =	swait.ge [sflag:s21], $0x1000  }
0x9a: {  	[sflag:s21] =	ssyncset.done $0x0  }
0x9b: {  	s28 =	sadd.s32 $0x2A00, s10;
	s25 =	simm.s32 @p1 $0x6;
	[sflag:s21] =	ssyncadd.s32 $0xFFFFF000  }
0x9c: {  	[spmem:s2] =	stream.indirect.scatter.add.f32 [tilespmem:s26], [sflag:$0xD], $0x20, s28, s18, $0xb8;
	[tilespmem:$0x12000] =	vst v63  }
0x9d: {  	_ =	swait.ge @p1 [sflag:s25], $0x1000  }
0x9e: {  	[sflag:s25] =	ssyncset.done @p1 $0x0  }
0x9f: {  	s13 =	sadd.s32 @p1 $0x2A80, s13;
	[sflag:s25] =	ssyncadd.s32 @p1 $0xFFFFF000;
	s25 =	simm.s32 @p1 $0xA000  }
0xa0: {  	[spmem:s2] =	stream.indirect.scatter.add.f32 @p1 [tilespmem:s25], [sflag:$0xE], $0x20, s13, s3, $0xb8;
	[tilespmem:$0x12000] =	vst v63  }
0xa1: {  	s3 =	simm.s32 @!p1 $0xD  }
0xa2: {  	_ =	swait.ge @!p1 [sflag:s3], $0x1000  }
0xa3: {  	[sflag:s3] =	ssyncset.done @!p1 $0x0  }
0xa4: {  	s13 =	simm.s32 @!p1 $0x9000;
	[sflag:s3] =	ssyncadd.s32 @!p1 $0xFFFFF000;
	s3 =	sadd.s32 @!p1 $0x600, s11  }
0xa5: {  	[tilespmem:s13], [sflag:$0x5] =	stream.indirect.gather @!p1 [hbm4b:s4+s14], $0x20, s3, s14, $0xb8;
	[tilespmem:$0x12000] =	vst v63  }
0xa6: {  	s3 =	simm.s32 @!p1 $0x6  }
0xa7: {  	_ =	swait.ge @!p1 [sflag:s3], $0x1000  }
0xa8: {  	[sflag:s3] =	ssyncset.done @!p1 $0x0  }
0xa9: {  	s13 =	simm.s32 @!p1 $0xA000;
	[sflag:s3] =	ssyncadd.s32 @!p1 $0xFFFFF000;
	s3 =	sadd.s32 @!p1 $0x2A80, s11  }
0xaa: {  	[spmem:s2] =	stream.indirect.scatter.add.f32 @!p1 [tilespmem:s13], [sflag:$0xE], $0x20, s3, s14, $0xb8;
	[tilespmem:$0x12000] =	vst v63  }
0xab: {  	s3 =	simm.s32 @!p1 $0xE  }
0xac: {  	_ =	swait.ge @!p1 [sflag:s3], $0x1000  }
0xad: {  	[sflag:s3] =	ssyncset.done @!p1 $0x0  }
0xae: {  	[sflag:s3] =	ssyncadd.s32 @!p1 $0xFFFFF000;
	s3 =	sadd.s32 @!p1 $0x680, s11  }
0xaf: {  	[tilespmem:s13], [sflag:$0x6] =	stream.indirect.gather @!p1 [hbm4b:s4+s14], $0x20, s3, s14, $0xb8;
	[tilespmem:$0x12000] =	vst v63  }
.Ltmp2:
0xb0: {  	_ = 	snop;
	(pc) =	sbr.rel @p1 .LBB2_4-.Ltmp2, $4  }
0xb1: {  	_ =	swait.ge [sflag:s23], $0x1000  }
0xb2: {  	[sflag:s23] =	ssyncset.done $0x0  }
0xb3: {  	s28 =	sadd.s32 $0x2B00, s10;
	s3 =	sadd.s32 $0x2B80, s10;
	[sflag:s23] =	ssyncadd.s32 $0xFFFFF000  }
0xb4: {  	[spmem:s2] =	stream.indirect.scatter.add.f32 [tilespmem:s31], [sflag:$0xF], $0x20, s28, s18, $0xb8;
	[tilespmem:$0x12000] =	vst v63  }
0xb5: {  	_ =	swait.ge [sflag:s6], $0x1000  }
0xb6: {  	[sflag:s6] =	ssyncset.done $0x0  }
0xb7: {  	s11 =	sadd.s32 $0x700, s10;
	[sflag:s6] =	ssyncadd.s32 $0xFFFFF000  }
0xb8: {  	[tilespmem:s31], [sflag:$0x7] =	stream.indirect.gather [hbm4b:s4+s18], $0x20, s11, s18, $0xb8;
	[tilespmem:$0x12000] =	vst v63  }
0xb9: {  	_ =	swait.ge [sflag:s24], $0x1000  }
0xba: {  	[sflag:s24] =	ssyncset.done $0x0  }
0xbb: {  	[sflag:s24] =	ssyncadd.s32 $0xFFFFF000  }
0xbc: {  	[spmem:s2] =	stream.indirect.scatter.add.f32 [tilespmem:s0], [sflag:$0x10], $0x20, s3, s18, $0xb8;
	[tilespmem:$0x12000] =	vst v63  }
.Ltmp3:
0xbd: {  	_ = 	snop;
	(pc) =	sbr.rel .LBB2_2-.Ltmp3, $4  }
0xbe: {  	_ =	swait.ge [sflag:s7], $0x1000  }
0xbf: {  	[sflag:s7] =	ssyncset.done $0x0  }
0xc0: {  	s28 =	sadd.s32 $0x780, s10;
	s9 =	sadd.s32 $0x1000, s9;
	[sflag:s7] =	ssyncadd.s32 $0xFFFFF000  }
0xc1: {  	[tilespmem:s0], [sflag:$0x8] =	stream.indirect.gather [hbm4b:s4+s18], $0x20, s28, s18, $0xb8;
	[tilespmem:$0x12000] =	vst v63  }
.LBB2_5:
0xc2: {  	_ =	sfence.sel $0x180000  }
0xc3: {  	[bflag:$0x0] =	sbarrier.arrive $0xFFFF  }
0xc4: {  	_ =	strace $0x90000050  }
0xc5: {  	s0 =	stileid.u32;
	[bflag:$0x2] =	sbarrier.arrive $0xFFFF  }
0xc6: {  	p0 =	sne.s32 s0, $0x0;
	s0 =	rddreg [dreg:$0x2]  }
0xc7: {  	s0 =	sadd.s32 @!p0 $0x100000, s0  }
0xc8: {  	[sflag:s0] =	ssyncadd.tile.s32 @!p0 $0x1;
	_ =	shalt  }
.Lfunc_end2:
_tile_overlayer_lowered:
.L_overlay_start_2:
0xc9: {  	(tag) =	ssettag $0x2  }
0xca: {  	s0 =	rddreg [dreg:$0x0];
	s2 =	stileid.u32  }
0xcb: {  	s1 =	rddreg [dreg:$0x1];
	p0 =	sne.s32 s2, $0x0  }
0xcc: {  	s3 =	rddreg [dreg:$0x2];
	[bflag:$0x3] =	sbarrier.arrive $0xFFFF;
	s2 =	simm.s32 @!p0 $0x1C12  }
0xcd: {  	[timem:s3], [sflag:s2] =	dma.local @!p0 [hbm:s0], s1  }
0xce: {  	s0 =	simm.s32 @!p0 $0x12  }
0xcf: {  	_ =	swait.ge @!p0 [sflag:s0], s1  }
0xd0: {  	s1 =	ssub.s32 @!p0 $0x0, s1;
	[sflag:s0] =	ssyncset.done @!p0 $0x0  }
0xd1: {  	[sflag:s0] =	ssyncadd.s32 @!p0 s1  }
0xd2: {  	[bflag:$0x3] =	sbarrier.arrive $0xFFFF  }
0xd3: {  	_ =	shalt  }

</sc_bundles>
